<compile_context>
chip_gen: v7x
topology: tpu7x:2x2x1
jax: 0.10.2.dev20260603
libtpu: 0.0.44.dev20260713+nightly
codegen_flags: <defaults>
</compile_context>

<pallas_src>
import functools

import jax
import jax.numpy as jnp
from jax import lax
from jax.experimental import pallas as pl
from jax.experimental.pallas import tpu as pltpu
from jax.experimental.pallas import tpu_sc as plsc

N = 10000
E = 320000
DF = 128
DE = 16
H = 128
NA = 32
B = 10
NPG = N // B

_HI = lax.Precision.HIGHEST


_NC = 2
_NS = 16
_NW = _NC * _NS
_EPW = E // _NW
_C = 80
_NCH = _EPW // _C
_NRC = N // _C


def _sc_conv_body(x_hbm, e_hbm, src_hbm, dst_hbm, out_hbm,
                  sidx0, didx0, sidx1, didx1,
                  rows0, erows0, rows1, erows1, agg_sh,
                  gsem0, esem0, gsem1, esem1,
                  ssem0, dsem0, ssem1, dsem1):
    bufs = ((sidx0, didx0, rows0, erows0, gsem0, esem0, ssem0, dsem0),
            (sidx1, didx1, rows1, erows1, gsem1, esem1, ssem1, dsem1))
    c = lax.axis_index("c")
    s = lax.axis_index("s")
    wid = c * _NS + s

    def _zb(i, carry):
        rows0[i // 8, pl.ds((i % 8) * 16, 16)] = jnp.zeros((16,), jnp.float32)
        return carry

    lax.fori_loop(0, _C * 8, _zb, 0)

    def _zs(k, carry):
        @pl.when((k % _NS) == s)
        def _():
            pltpu.sync_copy(rows0, agg_sh.at[pl.ds(k * _C, _C)])
        return carry

    lax.fori_loop(0, _NRC, _zs, 0)

    ebase = wid * _EPW
    plsc.subcore_barrier()

    def _start_idx(g, p):
        sidx, didx, _, _, _, _, ss, ds = bufs[p]
        b = ebase + g * _C
        pltpu.async_copy(src_hbm.at[pl.ds(b, _C)], sidx, ss)
        pltpu.async_copy(dst_hbm.at[pl.ds(b, _C)], didx, ds)

    def _start_data(g, p):
        sidx, didx, rows, erows, gs, es, ss, ds = bufs[p]
        b = ebase + g * _C
        pltpu.make_async_copy(src_hbm.at[pl.ds(b, _C)], sidx, ss).wait()
        pltpu.async_copy(x_hbm.at[sidx], rows, gs)
        pltpu.async_copy(e_hbm.at[pl.ds(b, _C)], erows, es)

    def _finish(g, p):
        sidx, didx, rows, erows, gs, es, ss, ds = bufs[p]
        b = ebase + g * _C
        pltpu.make_async_copy(x_hbm.at[sidx], rows, gs).wait()
        pltpu.make_async_copy(e_hbm.at[pl.ds(b, _C)], erows, es).wait()

        def _fuse(i, cc):
            e = i // 8
            o = (i % 8) * 16
            rows[e, pl.ds(o, 16)] = jnp.maximum(
                rows[e, pl.ds(o, 16)] + erows[e, pl.ds(o, 16)], 0.0)
            return cc

        lax.fori_loop(0, _C * 8, _fuse, 0, unroll=8)
        pltpu.make_async_copy(dst_hbm.at[pl.ds(b, _C)], didx, ds).wait()
        pltpu.sync_copy(rows, agg_sh.at[didx], add=True)

    _start_idx(0, 0)
    _start_idx(1, 1)
    _start_data(0, 0)

    def _loop(k, carry):
        g0 = 2 * k

        @pl.when(g0 + 1 < _NCH)
        def _():
            _start_data(g0 + 1, 1)
        _finish(g0, 0)

        @pl.when(g0 + 2 < _NCH)
        def _():
            _start_idx(g0 + 2, 0)

        @pl.when(g0 + 1 < _NCH)
        def _():
            g = g0 + 1

            @pl.when(g + 1 < _NCH)
            def _():
                _start_data(g + 1, 0)
            _finish(g, 1)

            @pl.when(g + 2 < _NCH)
            def _():
                _start_idx(g + 2, 1)
        return carry

    lax.fori_loop(0, (_NCH + 1) // 2, _loop, 0)
    plsc.subcore_barrier()

    def _dump(k, carry):
        @pl.when((k % _NS) == s)
        def _():
            pltpu.sync_copy(agg_sh.at[pl.ds(k * _C, _C)], rows0)
            pltpu.sync_copy(rows0, out_hbm.at[pl.ds(c * N + k * _C, _C)])
        return carry

    lax.fori_loop(0, _NRC, _dump, 0)


def _sc_conv(x, e, src, dst):
    run = pl.kernel(
        _sc_conv_body,
        mesh=plsc.VectorSubcoreMesh(core_axis_name="c", subcore_axis_name="s"),
        out_type=jax.ShapeDtypeStruct((2 * N, H), jnp.float32),
        scratch_types=(
            [pltpu.VMEM((_C,), jnp.int32)] * 4
            + [pltpu.VMEM((_C, H), jnp.float32)] * 4
            + [pltpu.VMEM_SHARED((N, H), jnp.float32)]
            + [pltpu.SemaphoreType.DMA] * 8
        ),
    )
    return run(x, e, src, dst)


_BE = 4000


def _bdot(a, b):
    return jnp.dot(a.astype(jnp.bfloat16), b.astype(jnp.bfloat16),
                   preferred_element_type=jnp.float32)


def _edge_tf_body(ea, w1t, b1, w2t, b2, o1, o2):
    a = ea[...]
    o1[...] = _bdot(a, w1t[...]) + b1[...]
    o2[...] = _bdot(a, w2t[...]) + b2[...]


def _edge_tf(ea, w1t, b1, w2t, b2):
    return pl.pallas_call(
        _edge_tf_body,
        grid=(E // _BE,),
        in_specs=[
            pl.BlockSpec((_BE, DE), lambda i: (i, 0)),
            pl.BlockSpec((DE, H), lambda i: (0, 0)),
            pl.BlockSpec((1, H), lambda i: (0, 0)),
            pl.BlockSpec((DE, H), lambda i: (0, 0)),
            pl.BlockSpec((1, H), lambda i: (0, 0)),
        ],
        out_specs=[
            pl.BlockSpec((_BE, H), lambda i: (i, 0)),
            pl.BlockSpec((_BE, H), lambda i: (i, 0)),
        ],
        out_shape=[
            jax.ShapeDtypeStruct((E, H), jnp.float32),
            jax.ShapeDtypeStruct((E, H), jnp.float32),
        ],
    )(ea, w1t, b1, w2t, b2)


_BN_ROWS = 2000


def _rowmm_body(xb, p0b, p1b, wt, b, ob):
    acc = xb[...] + p0b[...] + p1b[...]
    ob[...] = _bdot(acc, wt[...]) + b[...]


def _rowmm(x, p0, p1, wt, b):
    return pl.pallas_call(
        _rowmm_body,
        grid=(N // _BN_ROWS,),
        in_specs=[
            pl.BlockSpec((_BN_ROWS, H), lambda i: (i, 0)),
            pl.BlockSpec((_BN_ROWS, H), lambda i: (i, 0)),
            pl.BlockSpec((_BN_ROWS, H), lambda i: (i, 0)),
            pl.BlockSpec((H, H), lambda i: (0, 0)),
            pl.BlockSpec((1, H), lambda i: (0, 0)),
        ],
        out_specs=pl.BlockSpec((_BN_ROWS, H), lambda i: (i, 0)),
        out_shape=jax.ShapeDtypeStruct((N, H), jnp.float32),
    )(x, p0, p1, wt, b)


def _bn_act_body(y, g, be, o, *, sigmoid):
    v = y[...]
    m = jnp.mean(v, axis=0, keepdims=True)
    d = v - m
    var = jnp.mean(d * d, axis=0, keepdims=True)
    h = d * lax.rsqrt(var + 1e-5) * g[...] + be[...]
    h = jnp.maximum(h, 0.0)
    if sigmoid:
        h = jax.nn.sigmoid(h)
    o[...] = h


def _bn_act(y, g, be, sigmoid):
    return pl.pallas_call(
        functools.partial(_bn_act_body, sigmoid=sigmoid),
        out_shape=jax.ShapeDtypeStruct((N, H), jnp.float32),
    )(y, g, be)


def _node_mlp_body(h2b, w1t, b1, w2t, b2, w3, b3, ob):
    t = _bdot(h2b[...], w1t[...]) + b1[...]
    t = jnp.where(t >= 0, t, 0.01 * t).astype(jnp.bfloat16)
    t = _bdot(t, w2t[...]) + b2[...]
    t = jnp.where(t >= 0, t, 0.01 * t).astype(jnp.bfloat16)
    sc = jnp.sum(t.astype(jnp.float32) * w3[...], axis=1, keepdims=True) + b3[...]
    ob[...] = jax.nn.sigmoid(sc)


def _node_mlp(h2, w1t, b1, w2t, b2, w3, b3):
    return pl.pallas_call(
        _node_mlp_body,
        grid=(N // _BN_ROWS,),
        in_specs=[
            pl.BlockSpec((_BN_ROWS, H), lambda i: (i, 0)),
            pl.BlockSpec((H, H), lambda i: (0, 0)),
            pl.BlockSpec((1, H), lambda i: (0, 0)),
            pl.BlockSpec((H, H), lambda i: (0, 0)),
            pl.BlockSpec((1, H), lambda i: (0, 0)),
            pl.BlockSpec((1, H), lambda i: (0, 0)),
            pl.BlockSpec((1, 1), lambda i: (0, 0)),
        ],
        out_specs=pl.BlockSpec((_BN_ROWS, 1), lambda i: (i, 0)),
        out_shape=jax.ShapeDtypeStruct((N, 1), jnp.float32),
    )(h2, w1t, b1, w2t, b2, w3, b3)


def _action_body(h2, w1t, b1, g1, be1, w2t, b2, g2, be2, w3t, b3, o):
    hv = h2[...]
    gidx = lax.broadcasted_iota(jnp.int32, (B, N), 1) // NPG
    ridx = lax.broadcasted_iota(jnp.int32, (B, N), 0)
    sel = jnp.where(gidx == ridx, 1.0 / NPG, 0.0)
    ae = jnp.dot(sel, hv, precision=_HI)

    def bn(t, g, b):
        m = jnp.mean(t, axis=0, keepdims=True)
        d = t - m
        return d * lax.rsqrt(jnp.mean(d * d, axis=0, keepdims=True) + 1e-5) * g + b

    a = jnp.maximum(bn(_bdot(ae, w1t[...]) + b1[...], g1[...], be1[...]), 0.0)
    a = jnp.maximum(bn(_bdot(a, w2t[...]) + b2[...], g2[...], be2[...]), 0.0)
    o[...] = jax.nn.sigmoid(_bdot(a, w3t[...]) + b3[...])


def _action_head(h2, w1t, b1, g1, be1, w2t, b2, g2, be2, w3t, b3):
    return pl.pallas_call(
        _action_body,
        out_shape=jax.ShapeDtypeStruct((B, NA), jnp.float32),
    )(h2, w1t, b1, g1, be1, w2t, b2, g2, be2, w3t, b3)



def kernel(x, edge_index, edge_attr, batch,
           le1_W, le1_b, W1, b1, g1, be1,
           le2_W, le2_b, W2, b2, g2, be2,
           nW1, nb1, nW2, nb2, nW3, nb3,
           aW1, ab1, ag1, abe1, aW2, ab2, ag2, abe2, aW3, ab3):
    del batch
    src = edge_index[0]
    dst = edge_index[1]
    r1 = lambda v: v.reshape(1, -1)

    e1, e2 = _edge_tf(edge_attr, le1_W.T, r1(le1_b), le2_W.T, r1(le2_b))

    p = _sc_conv(x, e1, src, dst)
    y1 = _rowmm(x, p[:N], p[N:], W1.T, r1(b1))
    h = _bn_act(y1, r1(g1), r1(be1), sigmoid=False)

    q = _sc_conv(h, e2, src, dst)
    y2 = _rowmm(h, q[:N], q[N:], W2.T, r1(b2))
    h2 = _bn_act(y2, r1(g2), r1(be2), sigmoid=True)

    ns = _node_mlp(h2, nW1.T, r1(nb1), nW2.T, r1(nb2), nW3, nb3.reshape(1, 1))
    node_score = ns.reshape(B, NPG)

    action_prob = _action_head(h2, aW1.T, r1(ab1), r1(ag1), r1(abe1),
                               aW2.T, r1(ab2), r1(ag2), r1(abe2),
                               aW3.T, r1(ab3))
    return (action_prob, node_score)

# --- scband reference (transcript-rebuilt; emitter-appended) ---
"""Pipeline reference for scband-action-model2-74397423501381 (READ-ONLY COPY).

The authoritative reference and input builder live on the scoring server;
editing this copy changes nothing except your own understanding.
"""

import jax, jax.numpy as jnp
import numpy as np

N = 10000
E = 320000
DF = 128
DE = 16
H = 128
NA = 32
B = 10
NPG = N // B


def _bn(x, g, b):
    m = x.mean(axis=0)
    v = x.var(axis=0)
    return (x - m) / jnp.sqrt(v + 1e-5) * g + b


def setup_inputs(seed: int = 0):
    key = jax.random.key(seed)
    ks = jax.random.split(key, 40)
    inp = {}
    inp["x"] = jax.random.normal(ks[0], (N, DF), dtype=jnp.float32)
    inp["edge_index"] = jax.random.randint(ks[1], (2, E), 0, N, dtype=jnp.int32)
    inp["edge_attr"] = jax.random.normal(ks[2], (E, DE), dtype=jnp.float32)
    # graphs must be equal-sized for torch.stack in the original forward; use B graphs of NPG nodes
    inp["batch"] = jnp.repeat(jnp.arange(B, dtype=jnp.int32), NPG)

    def lin(k, o, i):
        s = 1.0 / np.sqrt(i)
        return jax.random.uniform(k, (o, i), jnp.float32, -s, s)

    def bias(k, o, i):
        s = 1.0 / np.sqrt(i)
        return jax.random.uniform(k, (o,), jnp.float32, -s, s)

    inp["le1_W"] = lin(ks[3], DF, DE); inp["le1_b"] = bias(ks[4], DF, DE)
    inp["W1"] = lin(ks[5], H, DF); inp["b1"] = bias(ks[6], H, DF)
    inp["g1"] = jnp.ones((H,), jnp.float32); inp["be1"] = jnp.zeros((H,), jnp.float32)
    inp["le2_W"] = lin(ks[7], H, DE); inp["le2_b"] = bias(ks[8], H, DE)
    inp["W2"] = lin(ks[9], H, H); inp["b2"] = bias(ks[10], H, H)
    inp["g2"] = jnp.ones((H,), jnp.float32); inp["be2"] = jnp.zeros((H,), jnp.float32)
    inp["nW1"] = lin(ks[11], H, H); inp["nb1"] = bias(ks[12], H, H)
    inp["nW2"] = lin(ks[13], H, H); inp["nb2"] = bias(ks[14], H, H)
    inp["nW3"] = lin(ks[15], 1, H); inp["nb3"] = bias(ks[16], 1, H)
    inp["aW1"] = lin(ks[17], H, H); inp["ab1"] = bias(ks[18], H, H)
    inp["ag1"] = jnp.ones((H,), jnp.float32); inp["abe1"] = jnp.zeros((H,), jnp.float32)
    inp["aW2"] = lin(ks[19], H, H); inp["ab2"] = bias(ks[20], H, H)
    inp["ag2"] = jnp.ones((H,), jnp.float32); inp["abe2"] = jnp.zeros((H,), jnp.float32)
    inp["aW3"] = lin(ks[21], NA, H); inp["ab3"] = bias(ks[22], NA, H)
    return inp


def reference(x, edge_index, edge_attr, batch, le1_W, le1_b, W1, b1, g1, be1, le2_W, le2_b, W2, b2, g2, be2, nW1, nb1, nW2, nb2, nW3, nb3, aW1, ab1, ag1, abe1, aW2, ab2, ag2, abe2, aW3, ab3):
    src = edge_index[0]
    dst = edge_index[1]
    # GINEConv 1: msg = relu(x_j + lin_edge(edge_attr)); out = nn(x + sum_agg(msg)), eps=0
    e1 = edge_attr @ le1_W.T + le1_b
    msg1 = jax.nn.relu(x[src] + e1)
    agg1 = jax.ops.segment_sum(msg1, dst, num_segments=x.shape[0])
    h = _bn((x + agg1) @ W1.T + b1, g1, be1)
    h = jax.nn.relu(h)  # nn's ReLU
    h = jax.nn.relu(h)  # F.relu after conv1
    # GINEConv 2
    e2 = edge_attr @ le2_W.T + le2_b
    msg2 = jax.nn.relu(h[src] + e2)
    agg2 = jax.ops.segment_sum(msg2, dst, num_segments=h.shape[0])
    h2 = _bn((h + agg2) @ W2.T + b2, g2, be2)
    h2 = jax.nn.sigmoid(jax.nn.relu(h2))
    # node_layers per node (no batchnorm inside -> batched application is exact)
    ns = h2 @ nW1.T + nb1
    ns = jnp.where(ns >= 0, ns, 0.01 * ns)
    ns = ns @ nW2.T + nb2
    ns = jnp.where(ns >= 0, ns, 0.01 * ns)
    ns = ns @ nW3.T + nb3
    node_score = jax.nn.sigmoid(ns).reshape(B, NPG)
    # per-graph mean (batch is sorted, equal-sized graphs)
    action_emb = h2.reshape(B, NPG, -1).mean(axis=1)
    a = jax.nn.relu(_bn(action_emb @ aW1.T + ab1, ag1, abe1))
    a = jax.nn.relu(_bn(a @ aW2.T + ab2, ag2, abe2))
    action_prob = jax.nn.sigmoid(a @ aW3.T + ab3)
    return (action_prob, node_score)

if __name__ == "__main__":
    import jax
    _d = setup_inputs()
    print(jax.jit(kernel)(*tuple(_d.values())))

</pallas_src>

<mosaic_0001>
#map = affine_map<(d0, d1) -> (0, 0)>
#map1 = affine_map<(d0, d1) -> (0)>
module attributes {stable_mosaic.version = 14 : i64} {
  func.func @_sc_conv_body(%arg0: i32, %arg1: i32, %arg2: memref<10000x128xf32, #tpu.memory_space<hbm>>, %arg3: memref<320000x128xf32, #tpu.memory_space<hbm>>, %arg4: memref<320000xi32, #tpu.memory_space<hbm>>, %arg5: memref<320000xi32, #tpu.memory_space<hbm>>, %arg6: memref<20000x128xf32, #tpu.memory_space<hbm>>, %arg7: memref<80xi32, #tpu.memory_space<vmem>>, %arg8: memref<80xi32, #tpu.memory_space<vmem>>, %arg9: memref<80xi32, #tpu.memory_space<vmem>>, %arg10: memref<80xi32, #tpu.memory_space<vmem>>, %arg11: memref<80x128xf32, #tpu.memory_space<vmem>>, %arg12: memref<80x128xf32, #tpu.memory_space<vmem>>, %arg13: memref<80x128xf32, #tpu.memory_space<vmem>>, %arg14: memref<80x128xf32, #tpu.memory_space<vmem>>, %arg15: memref<10000x128xf32, #tpu.memory_space<vmem_shared>>, %arg16: memref<!tpu.dma_semaphore, #tpu.memory_space<semaphore_mem>>, %arg17: memref<!tpu.dma_semaphore, #tpu.memory_space<semaphore_mem>>, %arg18: memref<!tpu.dma_semaphore, #tpu.memory_space<semaphore_mem>>, %arg19: memref<!tpu.dma_semaphore, #tpu.memory_space<semaphore_mem>>, %arg20: memref<!tpu.dma_semaphore, #tpu.memory_space<semaphore_mem>>, %arg21: memref<!tpu.dma_semaphore, #tpu.memory_space<semaphore_mem>>, %arg22: memref<!tpu.dma_semaphore, #tpu.memory_space<semaphore_mem>>, %arg23: memref<!tpu.dma_semaphore, #tpu.memory_space<semaphore_mem>>) attributes {dimension_semantics = [#tpu.dimension_semantics<core_parallel>, #tpu.dimension_semantics<subcore_parallel>], iteration_bounds = array<i64: 2, 16>, scalar_prefetch = 0 : i64, scratch_operands = 17 : i64, tpu.core_type = #tpu.core_type<sc_vector_subcore>, window_params = [{transform_indices = #map}, {transform_indices = #map}, {transform_indices = #map1}, {transform_indices = #map1}, {transform_indices = #map}]} {
    %mul3A = arith.constant 16 : i32
    %mul3A_0 = arith.muli %arg0, %mul3A : i32
    %add3A = arith.addi %mul3A_0, %arg1 : i32
    %scan3A = arith.constant 0 : i32
    %scan3A_1 = arith.constant 0 : i32
    %scan3A_2 = arith.constant 640 : i32
    %scan3A_3 = arith.addi %scan3A_1, %scan3A_2 : i32
    %scan3A_4 = arith.constant 1 : i32
    scf.for %scan3A_48 = %scan3A_1 to %scan3A_3 step %scan3A_4  : i32 {
      %broadcast_in_dim3A = arith.constant 0.000000e+00 : f32
      %broadcast_in_dim3A_49 = vector.broadcast %broadcast_in_dim3A : f32 to vector<16xf32>
      %jit3A = arith.constant 8 : i32
      %div3A = arith.divsi %scan3A_48, %jit3A : i32
      %sign3A = arith.constant 0 : i32
      %sign3A_50 = arith.cmpi sgt, %scan3A_48, %sign3A : i32
      %sign3A_51 = arith.extui %sign3A_50 : i1 to i32
      %sign3A_52 = arith.constant 0 : i32
      %sign3A_53 = arith.cmpi slt, %scan3A_48, %sign3A_52 : i32
      %sign3A_54 = arith.extui %sign3A_53 : i1 to i32
      %sign3A_55 = arith.subi %sign3A_51, %sign3A_54 : i32
      %sign3A_56 = arith.constant 0 : i32
      %sign3A_57 = arith.cmpi sgt, %jit3A, %sign3A_56 : i32
      %sign3A_58 = arith.extui %sign3A_57 : i1 to i32
      %sign3A_59 = arith.constant 0 : i32
      %sign3A_60 = arith.cmpi slt, %jit3A, %sign3A_59 : i32
      %sign3A_61 = arith.extui %sign3A_60 : i1 to i32
      %sign3A_62 = arith.subi %sign3A_58, %sign3A_61 : i32
      %ne3A = arith.cmpi ne, %sign3A_55, %sign3A_62 : i32
      %rem3A = arith.remsi %scan3A_48, %jit3A : i32
      %ne3A_63 = arith.constant 0 : i32
      %ne3A_64 = arith.cmpi ne, %rem3A, %ne3A_63 : i32
      %and3A = arith.andi %ne3A, %ne3A_64 : i1
      %sub3A = arith.constant 1 : i32
      %sub3A_65 = arith.subi %div3A, %sub3A : i32
      %select_n3A = arith.select %and3A, %sub3A_65, %div3A : i32
      %jit3A_66 = arith.constant 8 : i32
      %eq3A = arith.constant 0 : i32
      %eq3A_67 = arith.cmpi eq, %jit3A_66, %eq3A : i32
      %jit3A_68 = arith.constant 1 : i32
      %select_n3A_69 = arith.select %eq3A_67, %jit3A_68, %jit3A_66 : i32
      %rem3A_70 = arith.remsi %scan3A_48, %select_n3A_69 : i32
      %ne3A_71 = arith.constant 0 : i32
      %ne3A_72 = arith.cmpi ne, %rem3A_70, %ne3A_71 : i32
      %lt3A = arith.constant 0 : i32
      %lt3A_73 = arith.cmpi slt, %rem3A_70, %lt3A : i32
      %lt3A_74 = arith.constant 0 : i32
      %lt3A_75 = arith.cmpi slt, %select_n3A_69, %lt3A_74 : i32
      %ne3A_76 = arith.xori %lt3A_73, %lt3A_75 : i1
      %and3A_77 = arith.andi %ne3A_76, %ne3A_72 : i1
      %add3A_78 = arith.addi %rem3A_70, %select_n3A_69 : i32
      %select_n3A_79 = arith.select %and3A_77, %add3A_78, %rem3A_70 : i32
      %mul3A_80 = arith.constant 16 : i32
      %mul3A_81 = arith.muli %select_n3A_79, %mul3A_80 : i32
      %swap3A = arith.index_cast %select_n3A : i32 to index
      %swap3A_82 = arith.index_cast %mul3A_81 : i32 to index
      %swap3A_83 = tpu.vector_load %arg11[%swap3A, %swap3A_82] {strides = array<i32>} : memref<80x128xf32, #tpu.memory_space<vmem>>, vector<1x16xf32>,
      %swap3A_84 = vector.shape_cast %swap3A_83 : vector<1x16xf32> to vector<16xf32>
      %swap3A_85 = vector.shape_cast %broadcast_in_dim3A_49 : vector<16xf32> to vector<1x16xf32>
      tpu.vector_store %arg11[%swap3A, %swap3A_82], %swap3A_85 {strides = array<i32>} : memref<80x128xf32, #tpu.memory_space<vmem>>, vector<1x16xf32>,
    }
    %scan3A_5 = arith.constant 640 : i32
    %scan3A_6 = arith.constant 0 : i32
    %scan3A_7 = arith.constant 0 : i32
    %scan3A_8 = arith.constant 125 : i32
    %scan3A_9 = arith.addi %scan3A_7, %scan3A_8 : i32
    %scan3A_10 = arith.constant 1 : i32
    scf.for %scan3A_48 = %scan3A_7 to %scan3A_9 step %scan3A_10  : i32 {
      %jit3A = arith.constant 16 : i32
      %eq3A = arith.constant 0 : i32
      %eq3A_49 = arith.cmpi eq, %jit3A, %eq3A : i32
      %jit3A_50 = arith.constant 1 : i32
      %select_n3A = arith.select %eq3A_49, %jit3A_50, %jit3A : i32
      %rem3A = arith.remsi %scan3A_48, %select_n3A : i32
      %ne3A = arith.constant 0 : i32
      %ne3A_51 = arith.cmpi ne, %rem3A, %ne3A : i32
      %lt3A = arith.constant 0 : i32
      %lt3A_52 = arith.cmpi slt, %rem3A, %lt3A : i32
      %lt3A_53 = arith.constant 0 : i32
      %lt3A_54 = arith.cmpi slt, %select_n3A, %lt3A_53 : i32
      %ne3A_55 = arith.xori %lt3A_52, %lt3A_54 : i1
      %and3A = arith.andi %ne3A_55, %ne3A_51 : i1
      %add3A_56 = arith.addi %rem3A, %select_n3A : i32
      %select_n3A_57 = arith.select %and3A, %add3A_56, %rem3A : i32
      %eq3A_58 = arith.cmpi eq, %select_n3A_57, %arg1 : i32
      %convert_element_type3A = arith.extui %eq3A_58 : i1 to i32
      %cond3A = arith.constant 0 : i32
      %cond3A_59 = arith.cmpi ne, %convert_element_type3A, %cond3A : i32
      scf.if %cond3A_59 {
        %mul3A_60 = arith.constant 80 : i32
        %mul3A_61 = arith.muli %scan3A_48, %mul3A_60 : i32
        "tpu.region"() ({
          %run_scoped3A = tpu.sem_alloc : memref<!tpu.dma_semaphore, #tpu.memory_space<semaphore_mem>>
          %dma_start3A_62 = arith.constant 0 : i32
          %dma_start3A_63 = tpu.memref_slice %arg15[%mul3A_61, %dma_start3A_62] : memref<10000x128xf32, #tpu.memory_space<vmem_shared>> -> memref<80x128xf32, #tpu.memory_space<vmem_shared>>
          %dma_start3A_64 = arith.constant 0 : i32
          %dma_start3A_65 = tpu.memref_slice %arg15[%mul3A_61, %dma_start3A_64] : memref<10000x128xf32, #tpu.memory_space<vmem_shared>> -> memref<80x128xf32, #tpu.memory_space<vmem_shared>>
          tpu.enqueue_dma source(%arg11 : memref<80x128xf32, #tpu.memory_space<vmem>>) target(%dma_start3A_65 : memref<80x128xf32, #tpu.memory_space<vmem_shared>>) target_semaphore(%run_scoped3A : memref<!tpu.dma_semaphore, #tpu.memory_space<semaphore_mem>>)
          %dma_wait3A_66 = arith.constant 0 : i32
          %dma_wait3A_67 = tpu.memref_slice %arg15[%mul3A_61, %dma_wait3A_66] : memref<10000x128xf32, #tpu.memory_space<vmem_shared>> -> memref<80x128xf32, #tpu.memory_space<vmem_shared>>
          %dma_wait3A_68 = arith.constant 0 : i32
          %dma_wait3A_69 = tpu.memref_slice %arg15[%mul3A_61, %dma_wait3A_68] : memref<10000x128xf32, #tpu.memory_space<vmem_shared>> -> memref<80x128xf32, #tpu.memory_space<vmem_shared>>
          tpu.wait_dma2 semaphore(%run_scoped3A : memref<!tpu.dma_semaphore, #tpu.memory_space<semaphore_mem>>) src(%arg11 : memref<80x128xf32, #tpu.memory_space<vmem>>) dst(%dma_wait3A_69 : memref<80x128xf32, #tpu.memory_space<vmem_shared>>)
          tpu.yield
        }) : () -> ()
      } else {
      }
    }
    %scan3A_11 = arith.constant 125 : i32
    %mul3A_12 = arith.constant 10000 : i32
    %mul3A_13 = arith.muli %add3A, %mul3A_12 : i32
    %barrier3A = arith.constant 0 : index
    tpu.barrier barrier_id(%barrier3A)
    %add3A_14 = arith.constant 0 : i32
    %add3A_15 = arith.addi %mul3A_13, %add3A_14 : i32
    %dma_start3A = tpu.memref_slice %arg4[%add3A_15] : memref<320000xi32, #tpu.memory_space<hbm>> -> memref<80xi32, #tpu.memory_space<hbm>>
    %dma_start3A_16 = tpu.memref_slice %arg4[%add3A_15] : memref<320000xi32, #tpu.memory_space<hbm>> -> memref<80xi32, #tpu.memory_space<hbm>>
    tpu.enqueue_dma source(%dma_start3A_16 : memref<80xi32, #tpu.memory_space<hbm>>) target(%arg7 : memref<80xi32, #tpu.memory_space<vmem>>) target_semaphore(%arg20 : memref<!tpu.dma_semaphore, #tpu.memory_space<semaphore_mem>>)
    %dma_start3A_17 = tpu.memref_slice %arg5[%add3A_15] : memref<320000xi32, #tpu.memory_space<hbm>> -> memref<80xi32, #tpu.memory_space<hbm>>
    %dma_start3A_18 = tpu.memref_slice %arg5[%add3A_15] : memref<320000xi32, #tpu.memory_space<hbm>> -> memref<80xi32, #tpu.memory_space<hbm>>
    tpu.enqueue_dma source(%dma_start3A_18 : memref<80xi32, #tpu.memory_space<hbm>>) target(%arg8 : memref<80xi32, #tpu.memory_space<vmem>>) target_semaphore(%arg21 : memref<!tpu.dma_semaphore, #tpu.memory_space<semaphore_mem>>)
    %add3A_19 = arith.constant 80 : i32
    %add3A_20 = arith.addi %mul3A_13, %add3A_19 : i32
    %dma_start3A_21 = tpu.memref_slice %arg4[%add3A_20] : memref<320000xi32, #tpu.memory_space<hbm>> -> memref<80xi32, #tpu.memory_space<hbm>>
    %dma_start3A_22 = tpu.memref_slice %arg4[%add3A_20] : memref<320000xi32, #tpu.memory_space<hbm>> -> memref<80xi32, #tpu.memory_space<hbm>>
    tpu.enqueue_dma source(%dma_start3A_22 : memref<80xi32, #tpu.memory_space<hbm>>) target(%arg9 : memref<80xi32, #tpu.memory_space<vmem>>) target_semaphore(%arg22 : memref<!tpu.dma_semaphore, #tpu.memory_space<semaphore_mem>>)
    %dma_start3A_23 = tpu.memref_slice %arg5[%add3A_20] : memref<320000xi32, #tpu.memory_space<hbm>> -> memref<80xi32, #tpu.memory_space<hbm>>
    %dma_start3A_24 = tpu.memref_slice %arg5[%add3A_20] : memref<320000xi32, #tpu.memory_space<hbm>> -> memref<80xi32, #tpu.memory_space<hbm>>
    tpu.enqueue_dma source(%dma_start3A_24 : memref<80xi32, #tpu.memory_space<hbm>>) target(%arg10 : memref<80xi32, #tpu.memory_space<vmem>>) target_semaphore(%arg23 : memref<!tpu.dma_semaphore, #tpu.memory_space<semaphore_mem>>)
    %add3A_25 = arith.constant 0 : i32
    %add3A_26 = arith.addi %mul3A_13, %add3A_25 : i32
    %dma_wait3A = tpu.memref_slice %arg4[%add3A_26] : memref<320000xi32, #tpu.memory_space<hbm>> -> memref<80xi32, #tpu.memory_space<hbm>>
    %dma_wait3A_27 = tpu.memref_slice %arg4[%add3A_26] : memref<320000xi32, #tpu.memory_space<hbm>> -> memref<80xi32, #tpu.memory_space<hbm>>
    tpu.wait_dma2 semaphore(%arg20 : memref<!tpu.dma_semaphore, #tpu.memory_space<semaphore_mem>>) src(%dma_wait3A_27 : memref<80xi32, #tpu.memory_space<hbm>>) dst(%arg7 : memref<80xi32, #tpu.memory_space<vmem>>)
    %dma_start3A_28 = arith.constant 0 : i32
    %dma_start3A_29 = arith.constant 0 : i32
    %dma_start3A_30 = tpu.memref_slice %arg2[%dma_start3A_28, %dma_start3A_29] : memref<10000x128xf32, #tpu.memory_space<hbm>> -> memref<10000x128xf32, #tpu.memory_space<hbm>>
    tpu.enqueue_indirect_dma source(%dma_start3A_30 : memref<10000x128xf32, #tpu.memory_space<hbm>>) target(%arg11 : memref<80x128xf32, #tpu.memory_space<vmem>>) offsets(%arg7 : memref<80xi32, #tpu.memory_space<vmem>>) semaphore(%arg16 : memref<!tpu.dma_semaphore, #tpu.memory_space<semaphore_mem>>)
    %dma_start3A_31 = arith.constant 0 : i32
    %dma_start3A_32 = tpu.memref_slice %arg3[%add3A_26, %dma_start3A_31] : memref<320000x128xf32, #tpu.memory_space<hbm>> -> memref<80x128xf32, #tpu.memory_space<hbm>>
    %dma_start3A_33 = arith.constant 0 : i32
    %dma_start3A_34 = tpu.memref_slice %arg3[%add3A_26, %dma_start3A_33] : memref<320000x128xf32, #tpu.memory_space<hbm>> -> memref<80x128xf32, #tpu.memory_space<hbm>>
    tpu.enqueue_dma source(%dma_start3A_34 : memref<80x128xf32, #tpu.memory_space<hbm>>) target(%arg12 : memref<80x128xf32, #tpu.memory_space<vmem>>) target_semaphore(%arg17 : memref<!tpu.dma_semaphore, #tpu.memory_space<semaphore_mem>>)
    %scan3A_35 = arith.constant 0 : i32
    %scan3A_36 = arith.constant 0 : i32
    %scan3A_37 = arith.constant 63 : i32
    %scan3A_38 = arith.addi %scan3A_36, %scan3A_37 : i32
    %scan3A_39 = arith.constant 1 : i32
    scf.for %scan3A_48 = %scan3A_36 to %scan3A_38 step %scan3A_39  : i32 {
      %mul3A_49 = arith.constant 2 : i32
      %mul3A_50 = arith.muli %mul3A_49, %scan3A_48 : i32
      %add3A_51 = arith.constant 1 : i32
      %add3A_52 = arith.addi %mul3A_50, %add3A_51 : i32
      %lt3A = arith.constant 125 : i32
      %lt3A_53 = arith.cmpi slt, %add3A_52, %lt3A : i32
      %convert_element_type3A = arith.extui %lt3A_53 : i1 to i32
      %cond3A = arith.constant 0 : i32
      %cond3A_54 = arith.cmpi ne, %convert_element_type3A, %cond3A : i32
      scf.if %cond3A_54 {
        %add3A_87 = arith.constant 1 : i32
        %add3A_88 = arith.addi %mul3A_50, %add3A_87 : i32
        %mul3A_89 = arith.constant 80 : i32
        %mul3A_90 = arith.muli %add3A_88, %mul3A_89 : i32
        %add3A_91 = arith.addi %mul3A_13, %mul3A_90 : i32
        %dma_wait3A_92 = tpu.memref_slice %arg4[%add3A_91] : memref<320000xi32, #tpu.memory_space<hbm>> -> memref<80xi32, #tpu.memory_space<hbm>>
        %dma_wait3A_93 = tpu.memref_slice %arg4[%add3A_91] : memref<320000xi32, #tpu.memory_space<hbm>> -> memref<80xi32, #tpu.memory_space<hbm>>
        tpu.wait_dma2 semaphore(%arg22 : memref<!tpu.dma_semaphore, #tpu.memory_space<semaphore_mem>>) src(%dma_wait3A_93 : memref<80xi32, #tpu.memory_space<hbm>>) dst(%arg9 : memref<80xi32, #tpu.memory_space<vmem>>)
        %dma_start3A_94 = arith.constant 0 : i32
        %dma_start3A_95 = arith.constant 0 : i32
        %dma_start3A_96 = tpu.memref_slice %arg2[%dma_start3A_94, %dma_start3A_95] : memref<10000x128xf32, #tpu.memory_space<hbm>> -> memref<10000x128xf32, #tpu.memory_space<hbm>>
        tpu.enqueue_indirect_dma source(%dma_start3A_96 : memref<10000x128xf32, #tpu.memory_space<hbm>>) target(%arg13 : memref<80x128xf32, #tpu.memory_space<vmem>>) offsets(%arg9 : memref<80xi32, #tpu.memory_space<vmem>>) semaphore(%arg18 : memref<!tpu.dma_semaphore, #tpu.memory_space<semaphore_mem>>)
        %dma_start3A_97 = arith.constant 0 : i32
        %dma_start3A_98 = tpu.memref_slice %arg3[%add3A_91, %dma_start3A_97] : memref<320000x128xf32, #tpu.memory_space<hbm>> -> memref<80x128xf32, #tpu.memory_space<hbm>>
        %dma_start3A_99 = arith.constant 0 : i32
        %dma_start3A_100 = tpu.memref_slice %arg3[%add3A_91, %dma_start3A_99] : memref<320000x128xf32, #tpu.memory_space<hbm>> -> memref<80x128xf32, #tpu.memory_space<hbm>>
        tpu.enqueue_dma source(%dma_start3A_100 : memref<80x128xf32, #tpu.memory_space<hbm>>) target(%arg14 : memref<80x128xf32, #tpu.memory_space<vmem>>) target_semaphore(%arg19 : memref<!tpu.dma_semaphore, #tpu.memory_space<semaphore_mem>>)
      } else {
      }
      %mul3A_55 = arith.constant 80 : i32
      %mul3A_56 = arith.muli %mul3A_50, %mul3A_55 : i32
      %add3A_57 = arith.addi %mul3A_13, %mul3A_56 : i32
      %dma_wait3A_58 = arith.constant 0 : i32
      %dma_wait3A_59 = arith.constant 0 : i32
      %dma_wait3A_60 = tpu.memref_slice %arg2[%dma_wait3A_58, %dma_wait3A_59] : memref<10000x128xf32, #tpu.memory_space<hbm>> -> memref<10000x128xf32, #tpu.memory_space<hbm>>
      tpu.wait_indirect_dma semaphore(%arg16 : memref<!tpu.dma_semaphore, #tpu.memory_space<semaphore_mem>>) src(%dma_wait3A_60 : memref<10000x128xf32, #tpu.memory_space<hbm>>) dst(%arg11 : memref<80x128xf32, #tpu.memory_space<vmem>>)
      %dma_wait3A_61 = arith.constant 0 : i32
      %dma_wait3A_62 = tpu.memref_slice %arg3[%add3A_57, %dma_wait3A_61] : memref<320000x128xf32, #tpu.memory_space<hbm>> -> memref<80x128xf32, #tpu.memory_space<hbm>>
      %dma_wait3A_63 = arith.constant 0 : i32
      %dma_wait3A_64 = tpu.memref_slice %arg3[%add3A_57, %dma_wait3A_63] : memref<320000x128xf32, #tpu.memory_space<hbm>> -> memref<80x128xf32, #tpu.memory_space<hbm>>
      tpu.wait_dma2 semaphore(%arg17 : memref<!tpu.dma_semaphore, #tpu.memory_space<semaphore_mem>>) src(%dma_wait3A_64 : memref<80x128xf32, #tpu.memory_space<hbm>>) dst(%arg12 : memref<80x128xf32, #tpu.memory_space<vmem>>)
      %scan3A_65 = arith.constant 0 : i32
      %scan3A_66 = arith.constant 0 : i32
      %scan3A_67 = arith.constant 640 : i32
      %scan3A_68 = arith.addi %scan3A_66, %scan3A_67 : i32
      %scan3A_69 = arith.constant 8 : i32
      scf.for %scan3A_87 = %scan3A_66 to %scan3A_68 step %scan3A_69  : i32 {
        %jit3A = arith.constant 8 : i32
        %div3A = arith.divsi %scan3A_87, %jit3A : i32
        %sign3A = arith.constant 0 : i32
        %sign3A_88 = arith.cmpi sgt, %scan3A_87, %sign3A : i32
        %sign3A_89 = arith.extui %sign3A_88 : i1 to i32
        %sign3A_90 = arith.constant 0 : i32
        %sign3A_91 = arith.cmpi slt, %scan3A_87, %sign3A_90 : i32
        %sign3A_92 = arith.extui %sign3A_91 : i1 to i32
        %sign3A_93 = arith.subi %sign3A_89, %sign3A_92 : i32
        %sign3A_94 = arith.constant 0 : i32
        %sign3A_95 = arith.cmpi sgt, %jit3A, %sign3A_94 : i32
        %sign3A_96 = arith.extui %sign3A_95 : i1 to i32
        %sign3A_97 = arith.constant 0 : i32
        %sign3A_98 = arith.cmpi slt, %jit3A, %sign3A_97 : i32
        %sign3A_99 = arith.extui %sign3A_98 : i1 to i32
        %sign3A_100 = arith.subi %sign3A_96, %sign3A_99 : i32
        %ne3A = arith.cmpi ne, %sign3A_93, %sign3A_100 : i32
        %rem3A = arith.remsi %scan3A_87, %jit3A : i32
        %ne3A_101 = arith.constant 0 : i32
        %ne3A_102 = arith.cmpi ne, %rem3A, %ne3A_101 : i32
        %and3A = arith.andi %ne3A, %ne3A_102 : i1
        %sub3A = arith.constant 1 : i32
        %sub3A_103 = arith.subi %div3A, %sub3A : i32
        %select_n3A = arith.select %and3A, %sub3A_103, %div3A : i32
        %jit3A_104 = arith.constant 8 : i32
        %eq3A = arith.constant 0 : i32
        %eq3A_105 = arith.cmpi eq, %jit3A_104, %eq3A : i32
        %jit3A_106 = arith.constant 1 : i32
        %select_n3A_107 = arith.select %eq3A_105, %jit3A_106, %jit3A_104 : i32
        %rem3A_108 = arith.remsi %scan3A_87, %select_n3A_107 : i32
        %ne3A_109 = arith.constant 0 : i32
        %ne3A_110 = arith.cmpi ne, %rem3A_108, %ne3A_109 : i32
        %lt3A_111 = arith.constant 0 : i32
        %lt3A_112 = arith.cmpi slt, %rem3A_108, %lt3A_111 : i32
        %lt3A_113 = arith.constant 0 : i32
        %lt3A_114 = arith.cmpi slt, %select_n3A_107, %lt3A_113 : i32
        %ne3A_115 = arith.xori %lt3A_112, %lt3A_114 : i1
        %and3A_116 = arith.andi %ne3A_115, %ne3A_110 : i1
        %add3A_117 = arith.addi %rem3A_108, %select_n3A_107 : i32
        %select_n3A_118 = arith.select %and3A_116, %add3A_117, %rem3A_108 : i32
        %mul3A_119 = arith.constant 16 : i32
        %mul3A_120 = arith.muli %select_n3A_118, %mul3A_119 : i32
        %get3A = arith.index_cast %select_n3A : i32 to index
        %get3A_121 = arith.index_cast %mul3A_120 : i32 to index
        %get3A_122 = tpu.vector_load %arg11[%get3A, %get3A_121] {strides = array<i32>} : memref<80x128xf32, #tpu.memory_space<vmem>>, vector<1x16xf32>,
        %get3A_123 = vector.shape_cast %get3A_122 : vector<1x16xf32> to vector<16xf32>
        %get3A_124 = arith.index_cast %select_n3A : i32 to index
        %get3A_125 = arith.index_cast %mul3A_120 : i32 to index
        %get3A_126 = tpu.vector_load %arg12[%get3A_124, %get3A_125] {strides = array<i32>} : memref<80x128xf32, #tpu.memory_space<vmem>>, vector<1x16xf32>,
        %get3A_127 = vector.shape_cast %get3A_126 : vector<1x16xf32> to vector<16xf32>
        %add3A_128 = arith.addf %get3A_123, %get3A_127 : vector<16xf32>
        %max3A = arith.constant 0.000000e+00 : f32
        %max3A_129 = vector.broadcast %max3A : f32 to vector<16xf32>
        %max3A_130 = arith.maximumf %add3A_128, %max3A_129 : vector<16xf32>
        %swap3A = arith.index_cast %select_n3A : i32 to index
        %swap3A_131 = arith.index_cast %mul3A_120 : i32 to index
        %swap3A_132 = tpu.vector_load %arg11[%swap3A, %swap3A_131] {strides = array<i32>} : memref<80x128xf32, #tpu.memory_space<vmem>>, vector<1x16xf32>,
        %swap3A_133 = vector.shape_cast %swap3A_132 : vector<1x16xf32> to vector<16xf32>
        %swap3A_134 = vector.shape_cast %max3A_130 : vector<16xf32> to vector<1x16xf32>
        tpu.vector_store %arg11[%swap3A, %swap3A_131], %swap3A_134 {strides = array<i32>} : memref<80x128xf32, #tpu.memory_space<vmem>>, vector<1x16xf32>,
        %scan3A_135 = arith.constant 1 : i32
        %scan3A_136 = arith.addi %scan3A_87, %scan3A_135 : i32
        %jit3A_137 = arith.constant 8 : i32
        %div3A_138 = arith.divsi %scan3A_136, %jit3A_137 : i32
        %sign3A_139 = arith.constant 0 : i32
        %sign3A_140 = arith.cmpi sgt, %scan3A_136, %sign3A_139 : i32
        %sign3A_141 = arith.extui %sign3A_140 : i1 to i32
        %sign3A_142 = arith.constant 0 : i32
        %sign3A_143 = arith.cmpi slt, %scan3A_136, %sign3A_142 : i32
        %sign3A_144 = arith.extui %sign3A_143 : i1 to i32
        %sign3A_145 = arith.subi %sign3A_141, %sign3A_144 : i32
        %sign3A_146 = arith.constant 0 : i32
        %sign3A_147 = arith.cmpi sgt, %jit3A_137, %sign3A_146 : i32
        %sign3A_148 = arith.extui %sign3A_147 : i1 to i32
        %sign3A_149 = arith.constant 0 : i32
        %sign3A_150 = arith.cmpi slt, %jit3A_137, %sign3A_149 : i32
        %sign3A_151 = arith.extui %sign3A_150 : i1 to i32
        %sign3A_152 = arith.subi %sign3A_148, %sign3A_151 : i32
        %ne3A_153 = arith.cmpi ne, %sign3A_145, %sign3A_152 : i32
        %rem3A_154 = arith.remsi %scan3A_136, %jit3A_137 : i32
        %ne3A_155 = arith.constant 0 : i32
        %ne3A_156 = arith.cmpi ne, %rem3A_154, %ne3A_155 : i32
        %and3A_157 = arith.andi %ne3A_153, %ne3A_156 : i1
        %sub3A_158 = arith.constant 1 : i32
        %sub3A_159 = arith.subi %div3A_138, %sub3A_158 : i32
        %select_n3A_160 = arith.select %and3A_157, %sub3A_159, %div3A_138 : i32
        %jit3A_161 = arith.constant 8 : i32
        %eq3A_162 = arith.constant 0 : i32
        %eq3A_163 = arith.cmpi eq, %jit3A_161, %eq3A_162 : i32
        %jit3A_164 = arith.constant 1 : i32
        %select_n3A_165 = arith.select %eq3A_163, %jit3A_164, %jit3A_161 : i32
        %rem3A_166 = arith.remsi %scan3A_136, %select_n3A_165 : i32
        %ne3A_167 = arith.constant 0 : i32
        %ne3A_168 = arith.cmpi ne, %rem3A_166, %ne3A_167 : i32
        %lt3A_169 = arith.constant 0 : i32
        %lt3A_170 = arith.cmpi slt, %rem3A_166, %lt3A_169 : i32
        %lt3A_171 = arith.constant 0 : i32
        %lt3A_172 = arith.cmpi slt, %select_n3A_165, %lt3A_171 : i32
        %ne3A_173 = arith.xori %lt3A_170, %lt3A_172 : i1
        %and3A_174 = arith.andi %ne3A_173, %ne3A_168 : i1
        %add3A_175 = arith.addi %rem3A_166, %select_n3A_165 : i32
        %select_n3A_176 = arith.select %and3A_174, %add3A_175, %rem3A_166 : i32
        %mul3A_177 = arith.constant 16 : i32
        %mul3A_178 = arith.muli %select_n3A_176, %mul3A_177 : i32
        %get3A_179 = arith.index_cast %select_n3A_160 : i32 to index
        %get3A_180 = arith.index_cast %mul3A_178 : i32 to index
        %get3A_181 = tpu.vector_load %arg11[%get3A_179, %get3A_180] {strides = array<i32>} : memref<80x128xf32, #tpu.memory_space<vmem>>, vector<1x16xf32>,
        %get3A_182 = vector.shape_cast %get3A_181 : vector<1x16xf32> to vector<16xf32>
        %get3A_183 = arith.index_cast %select_n3A_160 : i32 to index
        %get3A_184 = arith.index_cast %mul3A_178 : i32 to index
        %get3A_185 = tpu.vector_load %arg12[%get3A_183, %get3A_184] {strides = array<i32>} : memref<80x128xf32, #tpu.memory_space<vmem>>, vector<1x16xf32>,
        %get3A_186 = vector.shape_cast %get3A_185 : vector<1x16xf32> to vector<16xf32>
        %add3A_187 = arith.addf %get3A_182, %get3A_186 : vector<16xf32>
        %max3A_188 = arith.constant 0.000000e+00 : f32
        %max3A_189 = vector.broadcast %max3A_188 : f32 to vector<16xf32>
        %max3A_190 = arith.maximumf %add3A_187, %max3A_189 : vector<16xf32>
        %swap3A_191 = arith.index_cast %select_n3A_160 : i32 to index
        %swap3A_192 = arith.index_cast %mul3A_178 : i32 to index
        %swap3A_193 = tpu.vector_load %arg11[%swap3A_191, %swap3A_192] {strides = array<i32>} : memref<80x128xf32, #tpu.memory_space<vmem>>, vector<1x16xf32>,
        %swap3A_194 = vector.shape_cast %swap3A_193 : vector<1x16xf32> to vector<16xf32>
        %swap3A_195 = vector.shape_cast %max3A_190 : vector<16xf32> to vector<1x16xf32>
        tpu.vector_store %arg11[%swap3A_191, %swap3A_192], %swap3A_195 {strides = array<i32>} : memref<80x128xf32, #tpu.memory_space<vmem>>, vector<1x16xf32>,
        %scan3A_196 = arith.constant 2 : i32
        %scan3A_197 = arith.addi %scan3A_87, %scan3A_196 : i32
        %jit3A_198 = arith.constant 8 : i32
        %div3A_199 = arith.divsi %scan3A_197, %jit3A_198 : i32
        %sign3A_200 = arith.constant 0 : i32
        %sign3A_201 = arith.cmpi sgt, %scan3A_197, %sign3A_200 : i32
        %sign3A_202 = arith.extui %sign3A_201 : i1 to i32
        %sign3A_203 = arith.constant 0 : i32
        %sign3A_204 = arith.cmpi slt, %scan3A_197, %sign3A_203 : i32
        %sign3A_205 = arith.extui %sign3A_204 : i1 to i32
        %sign3A_206 = arith.subi %sign3A_202, %sign3A_205 : i32
        %sign3A_207 = arith.constant 0 : i32
        %sign3A_208 = arith.cmpi sgt, %jit3A_198, %sign3A_207 : i32
        %sign3A_209 = arith.extui %sign3A_208 : i1 to i32
        %sign3A_210 = arith.constant 0 : i32
        %sign3A_211 = arith.cmpi slt, %jit3A_198, %sign3A_210 : i32
        %sign3A_212 = arith.extui %sign3A_211 : i1 to i32
        %sign3A_213 = arith.subi %sign3A_209, %sign3A_212 : i32
        %ne3A_214 = arith.cmpi ne, %sign3A_206, %sign3A_213 : i32
        %rem3A_215 = arith.remsi %scan3A_197, %jit3A_198 : i32
        %ne3A_216 = arith.constant 0 : i32
        %ne3A_217 = arith.cmpi ne, %rem3A_215, %ne3A_216 : i32
        %and3A_218 = arith.andi %ne3A_214, %ne3A_217 : i1
        %sub3A_219 = arith.constant 1 : i32
        %sub3A_220 = arith.subi %div3A_199, %sub3A_219 : i32
        %select_n3A_221 = arith.select %and3A_218, %sub3A_220, %div3A_199 : i32
        %jit3A_222 = arith.constant 8 : i32
        %eq3A_223 = arith.constant 0 : i32
        %eq3A_224 = arith.cmpi eq, %jit3A_222, %eq3A_223 : i32
        %jit3A_225 = arith.constant 1 : i32
        %select_n3A_226 = arith.select %eq3A_224, %jit3A_225, %jit3A_222 : i32
        %rem3A_227 = arith.remsi %scan3A_197, %select_n3A_226 : i32
        %ne3A_228 = arith.constant 0 : i32
        %ne3A_229 = arith.cmpi ne, %rem3A_227, %ne3A_228 : i32
        %lt3A_230 = arith.constant 0 : i32
        %lt3A_231 = arith.cmpi slt, %rem3A_227, %lt3A_230 : i32
        %lt3A_232 = arith.constant 0 : i32
        %lt3A_233 = arith.cmpi slt, %select_n3A_226, %lt3A_232 : i32
        %ne3A_234 = arith.xori %lt3A_231, %lt3A_233 : i1
        %and3A_235 = arith.andi %ne3A_234, %ne3A_229 : i1
        %add3A_236 = arith.addi %rem3A_227, %select_n3A_226 : i32
        %select_n3A_237 = arith.select %and3A_235, %add3A_236, %rem3A_227 : i32
        %mul3A_238 = arith.constant 16 : i32
        %mul3A_239 = arith.muli %select_n3A_237, %mul3A_238 : i32
        %get3A_240 = arith.index_cast %select_n3A_221 : i32 to index
        %get3A_241 = arith.index_cast %mul3A_239 : i32 to index
        %get3A_242 = tpu.vector_load %arg11[%get3A_240, %get3A_241] {strides = array<i32>} : memref<80x128xf32, #tpu.memory_space<vmem>>, vector<1x16xf32>,
        %get3A_243 = vector.shape_cast %get3A_242 : vector<1x16xf32> to vector<16xf32>
        %get3A_244 = arith.index_cast %select_n3A_221 : i32 to index
        %get3A_245 = arith.index_cast %mul3A_239 : i32 to index
        %get3A_246 = tpu.vector_load %arg12[%get3A_244, %get3A_245] {strides = array<i32>} : memref<80x128xf32, #tpu.memory_space<vmem>>, vector<1x16xf32>,
        %get3A_247 = vector.shape_cast %get3A_246 : vector<1x16xf32> to vector<16xf32>
        %add3A_248 = arith.addf %get3A_243, %get3A_247 : vector<16xf32>
        %max3A_249 = arith.constant 0.000000e+00 : f32
        %max3A_250 = vector.broadcast %max3A_249 : f32 to vector<16xf32>
        %max3A_251 = arith.maximumf %add3A_248, %max3A_250 : vector<16xf32>
        %swap3A_252 = arith.index_cast %select_n3A_221 : i32 to index
        %swap3A_253 = arith.index_cast %mul3A_239 : i32 to index
        %swap3A_254 = tpu.vector_load %arg11[%swap3A_252, %swap3A_253] {strides = array<i32>} : memref<80x128xf32, #tpu.memory_space<vmem>>, vector<1x16xf32>,
        %swap3A_255 = vector.shape_cast %swap3A_254 : vector<1x16xf32> to vector<16xf32>
        %swap3A_256 = vector.shape_cast %max3A_251 : vector<16xf32> to vector<1x16xf32>
        tpu.vector_store %arg11[%swap3A_252, %swap3A_253], %swap3A_256 {strides = array<i32>} : memref<80x128xf32, #tpu.memory_space<vmem>>, vector<1x16xf32>,
        %scan3A_257 = arith.constant 3 : i32
        %scan3A_258 = arith.addi %scan3A_87, %scan3A_257 : i32
        %jit3A_259 = arith.constant 8 : i32
        %div3A_260 = arith.divsi %scan3A_258, %jit3A_259 : i32
        %sign3A_261 = arith.constant 0 : i32
        %sign3A_262 = arith.cmpi sgt, %scan3A_258, %sign3A_261 : i32
        %sign3A_263 = arith.extui %sign3A_262 : i1 to i32
        %sign3A_264 = arith.constant 0 : i32
        %sign3A_265 = arith.cmpi slt, %scan3A_258, %sign3A_264 : i32
        %sign3A_266 = arith.extui %sign3A_265 : i1 to i32
        %sign3A_267 = arith.subi %sign3A_263, %sign3A_266 : i32
        %sign3A_268 = arith.constant 0 : i32
        %sign3A_269 = arith.cmpi sgt, %jit3A_259, %sign3A_268 : i32
        %sign3A_270 = arith.extui %sign3A_269 : i1 to i32
        %sign3A_271 = arith.constant 0 : i32
        %sign3A_272 = arith.cmpi slt, %jit3A_259, %sign3A_271 : i32
        %sign3A_273 = arith.extui %sign3A_272 : i1 to i32
        %sign3A_274 = arith.subi %sign3A_270, %sign3A_273 : i32
        %ne3A_275 = arith.cmpi ne, %sign3A_267, %sign3A_274 : i32
        %rem3A_276 = arith.remsi %scan3A_258, %jit3A_259 : i32
        %ne3A_277 = arith.constant 0 : i32
        %ne3A_278 = arith.cmpi ne, %rem3A_276, %ne3A_277 : i32
        %and3A_279 = arith.andi %ne3A_275, %ne3A_278 : i1
        %sub3A_280 = arith.constant 1 : i32
        %sub3A_281 = arith.subi %div3A_260, %sub3A_280 : i32
        %select_n3A_282 = arith.select %and3A_279, %sub3A_281, %div3A_260 : i32
        %jit3A_283 = arith.constant 8 : i32
        %eq3A_284 = arith.constant 0 : i32
        %eq3A_285 = arith.cmpi eq, %jit3A_283, %eq3A_284 : i32
        %jit3A_286 = arith.constant 1 : i32
        %select_n3A_287 = arith.select %eq3A_285, %jit3A_286, %jit3A_283 : i32
        %rem3A_288 = arith.remsi %scan3A_258, %select_n3A_287 : i32
        %ne3A_289 = arith.constant 0 : i32
        %ne3A_290 = arith.cmpi ne, %rem3A_288, %ne3A_289 : i32
        %lt3A_291 = arith.constant 0 : i32
        %lt3A_292 = arith.cmpi slt, %rem3A_288, %lt3A_291 : i32
        %lt3A_293 = arith.constant 0 : i32
        %lt3A_294 = arith.cmpi slt, %select_n3A_287, %lt3A_293 : i32
        %ne3A_295 = arith.xori %lt3A_292, %lt3A_294 : i1
        %and3A_296 = arith.andi %ne3A_295, %ne3A_290 : i1
        %add3A_297 = arith.addi %rem3A_288, %select_n3A_287 : i32
        %select_n3A_298 = arith.select %and3A_296, %add3A_297, %rem3A_288 : i32
        %mul3A_299 = arith.constant 16 : i32
        %mul3A_300 = arith.muli %select_n3A_298, %mul3A_299 : i32
        %get3A_301 = arith.index_cast %select_n3A_282 : i32 to index
        %get3A_302 = arith.index_cast %mul3A_300 : i32 to index
        %get3A_303 = tpu.vector_load %arg11[%get3A_301, %get3A_302] {strides = array<i32>} : memref<80x128xf32, #tpu.memory_space<vmem>>, vector<1x16xf32>,
        %get3A_304 = vector.shape_cast %get3A_303 : vector<1x16xf32> to vector<16xf32>
        %get3A_305 = arith.index_cast %select_n3A_282 : i32 to index
        %get3A_306 = arith.index_cast %mul3A_300 : i32 to index
        %get3A_307 = tpu.vector_load %arg12[%get3A_305, %get3A_306] {strides = array<i32>} : memref<80x128xf32, #tpu.memory_space<vmem>>, vector<1x16xf32>,
        %get3A_308 = vector.shape_cast %get3A_307 : vector<1x16xf32> to vector<16xf32>
        %add3A_309 = arith.addf %get3A_304, %get3A_308 : vector<16xf32>
        %max3A_310 = arith.constant 0.000000e+00 : f32
        %max3A_311 = vector.broadcast %max3A_310 : f32 to vector<16xf32>
        %max3A_312 = arith.maximumf %add3A_309, %max3A_311 : vector<16xf32>
        %swap3A_313 = arith.index_cast %select_n3A_282 : i32 to index
        %swap3A_314 = arith.index_cast %mul3A_300 : i32 to index
        %swap3A_315 = tpu.vector_load %arg11[%swap3A_313, %swap3A_314] {strides = array<i32>} : memref<80x128xf32, #tpu.memory_space<vmem>>, vector<1x16xf32>,
        %swap3A_316 = vector.shape_cast %swap3A_315 : vector<1x16xf32> to vector<16xf32>
        %swap3A_317 = vector.shape_cast %max3A_312 : vector<16xf32> to vector<1x16xf32>
        tpu.vector_store %arg11[%swap3A_313, %swap3A_314], %swap3A_317 {strides = array<i32>} : memref<80x128xf32, #tpu.memory_space<vmem>>, vector<1x16xf32>,
        %scan3A_318 = arith.constant 4 : i32
        %scan3A_319 = arith.addi %scan3A_87, %scan3A_318 : i32
        %jit3A_320 = arith.constant 8 : i32
        %div3A_321 = arith.divsi %scan3A_319, %jit3A_320 : i32
        %sign3A_322 = arith.constant 0 : i32
        %sign3A_323 = arith.cmpi sgt, %scan3A_319, %sign3A_322 : i32
        %sign3A_324 = arith.extui %sign3A_323 : i1 to i32
        %sign3A_325 = arith.constant 0 : i32
        %sign3A_326 = arith.cmpi slt, %scan3A_319, %sign3A_325 : i32
        %sign3A_327 = arith.extui %sign3A_326 : i1 to i32
        %sign3A_328 = arith.subi %sign3A_324, %sign3A_327 : i32
        %sign3A_329 = arith.constant 0 : i32
        %sign3A_330 = arith.cmpi sgt, %jit3A_320, %sign3A_329 : i32
        %sign3A_331 = arith.extui %sign3A_330 : i1 to i32
        %sign3A_332 = arith.constant 0 : i32
        %sign3A_333 = arith.cmpi slt, %jit3A_320, %sign3A_332 : i32
        %sign3A_334 = arith.extui %sign3A_333 : i1 to i32
        %sign3A_335 = arith.subi %sign3A_331, %sign3A_334 : i32
        %ne3A_336 = arith.cmpi ne, %sign3A_328, %sign3A_335 : i32
        %rem3A_337 = arith.remsi %scan3A_319, %jit3A_320 : i32
        %ne3A_338 = arith.constant 0 : i32
        %ne3A_339 = arith.cmpi ne, %rem3A_337, %ne3A_338 : i32
        %and3A_340 = arith.andi %ne3A_336, %ne3A_339 : i1
        %sub3A_341 = arith.constant 1 : i32
        %sub3A_342 = arith.subi %div3A_321, %sub3A_341 : i32
        %select_n3A_343 = arith.select %and3A_340, %sub3A_342, %div3A_321 : i32
        %jit3A_344 = arith.constant 8 : i32
        %eq3A_345 = arith.constant 0 : i32
        %eq3A_346 = arith.cmpi eq, %jit3A_344, %eq3A_345 : i32
        %jit3A_347 = arith.constant 1 : i32
        %select_n3A_348 = arith.select %eq3A_346, %jit3A_347, %jit3A_344 : i32
        %rem3A_349 = arith.remsi %scan3A_319, %select_n3A_348 : i32
        %ne3A_350 = arith.constant 0 : i32
        %ne3A_351 = arith.cmpi ne, %rem3A_349, %ne3A_350 : i32
        %lt3A_352 = arith.constant 0 : i32
        %lt3A_353 = arith.cmpi slt, %rem3A_349, %lt3A_352 : i32
        %lt3A_354 = arith.constant 0 : i32
        %lt3A_355 = arith.cmpi slt, %select_n3A_348, %lt3A_354 : i32
        %ne3A_356 = arith.xori %lt3A_353, %lt3A_355 : i1
        %and3A_357 = arith.andi %ne3A_356, %ne3A_351 : i1
        %add3A_358 = arith.addi %rem3A_349, %select_n3A_348 : i32
        %select_n3A_359 = arith.select %and3A_357, %add3A_358, %rem3A_349 : i32
        %mul3A_360 = arith.constant 16 : i32
        %mul3A_361 = arith.muli %select_n3A_359, %mul3A_360 : i32
        %get3A_362 = arith.index_cast %select_n3A_343 : i32 to index
        %get3A_363 = arith.index_cast %mul3A_361 : i32 to index
        %get3A_364 = tpu.vector_load %arg11[%get3A_362, %get3A_363] {strides = array<i32>} : memref<80x128xf32, #tpu.memory_space<vmem>>, vector<1x16xf32>,
        %get3A_365 = vector.shape_cast %get3A_364 : vector<1x16xf32> to vector<16xf32>
        %get3A_366 = arith.index_cast %select_n3A_343 : i32 to index
        %get3A_367 = arith.index_cast %mul3A_361 : i32 to index
        %get3A_368 = tpu.vector_load %arg12[%get3A_366, %get3A_367] {strides = array<i32>} : memref<80x128xf32, #tpu.memory_space<vmem>>, vector<1x16xf32>,
        %get3A_369 = vector.shape_cast %get3A_368 : vector<1x16xf32> to vector<16xf32>
        %add3A_370 = arith.addf %get3A_365, %get3A_369 : vector<16xf32>
        %max3A_371 = arith.constant 0.000000e+00 : f32
        %max3A_372 = vector.broadcast %max3A_371 : f32 to vector<16xf32>
        %max3A_373 = arith.maximumf %add3A_370, %max3A_372 : vector<16xf32>
        %swap3A_374 = arith.index_cast %select_n3A_343 : i32 to index
        %swap3A_375 = arith.index_cast %mul3A_361 : i32 to index
        %swap3A_376 = tpu.vector_load %arg11[%swap3A_374, %swap3A_375] {strides = array<i32>} : memref<80x128xf32, #tpu.memory_space<vmem>>, vector<1x16xf32>,
        %swap3A_377 = vector.shape_cast %swap3A_376 : vector<1x16xf32> to vector<16xf32>
        %swap3A_378 = vector.shape_cast %max3A_373 : vector<16xf32> to vector<1x16xf32>
        tpu.vector_store %arg11[%swap3A_374, %swap3A_375], %swap3A_378 {strides = array<i32>} : memref<80x128xf32, #tpu.memory_space<vmem>>, vector<1x16xf32>,
        %scan3A_379 = arith.constant 5 : i32
        %scan3A_380 = arith.addi %scan3A_87, %scan3A_379 : i32
        %jit3A_381 = arith.constant 8 : i32
        %div3A_382 = arith.divsi %scan3A_380, %jit3A_381 : i32
        %sign3A_383 = arith.constant 0 : i32
        %sign3A_384 = arith.cmpi sgt, %scan3A_380, %sign3A_383 : i32
        %sign3A_385 = arith.extui %sign3A_384 : i1 to i32
        %sign3A_386 = arith.constant 0 : i32
        %sign3A_387 = arith.cmpi slt, %scan3A_380, %sign3A_386 : i32
        %sign3A_388 = arith.extui %sign3A_387 : i1 to i32
        %sign3A_389 = arith.subi %sign3A_385, %sign3A_388 : i32
        %sign3A_390 = arith.constant 0 : i32
        %sign3A_391 = arith.cmpi sgt, %jit3A_381, %sign3A_390 : i32
        %sign3A_392 = arith.extui %sign3A_391 : i1 to i32
        %sign3A_393 = arith.constant 0 : i32
        %sign3A_394 = arith.cmpi slt, %jit3A_381, %sign3A_393 : i32
        %sign3A_395 = arith.extui %sign3A_394 : i1 to i32
        %sign3A_396 = arith.subi %sign3A_392, %sign3A_395 : i32
        %ne3A_397 = arith.cmpi ne, %sign3A_389, %sign3A_396 : i32
        %rem3A_398 = arith.remsi %scan3A_380, %jit3A_381 : i32
        %ne3A_399 = arith.constant 0 : i32
        %ne3A_400 = arith.cmpi ne, %rem3A_398, %ne3A_399 : i32
        %and3A_401 = arith.andi %ne3A_397, %ne3A_400 : i1
        %sub3A_402 = arith.constant 1 : i32
        %sub3A_403 = arith.subi %div3A_382, %sub3A_402 : i32
        %select_n3A_404 = arith.select %and3A_401, %sub3A_403, %div3A_382 : i32
        %jit3A_405 = arith.constant 8 : i32
        %eq3A_406 = arith.constant 0 : i32
        %eq3A_407 = arith.cmpi eq, %jit3A_405, %eq3A_406 : i32
        %jit3A_408 = arith.constant 1 : i32
        %select_n3A_409 = arith.select %eq3A_407, %jit3A_408, %jit3A_405 : i32
        %rem3A_410 = arith.remsi %scan3A_380, %select_n3A_409 : i32
        %ne3A_411 = arith.constant 0 : i32
        %ne3A_412 = arith.cmpi ne, %rem3A_410, %ne3A_411 : i32
        %lt3A_413 = arith.constant 0 : i32
        %lt3A_414 = arith.cmpi slt, %rem3A_410, %lt3A_413 : i32
        %lt3A_415 = arith.constant 0 : i32
        %lt3A_416 = arith.cmpi slt, %select_n3A_409, %lt3A_415 : i32
        %ne3A_417 = arith.xori %lt3A_414, %lt3A_416 : i1
        %and3A_418 = arith.andi %ne3A_417, %ne3A_412 : i1
        %add3A_419 = arith.addi %rem3A_410, %select_n3A_409 : i32
        %select_n3A_420 = arith.select %and3A_418, %add3A_419, %rem3A_410 : i32
        %mul3A_421 = arith.constant 16 : i32
        %mul3A_422 = arith.muli %select_n3A_420, %mul3A_421 : i32
        %get3A_423 = arith.index_cast %select_n3A_404 : i32 to index
        %get3A_424 = arith.index_cast %mul3A_422 : i32 to index
        %get3A_425 = tpu.vector_load %arg11[%get3A_423, %get3A_424] {strides = array<i32>} : memref<80x128xf32, #tpu.memory_space<vmem>>, vector<1x16xf32>,
        %get3A_426 = vector.shape_cast %get3A_425 : vector<1x16xf32> to vector<16xf32>
        %get3A_427 = arith.index_cast %select_n3A_404 : i32 to index
        %get3A_428 = arith.index_cast %mul3A_422 : i32 to index
        %get3A_429 = tpu.vector_load %arg12[%get3A_427, %get3A_428] {strides = array<i32>} : memref<80x128xf32, #tpu.memory_space<vmem>>, vector<1x16xf32>,
        %get3A_430 = vector.shape_cast %get3A_429 : vector<1x16xf32> to vector<16xf32>
        %add3A_431 = arith.addf %get3A_426, %get3A_430 : vector<16xf32>
        %max3A_432 = arith.constant 0.000000e+00 : f32
        %max3A_433 = vector.broadcast %max3A_432 : f32 to vector<16xf32>
        %max3A_434 = arith.maximumf %add3A_431, %max3A_433 : vector<16xf32>
        %swap3A_435 = arith.index_cast %select_n3A_404 : i32 to index
        %swap3A_436 = arith.index_cast %mul3A_422 : i32 to index
        %swap3A_437 = tpu.vector_load %arg11[%swap3A_435, %swap3A_436] {strides = array<i32>} : memref<80x128xf32, #tpu.memory_space<vmem>>, vector<1x16xf32>,
        %swap3A_438 = vector.shape_cast %swap3A_437 : vector<1x16xf32> to vector<16xf32>
        %swap3A_439 = vector.shape_cast %max3A_434 : vector<16xf32> to vector<1x16xf32>
        tpu.vector_store %arg11[%swap3A_435, %swap3A_436], %swap3A_439 {strides = array<i32>} : memref<80x128xf32, #tpu.memory_space<vmem>>, vector<1x16xf32>,
        %scan3A_440 = arith.constant 6 : i32
        %scan3A_441 = arith.addi %scan3A_87, %scan3A_440 : i32
        %jit3A_442 = arith.constant 8 : i32
        %div3A_443 = arith.divsi %scan3A_441, %jit3A_442 : i32
        %sign3A_444 = arith.constant 0 : i32
        %sign3A_445 = arith.cmpi sgt, %scan3A_441, %sign3A_444 : i32
        %sign3A_446 = arith.extui %sign3A_445 : i1 to i32
        %sign3A_447 = arith.constant 0 : i32
        %sign3A_448 = arith.cmpi slt, %scan3A_441, %sign3A_447 : i32
        %sign3A_449 = arith.extui %sign3A_448 : i1 to i32
        %sign3A_450 = arith.subi %sign3A_446, %sign3A_449 : i32
        %sign3A_451 = arith.constant 0 : i32
        %sign3A_452 = arith.cmpi sgt, %jit3A_442, %sign3A_451 : i32
        %sign3A_453 = arith.extui %sign3A_452 : i1 to i32
        %sign3A_454 = arith.constant 0 : i32
        %sign3A_455 = arith.cmpi slt, %jit3A_442, %sign3A_454 : i32
        %sign3A_456 = arith.extui %sign3A_455 : i1 to i32
        %sign3A_457 = arith.subi %sign3A_453, %sign3A_456 : i32
        %ne3A_458 = arith.cmpi ne, %sign3A_450, %sign3A_457 : i32
        %rem3A_459 = arith.remsi %scan3A_441, %jit3A_442 : i32
        %ne3A_460 = arith.constant 0 : i32
        %ne3A_461 = arith.cmpi ne, %rem3A_459, %ne3A_460 : i32
        %and3A_462 = arith.andi %ne3A_458, %ne3A_461 : i1
        %sub3A_463 = arith.constant 1 : i32
        %sub3A_464 = arith.subi %div3A_443, %sub3A_463 : i32
        %select_n3A_465 = arith.select %and3A_462, %sub3A_464, %div3A_443 : i32
        %jit3A_466 = arith.constant 8 : i32
        %eq3A_467 = arith.constant 0 : i32
        %eq3A_468 = arith.cmpi eq, %jit3A_466, %eq3A_467 : i32
        %jit3A_469 = arith.constant 1 : i32
        %select_n3A_470 = arith.select %eq3A_468, %jit3A_469, %jit3A_466 : i32
        %rem3A_471 = arith.remsi %scan3A_441, %select_n3A_470 : i32
        %ne3A_472 = arith.constant 0 : i32
        %ne3A_473 = arith.cmpi ne, %rem3A_471, %ne3A_472 : i32
        %lt3A_474 = arith.constant 0 : i32
        %lt3A_475 = arith.cmpi slt, %rem3A_471, %lt3A_474 : i32
        %lt3A_476 = arith.constant 0 : i32
        %lt3A_477 = arith.cmpi slt, %select_n3A_470, %lt3A_476 : i32
        %ne3A_478 = arith.xori %lt3A_475, %lt3A_477 : i1
        %and3A_479 = arith.andi %ne3A_478, %ne3A_473 : i1
        %add3A_480 = arith.addi %rem3A_471, %select_n3A_470 : i32
        %select_n3A_481 = arith.select %and3A_479, %add3A_480, %rem3A_471 : i32
        %mul3A_482 = arith.constant 16 : i32
        %mul3A_483 = arith.muli %select_n3A_481, %mul3A_482 : i32
        %get3A_484 = arith.index_cast %select_n3A_465 : i32 to index
        %get3A_485 = arith.index_cast %mul3A_483 : i32 to index
        %get3A_486 = tpu.vector_load %arg11[%get3A_484, %get3A_485] {strides = array<i32>} : memref<80x128xf32, #tpu.memory_space<vmem>>, vector<1x16xf32>,
        %get3A_487 = vector.shape_cast %get3A_486 : vector<1x16xf32> to vector<16xf32>
        %get3A_488 = arith.index_cast %select_n3A_465 : i32 to index
        %get3A_489 = arith.index_cast %mul3A_483 : i32 to index
        %get3A_490 = tpu.vector_load %arg12[%get3A_488, %get3A_489] {strides = array<i32>} : memref<80x128xf32, #tpu.memory_space<vmem>>, vector<1x16xf32>,
        %get3A_491 = vector.shape_cast %get3A_490 : vector<1x16xf32> to vector<16xf32>
        %add3A_492 = arith.addf %get3A_487, %get3A_491 : vector<16xf32>
        %max3A_493 = arith.constant 0.000000e+00 : f32
        %max3A_494 = vector.broadcast %max3A_493 : f32 to vector<16xf32>
        %max3A_495 = arith.maximumf %add3A_492, %max3A_494 : vector<16xf32>
        %swap3A_496 = arith.index_cast %select_n3A_465 : i32 to index
        %swap3A_497 = arith.index_cast %mul3A_483 : i32 to index
        %swap3A_498 = tpu.vector_load %arg11[%swap3A_496, %swap3A_497] {strides = array<i32>} : memref<80x128xf32, #tpu.memory_space<vmem>>, vector<1x16xf32>,
        %swap3A_499 = vector.shape_cast %swap3A_498 : vector<1x16xf32> to vector<16xf32>
        %swap3A_500 = vector.shape_cast %max3A_495 : vector<16xf32> to vector<1x16xf32>
        tpu.vector_store %arg11[%swap3A_496, %swap3A_497], %swap3A_500 {strides = array<i32>} : memref<80x128xf32, #tpu.memory_space<vmem>>, vector<1x16xf32>,
        %scan3A_501 = arith.constant 7 : i32
        %scan3A_502 = arith.addi %scan3A_87, %scan3A_501 : i32
        %jit3A_503 = arith.constant 8 : i32
        %div3A_504 = arith.divsi %scan3A_502, %jit3A_503 : i32
        %sign3A_505 = arith.constant 0 : i32
        %sign3A_506 = arith.cmpi sgt, %scan3A_502, %sign3A_505 : i32
        %sign3A_507 = arith.extui %sign3A_506 : i1 to i32
        %sign3A_508 = arith.constant 0 : i32
        %sign3A_509 = arith.cmpi slt, %scan3A_502, %sign3A_508 : i32
        %sign3A_510 = arith.extui %sign3A_509 : i1 to i32
        %sign3A_511 = arith.subi %sign3A_507, %sign3A_510 : i32
        %sign3A_512 = arith.constant 0 : i32
        %sign3A_513 = arith.cmpi sgt, %jit3A_503, %sign3A_512 : i32
        %sign3A_514 = arith.extui %sign3A_513 : i1 to i32
        %sign3A_515 = arith.constant 0 : i32
        %sign3A_516 = arith.cmpi slt, %jit3A_503, %sign3A_515 : i32
        %sign3A_517 = arith.extui %sign3A_516 : i1 to i32
        %sign3A_518 = arith.subi %sign3A_514, %sign3A_517 : i32
        %ne3A_519 = arith.cmpi ne, %sign3A_511, %sign3A_518 : i32
        %rem3A_520 = arith.remsi %scan3A_502, %jit3A_503 : i32
        %ne3A_521 = arith.constant 0 : i32
        %ne3A_522 = arith.cmpi ne, %rem3A_520, %ne3A_521 : i32
        %and3A_523 = arith.andi %ne3A_519, %ne3A_522 : i1
        %sub3A_524 = arith.constant 1 : i32
        %sub3A_525 = arith.subi %div3A_504, %sub3A_524 : i32
        %select_n3A_526 = arith.select %and3A_523, %sub3A_525, %div3A_504 : i32
        %jit3A_527 = arith.constant 8 : i32
        %eq3A_528 = arith.constant 0 : i32
        %eq3A_529 = arith.cmpi eq, %jit3A_527, %eq3A_528 : i32
        %jit3A_530 = arith.constant 1 : i32
        %select_n3A_531 = arith.select %eq3A_529, %jit3A_530, %jit3A_527 : i32
        %rem3A_532 = arith.remsi %scan3A_502, %select_n3A_531 : i32
        %ne3A_533 = arith.constant 0 : i32
        %ne3A_534 = arith.cmpi ne, %rem3A_532, %ne3A_533 : i32
        %lt3A_535 = arith.constant 0 : i32
        %lt3A_536 = arith.cmpi slt, %rem3A_532, %lt3A_535 : i32
        %lt3A_537 = arith.constant 0 : i32
        %lt3A_538 = arith.cmpi slt, %select_n3A_531, %lt3A_537 : i32
        %ne3A_539 = arith.xori %lt3A_536, %lt3A_538 : i1
        %and3A_540 = arith.andi %ne3A_539, %ne3A_534 : i1
        %add3A_541 = arith.addi %rem3A_532, %select_n3A_531 : i32
        %select_n3A_542 = arith.select %and3A_540, %add3A_541, %rem3A_532 : i32
        %mul3A_543 = arith.constant 16 : i32
        %mul3A_544 = arith.muli %select_n3A_542, %mul3A_543 : i32
        %get3A_545 = arith.index_cast %select_n3A_526 : i32 to index
        %get3A_546 = arith.index_cast %mul3A_544 : i32 to index
        %get3A_547 = tpu.vector_load %arg11[%get3A_545, %get3A_546] {strides = array<i32>} : memref<80x128xf32, #tpu.memory_space<vmem>>, vector<1x16xf32>,
        %get3A_548 = vector.shape_cast %get3A_547 : vector<1x16xf32> to vector<16xf32>
        %get3A_549 = arith.index_cast %select_n3A_526 : i32 to index
        %get3A_550 = arith.index_cast %mul3A_544 : i32 to index
        %get3A_551 = tpu.vector_load %arg12[%get3A_549, %get3A_550] {strides = array<i32>} : memref<80x128xf32, #tpu.memory_space<vmem>>, vector<1x16xf32>,
        %get3A_552 = vector.shape_cast %get3A_551 : vector<1x16xf32> to vector<16xf32>
        %add3A_553 = arith.addf %get3A_548, %get3A_552 : vector<16xf32>
        %max3A_554 = arith.constant 0.000000e+00 : f32
        %max3A_555 = vector.broadcast %max3A_554 : f32 to vector<16xf32>
        %max3A_556 = arith.maximumf %add3A_553, %max3A_555 : vector<16xf32>
        %swap3A_557 = arith.index_cast %select_n3A_526 : i32 to index
        %swap3A_558 = arith.index_cast %mul3A_544 : i32 to index
        %swap3A_559 = tpu.vector_load %arg11[%swap3A_557, %swap3A_558] {strides = array<i32>} : memref<80x128xf32, #tpu.memory_space<vmem>>, vector<1x16xf32>,
        %swap3A_560 = vector.shape_cast %swap3A_559 : vector<1x16xf32> to vector<16xf32>
        %swap3A_561 = vector.shape_cast %max3A_556 : vector<16xf32> to vector<1x16xf32>
        tpu.vector_store %arg11[%swap3A_557, %swap3A_558], %swap3A_561 {strides = array<i32>} : memref<80x128xf32, #tpu.memory_space<vmem>>, vector<1x16xf32>,
      }
      %scan3A_70 = arith.constant 640 : i32
      %dma_wait3A_71 = tpu.memref_slice %arg5[%add3A_57] : memref<320000xi32, #tpu.memory_space<hbm>> -> memref<80xi32, #tpu.memory_space<hbm>>
      %dma_wait3A_72 = tpu.memref_slice %arg5[%add3A_57] : memref<320000xi32, #tpu.memory_space<hbm>> -> memref<80xi32, #tpu.memory_space<hbm>>
      tpu.wait_dma2 semaphore(%arg21 : memref<!tpu.dma_semaphore, #tpu.memory_space<semaphore_mem>>) src(%dma_wait3A_72 : memref<80xi32, #tpu.memory_space<hbm>>) dst(%arg8 : memref<80xi32, #tpu.memory_space<vmem>>)
      "tpu.region"() ({
        %run_scoped3A = tpu.sem_alloc : memref<!tpu.dma_semaphore, #tpu.memory_space<semaphore_mem>>
        %dma_start3A_87 = arith.constant 0 : i32
        %dma_start3A_88 = arith.constant 0 : i32
        %dma_start3A_89 = tpu.memref_slice %arg15[%dma_start3A_87, %dma_start3A_88] : memref<10000x128xf32, #tpu.memory_space<vmem_shared>> -> memref<10000x128xf32, #tpu.memory_space<vmem_shared>>
        tpu.enqueue_indirect_dma source(%arg11 : memref<80x128xf32, #tpu.memory_space<vmem>>) target(%dma_start3A_89 : memref<10000x128xf32, #tpu.memory_space<vmem_shared>>) offsets(%arg8 : memref<80xi32, #tpu.memory_space<vmem>>) semaphore(%run_scoped3A : memref<!tpu.dma_semaphore, #tpu.memory_space<semaphore_mem>>) {add = true}
        %dma_wait3A_90 = arith.constant 0 : i32
        %dma_wait3A_91 = arith.constant 0 : i32
        %dma_wait3A_92 = tpu.memref_slice %arg15[%dma_wait3A_90, %dma_wait3A_91] : memref<10000x128xf32, #tpu.memory_space<vmem_shared>> -> memref<10000x128xf32, #tpu.memory_space<vmem_shared>>
        tpu.wait_indirect_dma semaphore(%run_scoped3A : memref<!tpu.dma_semaphore, #tpu.memory_space<semaphore_mem>>) src(%arg11 : memref<80x128xf32, #tpu.memory_space<vmem>>) dst(%dma_wait3A_92 : memref<10000x128xf32, #tpu.memory_space<vmem_shared>>)
        tpu.yield
      }) : () -> ()
      %add3A_73 = arith.constant 2 : i32
      %add3A_74 = arith.addi %mul3A_50, %add3A_73 : i32
      %lt3A_75 = arith.constant 125 : i32
      %lt3A_76 = arith.cmpi slt, %add3A_74, %lt3A_75 : i32
      %convert_element_type3A_77 = arith.extui %lt3A_76 : i1 to i32
      %cond3A_78 = arith.constant 0 : i32
      %cond3A_79 = arith.cmpi ne, %convert_element_type3A_77, %cond3A_78 : i32
      scf.if %cond3A_79 {
        %add3A_87 = arith.constant 2 : i32
        %add3A_88 = arith.addi %mul3A_50, %add3A_87 : i32
        %mul3A_89 = arith.constant 80 : i32
        %mul3A_90 = arith.muli %add3A_88, %mul3A_89 : i32
        %add3A_91 = arith.addi %mul3A_13, %mul3A_90 : i32
        %dma_start3A_92 = tpu.memref_slice %arg4[%add3A_91] : memref<320000xi32, #tpu.memory_space<hbm>> -> memref<80xi32, #tpu.memory_space<hbm>>
        %dma_start3A_93 = tpu.memref_slice %arg4[%add3A_91] : memref<320000xi32, #tpu.memory_space<hbm>> -> memref<80xi32, #tpu.memory_space<hbm>>
        tpu.enqueue_dma source(%dma_start3A_93 : memref<80xi32, #tpu.memory_space<hbm>>) target(%arg7 : memref<80xi32, #tpu.memory_space<vmem>>) target_semaphore(%arg20 : memref<!tpu.dma_semaphore, #tpu.memory_space<semaphore_mem>>)
        %dma_start3A_94 = tpu.memref_slice %arg5[%add3A_91] : memref<320000xi32, #tpu.memory_space<hbm>> -> memref<80xi32, #tpu.memory_space<hbm>>
        %dma_start3A_95 = tpu.memref_slice %arg5[%add3A_91] : memref<320000xi32, #tpu.memory_space<hbm>> -> memref<80xi32, #tpu.memory_space<hbm>>
        tpu.enqueue_dma source(%dma_start3A_95 : memref<80xi32, #tpu.memory_space<hbm>>) target(%arg8 : memref<80xi32, #tpu.memory_space<vmem>>) target_semaphore(%arg21 : memref<!tpu.dma_semaphore, #tpu.memory_space<semaphore_mem>>)
      } else {
      }
      %add3A_80 = arith.constant 1 : i32
      %add3A_81 = arith.addi %mul3A_50, %add3A_80 : i32
      %lt3A_82 = arith.constant 125 : i32
      %lt3A_83 = arith.cmpi slt, %add3A_81, %lt3A_82 : i32
      %convert_element_type3A_84 = arith.extui %lt3A_83 : i1 to i32
      %cond3A_85 = arith.constant 0 : i32
      %cond3A_86 = arith.cmpi ne, %convert_element_type3A_84, %cond3A_85 : i32
      scf.if %cond3A_86 {
        %add3A_87 = arith.constant 1 : i32
        %add3A_88 = arith.addi %mul3A_50, %add3A_87 : i32
        %add3A_89 = arith.constant 1 : i32
        %add3A_90 = arith.addi %add3A_88, %add3A_89 : i32
        %lt3A_91 = arith.constant 125 : i32
        %lt3A_92 = arith.cmpi slt, %add3A_90, %lt3A_91 : i32
        %convert_element_type3A_93 = arith.extui %lt3A_92 : i1 to i32
        %cond3A_94 = arith.constant 0 : i32
        %cond3A_95 = arith.cmpi ne, %convert_element_type3A_93, %cond3A_94 : i32
        scf.if %cond3A_95 {
          %add3A_121 = arith.constant 1 : i32
          %add3A_122 = arith.addi %add3A_88, %add3A_121 : i32
          %mul3A_123 = arith.constant 80 : i32
          %mul3A_124 = arith.muli %add3A_122, %mul3A_123 : i32
          %add3A_125 = arith.addi %mul3A_13, %mul3A_124 : i32
          %dma_wait3A_126 = tpu.memref_slice %arg4[%add3A_125] : memref<320000xi32, #tpu.memory_space<hbm>> -> memref<80xi32, #tpu.memory_space<hbm>>
          %dma_wait3A_127 = tpu.memref_slice %arg4[%add3A_125] : memref<320000xi32, #tpu.memory_space<hbm>> -> memref<80xi32, #tpu.memory_space<hbm>>
          tpu.wait_dma2 semaphore(%arg20 : memref<!tpu.dma_semaphore, #tpu.memory_space<semaphore_mem>>) src(%dma_wait3A_127 : memref<80xi32, #tpu.memory_space<hbm>>) dst(%arg7 : memref<80xi32, #tpu.memory_space<vmem>>)
          %dma_start3A_128 = arith.constant 0 : i32
          %dma_start3A_129 = arith.constant 0 : i32
          %dma_start3A_130 = tpu.memref_slice %arg2[%dma_start3A_128, %dma_start3A_129] : memref<10000x128xf32, #tpu.memory_space<hbm>> -> memref<10000x128xf32, #tpu.memory_space<hbm>>
          tpu.enqueue_indirect_dma source(%dma_start3A_130 : memref<10000x128xf32, #tpu.memory_space<hbm>>) target(%arg11 : memref<80x128xf32, #tpu.memory_space<vmem>>) offsets(%arg7 : memref<80xi32, #tpu.memory_space<vmem>>) semaphore(%arg16 : memref<!tpu.dma_semaphore, #tpu.memory_space<semaphore_mem>>)
          %dma_start3A_131 = arith.constant 0 : i32
          %dma_start3A_132 = tpu.memref_slice %arg3[%add3A_125, %dma_start3A_131] : memref<320000x128xf32, #tpu.memory_space<hbm>> -> memref<80x128xf32, #tpu.memory_space<hbm>>
          %dma_start3A_133 = arith.constant 0 : i32
          %dma_start3A_134 = tpu.memref_slice %arg3[%add3A_125, %dma_start3A_133] : memref<320000x128xf32, #tpu.memory_space<hbm>> -> memref<80x128xf32, #tpu.memory_space<hbm>>
          tpu.enqueue_dma source(%dma_start3A_134 : memref<80x128xf32, #tpu.memory_space<hbm>>) target(%arg12 : memref<80x128xf32, #tpu.memory_space<vmem>>) target_semaphore(%arg17 : memref<!tpu.dma_semaphore, #tpu.memory_space<semaphore_mem>>)
        } else {
        }
        %mul3A_96 = arith.constant 80 : i32
        %mul3A_97 = arith.muli %add3A_88, %mul3A_96 : i32
        %add3A_98 = arith.addi %mul3A_13, %mul3A_97 : i32
        %dma_wait3A_99 = arith.constant 0 : i32
        %dma_wait3A_100 = arith.constant 0 : i32
        %dma_wait3A_101 = tpu.memref_slice %arg2[%dma_wait3A_99, %dma_wait3A_100] : memref<10000x128xf32, #tpu.memory_space<hbm>> -> memref<10000x128xf32, #tpu.memory_space<hbm>>
        tpu.wait_indirect_dma semaphore(%arg18 : memref<!tpu.dma_semaphore, #tpu.memory_space<semaphore_mem>>) src(%dma_wait3A_101 : memref<10000x128xf32, #tpu.memory_space<hbm>>) dst(%arg13 : memref<80x128xf32, #tpu.memory_space<vmem>>)
        %dma_wait3A_102 = arith.constant 0 : i32
        %dma_wait3A_103 = tpu.memref_slice %arg3[%add3A_98, %dma_wait3A_102] : memref<320000x128xf32, #tpu.memory_space<hbm>> -> memref<80x128xf32, #tpu.memory_space<hbm>>
        %dma_wait3A_104 = arith.constant 0 : i32
        %dma_wait3A_105 = tpu.memref_slice %arg3[%add3A_98, %dma_wait3A_104] : memref<320000x128xf32, #tpu.memory_space<hbm>> -> memref<80x128xf32, #tpu.memory_space<hbm>>
        tpu.wait_dma2 semaphore(%arg19 : memref<!tpu.dma_semaphore, #tpu.memory_space<semaphore_mem>>) src(%dma_wait3A_105 : memref<80x128xf32, #tpu.memory_space<hbm>>) dst(%arg14 : memref<80x128xf32, #tpu.memory_space<vmem>>)
        %scan3A_106 = arith.constant 0 : i32
        %scan3A_107 = arith.constant 0 : i32
        %scan3A_108 = arith.constant 640 : i32
        %scan3A_109 = arith.addi %scan3A_107, %scan3A_108 : i32
        %scan3A_110 = arith.constant 8 : i32
        scf.for %scan3A_121 = %scan3A_107 to %scan3A_109 step %scan3A_110  : i32 {
          %jit3A = arith.constant 8 : i32
          %div3A = arith.divsi %scan3A_121, %jit3A : i32
          %sign3A = arith.constant 0 : i32
          %sign3A_122 = arith.cmpi sgt, %scan3A_121, %sign3A : i32
          %sign3A_123 = arith.extui %sign3A_122 : i1 to i32
          %sign3A_124 = arith.constant 0 : i32
          %sign3A_125 = arith.cmpi slt, %scan3A_121, %sign3A_124 : i32
          %sign3A_126 = arith.extui %sign3A_125 : i1 to i32
          %sign3A_127 = arith.subi %sign3A_123, %sign3A_126 : i32
          %sign3A_128 = arith.constant 0 : i32
          %sign3A_129 = arith.cmpi sgt, %jit3A, %sign3A_128 : i32
          %sign3A_130 = arith.extui %sign3A_129 : i1 to i32
          %sign3A_131 = arith.constant 0 : i32
          %sign3A_132 = arith.cmpi slt, %jit3A, %sign3A_131 : i32
          %sign3A_133 = arith.extui %sign3A_132 : i1 to i32
          %sign3A_134 = arith.subi %sign3A_130, %sign3A_133 : i32
          %ne3A = arith.cmpi ne, %sign3A_127, %sign3A_134 : i32
          %rem3A = arith.remsi %scan3A_121, %jit3A : i32
          %ne3A_135 = arith.constant 0 : i32
          %ne3A_136 = arith.cmpi ne, %rem3A, %ne3A_135 : i32
          %and3A = arith.andi %ne3A, %ne3A_136 : i1
          %sub3A = arith.constant 1 : i32
          %sub3A_137 = arith.subi %div3A, %sub3A : i32
          %select_n3A = arith.select %and3A, %sub3A_137, %div3A : i32
          %jit3A_138 = arith.constant 8 : i32
          %eq3A = arith.constant 0 : i32
          %eq3A_139 = arith.cmpi eq, %jit3A_138, %eq3A : i32
          %jit3A_140 = arith.constant 1 : i32
          %select_n3A_141 = arith.select %eq3A_139, %jit3A_140, %jit3A_138 : i32
          %rem3A_142 = arith.remsi %scan3A_121, %select_n3A_141 : i32
          %ne3A_143 = arith.constant 0 : i32
          %ne3A_144 = arith.cmpi ne, %rem3A_142, %ne3A_143 : i32
          %lt3A_145 = arith.constant 0 : i32
          %lt3A_146 = arith.cmpi slt, %rem3A_142, %lt3A_145 : i32
          %lt3A_147 = arith.constant 0 : i32
          %lt3A_148 = arith.cmpi slt, %select_n3A_141, %lt3A_147 : i32
          %ne3A_149 = arith.xori %lt3A_146, %lt3A_148 : i1
          %and3A_150 = arith.andi %ne3A_149, %ne3A_144 : i1
          %add3A_151 = arith.addi %rem3A_142, %select_n3A_141 : i32
          %select_n3A_152 = arith.select %and3A_150, %add3A_151, %rem3A_142 : i32
          %mul3A_153 = arith.constant 16 : i32
          %mul3A_154 = arith.muli %select_n3A_152, %mul3A_153 : i32
          %get3A = arith.index_cast %select_n3A : i32 to index
          %get3A_155 = arith.index_cast %mul3A_154 : i32 to index
          %get3A_156 = tpu.vector_load %arg13[%get3A, %get3A_155] {strides = array<i32>} : memref<80x128xf32, #tpu.memory_space<vmem>>, vector<1x16xf32>,
          %get3A_157 = vector.shape_cast %get3A_156 : vector<1x16xf32> to vector<16xf32>
          %get3A_158 = arith.index_cast %select_n3A : i32 to index
          %get3A_159 = arith.index_cast %mul3A_154 : i32 to index
          %get3A_160 = tpu.vector_load %arg14[%get3A_158, %get3A_159] {strides = array<i32>} : memref<80x128xf32, #tpu.memory_space<vmem>>, vector<1x16xf32>,
          %get3A_161 = vector.shape_cast %get3A_160 : vector<1x16xf32> to vector<16xf32>
          %add3A_162 = arith.addf %get3A_157, %get3A_161 : vector<16xf32>
          %max3A = arith.constant 0.000000e+00 : f32
          %max3A_163 = vector.broadcast %max3A : f32 to vector<16xf32>
          %max3A_164 = arith.maximumf %add3A_162, %max3A_163 : vector<16xf32>
          %swap3A = arith.index_cast %select_n3A : i32 to index
          %swap3A_165 = arith.index_cast %mul3A_154 : i32 to index
          %swap3A_166 = tpu.vector_load %arg13[%swap3A, %swap3A_165] {strides = array<i32>} : memref<80x128xf32, #tpu.memory_space<vmem>>, vector<1x16xf32>,
          %swap3A_167 = vector.shape_cast %swap3A_166 : vector<1x16xf32> to vector<16xf32>
          %swap3A_168 = vector.shape_cast %max3A_164 : vector<16xf32> to vector<1x16xf32>
          tpu.vector_store %arg13[%swap3A, %swap3A_165], %swap3A_168 {strides = array<i32>} : memref<80x128xf32, #tpu.memory_space<vmem>>, vector<1x16xf32>,
          %scan3A_169 = arith.constant 1 : i32
          %scan3A_170 = arith.addi %scan3A_121, %scan3A_169 : i32
          %jit3A_171 = arith.constant 8 : i32
          %div3A_172 = arith.divsi %scan3A_170, %jit3A_171 : i32
          %sign3A_173 = arith.constant 0 : i32
          %sign3A_174 = arith.cmpi sgt, %scan3A_170, %sign3A_173 : i32
          %sign3A_175 = arith.extui %sign3A_174 : i1 to i32
          %sign3A_176 = arith.constant 0 : i32
          %sign3A_177 = arith.cmpi slt, %scan3A_170, %sign3A_176 : i32
          %sign3A_178 = arith.extui %sign3A_177 : i1 to i32
          %sign3A_179 = arith.subi %sign3A_175, %sign3A_178 : i32
          %sign3A_180 = arith.constant 0 : i32
          %sign3A_181 = arith.cmpi sgt, %jit3A_171, %sign3A_180 : i32
          %sign3A_182 = arith.extui %sign3A_181 : i1 to i32
          %sign3A_183 = arith.constant 0 : i32
          %sign3A_184 = arith.cmpi slt, %jit3A_171, %sign3A_183 : i32
          %sign3A_185 = arith.extui %sign3A_184 : i1 to i32
          %sign3A_186 = arith.subi %sign3A_182, %sign3A_185 : i32
          %ne3A_187 = arith.cmpi ne, %sign3A_179, %sign3A_186 : i32
          %rem3A_188 = arith.remsi %scan3A_170, %jit3A_171 : i32
          %ne3A_189 = arith.constant 0 : i32
          %ne3A_190 = arith.cmpi ne, %rem3A_188, %ne3A_189 : i32
          %and3A_191 = arith.andi %ne3A_187, %ne3A_190 : i1
          %sub3A_192 = arith.constant 1 : i32
          %sub3A_193 = arith.subi %div3A_172, %sub3A_192 : i32
          %select_n3A_194 = arith.select %and3A_191, %sub3A_193, %div3A_172 : i32
          %jit3A_195 = arith.constant 8 : i32
          %eq3A_196 = arith.constant 0 : i32
          %eq3A_197 = arith.cmpi eq, %jit3A_195, %eq3A_196 : i32
          %jit3A_198 = arith.constant 1 : i32
          %select_n3A_199 = arith.select %eq3A_197, %jit3A_198, %jit3A_195 : i32
          %rem3A_200 = arith.remsi %scan3A_170, %select_n3A_199 : i32
          %ne3A_201 = arith.constant 0 : i32
          %ne3A_202 = arith.cmpi ne, %rem3A_200, %ne3A_201 : i32
          %lt3A_203 = arith.constant 0 : i32
          %lt3A_204 = arith.cmpi slt, %rem3A_200, %lt3A_203 : i32
          %lt3A_205 = arith.constant 0 : i32
          %lt3A_206 = arith.cmpi slt, %select_n3A_199, %lt3A_205 : i32
          %ne3A_207 = arith.xori %lt3A_204, %lt3A_206 : i1
          %and3A_208 = arith.andi %ne3A_207, %ne3A_202 : i1
          %add3A_209 = arith.addi %rem3A_200, %select_n3A_199 : i32
          %select_n3A_210 = arith.select %and3A_208, %add3A_209, %rem3A_200 : i32
          %mul3A_211 = arith.constant 16 : i32
          %mul3A_212 = arith.muli %select_n3A_210, %mul3A_211 : i32
          %get3A_213 = arith.index_cast %select_n3A_194 : i32 to index
          %get3A_214 = arith.index_cast %mul3A_212 : i32 to index
          %get3A_215 = tpu.vector_load %arg13[%get3A_213, %get3A_214] {strides = array<i32>} : memref<80x128xf32, #tpu.memory_space<vmem>>, vector<1x16xf32>,
          %get3A_216 = vector.shape_cast %get3A_215 : vector<1x16xf32> to vector<16xf32>
          %get3A_217 = arith.index_cast %select_n3A_194 : i32 to index
          %get3A_218 = arith.index_cast %mul3A_212 : i32 to index
          %get3A_219 = tpu.vector_load %arg14[%get3A_217, %get3A_218] {strides = array<i32>} : memref<80x128xf32, #tpu.memory_space<vmem>>, vector<1x16xf32>,
          %get3A_220 = vector.shape_cast %get3A_219 : vector<1x16xf32> to vector<16xf32>
          %add3A_221 = arith.addf %get3A_216, %get3A_220 : vector<16xf32>
          %max3A_222 = arith.constant 0.000000e+00 : f32
          %max3A_223 = vector.broadcast %max3A_222 : f32 to vector<16xf32>
          %max3A_224 = arith.maximumf %add3A_221, %max3A_223 : vector<16xf32>
          %swap3A_225 = arith.index_cast %select_n3A_194 : i32 to index
          %swap3A_226 = arith.index_cast %mul3A_212 : i32 to index
          %swap3A_227 = tpu.vector_load %arg13[%swap3A_225, %swap3A_226] {strides = array<i32>} : memref<80x128xf32, #tpu.memory_space<vmem>>, vector<1x16xf32>,
          %swap3A_228 = vector.shape_cast %swap3A_227 : vector<1x16xf32> to vector<16xf32>
          %swap3A_229 = vector.shape_cast %max3A_224 : vector<16xf32> to vector<1x16xf32>
          tpu.vector_store %arg13[%swap3A_225, %swap3A_226], %swap3A_229 {strides = array<i32>} : memref<80x128xf32, #tpu.memory_space<vmem>>, vector<1x16xf32>,
          %scan3A_230 = arith.constant 2 : i32
          %scan3A_231 = arith.addi %scan3A_121, %scan3A_230 : i32
          %jit3A_232 = arith.constant 8 : i32
          %div3A_233 = arith.divsi %scan3A_231, %jit3A_232 : i32
          %sign3A_234 = arith.constant 0 : i32
          %sign3A_235 = arith.cmpi sgt, %scan3A_231, %sign3A_234 : i32
          %sign3A_236 = arith.extui %sign3A_235 : i1 to i32
          %sign3A_237 = arith.constant 0 : i32
          %sign3A_238 = arith.cmpi slt, %scan3A_231, %sign3A_237 : i32
          %sign3A_239 = arith.extui %sign3A_238 : i1 to i32
          %sign3A_240 = arith.subi %sign3A_236, %sign3A_239 : i32
          %sign3A_241 = arith.constant 0 : i32
          %sign3A_242 = arith.cmpi sgt, %jit3A_232, %sign3A_241 : i32
          %sign3A_243 = arith.extui %sign3A_242 : i1 to i32
          %sign3A_244 = arith.constant 0 : i32
          %sign3A_245 = arith.cmpi slt, %jit3A_232, %sign3A_244 : i32
          %sign3A_246 = arith.extui %sign3A_245 : i1 to i32
          %sign3A_247 = arith.subi %sign3A_243, %sign3A_246 : i32
          %ne3A_248 = arith.cmpi ne, %sign3A_240, %sign3A_247 : i32
          %rem3A_249 = arith.remsi %scan3A_231, %jit3A_232 : i32
          %ne3A_250 = arith.constant 0 : i32
          %ne3A_251 = arith.cmpi ne, %rem3A_249, %ne3A_250 : i32
          %and3A_252 = arith.andi %ne3A_248, %ne3A_251 : i1
          %sub3A_253 = arith.constant 1 : i32
          %sub3A_254 = arith.subi %div3A_233, %sub3A_253 : i32
          %select_n3A_255 = arith.select %and3A_252, %sub3A_254, %div3A_233 : i32
          %jit3A_256 = arith.constant 8 : i32
          %eq3A_257 = arith.constant 0 : i32
          %eq3A_258 = arith.cmpi eq, %jit3A_256, %eq3A_257 : i32
          %jit3A_259 = arith.constant 1 : i32
          %select_n3A_260 = arith.select %eq3A_258, %jit3A_259, %jit3A_256 : i32
          %rem3A_261 = arith.remsi %scan3A_231, %select_n3A_260 : i32
          %ne3A_262 = arith.constant 0 : i32
          %ne3A_263 = arith.cmpi ne, %rem3A_261, %ne3A_262 : i32
          %lt3A_264 = arith.constant 0 : i32
          %lt3A_265 = arith.cmpi slt, %rem3A_261, %lt3A_264 : i32
          %lt3A_266 = arith.constant 0 : i32
          %lt3A_267 = arith.cmpi slt, %select_n3A_260, %lt3A_266 : i32
          %ne3A_268 = arith.xori %lt3A_265, %lt3A_267 : i1
          %and3A_269 = arith.andi %ne3A_268, %ne3A_263 : i1
          %add3A_270 = arith.addi %rem3A_261, %select_n3A_260 : i32
          %select_n3A_271 = arith.select %and3A_269, %add3A_270, %rem3A_261 : i32
          %mul3A_272 = arith.constant 16 : i32
          %mul3A_273 = arith.muli %select_n3A_271, %mul3A_272 : i32
          %get3A_274 = arith.index_cast %select_n3A_255 : i32 to index
          %get3A_275 = arith.index_cast %mul3A_273 : i32 to index
          %get3A_276 = tpu.vector_load %arg13[%get3A_274, %get3A_275] {strides = array<i32>} : memref<80x128xf32, #tpu.memory_space<vmem>>, vector<1x16xf32>,
          %get3A_277 = vector.shape_cast %get3A_276 : vector<1x16xf32> to vector<16xf32>
          %get3A_278 = arith.index_cast %select_n3A_255 : i32 to index
          %get3A_279 = arith.index_cast %mul3A_273 : i32 to index
          %get3A_280 = tpu.vector_load %arg14[%get3A_278, %get3A_279] {strides = array<i32>} : memref<80x128xf32, #tpu.memory_space<vmem>>, vector<1x16xf32>,
          %get3A_281 = vector.shape_cast %get3A_280 : vector<1x16xf32> to vector<16xf32>
          %add3A_282 = arith.addf %get3A_277, %get3A_281 : vector<16xf32>
          %max3A_283 = arith.constant 0.000000e+00 : f32
          %max3A_284 = vector.broadcast %max3A_283 : f32 to vector<16xf32>
          %max3A_285 = arith.maximumf %add3A_282, %max3A_284 : vector<16xf32>
          %swap3A_286 = arith.index_cast %select_n3A_255 : i32 to index
          %swap3A_287 = arith.index_cast %mul3A_273 : i32 to index
          %swap3A_288 = tpu.vector_load %arg13[%swap3A_286, %swap3A_287] {strides = array<i32>} : memref<80x128xf32, #tpu.memory_space<vmem>>, vector<1x16xf32>,
          %swap3A_289 = vector.shape_cast %swap3A_288 : vector<1x16xf32> to vector<16xf32>
          %swap3A_290 = vector.shape_cast %max3A_285 : vector<16xf32> to vector<1x16xf32>
          tpu.vector_store %arg13[%swap3A_286, %swap3A_287], %swap3A_290 {strides = array<i32>} : memref<80x128xf32, #tpu.memory_space<vmem>>, vector<1x16xf32>,
          %scan3A_291 = arith.constant 3 : i32
          %scan3A_292 = arith.addi %scan3A_121, %scan3A_291 : i32
          %jit3A_293 = arith.constant 8 : i32
          %div3A_294 = arith.divsi %scan3A_292, %jit3A_293 : i32
          %sign3A_295 = arith.constant 0 : i32
          %sign3A_296 = arith.cmpi sgt, %scan3A_292, %sign3A_295 : i32
          %sign3A_297 = arith.extui %sign3A_296 : i1 to i32
          %sign3A_298 = arith.constant 0 : i32
          %sign3A_299 = arith.cmpi slt, %scan3A_292, %sign3A_298 : i32
          %sign3A_300 = arith.extui %sign3A_299 : i1 to i32
          %sign3A_301 = arith.subi %sign3A_297, %sign3A_300 : i32
          %sign3A_302 = arith.constant 0 : i32
          %sign3A_303 = arith.cmpi sgt, %jit3A_293, %sign3A_302 : i32
          %sign3A_304 = arith.extui %sign3A_303 : i1 to i32
          %sign3A_305 = arith.constant 0 : i32
          %sign3A_306 = arith.cmpi slt, %jit3A_293, %sign3A_305 : i32
          %sign3A_307 = arith.extui %sign3A_306 : i1 to i32
          %sign3A_308 = arith.subi %sign3A_304, %sign3A_307 : i32
          %ne3A_309 = arith.cmpi ne, %sign3A_301, %sign3A_308 : i32
          %rem3A_310 = arith.remsi %scan3A_292, %jit3A_293 : i32
          %ne3A_311 = arith.constant 0 : i32
          %ne3A_312 = arith.cmpi ne, %rem3A_310, %ne3A_311 : i32
          %and3A_313 = arith.andi %ne3A_309, %ne3A_312 : i1
          %sub3A_314 = arith.constant 1 : i32
          %sub3A_315 = arith.subi %div3A_294, %sub3A_314 : i32
          %select_n3A_316 = arith.select %and3A_313, %sub3A_315, %div3A_294 : i32
          %jit3A_317 = arith.constant 8 : i32
          %eq3A_318 = arith.constant 0 : i32
          %eq3A_319 = arith.cmpi eq, %jit3A_317, %eq3A_318 : i32
          %jit3A_320 = arith.constant 1 : i32
          %select_n3A_321 = arith.select %eq3A_319, %jit3A_320, %jit3A_317 : i32
          %rem3A_322 = arith.remsi %scan3A_292, %select_n3A_321 : i32
          %ne3A_323 = arith.constant 0 : i32
          %ne3A_324 = arith.cmpi ne, %rem3A_322, %ne3A_323 : i32
          %lt3A_325 = arith.constant 0 : i32
          %lt3A_326 = arith.cmpi slt, %rem3A_322, %lt3A_325 : i32
          %lt3A_327 = arith.constant 0 : i32
          %lt3A_328 = arith.cmpi slt, %select_n3A_321, %lt3A_327 : i32
          %ne3A_329 = arith.xori %lt3A_326, %lt3A_328 : i1
          %and3A_330 = arith.andi %ne3A_329, %ne3A_324 : i1
          %add3A_331 = arith.addi %rem3A_322, %select_n3A_321 : i32
          %select_n3A_332 = arith.select %and3A_330, %add3A_331, %rem3A_322 : i32
          %mul3A_333 = arith.constant 16 : i32
          %mul3A_334 = arith.muli %select_n3A_332, %mul3A_333 : i32
          %get3A_335 = arith.index_cast %select_n3A_316 : i32 to index
          %get3A_336 = arith.index_cast %mul3A_334 : i32 to index
          %get3A_337 = tpu.vector_load %arg13[%get3A_335, %get3A_336] {strides = array<i32>} : memref<80x128xf32, #tpu.memory_space<vmem>>, vector<1x16xf32>,
          %get3A_338 = vector.shape_cast %get3A_337 : vector<1x16xf32> to vector<16xf32>
          %get3A_339 = arith.index_cast %select_n3A_316 : i32 to index
          %get3A_340 = arith.index_cast %mul3A_334 : i32 to index
          %get3A_341 = tpu.vector_load %arg14[%get3A_339, %get3A_340] {strides = array<i32>} : memref<80x128xf32, #tpu.memory_space<vmem>>, vector<1x16xf32>,
          %get3A_342 = vector.shape_cast %get3A_341 : vector<1x16xf32> to vector<16xf32>
          %add3A_343 = arith.addf %get3A_338, %get3A_342 : vector<16xf32>
          %max3A_344 = arith.constant 0.000000e+00 : f32
          %max3A_345 = vector.broadcast %max3A_344 : f32 to vector<16xf32>
          %max3A_346 = arith.maximumf %add3A_343, %max3A_345 : vector<16xf32>
          %swap3A_347 = arith.index_cast %select_n3A_316 : i32 to index
          %swap3A_348 = arith.index_cast %mul3A_334 : i32 to index
          %swap3A_349 = tpu.vector_load %arg13[%swap3A_347, %swap3A_348] {strides = array<i32>} : memref<80x128xf32, #tpu.memory_space<vmem>>, vector<1x16xf32>,
          %swap3A_350 = vector.shape_cast %swap3A_349 : vector<1x16xf32> to vector<16xf32>
          %swap3A_351 = vector.shape_cast %max3A_346 : vector<16xf32> to vector<1x16xf32>
          tpu.vector_store %arg13[%swap3A_347, %swap3A_348], %swap3A_351 {strides = array<i32>} : memref<80x128xf32, #tpu.memory_space<vmem>>, vector<1x16xf32>,
          %scan3A_352 = arith.constant 4 : i32
          %scan3A_353 = arith.addi %scan3A_121, %scan3A_352 : i32
          %jit3A_354 = arith.constant 8 : i32
          %div3A_355 = arith.divsi %scan3A_353, %jit3A_354 : i32
          %sign3A_356 = arith.constant 0 : i32
          %sign3A_357 = arith.cmpi sgt, %scan3A_353, %sign3A_356 : i32
          %sign3A_358 = arith.extui %sign3A_357 : i1 to i32
          %sign3A_359 = arith.constant 0 : i32
          %sign3A_360 = arith.cmpi slt, %scan3A_353, %sign3A_359 : i32
          %sign3A_361 = arith.extui %sign3A_360 : i1 to i32
          %sign3A_362 = arith.subi %sign3A_358, %sign3A_361 : i32
          %sign3A_363 = arith.constant 0 : i32
          %sign3A_364 = arith.cmpi sgt, %jit3A_354, %sign3A_363 : i32
          %sign3A_365 = arith.extui %sign3A_364 : i1 to i32
          %sign3A_366 = arith.constant 0 : i32
          %sign3A_367 = arith.cmpi slt, %jit3A_354, %sign3A_366 : i32
          %sign3A_368 = arith.extui %sign3A_367 : i1 to i32
          %sign3A_369 = arith.subi %sign3A_365, %sign3A_368 : i32
          %ne3A_370 = arith.cmpi ne, %sign3A_362, %sign3A_369 : i32
          %rem3A_371 = arith.remsi %scan3A_353, %jit3A_354 : i32
          %ne3A_372 = arith.constant 0 : i32
          %ne3A_373 = arith.cmpi ne, %rem3A_371, %ne3A_372 : i32
          %and3A_374 = arith.andi %ne3A_370, %ne3A_373 : i1
          %sub3A_375 = arith.constant 1 : i32
          %sub3A_376 = arith.subi %div3A_355, %sub3A_375 : i32
          %select_n3A_377 = arith.select %and3A_374, %sub3A_376, %div3A_355 : i32
          %jit3A_378 = arith.constant 8 : i32
          %eq3A_379 = arith.constant 0 : i32
          %eq3A_380 = arith.cmpi eq, %jit3A_378, %eq3A_379 : i32
          %jit3A_381 = arith.constant 1 : i32
          %select_n3A_382 = arith.select %eq3A_380, %jit3A_381, %jit3A_378 : i32
          %rem3A_383 = arith.remsi %scan3A_353, %select_n3A_382 : i32
          %ne3A_384 = arith.constant 0 : i32
          %ne3A_385 = arith.cmpi ne, %rem3A_383, %ne3A_384 : i32
          %lt3A_386 = arith.constant 0 : i32
          %lt3A_387 = arith.cmpi slt, %rem3A_383, %lt3A_386 : i32
          %lt3A_388 = arith.constant 0 : i32
          %lt3A_389 = arith.cmpi slt, %select_n3A_382, %lt3A_388 : i32
          %ne3A_390 = arith.xori %lt3A_387, %lt3A_389 : i1
          %and3A_391 = arith.andi %ne3A_390, %ne3A_385 : i1
          %add3A_392 = arith.addi %rem3A_383, %select_n3A_382 : i32
          %select_n3A_393 = arith.select %and3A_391, %add3A_392, %rem3A_383 : i32
          %mul3A_394 = arith.constant 16 : i32
          %mul3A_395 = arith.muli %select_n3A_393, %mul3A_394 : i32
          %get3A_396 = arith.index_cast %select_n3A_377 : i32 to index
          %get3A_397 = arith.index_cast %mul3A_395 : i32 to index
          %get3A_398 = tpu.vector_load %arg13[%get3A_396, %get3A_397] {strides = array<i32>} : memref<80x128xf32, #tpu.memory_space<vmem>>, vector<1x16xf32>,
          %get3A_399 = vector.shape_cast %get3A_398 : vector<1x16xf32> to vector<16xf32>
          %get3A_400 = arith.index_cast %select_n3A_377 : i32 to index
          %get3A_401 = arith.index_cast %mul3A_395 : i32 to index
          %get3A_402 = tpu.vector_load %arg14[%get3A_400, %get3A_401] {strides = array<i32>} : memref<80x128xf32, #tpu.memory_space<vmem>>, vector<1x16xf32>,
          %get3A_403 = vector.shape_cast %get3A_402 : vector<1x16xf32> to vector<16xf32>
          %add3A_404 = arith.addf %get3A_399, %get3A_403 : vector<16xf32>
          %max3A_405 = arith.constant 0.000000e+00 : f32
          %max3A_406 = vector.broadcast %max3A_405 : f32 to vector<16xf32>
          %max3A_407 = arith.maximumf %add3A_404, %max3A_406 : vector<16xf32>
          %swap3A_408 = arith.index_cast %select_n3A_377 : i32 to index
          %swap3A_409 = arith.index_cast %mul3A_395 : i32 to index
          %swap3A_410 = tpu.vector_load %arg13[%swap3A_408, %swap3A_409] {strides = array<i32>} : memref<80x128xf32, #tpu.memory_space<vmem>>, vector<1x16xf32>,
          %swap3A_411 = vector.shape_cast %swap3A_410 : vector<1x16xf32> to vector<16xf32>
          %swap3A_412 = vector.shape_cast %max3A_407 : vector<16xf32> to vector<1x16xf32>
          tpu.vector_store %arg13[%swap3A_408, %swap3A_409], %swap3A_412 {strides = array<i32>} : memref<80x128xf32, #tpu.memory_space<vmem>>, vector<1x16xf32>,
          %scan3A_413 = arith.constant 5 : i32
          %scan3A_414 = arith.addi %scan3A_121, %scan3A_413 : i32
          %jit3A_415 = arith.constant 8 : i32
          %div3A_416 = arith.divsi %scan3A_414, %jit3A_415 : i32
          %sign3A_417 = arith.constant 0 : i32
          %sign3A_418 = arith.cmpi sgt, %scan3A_414, %sign3A_417 : i32
          %sign3A_419 = arith.extui %sign3A_418 : i1 to i32
          %sign3A_420 = arith.constant 0 : i32
          %sign3A_421 = arith.cmpi slt, %scan3A_414, %sign3A_420 : i32
          %sign3A_422 = arith.extui %sign3A_421 : i1 to i32
          %sign3A_423 = arith.subi %sign3A_419, %sign3A_422 : i32
          %sign3A_424 = arith.constant 0 : i32
          %sign3A_425 = arith.cmpi sgt, %jit3A_415, %sign3A_424 : i32
          %sign3A_426 = arith.extui %sign3A_425 : i1 to i32
          %sign3A_427 = arith.constant 0 : i32
          %sign3A_428 = arith.cmpi slt, %jit3A_415, %sign3A_427 : i32
          %sign3A_429 = arith.extui %sign3A_428 : i1 to i32
          %sign3A_430 = arith.subi %sign3A_426, %sign3A_429 : i32
          %ne3A_431 = arith.cmpi ne, %sign3A_423, %sign3A_430 : i32
          %rem3A_432 = arith.remsi %scan3A_414, %jit3A_415 : i32
          %ne3A_433 = arith.constant 0 : i32
          %ne3A_434 = arith.cmpi ne, %rem3A_432, %ne3A_433 : i32
          %and3A_435 = arith.andi %ne3A_431, %ne3A_434 : i1
          %sub3A_436 = arith.constant 1 : i32
          %sub3A_437 = arith.subi %div3A_416, %sub3A_436 : i32
          %select_n3A_438 = arith.select %and3A_435, %sub3A_437, %div3A_416 : i32
          %jit3A_439 = arith.constant 8 : i32
          %eq3A_440 = arith.constant 0 : i32
          %eq3A_441 = arith.cmpi eq, %jit3A_439, %eq3A_440 : i32
          %jit3A_442 = arith.constant 1 : i32
          %select_n3A_443 = arith.select %eq3A_441, %jit3A_442, %jit3A_439 : i32
          %rem3A_444 = arith.remsi %scan3A_414, %select_n3A_443 : i32
          %ne3A_445 = arith.constant 0 : i32
          %ne3A_446 = arith.cmpi ne, %rem3A_444, %ne3A_445 : i32
          %lt3A_447 = arith.constant 0 : i32
          %lt3A_448 = arith.cmpi slt, %rem3A_444, %lt3A_447 : i32
          %lt3A_449 = arith.constant 0 : i32
          %lt3A_450 = arith.cmpi slt, %select_n3A_443, %lt3A_449 : i32
          %ne3A_451 = arith.xori %lt3A_448, %lt3A_450 : i1
          %and3A_452 = arith.andi %ne3A_451, %ne3A_446 : i1
          %add3A_453 = arith.addi %rem3A_444, %select_n3A_443 : i32
          %select_n3A_454 = arith.select %and3A_452, %add3A_453, %rem3A_444 : i32
          %mul3A_455 = arith.constant 16 : i32
          %mul3A_456 = arith.muli %select_n3A_454, %mul3A_455 : i32
          %get3A_457 = arith.index_cast %select_n3A_438 : i32 to index
          %get3A_458 = arith.index_cast %mul3A_456 : i32 to index
          %get3A_459 = tpu.vector_load %arg13[%get3A_457, %get3A_458] {strides = array<i32>} : memref<80x128xf32, #tpu.memory_space<vmem>>, vector<1x16xf32>,
          %get3A_460 = vector.shape_cast %get3A_459 : vector<1x16xf32> to vector<16xf32>
          %get3A_461 = arith.index_cast %select_n3A_438 : i32 to index
          %get3A_462 = arith.index_cast %mul3A_456 : i32 to index
          %get3A_463 = tpu.vector_load %arg14[%get3A_461, %get3A_462] {strides = array<i32>} : memref<80x128xf32, #tpu.memory_space<vmem>>, vector<1x16xf32>,
          %get3A_464 = vector.shape_cast %get3A_463 : vector<1x16xf32> to vector<16xf32>
          %add3A_465 = arith.addf %get3A_460, %get3A_464 : vector<16xf32>
          %max3A_466 = arith.constant 0.000000e+00 : f32
          %max3A_467 = vector.broadcast %max3A_466 : f32 to vector<16xf32>
          %max3A_468 = arith.maximumf %add3A_465, %max3A_467 : vector<16xf32>
          %swap3A_469 = arith.index_cast %select_n3A_438 : i32 to index
          %swap3A_470 = arith.index_cast %mul3A_456 : i32 to index
          %swap3A_471 = tpu.vector_load %arg13[%swap3A_469, %swap3A_470] {strides = array<i32>} : memref<80x128xf32, #tpu.memory_space<vmem>>, vector<1x16xf32>,
          %swap3A_472 = vector.shape_cast %swap3A_471 : vector<1x16xf32> to vector<16xf32>
          %swap3A_473 = vector.shape_cast %max3A_468 : vector<16xf32> to vector<1x16xf32>
          tpu.vector_store %arg13[%swap3A_469, %swap3A_470], %swap3A_473 {strides = array<i32>} : memref<80x128xf32, #tpu.memory_space<vmem>>, vector<1x16xf32>,
          %scan3A_474 = arith.constant 6 : i32
          %scan3A_475 = arith.addi %scan3A_121, %scan3A_474 : i32
          %jit3A_476 = arith.constant 8 : i32
          %div3A_477 = arith.divsi %scan3A_475, %jit3A_476 : i32
          %sign3A_478 = arith.constant 0 : i32
          %sign3A_479 = arith.cmpi sgt, %scan3A_475, %sign3A_478 : i32
          %sign3A_480 = arith.extui %sign3A_479 : i1 to i32
          %sign3A_481 = arith.constant 0 : i32
          %sign3A_482 = arith.cmpi slt, %scan3A_475, %sign3A_481 : i32
          %sign3A_483 = arith.extui %sign3A_482 : i1 to i32
          %sign3A_484 = arith.subi %sign3A_480, %sign3A_483 : i32
          %sign3A_485 = arith.constant 0 : i32
          %sign3A_486 = arith.cmpi sgt, %jit3A_476, %sign3A_485 : i32
          %sign3A_487 = arith.extui %sign3A_486 : i1 to i32
          %sign3A_488 = arith.constant 0 : i32
          %sign3A_489 = arith.cmpi slt, %jit3A_476, %sign3A_488 : i32
          %sign3A_490 = arith.extui %sign3A_489 : i1 to i32
          %sign3A_491 = arith.subi %sign3A_487, %sign3A_490 : i32
          %ne3A_492 = arith.cmpi ne, %sign3A_484, %sign3A_491 : i32
          %rem3A_493 = arith.remsi %scan3A_475, %jit3A_476 : i32
          %ne3A_494 = arith.constant 0 : i32
          %ne3A_495 = arith.cmpi ne, %rem3A_493, %ne3A_494 : i32
          %and3A_496 = arith.andi %ne3A_492, %ne3A_495 : i1
          %sub3A_497 = arith.constant 1 : i32
          %sub3A_498 = arith.subi %div3A_477, %sub3A_497 : i32
          %select_n3A_499 = arith.select %and3A_496, %sub3A_498, %div3A_477 : i32
          %jit3A_500 = arith.constant 8 : i32
          %eq3A_501 = arith.constant 0 : i32
          %eq3A_502 = arith.cmpi eq, %jit3A_500, %eq3A_501 : i32
          %jit3A_503 = arith.constant 1 : i32
          %select_n3A_504 = arith.select %eq3A_502, %jit3A_503, %jit3A_500 : i32
          %rem3A_505 = arith.remsi %scan3A_475, %select_n3A_504 : i32
          %ne3A_506 = arith.constant 0 : i32
          %ne3A_507 = arith.cmpi ne, %rem3A_505, %ne3A_506 : i32
          %lt3A_508 = arith.constant 0 : i32
          %lt3A_509 = arith.cmpi slt, %rem3A_505, %lt3A_508 : i32
          %lt3A_510 = arith.constant 0 : i32
          %lt3A_511 = arith.cmpi slt, %select_n3A_504, %lt3A_510 : i32
          %ne3A_512 = arith.xori %lt3A_509, %lt3A_511 : i1
          %and3A_513 = arith.andi %ne3A_512, %ne3A_507 : i1
          %add3A_514 = arith.addi %rem3A_505, %select_n3A_504 : i32
          %select_n3A_515 = arith.select %and3A_513, %add3A_514, %rem3A_505 : i32
          %mul3A_516 = arith.constant 16 : i32
          %mul3A_517 = arith.muli %select_n3A_515, %mul3A_516 : i32
          %get3A_518 = arith.index_cast %select_n3A_499 : i32 to index
          %get3A_519 = arith.index_cast %mul3A_517 : i32 to index
          %get3A_520 = tpu.vector_load %arg13[%get3A_518, %get3A_519] {strides = array<i32>} : memref<80x128xf32, #tpu.memory_space<vmem>>, vector<1x16xf32>,
          %get3A_521 = vector.shape_cast %get3A_520 : vector<1x16xf32> to vector<16xf32>
          %get3A_522 = arith.index_cast %select_n3A_499 : i32 to index
          %get3A_523 = arith.index_cast %mul3A_517 : i32 to index
          %get3A_524 = tpu.vector_load %arg14[%get3A_522, %get3A_523] {strides = array<i32>} : memref<80x128xf32, #tpu.memory_space<vmem>>, vector<1x16xf32>,
          %get3A_525 = vector.shape_cast %get3A_524 : vector<1x16xf32> to vector<16xf32>
          %add3A_526 = arith.addf %get3A_521, %get3A_525 : vector<16xf32>
          %max3A_527 = arith.constant 0.000000e+00 : f32
          %max3A_528 = vector.broadcast %max3A_527 : f32 to vector<16xf32>
          %max3A_529 = arith.maximumf %add3A_526, %max3A_528 : vector<16xf32>
          %swap3A_530 = arith.index_cast %select_n3A_499 : i32 to index
          %swap3A_531 = arith.index_cast %mul3A_517 : i32 to index
          %swap3A_532 = tpu.vector_load %arg13[%swap3A_530, %swap3A_531] {strides = array<i32>} : memref<80x128xf32, #tpu.memory_space<vmem>>, vector<1x16xf32>,
          %swap3A_533 = vector.shape_cast %swap3A_532 : vector<1x16xf32> to vector<16xf32>
          %swap3A_534 = vector.shape_cast %max3A_529 : vector<16xf32> to vector<1x16xf32>
          tpu.vector_store %arg13[%swap3A_530, %swap3A_531], %swap3A_534 {strides = array<i32>} : memref<80x128xf32, #tpu.memory_space<vmem>>, vector<1x16xf32>,
          %scan3A_535 = arith.constant 7 : i32
          %scan3A_536 = arith.addi %scan3A_121, %scan3A_535 : i32
          %jit3A_537 = arith.constant 8 : i32
          %div3A_538 = arith.divsi %scan3A_536, %jit3A_537 : i32
          %sign3A_539 = arith.constant 0 : i32
          %sign3A_540 = arith.cmpi sgt, %scan3A_536, %sign3A_539 : i32
          %sign3A_541 = arith.extui %sign3A_540 : i1 to i32
          %sign3A_542 = arith.constant 0 : i32
          %sign3A_543 = arith.cmpi slt, %scan3A_536, %sign3A_542 : i32
          %sign3A_544 = arith.extui %sign3A_543 : i1 to i32
          %sign3A_545 = arith.subi %sign3A_541, %sign3A_544 : i32
          %sign3A_546 = arith.constant 0 : i32
          %sign3A_547 = arith.cmpi sgt, %jit3A_537, %sign3A_546 : i32
          %sign3A_548 = arith.extui %sign3A_547 : i1 to i32
          %sign3A_549 = arith.constant 0 : i32
          %sign3A_550 = arith.cmpi slt, %jit3A_537, %sign3A_549 : i32
          %sign3A_551 = arith.extui %sign3A_550 : i1 to i32
          %sign3A_552 = arith.subi %sign3A_548, %sign3A_551 : i32
          %ne3A_553 = arith.cmpi ne, %sign3A_545, %sign3A_552 : i32
          %rem3A_554 = arith.remsi %scan3A_536, %jit3A_537 : i32
          %ne3A_555 = arith.constant 0 : i32
          %ne3A_556 = arith.cmpi ne, %rem3A_554, %ne3A_555 : i32
          %and3A_557 = arith.andi %ne3A_553, %ne3A_556 : i1
          %sub3A_558 = arith.constant 1 : i32
          %sub3A_559 = arith.subi %div3A_538, %sub3A_558 : i32
          %select_n3A_560 = arith.select %and3A_557, %sub3A_559, %div3A_538 : i32
          %jit3A_561 = arith.constant 8 : i32
          %eq3A_562 = arith.constant 0 : i32
          %eq3A_563 = arith.cmpi eq, %jit3A_561, %eq3A_562 : i32
          %jit3A_564 = arith.constant 1 : i32
          %select_n3A_565 = arith.select %eq3A_563, %jit3A_564, %jit3A_561 : i32
          %rem3A_566 = arith.remsi %scan3A_536, %select_n3A_565 : i32
          %ne3A_567 = arith.constant 0 : i32
          %ne3A_568 = arith.cmpi ne, %rem3A_566, %ne3A_567 : i32
          %lt3A_569 = arith.constant 0 : i32
          %lt3A_570 = arith.cmpi slt, %rem3A_566, %lt3A_569 : i32
          %lt3A_571 = arith.constant 0 : i32
          %lt3A_572 = arith.cmpi slt, %select_n3A_565, %lt3A_571 : i32
          %ne3A_573 = arith.xori %lt3A_570, %lt3A_572 : i1
          %and3A_574 = arith.andi %ne3A_573, %ne3A_568 : i1
          %add3A_575 = arith.addi %rem3A_566, %select_n3A_565 : i32
          %select_n3A_576 = arith.select %and3A_574, %add3A_575, %rem3A_566 : i32
          %mul3A_577 = arith.constant 16 : i32
          %mul3A_578 = arith.muli %select_n3A_576, %mul3A_577 : i32
          %get3A_579 = arith.index_cast %select_n3A_560 : i32 to index
          %get3A_580 = arith.index_cast %mul3A_578 : i32 to index
          %get3A_581 = tpu.vector_load %arg13[%get3A_579, %get3A_580] {strides = array<i32>} : memref<80x128xf32, #tpu.memory_space<vmem>>, vector<1x16xf32>,
          %get3A_582 = vector.shape_cast %get3A_581 : vector<1x16xf32> to vector<16xf32>
          %get3A_583 = arith.index_cast %select_n3A_560 : i32 to index
          %get3A_584 = arith.index_cast %mul3A_578 : i32 to index
          %get3A_585 = tpu.vector_load %arg14[%get3A_583, %get3A_584] {strides = array<i32>} : memref<80x128xf32, #tpu.memory_space<vmem>>, vector<1x16xf32>,
          %get3A_586 = vector.shape_cast %get3A_585 : vector<1x16xf32> to vector<16xf32>
          %add3A_587 = arith.addf %get3A_582, %get3A_586 : vector<16xf32>
          %max3A_588 = arith.constant 0.000000e+00 : f32
          %max3A_589 = vector.broadcast %max3A_588 : f32 to vector<16xf32>
          %max3A_590 = arith.maximumf %add3A_587, %max3A_589 : vector<16xf32>
          %swap3A_591 = arith.index_cast %select_n3A_560 : i32 to index
          %swap3A_592 = arith.index_cast %mul3A_578 : i32 to index
          %swap3A_593 = tpu.vector_load %arg13[%swap3A_591, %swap3A_592] {strides = array<i32>} : memref<80x128xf32, #tpu.memory_space<vmem>>, vector<1x16xf32>,
          %swap3A_594 = vector.shape_cast %swap3A_593 : vector<1x16xf32> to vector<16xf32>
          %swap3A_595 = vector.shape_cast %max3A_590 : vector<16xf32> to vector<1x16xf32>
          tpu.vector_store %arg13[%swap3A_591, %swap3A_592], %swap3A_595 {strides = array<i32>} : memref<80x128xf32, #tpu.memory_space<vmem>>, vector<1x16xf32>,
        }
        %scan3A_111 = arith.constant 640 : i32
        %dma_wait3A_112 = tpu.memref_slice %arg5[%add3A_98] : memref<320000xi32, #tpu.memory_space<hbm>> -> memref<80xi32, #tpu.memory_space<hbm>>
        %dma_wait3A_113 = tpu.memref_slice %arg5[%add3A_98] : memref<320000xi32, #tpu.memory_space<hbm>> -> memref<80xi32, #tpu.memory_space<hbm>>
        tpu.wait_dma2 semaphore(%arg23 : memref<!tpu.dma_semaphore, #tpu.memory_space<semaphore_mem>>) src(%dma_wait3A_113 : memref<80xi32, #tpu.memory_space<hbm>>) dst(%arg10 : memref<80xi32, #tpu.memory_space<vmem>>)
        "tpu.region"() ({
          %run_scoped3A = tpu.sem_alloc : memref<!tpu.dma_semaphore, #tpu.memory_space<semaphore_mem>>
          %dma_start3A_121 = arith.constant 0 : i32
          %dma_start3A_122 = arith.constant 0 : i32
          %dma_start3A_123 = tpu.memref_slice %arg15[%dma_start3A_121, %dma_start3A_122] : memref<10000x128xf32, #tpu.memory_space<vmem_shared>> -> memref<10000x128xf32, #tpu.memory_space<vmem_shared>>
          tpu.enqueue_indirect_dma source(%arg13 : memref<80x128xf32, #tpu.memory_space<vmem>>) target(%dma_start3A_123 : memref<10000x128xf32, #tpu.memory_space<vmem_shared>>) offsets(%arg10 : memref<80xi32, #tpu.memory_space<vmem>>) semaphore(%run_scoped3A : memref<!tpu.dma_semaphore, #tpu.memory_space<semaphore_mem>>) {add = true}
          %dma_wait3A_124 = arith.constant 0 : i32
          %dma_wait3A_125 = arith.constant 0 : i32
          %dma_wait3A_126 = tpu.memref_slice %arg15[%dma_wait3A_124, %dma_wait3A_125] : memref<10000x128xf32, #tpu.memory_space<vmem_shared>> -> memref<10000x128xf32, #tpu.memory_space<vmem_shared>>
          tpu.wait_indirect_dma semaphore(%run_scoped3A : memref<!tpu.dma_semaphore, #tpu.memory_space<semaphore_mem>>) src(%arg13 : memref<80x128xf32, #tpu.memory_space<vmem>>) dst(%dma_wait3A_126 : memref<10000x128xf32, #tpu.memory_space<vmem_shared>>)
          tpu.yield
        }) : () -> ()
        %add3A_114 = arith.constant 2 : i32
        %add3A_115 = arith.addi %add3A_88, %add3A_114 : i32
        %lt3A_116 = arith.constant 125 : i32
        %lt3A_117 = arith.cmpi slt, %add3A_115, %lt3A_116 : i32
        %convert_element_type3A_118 = arith.extui %lt3A_117 : i1 to i32
        %cond3A_119 = arith.constant 0 : i32
        %cond3A_120 = arith.cmpi ne, %convert_element_type3A_118, %cond3A_119 : i32
        scf.if %cond3A_120 {
          %add3A_121 = arith.constant 2 : i32
          %add3A_122 = arith.addi %add3A_88, %add3A_121 : i32
          %mul3A_123 = arith.constant 80 : i32
          %mul3A_124 = arith.muli %add3A_122, %mul3A_123 : i32
          %add3A_125 = arith.addi %mul3A_13, %mul3A_124 : i32
          %dma_start3A_126 = tpu.memref_slice %arg4[%add3A_125] : memref<320000xi32, #tpu.memory_space<hbm>> -> memref<80xi32, #tpu.memory_space<hbm>>
          %dma_start3A_127 = tpu.memref_slice %arg4[%add3A_125] : memref<320000xi32, #tpu.memory_space<hbm>> -> memref<80xi32, #tpu.memory_space<hbm>>
          tpu.enqueue_dma source(%dma_start3A_127 : memref<80xi32, #tpu.memory_space<hbm>>) target(%arg9 : memref<80xi32, #tpu.memory_space<vmem>>) target_semaphore(%arg22 : memref<!tpu.dma_semaphore, #tpu.memory_space<semaphore_mem>>)
          %dma_start3A_128 = tpu.memref_slice %arg5[%add3A_125] : memref<320000xi32, #tpu.memory_space<hbm>> -> memref<80xi32, #tpu.memory_space<hbm>>
          %dma_start3A_129 = tpu.memref_slice %arg5[%add3A_125] : memref<320000xi32, #tpu.memory_space<hbm>> -> memref<80xi32, #tpu.memory_space<hbm>>
          tpu.enqueue_dma source(%dma_start3A_129 : memref<80xi32, #tpu.memory_space<hbm>>) target(%arg10 : memref<80xi32, #tpu.memory_space<vmem>>) target_semaphore(%arg23 : memref<!tpu.dma_semaphore, #tpu.memory_space<semaphore_mem>>)
        } else {
        }
      } else {
      }
    }
    %scan3A_40 = arith.constant 63 : i32
    %barrier3A_41 = arith.constant 0 : index
    tpu.barrier barrier_id(%barrier3A_41)
    %scan3A_42 = arith.constant 0 : i32
    %scan3A_43 = arith.constant 0 : i32
    %scan3A_44 = arith.constant 125 : i32
    %scan3A_45 = arith.addi %scan3A_43, %scan3A_44 : i32
    %scan3A_46 = arith.constant 1 : i32
    scf.for %scan3A_48 = %scan3A_43 to %scan3A_45 step %scan3A_46  : i32 {
      %jit3A = arith.constant 16 : i32
      %eq3A = arith.constant 0 : i32
      %eq3A_49 = arith.cmpi eq, %jit3A, %eq3A : i32
      %jit3A_50 = arith.constant 1 : i32
      %select_n3A = arith.select %eq3A_49, %jit3A_50, %jit3A : i32
      %rem3A = arith.remsi %scan3A_48, %select_n3A : i32
      %ne3A = arith.constant 0 : i32
      %ne3A_51 = arith.cmpi ne, %rem3A, %ne3A : i32
      %lt3A = arith.constant 0 : i32
      %lt3A_52 = arith.cmpi slt, %rem3A, %lt3A : i32
      %lt3A_53 = arith.constant 0 : i32
      %lt3A_54 = arith.cmpi slt, %select_n3A, %lt3A_53 : i32
      %ne3A_55 = arith.xori %lt3A_52, %lt3A_54 : i1
      %and3A = arith.andi %ne3A_55, %ne3A_51 : i1
      %add3A_56 = arith.addi %rem3A, %select_n3A : i32
      %select_n3A_57 = arith.select %and3A, %add3A_56, %rem3A : i32
      %eq3A_58 = arith.cmpi eq, %select_n3A_57, %arg1 : i32
      %convert_element_type3A = arith.extui %eq3A_58 : i1 to i32
      %cond3A = arith.constant 0 : i32
      %cond3A_59 = arith.cmpi ne, %convert_element_type3A, %cond3A : i32
      scf.if %cond3A_59 {
        %mul3A_60 = arith.constant 80 : i32
        %mul3A_61 = arith.muli %scan3A_48, %mul3A_60 : i32
        "tpu.region"() ({
          %run_scoped3A = tpu.sem_alloc : memref<!tpu.dma_semaphore, #tpu.memory_space<semaphore_mem>>
          %dma_start3A_67 = arith.constant 0 : i32
          %dma_start3A_68 = tpu.memref_slice %arg15[%mul3A_61, %dma_start3A_67] : memref<10000x128xf32, #tpu.memory_space<vmem_shared>> -> memref<80x128xf32, #tpu.memory_space<vmem_shared>>
          %dma_start3A_69 = arith.constant 0 : i32
          %dma_start3A_70 = tpu.memref_slice %arg15[%mul3A_61, %dma_start3A_69] : memref<10000x128xf32, #tpu.memory_space<vmem_shared>> -> memref<80x128xf32, #tpu.memory_space<vmem_shared>>
          tpu.enqueue_dma source(%dma_start3A_70 : memref<80x128xf32, #tpu.memory_space<vmem_shared>>) target(%arg11 : memref<80x128xf32, #tpu.memory_space<vmem>>) target_semaphore(%run_scoped3A : memref<!tpu.dma_semaphore, #tpu.memory_space<semaphore_mem>>)
          %dma_wait3A_71 = arith.constant 0 : i32
          %dma_wait3A_72 = tpu.memref_slice %arg15[%mul3A_61, %dma_wait3A_71] : memref<10000x128xf32, #tpu.memory_space<vmem_shared>> -> memref<80x128xf32, #tpu.memory_space<vmem_shared>>
          %dma_wait3A_73 = arith.constant 0 : i32
          %dma_wait3A_74 = tpu.memref_slice %arg15[%mul3A_61, %dma_wait3A_73] : memref<10000x128xf32, #tpu.memory_space<vmem_shared>> -> memref<80x128xf32, #tpu.memory_space<vmem_shared>>
          tpu.wait_dma2 semaphore(%run_scoped3A : memref<!tpu.dma_semaphore, #tpu.memory_space<semaphore_mem>>) src(%dma_wait3A_74 : memref<80x128xf32, #tpu.memory_space<vmem_shared>>) dst(%arg11 : memref<80x128xf32, #tpu.memory_space<vmem>>)
          tpu.yield
        }) : () -> ()
        %mul3A_62 = arith.constant 10000 : i32
        %mul3A_63 = arith.muli %arg0, %mul3A_62 : i32
        %mul3A_64 = arith.constant 80 : i32
        %mul3A_65 = arith.muli %scan3A_48, %mul3A_64 : i32
        %add3A_66 = arith.addi %mul3A_63, %mul3A_65 : i32
        "tpu.region"() ({
          %run_scoped3A = tpu.sem_alloc : memref<!tpu.dma_semaphore, #tpu.memory_space<semaphore_mem>>
          %dma_start3A_67 = arith.constant 0 : i32
          %dma_start3A_68 = tpu.memref_slice %arg6[%add3A_66, %dma_start3A_67] : memref<20000x128xf32, #tpu.memory_space<hbm>> -> memref<80x128xf32, #tpu.memory_space<hbm>>
          %dma_start3A_69 = arith.constant 0 : i32
          %dma_start3A_70 = tpu.memref_slice %arg6[%add3A_66, %dma_start3A_69] : memref<20000x128xf32, #tpu.memory_space<hbm>> -> memref<80x128xf32, #tpu.memory_space<hbm>>
          tpu.enqueue_dma source(%arg11 : memref<80x128xf32, #tpu.memory_space<vmem>>) target(%dma_start3A_70 : memref<80x128xf32, #tpu.memory_space<hbm>>) target_semaphore(%run_scoped3A : memref<!tpu.dma_semaphore, #tpu.memory_space<semaphore_mem>>)
          %dma_wait3A_71 = arith.constant 0 : i32
          %dma_wait3A_72 = tpu.memref_slice %arg6[%add3A_66, %dma_wait3A_71] : memref<20000x128xf32, #tpu.memory_space<hbm>> -> memref<80x128xf32, #tpu.memory_space<hbm>>
          %dma_wait3A_73 = arith.constant 0 : i32
          %dma_wait3A_74 = tpu.memref_slice %arg6[%add3A_66, %dma_wait3A_73] : memref<20000x128xf32, #tpu.memory_space<hbm>> -> memref<80x128xf32, #tpu.memory_space<hbm>>
          tpu.wait_dma2 semaphore(%run_scoped3A : memref<!tpu.dma_semaphore, #tpu.memory_space<semaphore_mem>>) src(%arg11 : memref<80x128xf32, #tpu.memory_space<vmem>>) dst(%dma_wait3A_74 : memref<80x128xf32, #tpu.memory_space<hbm>>)
          tpu.yield
        }) : () -> ()
      } else {
      }
    }
    %scan3A_47 = arith.constant 125 : i32
    return
  }
}

#map = affine_map<(d0, d1) -> (0, 0)>
#map1 = affine_map<(d0, d1) -> (0)>
module attributes {stable_mosaic.version = 14 : i64} {
  func.func @_sc_conv_body(%arg0: i32, %arg1: i32, %arg2: memref<10000x128xf32, #tpu.memory_space<hbm>>, %arg3: memref<320000x128xf32, #tpu.memory_space<hbm>>, %arg4: memref<320000xi32, #tpu.memory_space<hbm>>, %arg5: memref<320000xi32, #tpu.memory_space<hbm>>, %arg6: memref<20000x128xf32, #tpu.memory_space<hbm>>, %arg7: memref<80xi32, #tpu.memory_space<vmem>>, %arg8: memref<80xi32, #tpu.memory_space<vmem>>, %arg9: memref<80xi32, #tpu.memory_space<vmem>>, %arg10: memref<80xi32, #tpu.memory_space<vmem>>, %arg11: memref<80x128xf32, #tpu.memory_space<vmem>>, %arg12: memref<80x128xf32, #tpu.memory_space<vmem>>, %arg13: memref<80x128xf32, #tpu.memory_space<vmem>>, %arg14: memref<80x128xf32, #tpu.memory_space<vmem>>, %arg15: memref<10000x128xf32, #tpu.memory_space<vmem_shared>>, %arg16: memref<!tpu.dma_semaphore, #tpu.memory_space<semaphore_mem>>, %arg17: memref<!tpu.dma_semaphore, #tpu.memory_space<semaphore_mem>>, %arg18: memref<!tpu.dma_semaphore, #tpu.memory_space<semaphore_mem>>, %arg19: memref<!tpu.dma_semaphore, #tpu.memory_space<semaphore_mem>>, %arg20: memref<!tpu.dma_semaphore, #tpu.memory_space<semaphore_mem>>, %arg21: memref<!tpu.dma_semaphore, #tpu.memory_space<semaphore_mem>>, %arg22: memref<!tpu.dma_semaphore, #tpu.memory_space<semaphore_mem>>, %arg23: memref<!tpu.dma_semaphore, #tpu.memory_space<semaphore_mem>>) attributes {dimension_semantics = [#tpu.dimension_semantics<core_parallel>, #tpu.dimension_semantics<subcore_parallel>], iteration_bounds = array<i64: 2, 16>, scalar_prefetch = 0 : i64, scratch_operands = 17 : i64, tpu.core_type = #tpu.core_type<sc_vector_subcore>, window_params = [{transform_indices = #map}, {transform_indices = #map}, {transform_indices = #map1}, {transform_indices = #map1}, {transform_indices = #map}]} {
    %mul3A = arith.constant 16 : i32
    %mul3A_0 = arith.muli %arg0, %mul3A : i32
    %add3A = arith.addi %mul3A_0, %arg1 : i32
    %scan3A = arith.constant 0 : i32
    %scan3A_1 = arith.constant 0 : i32
    %scan3A_2 = arith.constant 640 : i32
    %scan3A_3 = arith.addi %scan3A_1, %scan3A_2 : i32
    %scan3A_4 = arith.constant 1 : i32
    scf.for %scan3A_48 = %scan3A_1 to %scan3A_3 step %scan3A_4  : i32 {
      %broadcast_in_dim3A = arith.constant 0.000000e+00 : f32
      %broadcast_in_dim3A_49 = vector.broadcast %broadcast_in_dim3A : f32 to vector<16xf32>
      %jit3A = arith.constant 8 : i32
      %div3A = arith.divsi %scan3A_48, %jit3A : i32
      %sign3A = arith.constant 0 : i32
      %sign3A_50 = arith.cmpi sgt, %scan3A_48, %sign3A : i32
      %sign3A_51 = arith.extui %sign3A_50 : i1 to i32
      %sign3A_52 = arith.constant 0 : i32
      %sign3A_53 = arith.cmpi slt, %scan3A_48, %sign3A_52 : i32
      %sign3A_54 = arith.extui %sign3A_53 : i1 to i32
      %sign3A_55 = arith.subi %sign3A_51, %sign3A_54 : i32
      %sign3A_56 = arith.constant 0 : i32
      %sign3A_57 = arith.cmpi sgt, %jit3A, %sign3A_56 : i32
      %sign3A_58 = arith.extui %sign3A_57 : i1 to i32
      %sign3A_59 = arith.constant 0 : i32
      %sign3A_60 = arith.cmpi slt, %jit3A, %sign3A_59 : i32
      %sign3A_61 = arith.extui %sign3A_60 : i1 to i32
      %sign3A_62 = arith.subi %sign3A_58, %sign3A_61 : i32
      %ne3A = arith.cmpi ne, %sign3A_55, %sign3A_62 : i32
      %rem3A = arith.remsi %scan3A_48, %jit3A : i32
      %ne3A_63 = arith.constant 0 : i32
      %ne3A_64 = arith.cmpi ne, %rem3A, %ne3A_63 : i32
      %and3A = arith.andi %ne3A, %ne3A_64 : i1
      %sub3A = arith.constant 1 : i32
      %sub3A_65 = arith.subi %div3A, %sub3A : i32
      %select_n3A = arith.select %and3A, %sub3A_65, %div3A : i32
      %jit3A_66 = arith.constant 8 : i32
      %eq3A = arith.constant 0 : i32
      %eq3A_67 = arith.cmpi eq, %jit3A_66, %eq3A : i32
      %jit3A_68 = arith.constant 1 : i32
      %select_n3A_69 = arith.select %eq3A_67, %jit3A_68, %jit3A_66 : i32
      %rem3A_70 = arith.remsi %scan3A_48, %select_n3A_69 : i32
      %ne3A_71 = arith.constant 0 : i32
      %ne3A_72 = arith.cmpi ne, %rem3A_70, %ne3A_71 : i32
      %lt3A = arith.constant 0 : i32
      %lt3A_73 = arith.cmpi slt, %rem3A_70, %lt3A : i32
      %lt3A_74 = arith.constant 0 : i32
      %lt3A_75 = arith.cmpi slt, %select_n3A_69, %lt3A_74 : i32
      %ne3A_76 = arith.xori %lt3A_73, %lt3A_75 : i1
      %and3A_77 = arith.andi %ne3A_76, %ne3A_72 : i1
      %add3A_78 = arith.addi %rem3A_70, %select_n3A_69 : i32
      %select_n3A_79 = arith.select %and3A_77, %add3A_78, %rem3A_70 : i32
      %mul3A_80 = arith.constant 16 : i32
      %mul3A_81 = arith.muli %select_n3A_79, %mul3A_80 : i32
      %swap3A = arith.index_cast %select_n3A : i32 to index
      %swap3A_82 = arith.index_cast %mul3A_81 : i32 to index
      %swap3A_83 = tpu.vector_load %arg11[%swap3A, %swap3A_82] {strides = array<i32>} : memref<80x128xf32, #tpu.memory_space<vmem>>, vector<1x16xf32>,
      %swap3A_84 = vector.shape_cast %swap3A_83 : vector<1x16xf32> to vector<16xf32>
      %swap3A_85 = vector.shape_cast %broadcast_in_dim3A_49 : vector<16xf32> to vector<1x16xf32>
      tpu.vector_store %arg11[%swap3A, %swap3A_82], %swap3A_85 {strides = array<i32>} : memref<80x128xf32, #tpu.memory_space<vmem>>, vector<1x16xf32>,
    }
    %scan3A_5 = arith.constant 640 : i32
    %scan3A_6 = arith.constant 0 : i32
    %scan3A_7 = arith.constant 0 : i32
    %scan3A_8 = arith.constant 125 : i32
    %scan3A_9 = arith.addi %scan3A_7, %scan3A_8 : i32
    %scan3A_10 = arith.constant 1 : i32
    scf.for %scan3A_48 = %scan3A_7 to %scan3A_9 step %scan3A_10  : i32 {
      %jit3A = arith.constant 16 : i32
      %eq3A = arith.constant 0 : i32
      %eq3A_49 = arith.cmpi eq, %jit3A, %eq3A : i32
      %jit3A_50 = arith.constant 1 : i32
      %select_n3A = arith.select %eq3A_49, %jit3A_50, %jit3A : i32
      %rem3A = arith.remsi %scan3A_48, %select_n3A : i32
      %ne3A = arith.constant 0 : i32
      %ne3A_51 = arith.cmpi ne, %rem3A, %ne3A : i32
      %lt3A = arith.constant 0 : i32
      %lt3A_52 = arith.cmpi slt, %rem3A, %lt3A : i32
      %lt3A_53 = arith.constant 0 : i32
      %lt3A_54 = arith.cmpi slt, %select_n3A, %lt3A_53 : i32
      %ne3A_55 = arith.xori %lt3A_52, %lt3A_54 : i1
      %and3A = arith.andi %ne3A_55, %ne3A_51 : i1
      %add3A_56 = arith.addi %rem3A, %select_n3A : i32
      %select_n3A_57 = arith.select %and3A, %add3A_56, %rem3A : i32
      %eq3A_58 = arith.cmpi eq, %select_n3A_57, %arg1 : i32
      %convert_element_type3A = arith.extui %eq3A_58 : i1 to i32
      %cond3A = arith.constant 0 : i32
      %cond3A_59 = arith.cmpi ne, %convert_element_type3A, %cond3A : i32
      scf.if %cond3A_59 {
        %mul3A_60 = arith.constant 80 : i32
        %mul3A_61 = arith.muli %scan3A_48, %mul3A_60 : i32
        "tpu.region"() ({
          %run_scoped3A = tpu.sem_alloc : memref<!tpu.dma_semaphore, #tpu.memory_space<semaphore_mem>>
          %dma_start3A_62 = arith.constant 0 : i32
          %dma_start3A_63 = tpu.memref_slice %arg15[%mul3A_61, %dma_start3A_62] : memref<10000x128xf32, #tpu.memory_space<vmem_shared>> -> memref<80x128xf32, #tpu.memory_space<vmem_shared>>
          %dma_start3A_64 = arith.constant 0 : i32
          %dma_start3A_65 = tpu.memref_slice %arg15[%mul3A_61, %dma_start3A_64] : memref<10000x128xf32, #tpu.memory_space<vmem_shared>> -> memref<80x128xf32, #tpu.memory_space<vmem_shared>>
          tpu.enqueue_dma source(%arg11 : memref<80x128xf32, #tpu.memory_space<vmem>>) target(%dma_start3A_65 : memref<80x128xf32, #tpu.memory_space<vmem_shared>>) target_semaphore(%run_scoped3A : memref<!tpu.dma_semaphore, #tpu.memory_space<semaphore_mem>>)
          %dma_wait3A_66 = arith.constant 0 : i32
          %dma_wait3A_67 = tpu.memref_slice %arg15[%mul3A_61, %dma_wait3A_66] : memref<10000x128xf32, #tpu.memory_space<vmem_shared>> -> memref<80x128xf32, #tpu.memory_space<vmem_shared>>
          %dma_wait3A_68 = arith.constant 0 : i32
          %dma_wait3A_69 = tpu.memref_slice %arg15[%mul3A_61, %dma_wait3A_68] : memref<10000x128xf32, #tpu.memory_space<vmem_shared>> -> memref<80x128xf32, #tpu.memory_space<vmem_shared>>
          tpu.wait_dma2 semaphore(%run_scoped3A : memref<!tpu.dma_semaphore, #tpu.memory_space<semaphore_mem>>) src(%arg11 : memref<80x128xf32, #tpu.memory_space<vmem>>) dst(%dma_wait3A_69 : memref<80x128xf32, #tpu.memory_space<vmem_shared>>)
          tpu.yield
        }) : () -> ()
      } else {
      }
    }
    %scan3A_11 = arith.constant 125 : i32
    %mul3A_12 = arith.constant 10000 : i32
    %mul3A_13 = arith.muli %add3A, %mul3A_12 : i32
    %barrier3A = arith.constant 0 : index
    tpu.barrier barrier_id(%barrier3A)
    %add3A_14 = arith.constant 0 : i32
    %add3A_15 = arith.addi %mul3A_13, %add3A_14 : i32
    %dma_start3A = tpu.memref_slice %arg4[%add3A_15] : memref<320000xi32, #tpu.memory_space<hbm>> -> memref<80xi32, #tpu.memory_space<hbm>>
    %dma_start3A_16 = tpu.memref_slice %arg4[%add3A_15] : memref<320000xi32, #tpu.memory_space<hbm>> -> memref<80xi32, #tpu.memory_space<hbm>>
    tpu.enqueue_dma source(%dma_start3A_16 : memref<80xi32, #tpu.memory_space<hbm>>) target(%arg7 : memref<80xi32, #tpu.memory_space<vmem>>) target_semaphore(%arg20 : memref<!tpu.dma_semaphore, #tpu.memory_space<semaphore_mem>>)
    %dma_start3A_17 = tpu.memref_slice %arg5[%add3A_15] : memref<320000xi32, #tpu.memory_space<hbm>> -> memref<80xi32, #tpu.memory_space<hbm>>
    %dma_start3A_18 = tpu.memref_slice %arg5[%add3A_15] : memref<320000xi32, #tpu.memory_space<hbm>> -> memref<80xi32, #tpu.memory_space<hbm>>
    tpu.enqueue_dma source(%dma_start3A_18 : memref<80xi32, #tpu.memory_space<hbm>>) target(%arg8 : memref<80xi32, #tpu.memory_space<vmem>>) target_semaphore(%arg21 : memref<!tpu.dma_semaphore, #tpu.memory_space<semaphore_mem>>)
    %add3A_19 = arith.constant 80 : i32
    %add3A_20 = arith.addi %mul3A_13, %add3A_19 : i32
    %dma_start3A_21 = tpu.memref_slice %arg4[%add3A_20] : memref<320000xi32, #tpu.memory_space<hbm>> -> memref<80xi32, #tpu.memory_space<hbm>>
    %dma_start3A_22 = tpu.memref_slice %arg4[%add3A_20] : memref<320000xi32, #tpu.memory_space<hbm>> -> memref<80xi32, #tpu.memory_space<hbm>>
    tpu.enqueue_dma source(%dma_start3A_22 : memref<80xi32, #tpu.memory_space<hbm>>) target(%arg9 : memref<80xi32, #tpu.memory_space<vmem>>) target_semaphore(%arg22 : memref<!tpu.dma_semaphore, #tpu.memory_space<semaphore_mem>>)
    %dma_start3A_23 = tpu.memref_slice %arg5[%add3A_20] : memref<320000xi32, #tpu.memory_space<hbm>> -> memref<80xi32, #tpu.memory_space<hbm>>
    %dma_start3A_24 = tpu.memref_slice %arg5[%add3A_20] : memref<320000xi32, #tpu.memory_space<hbm>> -> memref<80xi32, #tpu.memory_space<hbm>>
    tpu.enqueue_dma source(%dma_start3A_24 : memref<80xi32, #tpu.memory_space<hbm>>) target(%arg10 : memref<80xi32, #tpu.memory_space<vmem>>) target_semaphore(%arg23 : memref<!tpu.dma_semaphore, #tpu.memory_space<semaphore_mem>>)
    %add3A_25 = arith.constant 0 : i32
    %add3A_26 = arith.addi %mul3A_13, %add3A_25 : i32
    %dma_wait3A = tpu.memref_slice %arg4[%add3A_26] : memref<320000xi32, #tpu.memory_space<hbm>> -> memref<80xi32, #tpu.memory_space<hbm>>
    %dma_wait3A_27 = tpu.memref_slice %arg4[%add3A_26] : memref<320000xi32, #tpu.memory_space<hbm>> -> memref<80xi32, #tpu.memory_space<hbm>>
    tpu.wait_dma2 semaphore(%arg20 : memref<!tpu.dma_semaphore, #tpu.memory_space<semaphore_mem>>) src(%dma_wait3A_27 : memref<80xi32, #tpu.memory_space<hbm>>) dst(%arg7 : memref<80xi32, #tpu.memory_space<vmem>>)
    %dma_start3A_28 = arith.constant 0 : i32
    %dma_start3A_29 = arith.constant 0 : i32
    %dma_start3A_30 = tpu.memref_slice %arg2[%dma_start3A_28, %dma_start3A_29] : memref<10000x128xf32, #tpu.memory_space<hbm>> -> memref<10000x128xf32, #tpu.memory_space<hbm>>
    tpu.enqueue_indirect_dma source(%dma_start3A_30 : memref<10000x128xf32, #tpu.memory_space<hbm>>) target(%arg11 : memref<80x128xf32, #tpu.memory_space<vmem>>) offsets(%arg7 : memref<80xi32, #tpu.memory_space<vmem>>) semaphore(%arg16 : memref<!tpu.dma_semaphore, #tpu.memory_space<semaphore_mem>>)
    %dma_start3A_31 = arith.constant 0 : i32
    %dma_start3A_32 = tpu.memref_slice %arg3[%add3A_26, %dma_start3A_31] : memref<320000x128xf32, #tpu.memory_space<hbm>> -> memref<80x128xf32, #tpu.memory_space<hbm>>
    %dma_start3A_33 = arith.constant 0 : i32
    %dma_start3A_34 = tpu.memref_slice %arg3[%add3A_26, %dma_start3A_33] : memref<320000x128xf32, #tpu.memory_space<hbm>> -> memref<80x128xf32, #tpu.memory_space<hbm>>
    tpu.enqueue_dma source(%dma_start3A_34 : memref<80x128xf32, #tpu.memory_space<hbm>>) target(%arg12 : memref<80x128xf32, #tpu.memory_space<vmem>>) target_semaphore(%arg17 : memref<!tpu.dma_semaphore, #tpu.memory_space<semaphore_mem>>)
    %scan3A_35 = arith.constant 0 : i32
    %scan3A_36 = arith.constant 0 : i32
    %scan3A_37 = arith.constant 63 : i32
    %scan3A_38 = arith.addi %scan3A_36, %scan3A_37 : i32
    %scan3A_39 = arith.constant 1 : i32
    scf.for %scan3A_48 = %scan3A_36 to %scan3A_38 step %scan3A_39  : i32 {
      %mul3A_49 = arith.constant 2 : i32
      %mul3A_50 = arith.muli %mul3A_49, %scan3A_48 : i32
      %add3A_51 = arith.constant 1 : i32
      %add3A_52 = arith.addi %mul3A_50, %add3A_51 : i32
      %lt3A = arith.constant 125 : i32
      %lt3A_53 = arith.cmpi slt, %add3A_52, %lt3A : i32
      %convert_element_type3A = arith.extui %lt3A_53 : i1 to i32
      %cond3A = arith.constant 0 : i32
      %cond3A_54 = arith.cmpi ne, %convert_element_type3A, %cond3A : i32
      scf.if %cond3A_54 {
        %add3A_87 = arith.constant 1 : i32
        %add3A_88 = arith.addi %mul3A_50, %add3A_87 : i32
        %mul3A_89 = arith.constant 80 : i32
        %mul3A_90 = arith.muli %add3A_88, %mul3A_89 : i32
        %add3A_91 = arith.addi %mul3A_13, %mul3A_90 : i32
        %dma_wait3A_92 = tpu.memref_slice %arg4[%add3A_91] : memref<320000xi32, #tpu.memory_space<hbm>> -> memref<80xi32, #tpu.memory_space<hbm>>
        %dma_wait3A_93 = tpu.memref_slice %arg4[%add3A_91] : memref<320000xi32, #tpu.memory_space<hbm>> -> memref<80xi32, #tpu.memory_space<hbm>>
        tpu.wait_dma2 semaphore(%arg22 : memref<!tpu.dma_semaphore, #tpu.memory_space<semaphore_mem>>) src(%dma_wait3A_93 : memref<80xi32, #tpu.memory_space<hbm>>) dst(%arg9 : memref<80xi32, #tpu.memory_space<vmem>>)
        %dma_start3A_94 = arith.constant 0 : i32
        %dma_start3A_95 = arith.constant 0 : i32
        %dma_start3A_96 = tpu.memref_slice %arg2[%dma_start3A_94, %dma_start3A_95] : memref<10000x128xf32, #tpu.memory_space<hbm>> -> memref<10000x128xf32, #tpu.memory_space<hbm>>
        tpu.enqueue_indirect_dma source(%dma_start3A_96 : memref<10000x128xf32, #tpu.memory_space<hbm>>) target(%arg13 : memref<80x128xf32, #tpu.memory_space<vmem>>) offsets(%arg9 : memref<80xi32, #tpu.memory_space<vmem>>) semaphore(%arg18 : memref<!tpu.dma_semaphore, #tpu.memory_space<semaphore_mem>>)
        %dma_start3A_97 = arith.constant 0 : i32
        %dma_start3A_98 = tpu.memref_slice %arg3[%add3A_91, %dma_start3A_97] : memref<320000x128xf32, #tpu.memory_space<hbm>> -> memref<80x128xf32, #tpu.memory_space<hbm>>
        %dma_start3A_99 = arith.constant 0 : i32
        %dma_start3A_100 = tpu.memref_slice %arg3[%add3A_91, %dma_start3A_99] : memref<320000x128xf32, #tpu.memory_space<hbm>> -> memref<80x128xf32, #tpu.memory_space<hbm>>
        tpu.enqueue_dma source(%dma_start3A_100 : memref<80x128xf32, #tpu.memory_space<hbm>>) target(%arg14 : memref<80x128xf32, #tpu.memory_space<vmem>>) target_semaphore(%arg19 : memref<!tpu.dma_semaphore, #tpu.memory_space<semaphore_mem>>)
      } else {
      }
      %mul3A_55 = arith.constant 80 : i32
      %mul3A_56 = arith.muli %mul3A_50, %mul3A_55 : i32
      %add3A_57 = arith.addi %mul3A_13, %mul3A_56 : i32
      %dma_wait3A_58 = arith.constant 0 : i32
      %dma_wait3A_59 = arith.constant 0 : i32
      %dma_wait3A_60 = tpu.memref_slice %arg2[%dma_wait3A_58, %dma_wait3A_59] : memref<10000x128xf32, #tpu.memory_space<hbm>> -> memref<10000x128xf32, #tpu.memory_space<hbm>>
      tpu.wait_indirect_dma semaphore(%arg16 : memref<!tpu.dma_semaphore, #tpu.memory_space<semaphore_mem>>) src(%dma_wait3A_60 : memref<10000x128xf32, #tpu.memory_space<hbm>>) dst(%arg11 : memref<80x128xf32, #tpu.memory_space<vmem>>)
      %dma_wait3A_61 = arith.constant 0 : i32
      %dma_wait3A_62 = tpu.memref_slice %arg3[%add3A_57, %dma_wait3A_61] : memref<320000x128xf32, #tpu.memory_space<hbm>> -> memref<80x128xf32, #tpu.memory_space<hbm>>
      %dma_wait3A_63 = arith.constant 0 : i32
      %dma_wait3A_64 = tpu.memref_slice %arg3[%add3A_57, %dma_wait3A_63] : memref<320000x128xf32, #tpu.memory_space<hbm>> -> memref<80x128xf32, #tpu.memory_space<hbm>>
      tpu.wait_dma2 semaphore(%arg17 : memref<!tpu.dma_semaphore, #tpu.memory_space<semaphore_mem>>) src(%dma_wait3A_64 : memref<80x128xf32, #tpu.memory_space<hbm>>) dst(%arg12 : memref<80x128xf32, #tpu.memory_space<vmem>>)
      %scan3A_65 = arith.constant 0 : i32
      %scan3A_66 = arith.constant 0 : i32
      %scan3A_67 = arith.constant 640 : i32
      %scan3A_68 = arith.addi %scan3A_66, %scan3A_67 : i32
      %scan3A_69 = arith.constant 8 : i32
      scf.for %scan3A_87 = %scan3A_66 to %scan3A_68 step %scan3A_69  : i32 {
        %jit3A = arith.constant 8 : i32
        %div3A = arith.divsi %scan3A_87, %jit3A : i32
        %sign3A = arith.constant 0 : i32
        %sign3A_88 = arith.cmpi sgt, %scan3A_87, %sign3A : i32
        %sign3A_89 = arith.extui %sign3A_88 : i1 to i32
        %sign3A_90 = arith.constant 0 : i32
        %sign3A_91 = arith.cmpi slt, %scan3A_87, %sign3A_90 : i32
        %sign3A_92 = arith.extui %sign3A_91 : i1 to i32
        %sign3A_93 = arith.subi %sign3A_89, %sign3A_92 : i32
        %sign3A_94 = arith.constant 0 : i32
        %sign3A_95 = arith.cmpi sgt, %jit3A, %sign3A_94 : i32
        %sign3A_96 = arith.extui %sign3A_95 : i1 to i32
        %sign3A_97 = arith.constant 0 : i32
        %sign3A_98 = arith.cmpi slt, %jit3A, %sign3A_97 : i32
        %sign3A_99 = arith.extui %sign3A_98 : i1 to i32
        %sign3A_100 = arith.subi %sign3A_96, %sign3A_99 : i32
        %ne3A = arith.cmpi ne, %sign3A_93, %sign3A_100 : i32
        %rem3A = arith.remsi %scan3A_87, %jit3A : i32
        %ne3A_101 = arith.constant 0 : i32
        %ne3A_102 = arith.cmpi ne, %rem3A, %ne3A_101 : i32
        %and3A = arith.andi %ne3A, %ne3A_102 : i1
        %sub3A = arith.constant 1 : i32
        %sub3A_103 = arith.subi %div3A, %sub3A : i32
        %select_n3A = arith.select %and3A, %sub3A_103, %div3A : i32
        %jit3A_104 = arith.constant 8 : i32
        %eq3A = arith.constant 0 : i32
        %eq3A_105 = arith.cmpi eq, %jit3A_104, %eq3A : i32
        %jit3A_106 = arith.constant 1 : i32
        %select_n3A_107 = arith.select %eq3A_105, %jit3A_106, %jit3A_104 : i32
        %rem3A_108 = arith.remsi %scan3A_87, %select_n3A_107 : i32
        %ne3A_109 = arith.constant 0 : i32
        %ne3A_110 = arith.cmpi ne, %rem3A_108, %ne3A_109 : i32
        %lt3A_111 = arith.constant 0 : i32
        %lt3A_112 = arith.cmpi slt, %rem3A_108, %lt3A_111 : i32
        %lt3A_113 = arith.constant 0 : i32
        %lt3A_114 = arith.cmpi slt, %select_n3A_107, %lt3A_113 : i32
        %ne3A_115 = arith.xori %lt3A_112, %lt3A_114 : i1
        %and3A_116 = arith.andi %ne3A_115, %ne3A_110 : i1
        %add3A_117 = arith.addi %rem3A_108, %select_n3A_107 : i32
        %select_n3A_118 = arith.select %and3A_116, %add3A_117, %rem3A_108 : i32
        %mul3A_119 = arith.constant 16 : i32
        %mul3A_120 = arith.muli %select_n3A_118, %mul3A_119 : i32
        %get3A = arith.index_cast %select_n3A : i32 to index
        %get3A_121 = arith.index_cast %mul3A_120 : i32 to index
        %get3A_122 = tpu.vector_load %arg11[%get3A, %get3A_121] {strides = array<i32>} : memref<80x128xf32, #tpu.memory_space<vmem>>, vector<1x16xf32>,
        %get3A_123 = vector.shape_cast %get3A_122 : vector<1x16xf32> to vector<16xf32>
        %get3A_124 = arith.index_cast %select_n3A : i32 to index
        %get3A_125 = arith.index_cast %mul3A_120 : i32 to index
        %get3A_126 = tpu.vector_load %arg12[%get3A_124, %get3A_125] {strides = array<i32>} : memref<80x128xf32, #tpu.memory_space<vmem>>, vector<1x16xf32>,
        %get3A_127 = vector.shape_cast %get3A_126 : vector<1x16xf32> to vector<16xf32>
        %add3A_128 = arith.addf %get3A_123, %get3A_127 : vector<16xf32>
        %max3A = arith.constant 0.000000e+00 : f32
        %max3A_129 = vector.broadcast %max3A : f32 to vector<16xf32>
        %max3A_130 = arith.maximumf %add3A_128, %max3A_129 : vector<16xf32>
        %swap3A = arith.index_cast %select_n3A : i32 to index
        %swap3A_131 = arith.index_cast %mul3A_120 : i32 to index
        %swap3A_132 = tpu.vector_load %arg11[%swap3A, %swap3A_131] {strides = array<i32>} : memref<80x128xf32, #tpu.memory_space<vmem>>, vector<1x16xf32>,
        %swap3A_133 = vector.shape_cast %swap3A_132 : vector<1x16xf32> to vector<16xf32>
        %swap3A_134 = vector.shape_cast %max3A_130 : vector<16xf32> to vector<1x16xf32>
        tpu.vector_store %arg11[%swap3A, %swap3A_131], %swap3A_134 {strides = array<i32>} : memref<80x128xf32, #tpu.memory_space<vmem>>, vector<1x16xf32>,
        %scan3A_135 = arith.constant 1 : i32
        %scan3A_136 = arith.addi %scan3A_87, %scan3A_135 : i32
        %jit3A_137 = arith.constant 8 : i32
        %div3A_138 = arith.divsi %scan3A_136, %jit3A_137 : i32
        %sign3A_139 = arith.constant 0 : i32
        %sign3A_140 = arith.cmpi sgt, %scan3A_136, %sign3A_139 : i32
        %sign3A_141 = arith.extui %sign3A_140 : i1 to i32
        %sign3A_142 = arith.constant 0 : i32
        %sign3A_143 = arith.cmpi slt, %scan3A_136, %sign3A_142 : i32
        %sign3A_144 = arith.extui %sign3A_143 : i1 to i32
        %sign3A_145 = arith.subi %sign3A_141, %sign3A_144 : i32
        %sign3A_146 = arith.constant 0 : i32
        %sign3A_147 = arith.cmpi sgt, %jit3A_137, %sign3A_146 : i32
        %sign3A_148 = arith.extui %sign3A_147 : i1 to i32
        %sign3A_149 = arith.constant 0 : i32
        %sign3A_150 = arith.cmpi slt, %jit3A_137, %sign3A_149 : i32
        %sign3A_151 = arith.extui %sign3A_150 : i1 to i32
        %sign3A_152 = arith.subi %sign3A_148, %sign3A_151 : i32
        %ne3A_153 = arith.cmpi ne, %sign3A_145, %sign3A_152 : i32
        %rem3A_154 = arith.remsi %scan3A_136, %jit3A_137 : i32
        %ne3A_155 = arith.constant 0 : i32
        %ne3A_156 = arith.cmpi ne, %rem3A_154, %ne3A_155 : i32
        %and3A_157 = arith.andi %ne3A_153, %ne3A_156 : i1
        %sub3A_158 = arith.constant 1 : i32
        %sub3A_159 = arith.subi %div3A_138, %sub3A_158 : i32
        %select_n3A_160 = arith.select %and3A_157, %sub3A_159, %div3A_138 : i32
        %jit3A_161 = arith.constant 8 : i32
        %eq3A_162 = arith.constant 0 : i32
        %eq3A_163 = arith.cmpi eq, %jit3A_161, %eq3A_162 : i32
        %jit3A_164 = arith.constant 1 : i32
        %select_n3A_165 = arith.select %eq3A_163, %jit3A_164, %jit3A_161 : i32
        %rem3A_166 = arith.remsi %scan3A_136, %select_n3A_165 : i32
        %ne3A_167 = arith.constant 0 : i32
        %ne3A_168 = arith.cmpi ne, %rem3A_166, %ne3A_167 : i32
        %lt3A_169 = arith.constant 0 : i32
        %lt3A_170 = arith.cmpi slt, %rem3A_166, %lt3A_169 : i32
        %lt3A_171 = arith.constant 0 : i32
        %lt3A_172 = arith.cmpi slt, %select_n3A_165, %lt3A_171 : i32
        %ne3A_173 = arith.xori %lt3A_170, %lt3A_172 : i1
        %and3A_174 = arith.andi %ne3A_173, %ne3A_168 : i1
        %add3A_175 = arith.addi %rem3A_166, %select_n3A_165 : i32
        %select_n3A_176 = arith.select %and3A_174, %add3A_175, %rem3A_166 : i32
        %mul3A_177 = arith.constant 16 : i32
        %mul3A_178 = arith.muli %select_n3A_176, %mul3A_177 : i32
        %get3A_179 = arith.index_cast %select_n3A_160 : i32 to index
        %get3A_180 = arith.index_cast %mul3A_178 : i32 to index
        %get3A_181 = tpu.vector_load %arg11[%get3A_179, %get3A_180] {strides = array<i32>} : memref<80x128xf32, #tpu.memory_space<vmem>>, vector<1x16xf32>,
        %get3A_182 = vector.shape_cast %get3A_181 : vector<1x16xf32> to vector<16xf32>
        %get3A_183 = arith.index_cast %select_n3A_160 : i32 to index
        %get3A_184 = arith.index_cast %mul3A_178 : i32 to index
        %get3A_185 = tpu.vector_load %arg12[%get3A_183, %get3A_184] {strides = array<i32>} : memref<80x128xf32, #tpu.memory_space<vmem>>, vector<1x16xf32>,
        %get3A_186 = vector.shape_cast %get3A_185 : vector<1x16xf32> to vector<16xf32>
        %add3A_187 = arith.addf %get3A_182, %get3A_186 : vector<16xf32>
        %max3A_188 = arith.constant 0.000000e+00 : f32
        %max3A_189 = vector.broadcast %max3A_188 : f32 to vector<16xf32>
        %max3A_190 = arith.maximumf %add3A_187, %max3A_189 : vector<16xf32>
        %swap3A_191 = arith.index_cast %select_n3A_160 : i32 to index
        %swap3A_192 = arith.index_cast %mul3A_178 : i32 to index
        %swap3A_193 = tpu.vector_load %arg11[%swap3A_191, %swap3A_192] {strides = array<i32>} : memref<80x128xf32, #tpu.memory_space<vmem>>, vector<1x16xf32>,
        %swap3A_194 = vector.shape_cast %swap3A_193 : vector<1x16xf32> to vector<16xf32>
        %swap3A_195 = vector.shape_cast %max3A_190 : vector<16xf32> to vector<1x16xf32>
        tpu.vector_store %arg11[%swap3A_191, %swap3A_192], %swap3A_195 {strides = array<i32>} : memref<80x128xf32, #tpu.memory_space<vmem>>, vector<1x16xf32>,
        %scan3A_196 = arith.constant 2 : i32
        %scan3A_197 = arith.addi %scan3A_87, %scan3A_196 : i32
        %jit3A_198 = arith.constant 8 : i32
        %div3A_199 = arith.divsi %scan3A_197, %jit3A_198 : i32
        %sign3A_200 = arith.constant 0 : i32
        %sign3A_201 = arith.cmpi sgt, %scan3A_197, %sign3A_200 : i32
        %sign3A_202 = arith.extui %sign3A_201 : i1 to i32
        %sign3A_203 = arith.constant 0 : i32
        %sign3A_204 = arith.cmpi slt, %scan3A_197, %sign3A_203 : i32
        %sign3A_205 = arith.extui %sign3A_204 : i1 to i32
        %sign3A_206 = arith.subi %sign3A_202, %sign3A_205 : i32
        %sign3A_207 = arith.constant 0 : i32
        %sign3A_208 = arith.cmpi sgt, %jit3A_198, %sign3A_207 : i32
        %sign3A_209 = arith.extui %sign3A_208 : i1 to i32
        %sign3A_210 = arith.constant 0 : i32
        %sign3A_211 = arith.cmpi slt, %jit3A_198, %sign3A_210 : i32
        %sign3A_212 = arith.extui %sign3A_211 : i1 to i32
        %sign3A_213 = arith.subi %sign3A_209, %sign3A_212 : i32
        %ne3A_214 = arith.cmpi ne, %sign3A_206, %sign3A_213 : i32
        %rem3A_215 = arith.remsi %scan3A_197, %jit3A_198 : i32
        %ne3A_216 = arith.constant 0 : i32
        %ne3A_217 = arith.cmpi ne, %rem3A_215, %ne3A_216 : i32
        %and3A_218 = arith.andi %ne3A_214, %ne3A_217 : i1
        %sub3A_219 = arith.constant 1 : i32
        %sub3A_220 = arith.subi %div3A_199, %sub3A_219 : i32
        %select_n3A_221 = arith.select %and3A_218, %sub3A_220, %div3A_199 : i32
        %jit3A_222 = arith.constant 8 : i32
        %eq3A_223 = arith.constant 0 : i32
        %eq3A_224 = arith.cmpi eq, %jit3A_222, %eq3A_223 : i32
        %jit3A_225 = arith.constant 1 : i32
        %select_n3A_226 = arith.select %eq3A_224, %jit3A_225, %jit3A_222 : i32
        %rem3A_227 = arith.remsi %scan3A_197, %select_n3A_226 : i32
        %ne3A_228 = arith.constant 0 : i32
        %ne3A_229 = arith.cmpi ne, %rem3A_227, %ne3A_228 : i32
        %lt3A_230 = arith.constant 0 : i32
        %lt3A_231 = arith.cmpi slt, %rem3A_227, %lt3A_230 : i32
        %lt3A_232 = arith.constant 0 : i32
        %lt3A_233 = arith.cmpi slt, %select_n3A_226, %lt3A_232 : i32
        %ne3A_234 = arith.xori %lt3A_231, %lt3A_233 : i1
        %and3A_235 = arith.andi %ne3A_234, %ne3A_229 : i1
        %add3A_236 = arith.addi %rem3A_227, %select_n3A_226 : i32
        %select_n3A_237 = arith.select %and3A_235, %add3A_236, %rem3A_227 : i32
        %mul3A_238 = arith.constant 16 : i32
        %mul3A_239 = arith.muli %select_n3A_237, %mul3A_238 : i32
        %get3A_240 = arith.index_cast %select_n3A_221 : i32 to index
        %get3A_241 = arith.index_cast %mul3A_239 : i32 to index
        %get3A_242 = tpu.vector_load %arg11[%get3A_240, %get3A_241] {strides = array<i32>} : memref<80x128xf32, #tpu.memory_space<vmem>>, vector<1x16xf32>,
        %get3A_243 = vector.shape_cast %get3A_242 : vector<1x16xf32> to vector<16xf32>
        %get3A_244 = arith.index_cast %select_n3A_221 : i32 to index
        %get3A_245 = arith.index_cast %mul3A_239 : i32 to index
        %get3A_246 = tpu.vector_load %arg12[%get3A_244, %get3A_245] {strides = array<i32>} : memref<80x128xf32, #tpu.memory_space<vmem>>, vector<1x16xf32>,
        %get3A_247 = vector.shape_cast %get3A_246 : vector<1x16xf32> to vector<16xf32>
        %add3A_248 = arith.addf %get3A_243, %get3A_247 : vector<16xf32>
        %max3A_249 = arith.constant 0.000000e+00 : f32
        %max3A_250 = vector.broadcast %max3A_249 : f32 to vector<16xf32>
        %max3A_251 = arith.maximumf %add3A_248, %max3A_250 : vector<16xf32>
        %swap3A_252 = arith.index_cast %select_n3A_221 : i32 to index
        %swap3A_253 = arith.index_cast %mul3A_239 : i32 to index
        %swap3A_254 = tpu.vector_load %arg11[%swap3A_252, %swap3A_253] {strides = array<i32>} : memref<80x128xf32, #tpu.memory_space<vmem>>, vector<1x16xf32>,
        %swap3A_255 = vector.shape_cast %swap3A_254 : vector<1x16xf32> to vector<16xf32>
        %swap3A_256 = vector.shape_cast %max3A_251 : vector<16xf32> to vector<1x16xf32>
        tpu.vector_store %arg11[%swap3A_252, %swap3A_253], %swap3A_256 {strides = array<i32>} : memref<80x128xf32, #tpu.memory_space<vmem>>, vector<1x16xf32>,
        %scan3A_257 = arith.constant 3 : i32
        %scan3A_258 = arith.addi %scan3A_87, %scan3A_257 : i32
        %jit3A_259 = arith.constant 8 : i32
        %div3A_260 = arith.divsi %scan3A_258, %jit3A_259 : i32
        %sign3A_261 = arith.constant 0 : i32
        %sign3A_262 = arith.cmpi sgt, %scan3A_258, %sign3A_261 : i32
        %sign3A_263 = arith.extui %sign3A_262 : i1 to i32
        %sign3A_264 = arith.constant 0 : i32
        %sign3A_265 = arith.cmpi slt, %scan3A_258, %sign3A_264 : i32
        %sign3A_266 = arith.extui %sign3A_265 : i1 to i32
        %sign3A_267 = arith.subi %sign3A_263, %sign3A_266 : i32
        %sign3A_268 = arith.constant 0 : i32
        %sign3A_269 = arith.cmpi sgt, %jit3A_259, %sign3A_268 : i32
        %sign3A_270 = arith.extui %sign3A_269 : i1 to i32
        %sign3A_271 = arith.constant 0 : i32
        %sign3A_272 = arith.cmpi slt, %jit3A_259, %sign3A_271 : i32
        %sign3A_273 = arith.extui %sign3A_272 : i1 to i32
        %sign3A_274 = arith.subi %sign3A_270, %sign3A_273 : i32
        %ne3A_275 = arith.cmpi ne, %sign3A_267, %sign3A_274 : i32
        %rem3A_276 = arith.remsi %scan3A_258, %jit3A_259 : i32
        %ne3A_277 = arith.constant 0 : i32
        %ne3A_278 = arith.cmpi ne, %rem3A_276, %ne3A_277 : i32
        %and3A_279 = arith.andi %ne3A_275, %ne3A_278 : i1
        %sub3A_280 = arith.constant 1 : i32
        %sub3A_281 = arith.subi %div3A_260, %sub3A_280 : i32
        %select_n3A_282 = arith.select %and3A_279, %sub3A_281, %div3A_260 : i32
        %jit3A_283 = arith.constant 8 : i32
        %eq3A_284 = arith.constant 0 : i32
        %eq3A_285 = arith.cmpi eq, %jit3A_283, %eq3A_284 : i32
        %jit3A_286 = arith.constant 1 : i32
        %select_n3A_287 = arith.select %eq3A_285, %jit3A_286, %jit3A_283 : i32
        %rem3A_288 = arith.remsi %scan3A_258, %select_n3A_287 : i32
        %ne3A_289 = arith.constant 0 : i32
        %ne3A_290 = arith.cmpi ne, %rem3A_288, %ne3A_289 : i32
        %lt3A_291 = arith.constant 0 : i32
        %lt3A_292 = arith.cmpi slt, %rem3A_288, %lt3A_291 : i32
        %lt3A_293 = arith.constant 0 : i32
        %lt3A_294 = arith.cmpi slt, %select_n3A_287, %lt3A_293 : i32
        %ne3A_295 = arith.xori %lt3A_292, %lt3A_294 : i1
        %and3A_296 = arith.andi %ne3A_295, %ne3A_290 : i1
        %add3A_297 = arith.addi %rem3A_288, %select_n3A_287 : i32
        %select_n3A_298 = arith.select %and3A_296, %add3A_297, %rem3A_288 : i32
        %mul3A_299 = arith.constant 16 : i32
        %mul3A_300 = arith.muli %select_n3A_298, %mul3A_299 : i32
        %get3A_301 = arith.index_cast %select_n3A_282 : i32 to index
        %get3A_302 = arith.index_cast %mul3A_300 : i32 to index
        %get3A_303 = tpu.vector_load %arg11[%get3A_301, %get3A_302] {strides = array<i32>} : memref<80x128xf32, #tpu.memory_space<vmem>>, vector<1x16xf32>,
        %get3A_304 = vector.shape_cast %get3A_303 : vector<1x16xf32> to vector<16xf32>
        %get3A_305 = arith.index_cast %select_n3A_282 : i32 to index
        %get3A_306 = arith.index_cast %mul3A_300 : i32 to index
        %get3A_307 = tpu.vector_load %arg12[%get3A_305, %get3A_306] {strides = array<i32>} : memref<80x128xf32, #tpu.memory_space<vmem>>, vector<1x16xf32>,
        %get3A_308 = vector.shape_cast %get3A_307 : vector<1x16xf32> to vector<16xf32>
        %add3A_309 = arith.addf %get3A_304, %get3A_308 : vector<16xf32>
        %max3A_310 = arith.constant 0.000000e+00 : f32
        %max3A_311 = vector.broadcast %max3A_310 : f32 to vector<16xf32>
        %max3A_312 = arith.maximumf %add3A_309, %max3A_311 : vector<16xf32>
        %swap3A_313 = arith.index_cast %select_n3A_282 : i32 to index
        %swap3A_314 = arith.index_cast %mul3A_300 : i32 to index
        %swap3A_315 = tpu.vector_load %arg11[%swap3A_313, %swap3A_314] {strides = array<i32>} : memref<80x128xf32, #tpu.memory_space<vmem>>, vector<1x16xf32>,
        %swap3A_316 = vector.shape_cast %swap3A_315 : vector<1x16xf32> to vector<16xf32>
        %swap3A_317 = vector.shape_cast %max3A_312 : vector<16xf32> to vector<1x16xf32>
        tpu.vector_store %arg11[%swap3A_313, %swap3A_314], %swap3A_317 {strides = array<i32>} : memref<80x128xf32, #tpu.memory_space<vmem>>, vector<1x16xf32>,
        %scan3A_318 = arith.constant 4 : i32
        %scan3A_319 = arith.addi %scan3A_87, %scan3A_318 : i32
        %jit3A_320 = arith.constant 8 : i32
        %div3A_321 = arith.divsi %scan3A_319, %jit3A_320 : i32
        %sign3A_322 = arith.constant 0 : i32
        %sign3A_323 = arith.cmpi sgt, %scan3A_319, %sign3A_322 : i32
        %sign3A_324 = arith.extui %sign3A_323 : i1 to i32
        %sign3A_325 = arith.constant 0 : i32
        %sign3A_326 = arith.cmpi slt, %scan3A_319, %sign3A_325 : i32
        %sign3A_327 = arith.extui %sign3A_326 : i1 to i32
        %sign3A_328 = arith.subi %sign3A_324, %sign3A_327 : i32
        %sign3A_329 = arith.constant 0 : i32
        %sign3A_330 = arith.cmpi sgt, %jit3A_320, %sign3A_329 : i32
        %sign3A_331 = arith.extui %sign3A_330 : i1 to i32
        %sign3A_332 = arith.constant 0 : i32
        %sign3A_333 = arith.cmpi slt, %jit3A_320, %sign3A_332 : i32
        %sign3A_334 = arith.extui %sign3A_333 : i1 to i32
        %sign3A_335 = arith.subi %sign3A_331, %sign3A_334 : i32
        %ne3A_336 = arith.cmpi ne, %sign3A_328, %sign3A_335 : i32
        %rem3A_337 = arith.remsi %scan3A_319, %jit3A_320 : i32
        %ne3A_338 = arith.constant 0 : i32
        %ne3A_339 = arith.cmpi ne, %rem3A_337, %ne3A_338 : i32
        %and3A_340 = arith.andi %ne3A_336, %ne3A_339 : i1
        %sub3A_341 = arith.constant 1 : i32
        %sub3A_342 = arith.subi %div3A_321, %sub3A_341 : i32
        %select_n3A_343 = arith.select %and3A_340, %sub3A_342, %div3A_321 : i32
        %jit3A_344 = arith.constant 8 : i32
        %eq3A_345 = arith.constant 0 : i32
        %eq3A_346 = arith.cmpi eq, %jit3A_344, %eq3A_345 : i32
        %jit3A_347 = arith.constant 1 : i32
        %select_n3A_348 = arith.select %eq3A_346, %jit3A_347, %jit3A_344 : i32
        %rem3A_349 = arith.remsi %scan3A_319, %select_n3A_348 : i32
        %ne3A_350 = arith.constant 0 : i32
        %ne3A_351 = arith.cmpi ne, %rem3A_349, %ne3A_350 : i32
        %lt3A_352 = arith.constant 0 : i32
        %lt3A_353 = arith.cmpi slt, %rem3A_349, %lt3A_352 : i32
        %lt3A_354 = arith.constant 0 : i32
        %lt3A_355 = arith.cmpi slt, %select_n3A_348, %lt3A_354 : i32
        %ne3A_356 = arith.xori %lt3A_353, %lt3A_355 : i1
        %and3A_357 = arith.andi %ne3A_356, %ne3A_351 : i1
        %add3A_358 = arith.addi %rem3A_349, %select_n3A_348 : i32
        %select_n3A_359 = arith.select %and3A_357, %add3A_358, %rem3A_349 : i32
        %mul3A_360 = arith.constant 16 : i32
        %mul3A_361 = arith.muli %select_n3A_359, %mul3A_360 : i32
        %get3A_362 = arith.index_cast %select_n3A_343 : i32 to index
        %get3A_363 = arith.index_cast %mul3A_361 : i32 to index
        %get3A_364 = tpu.vector_load %arg11[%get3A_362, %get3A_363] {strides = array<i32>} : memref<80x128xf32, #tpu.memory_space<vmem>>, vector<1x16xf32>,
        %get3A_365 = vector.shape_cast %get3A_364 : vector<1x16xf32> to vector<16xf32>
        %get3A_366 = arith.index_cast %select_n3A_343 : i32 to index
        %get3A_367 = arith.index_cast %mul3A_361 : i32 to index
        %get3A_368 = tpu.vector_load %arg12[%get3A_366, %get3A_367] {strides = array<i32>} : memref<80x128xf32, #tpu.memory_space<vmem>>, vector<1x16xf32>,
        %get3A_369 = vector.shape_cast %get3A_368 : vector<1x16xf32> to vector<16xf32>
        %add3A_370 = arith.addf %get3A_365, %get3A_369 : vector<16xf32>
        %max3A_371 = arith.constant 0.000000e+00 : f32
        %max3A_372 = vector.broadcast %max3A_371 : f32 to vector<16xf32>
        %max3A_373 = arith.maximumf %add3A_370, %max3A_372 : vector<16xf32>
        %swap3A_374 = arith.index_cast %select_n3A_343 : i32 to index
        %swap3A_375 = arith.index_cast %mul3A_361 : i32 to index
        %swap3A_376 = tpu.vector_load %arg11[%swap3A_374, %swap3A_375] {strides = array<i32>} : memref<80x128xf32, #tpu.memory_space<vmem>>, vector<1x16xf32>,
        %swap3A_377 = vector.shape_cast %swap3A_376 : vector<1x16xf32> to vector<16xf32>
        %swap3A_378 = vector.shape_cast %max3A_373 : vector<16xf32> to vector<1x16xf32>
        tpu.vector_store %arg11[%swap3A_374, %swap3A_375], %swap3A_378 {strides = array<i32>} : memref<80x128xf32, #tpu.memory_space<vmem>>, vector<1x16xf32>,
        %scan3A_379 = arith.constant 5 : i32
        %scan3A_380 = arith.addi %scan3A_87, %scan3A_379 : i32
        %jit3A_381 = arith.constant 8 : i32
        %div3A_382 = arith.divsi %scan3A_380, %jit3A_381 : i32
        %sign3A_383 = arith.constant 0 : i32
        %sign3A_384 = arith.cmpi sgt, %scan3A_380, %sign3A_383 : i32
        %sign3A_385 = arith.extui %sign3A_384 : i1 to i32
        %sign3A_386 = arith.constant 0 : i32
        %sign3A_387 = arith.cmpi slt, %scan3A_380, %sign3A_386 : i32
        %sign3A_388 = arith.extui %sign3A_387 : i1 to i32
        %sign3A_389 = arith.subi %sign3A_385, %sign3A_388 : i32
        %sign3A_390 = arith.constant 0 : i32
        %sign3A_391 = arith.cmpi sgt, %jit3A_381, %sign3A_390 : i32
        %sign3A_392 = arith.extui %sign3A_391 : i1 to i32
        %sign3A_393 = arith.constant 0 : i32
        %sign3A_394 = arith.cmpi slt, %jit3A_381, %sign3A_393 : i32
        %sign3A_395 = arith.extui %sign3A_394 : i1 to i32
        %sign3A_396 = arith.subi %sign3A_392, %sign3A_395 : i32
        %ne3A_397 = arith.cmpi ne, %sign3A_389, %sign3A_396 : i32
        %rem3A_398 = arith.remsi %scan3A_380, %jit3A_381 : i32
        %ne3A_399 = arith.constant 0 : i32
        %ne3A_400 = arith.cmpi ne, %rem3A_398, %ne3A_399 : i32
        %and3A_401 = arith.andi %ne3A_397, %ne3A_400 : i1
        %sub3A_402 = arith.constant 1 : i32
        %sub3A_403 = arith.subi %div3A_382, %sub3A_402 : i32
        %select_n3A_404 = arith.select %and3A_401, %sub3A_403, %div3A_382 : i32
        %jit3A_405 = arith.constant 8 : i32
        %eq3A_406 = arith.constant 0 : i32
        %eq3A_407 = arith.cmpi eq, %jit3A_405, %eq3A_406 : i32
        %jit3A_408 = arith.constant 1 : i32
        %select_n3A_409 = arith.select %eq3A_407, %jit3A_408, %jit3A_405 : i32
        %rem3A_410 = arith.remsi %scan3A_380, %select_n3A_409 : i32
        %ne3A_411 = arith.constant 0 : i32
        %ne3A_412 = arith.cmpi ne, %rem3A_410, %ne3A_411 : i32
        %lt3A_413 = arith.constant 0 : i32
        %lt3A_414 = arith.cmpi slt, %rem3A_410, %lt3A_413 : i32
        %lt3A_415 = arith.constant 0 : i32
        %lt3A_416 = arith.cmpi slt, %select_n3A_409, %lt3A_415 : i32
        %ne3A_417 = arith.xori %lt3A_414, %lt3A_416 : i1
        %and3A_418 = arith.andi %ne3A_417, %ne3A_412 : i1
        %add3A_419 = arith.addi %rem3A_410, %select_n3A_409 : i32
        %select_n3A_420 = arith.select %and3A_418, %add3A_419, %rem3A_410 : i32
        %mul3A_421 = arith.constant 16 : i32
        %mul3A_422 = arith.muli %select_n3A_420, %mul3A_421 : i32
        %get3A_423 = arith.index_cast %select_n3A_404 : i32 to index
        %get3A_424 = arith.index_cast %mul3A_422 : i32 to index
        %get3A_425 = tpu.vector_load %arg11[%get3A_423, %get3A_424] {strides = array<i32>} : memref<80x128xf32, #tpu.memory_space<vmem>>, vector<1x16xf32>,
        %get3A_426 = vector.shape_cast %get3A_425 : vector<1x16xf32> to vector<16xf32>
        %get3A_427 = arith.index_cast %select_n3A_404 : i32 to index
        %get3A_428 = arith.index_cast %mul3A_422 : i32 to index
        %get3A_429 = tpu.vector_load %arg12[%get3A_427, %get3A_428] {strides = array<i32>} : memref<80x128xf32, #tpu.memory_space<vmem>>, vector<1x16xf32>,
        %get3A_430 = vector.shape_cast %get3A_429 : vector<1x16xf32> to vector<16xf32>
        %add3A_431 = arith.addf %get3A_426, %get3A_430 : vector<16xf32>
        %max3A_432 = arith.constant 0.000000e+00 : f32
        %max3A_433 = vector.broadcast %max3A_432 : f32 to vector<16xf32>
        %max3A_434 = arith.maximumf %add3A_431, %max3A_433 : vector<16xf32>
        %swap3A_435 = arith.index_cast %select_n3A_404 : i32 to index
        %swap3A_436 = arith.index_cast %mul3A_422 : i32 to index
        %swap3A_437 = tpu.vector_load %arg11[%swap3A_435, %swap3A_436] {strides = array<i32>} : memref<80x128xf32, #tpu.memory_space<vmem>>, vector<1x16xf32>,
        %swap3A_438 = vector.shape_cast %swap3A_437 : vector<1x16xf32> to vector<16xf32>
        %swap3A_439 = vector.shape_cast %max3A_434 : vector<16xf32> to vector<1x16xf32>
        tpu.vector_store %arg11[%swap3A_435, %swap3A_436], %swap3A_439 {strides = array<i32>} : memref<80x128xf32, #tpu.memory_space<vmem>>, vector<1x16xf32>,
        %scan3A_440 = arith.constant 6 : i32
        %scan3A_441 = arith.addi %scan3A_87, %scan3A_440 : i32
        %jit3A_442 = arith.constant 8 : i32
        %div3A_443 = arith.divsi %scan3A_441, %jit3A_442 : i32
        %sign3A_444 = arith.constant 0 : i32
        %sign3A_445 = arith.cmpi sgt, %scan3A_441, %sign3A_444 : i32
        %sign3A_446 = arith.extui %sign3A_445 : i1 to i32
        %sign3A_447 = arith.constant 0 : i32
        %sign3A_448 = arith.cmpi slt, %scan3A_441, %sign3A_447 : i32
        %sign3A_449 = arith.extui %sign3A_448 : i1 to i32
        %sign3A_450 = arith.subi %sign3A_446, %sign3A_449 : i32
        %sign3A_451 = arith.constant 0 : i32
        %sign3A_452 = arith.cmpi sgt, %jit3A_442, %sign3A_451 : i32
        %sign3A_453 = arith.extui %sign3A_452 : i1 to i32
        %sign3A_454 = arith.constant 0 : i32
        %sign3A_455 = arith.cmpi slt, %jit3A_442, %sign3A_454 : i32
        %sign3A_456 = arith.extui %sign3A_455 : i1 to i32
        %sign3A_457 = arith.subi %sign3A_453, %sign3A_456 : i32
        %ne3A_458 = arith.cmpi ne, %sign3A_450, %sign3A_457 : i32
        %rem3A_459 = arith.remsi %scan3A_441, %jit3A_442 : i32
        %ne3A_460 = arith.constant 0 : i32
        %ne3A_461 = arith.cmpi ne, %rem3A_459, %ne3A_460 : i32
        %and3A_462 = arith.andi %ne3A_458, %ne3A_461 : i1
        %sub3A_463 = arith.constant 1 : i32
        %sub3A_464 = arith.subi %div3A_443, %sub3A_463 : i32
        %select_n3A_465 = arith.select %and3A_462, %sub3A_464, %div3A_443 : i32
        %jit3A_466 = arith.constant 8 : i32
        %eq3A_467 = arith.constant 0 : i32
        %eq3A_468 = arith.cmpi eq, %jit3A_466, %eq3A_467 : i32
        %jit3A_469 = arith.constant 1 : i32
        %select_n3A_470 = arith.select %eq3A_468, %jit3A_469, %jit3A_466 : i32
        %rem3A_471 = arith.remsi %scan3A_441, %select_n3A_470 : i32
        %ne3A_472 = arith.constant 0 : i32
        %ne3A_473 = arith.cmpi ne, %rem3A_471, %ne3A_472 : i32
        %lt3A_474 = arith.constant 0 : i32
        %lt3A_475 = arith.cmpi slt, %rem3A_471, %lt3A_474 : i32
        %lt3A_476 = arith.constant 0 : i32
        %lt3A_477 = arith.cmpi slt, %select_n3A_470, %lt3A_476 : i32
        %ne3A_478 = arith.xori %lt3A_475, %lt3A_477 : i1
        %and3A_479 = arith.andi %ne3A_478, %ne3A_473 : i1
        %add3A_480 = arith.addi %rem3A_471, %select_n3A_470 : i32
        %select_n3A_481 = arith.select %and3A_479, %add3A_480, %rem3A_471 : i32
        %mul3A_482 = arith.constant 16 : i32
        %mul3A_483 = arith.muli %select_n3A_481, %mul3A_482 : i32
        %get3A_484 = arith.index_cast %select_n3A_465 : i32 to index
        %get3A_485 = arith.index_cast %mul3A_483 : i32 to index
        %get3A_486 = tpu.vector_load %arg11[%get3A_484, %get3A_485] {strides = array<i32>} : memref<80x128xf32, #tpu.memory_space<vmem>>, vector<1x16xf32>,
        %get3A_487 = vector.shape_cast %get3A_486 : vector<1x16xf32> to vector<16xf32>
        %get3A_488 = arith.index_cast %select_n3A_465 : i32 to index
        %get3A_489 = arith.index_cast %mul3A_483 : i32 to index
        %get3A_490 = tpu.vector_load %arg12[%get3A_488, %get3A_489] {strides = array<i32>} : memref<80x128xf32, #tpu.memory_space<vmem>>, vector<1x16xf32>,
        %get3A_491 = vector.shape_cast %get3A_490 : vector<1x16xf32> to vector<16xf32>
        %add3A_492 = arith.addf %get3A_487, %get3A_491 : vector<16xf32>
        %max3A_493 = arith.constant 0.000000e+00 : f32
        %max3A_494 = vector.broadcast %max3A_493 : f32 to vector<16xf32>
        %max3A_495 = arith.maximumf %add3A_492, %max3A_494 : vector<16xf32>
        %swap3A_496 = arith.index_cast %select_n3A_465 : i32 to index
        %swap3A_497 = arith.index_cast %mul3A_483 : i32 to index
        %swap3A_498 = tpu.vector_load %arg11[%swap3A_496, %swap3A_497] {strides = array<i32>} : memref<80x128xf32, #tpu.memory_space<vmem>>, vector<1x16xf32>,
        %swap3A_499 = vector.shape_cast %swap3A_498 : vector<1x16xf32> to vector<16xf32>
        %swap3A_500 = vector.shape_cast %max3A_495 : vector<16xf32> to vector<1x16xf32>
        tpu.vector_store %arg11[%swap3A_496, %swap3A_497], %swap3A_500 {strides = array<i32>} : memref<80x128xf32, #tpu.memory_space<vmem>>, vector<1x16xf32>,
        %scan3A_501 = arith.constant 7 : i32
        %scan3A_502 = arith.addi %scan3A_87, %scan3A_501 : i32
        %jit3A_503 = arith.constant 8 : i32
        %div3A_504 = arith.divsi %scan3A_502, %jit3A_503 : i32
        %sign3A_505 = arith.constant 0 : i32
        %sign3A_506 = arith.cmpi sgt, %scan3A_502, %sign3A_505 : i32
        %sign3A_507 = arith.extui %sign3A_506 : i1 to i32
        %sign3A_508 = arith.constant 0 : i32
        %sign3A_509 = arith.cmpi slt, %scan3A_502, %sign3A_508 : i32
        %sign3A_510 = arith.extui %sign3A_509 : i1 to i32
        %sign3A_511 = arith.subi %sign3A_507, %sign3A_510 : i32
        %sign3A_512 = arith.constant 0 : i32
        %sign3A_513 = arith.cmpi sgt, %jit3A_503, %sign3A_512 : i32
        %sign3A_514 = arith.extui %sign3A_513 : i1 to i32
        %sign3A_515 = arith.constant 0 : i32
        %sign3A_516 = arith.cmpi slt, %jit3A_503, %sign3A_515 : i32
        %sign3A_517 = arith.extui %sign3A_516 : i1 to i32
        %sign3A_518 = arith.subi %sign3A_514, %sign3A_517 : i32
        %ne3A_519 = arith.cmpi ne, %sign3A_511, %sign3A_518 : i32
        %rem3A_520 = arith.remsi %scan3A_502, %jit3A_503 : i32
        %ne3A_521 = arith.constant 0 : i32
        %ne3A_522 = arith.cmpi ne, %rem3A_520, %ne3A_521 : i32
        %and3A_523 = arith.andi %ne3A_519, %ne3A_522 : i1
        %sub3A_524 = arith.constant 1 : i32
        %sub3A_525 = arith.subi %div3A_504, %sub3A_524 : i32
        %select_n3A_526 = arith.select %and3A_523, %sub3A_525, %div3A_504 : i32
        %jit3A_527 = arith.constant 8 : i32
        %eq3A_528 = arith.constant 0 : i32
        %eq3A_529 = arith.cmpi eq, %jit3A_527, %eq3A_528 : i32
        %jit3A_530 = arith.constant 1 : i32
        %select_n3A_531 = arith.select %eq3A_529, %jit3A_530, %jit3A_527 : i32
        %rem3A_532 = arith.remsi %scan3A_502, %select_n3A_531 : i32
        %ne3A_533 = arith.constant 0 : i32
        %ne3A_534 = arith.cmpi ne, %rem3A_532, %ne3A_533 : i32
        %lt3A_535 = arith.constant 0 : i32
        %lt3A_536 = arith.cmpi slt, %rem3A_532, %lt3A_535 : i32
        %lt3A_537 = arith.constant 0 : i32
        %lt3A_538 = arith.cmpi slt, %select_n3A_531, %lt3A_537 : i32
        %ne3A_539 = arith.xori %lt3A_536, %lt3A_538 : i1
        %and3A_540 = arith.andi %ne3A_539, %ne3A_534 : i1
        %add3A_541 = arith.addi %rem3A_532, %select_n3A_531 : i32
        %select_n3A_542 = arith.select %and3A_540, %add3A_541, %rem3A_532 : i32
        %mul3A_543 = arith.constant 16 : i32
        %mul3A_544 = arith.muli %select_n3A_542, %mul3A_543 : i32
        %get3A_545 = arith.index_cast %select_n3A_526 : i32 to index
        %get3A_546 = arith.index_cast %mul3A_544 : i32 to index
        %get3A_547 = tpu.vector_load %arg11[%get3A_545, %get3A_546] {strides = array<i32>} : memref<80x128xf32, #tpu.memory_space<vmem>>, vector<1x16xf32>,
        %get3A_548 = vector.shape_cast %get3A_547 : vector<1x16xf32> to vector<16xf32>
        %get3A_549 = arith.index_cast %select_n3A_526 : i32 to index
        %get3A_550 = arith.index_cast %mul3A_544 : i32 to index
        %get3A_551 = tpu.vector_load %arg12[%get3A_549, %get3A_550] {strides = array<i32>} : memref<80x128xf32, #tpu.memory_space<vmem>>, vector<1x16xf32>,
        %get3A_552 = vector.shape_cast %get3A_551 : vector<1x16xf32> to vector<16xf32>
        %add3A_553 = arith.addf %get3A_548, %get3A_552 : vector<16xf32>
        %max3A_554 = arith.constant 0.000000e+00 : f32
        %max3A_555 = vector.broadcast %max3A_554 : f32 to vector<16xf32>
        %max3A_556 = arith.maximumf %add3A_553, %max3A_555 : vector<16xf32>
        %swap3A_557 = arith.index_cast %select_n3A_526 : i32 to index
        %swap3A_558 = arith.index_cast %mul3A_544 : i32 to index
        %swap3A_559 = tpu.vector_load %arg11[%swap3A_557, %swap3A_558] {strides = array<i32>} : memref<80x128xf32, #tpu.memory_space<vmem>>, vector<1x16xf32>,
        %swap3A_560 = vector.shape_cast %swap3A_559 : vector<1x16xf32> to vector<16xf32>
        %swap3A_561 = vector.shape_cast %max3A_556 : vector<16xf32> to vector<1x16xf32>
        tpu.vector_store %arg11[%swap3A_557, %swap3A_558], %swap3A_561 {strides = array<i32>} : memref<80x128xf32, #tpu.memory_space<vmem>>, vector<1x16xf32>,
      }
      %scan3A_70 = arith.constant 640 : i32
      %dma_wait3A_71 = tpu.memref_slice %arg5[%add3A_57] : memref<320000xi32, #tpu.memory_space<hbm>> -> memref<80xi32, #tpu.memory_space<hbm>>
      %dma_wait3A_72 = tpu.memref_slice %arg5[%add3A_57] : memref<320000xi32, #tpu.memory_space<hbm>> -> memref<80xi32, #tpu.memory_space<hbm>>
      tpu.wait_dma2 semaphore(%arg21 : memref<!tpu.dma_semaphore, #tpu.memory_space<semaphore_mem>>) src(%dma_wait3A_72 : memref<80xi32, #tpu.memory_space<hbm>>) dst(%arg8 : memref<80xi32, #tpu.memory_space<vmem>>)
      "tpu.region"() ({
        %run_scoped3A = tpu.sem_alloc : memref<!tpu.dma_semaphore, #tpu.memory_space<semaphore_mem>>
        %dma_start3A_87 = arith.constant 0 : i32
        %dma_start3A_88 = arith.constant 0 : i32
        %dma_start3A_89 = tpu.memref_slice %arg15[%dma_start3A_87, %dma_start3A_88] : memref<10000x128xf32, #tpu.memory_space<vmem_shared>> -> memref<10000x128xf32, #tpu.memory_space<vmem_shared>>
        tpu.enqueue_indirect_dma source(%arg11 : memref<80x128xf32, #tpu.memory_space<vmem>>) target(%dma_start3A_89 : memref<10000x128xf32, #tpu.memory_space<vmem_shared>>) offsets(%arg8 : memref<80xi32, #tpu.memory_space<vmem>>) semaphore(%run_scoped3A : memref<!tpu.dma_semaphore, #tpu.memory_space<semaphore_mem>>) {add = true}
        %dma_wait3A_90 = arith.constant 0 : i32
        %dma_wait3A_91 = arith.constant 0 : i32
        %dma_wait3A_92 = tpu.memref_slice %arg15[%dma_wait3A_90, %dma_wait3A_91] : memref<10000x128xf32, #tpu.memory_space<vmem_shared>> -> memref<10000x128xf32, #tpu.memory_space<vmem_shared>>
        tpu.wait_indirect_dma semaphore(%run_scoped3A : memref<!tpu.dma_semaphore, #tpu.memory_space<semaphore_mem>>) src(%arg11 : memref<80x128xf32, #tpu.memory_space<vmem>>) dst(%dma_wait3A_92 : memref<10000x128xf32, #tpu.memory_space<vmem_shared>>)
        tpu.yield
      }) : () -> ()
      %add3A_73 = arith.constant 2 : i32
      %add3A_74 = arith.addi %mul3A_50, %add3A_73 : i32
      %lt3A_75 = arith.constant 125 : i32
      %lt3A_76 = arith.cmpi slt, %add3A_74, %lt3A_75 : i32
      %convert_element_type3A_77 = arith.extui %lt3A_76 : i1 to i32
      %cond3A_78 = arith.constant 0 : i32
      %cond3A_79 = arith.cmpi ne, %convert_element_type3A_77, %cond3A_78 : i32
      scf.if %cond3A_79 {
        %add3A_87 = arith.constant 2 : i32
        %add3A_88 = arith.addi %mul3A_50, %add3A_87 : i32
        %mul3A_89 = arith.constant 80 : i32
        %mul3A_90 = arith.muli %add3A_88, %mul3A_89 : i32
        %add3A_91 = arith.addi %mul3A_13, %mul3A_90 : i32
        %dma_start3A_92 = tpu.memref_slice %arg4[%add3A_91] : memref<320000xi32, #tpu.memory_space<hbm>> -> memref<80xi32, #tpu.memory_space<hbm>>
        %dma_start3A_93 = tpu.memref_slice %arg4[%add3A_91] : memref<320000xi32, #tpu.memory_space<hbm>> -> memref<80xi32, #tpu.memory_space<hbm>>
        tpu.enqueue_dma source(%dma_start3A_93 : memref<80xi32, #tpu.memory_space<hbm>>) target(%arg7 : memref<80xi32, #tpu.memory_space<vmem>>) target_semaphore(%arg20 : memref<!tpu.dma_semaphore, #tpu.memory_space<semaphore_mem>>)
        %dma_start3A_94 = tpu.memref_slice %arg5[%add3A_91] : memref<320000xi32, #tpu.memory_space<hbm>> -> memref<80xi32, #tpu.memory_space<hbm>>
        %dma_start3A_95 = tpu.memref_slice %arg5[%add3A_91] : memref<320000xi32, #tpu.memory_space<hbm>> -> memref<80xi32, #tpu.memory_space<hbm>>
        tpu.enqueue_dma source(%dma_start3A_95 : memref<80xi32, #tpu.memory_space<hbm>>) target(%arg8 : memref<80xi32, #tpu.memory_space<vmem>>) target_semaphore(%arg21 : memref<!tpu.dma_semaphore, #tpu.memory_space<semaphore_mem>>)
      } else {
      }
      %add3A_80 = arith.constant 1 : i32
      %add3A_81 = arith.addi %mul3A_50, %add3A_80 : i32
      %lt3A_82 = arith.constant 125 : i32
      %lt3A_83 = arith.cmpi slt, %add3A_81, %lt3A_82 : i32
      %convert_element_type3A_84 = arith.extui %lt3A_83 : i1 to i32
      %cond3A_85 = arith.constant 0 : i32
      %cond3A_86 = arith.cmpi ne, %convert_element_type3A_84, %cond3A_85 : i32
      scf.if %cond3A_86 {
        %add3A_87 = arith.constant 1 : i32
        %add3A_88 = arith.addi %mul3A_50, %add3A_87 : i32
        %add3A_89 = arith.constant 1 : i32
        %add3A_90 = arith.addi %add3A_88, %add3A_89 : i32
        %lt3A_91 = arith.constant 125 : i32
        %lt3A_92 = arith.cmpi slt, %add3A_90, %lt3A_91 : i32
        %convert_element_type3A_93 = arith.extui %lt3A_92 : i1 to i32
        %cond3A_94 = arith.constant 0 : i32
        %cond3A_95 = arith.cmpi ne, %convert_element_type3A_93, %cond3A_94 : i32
        scf.if %cond3A_95 {
          %add3A_121 = arith.constant 1 : i32
          %add3A_122 = arith.addi %add3A_88, %add3A_121 : i32
          %mul3A_123 = arith.constant 80 : i32
          %mul3A_124 = arith.muli %add3A_122, %mul3A_123 : i32
          %add3A_125 = arith.addi %mul3A_13, %mul3A_124 : i32
          %dma_wait3A_126 = tpu.memref_slice %arg4[%add3A_125] : memref<320000xi32, #tpu.memory_space<hbm>> -> memref<80xi32, #tpu.memory_space<hbm>>
          %dma_wait3A_127 = tpu.memref_slice %arg4[%add3A_125] : memref<320000xi32, #tpu.memory_space<hbm>> -> memref<80xi32, #tpu.memory_space<hbm>>
          tpu.wait_dma2 semaphore(%arg20 : memref<!tpu.dma_semaphore, #tpu.memory_space<semaphore_mem>>) src(%dma_wait3A_127 : memref<80xi32, #tpu.memory_space<hbm>>) dst(%arg7 : memref<80xi32, #tpu.memory_space<vmem>>)
          %dma_start3A_128 = arith.constant 0 : i32
          %dma_start3A_129 = arith.constant 0 : i32
          %dma_start3A_130 = tpu.memref_slice %arg2[%dma_start3A_128, %dma_start3A_129] : memref<10000x128xf32, #tpu.memory_space<hbm>> -> memref<10000x128xf32, #tpu.memory_space<hbm>>
          tpu.enqueue_indirect_dma source(%dma_start3A_130 : memref<10000x128xf32, #tpu.memory_space<hbm>>) target(%arg11 : memref<80x128xf32, #tpu.memory_space<vmem>>) offsets(%arg7 : memref<80xi32, #tpu.memory_space<vmem>>) semaphore(%arg16 : memref<!tpu.dma_semaphore, #tpu.memory_space<semaphore_mem>>)
          %dma_start3A_131 = arith.constant 0 : i32
          %dma_start3A_132 = tpu.memref_slice %arg3[%add3A_125, %dma_start3A_131] : memref<320000x128xf32, #tpu.memory_space<hbm>> -> memref<80x128xf32, #tpu.memory_space<hbm>>
          %dma_start3A_133 = arith.constant 0 : i32
          %dma_start3A_134 = tpu.memref_slice %arg3[%add3A_125, %dma_start3A_133] : memref<320000x128xf32, #tpu.memory_space<hbm>> -> memref<80x128xf32, #tpu.memory_space<hbm>>
          tpu.enqueue_dma source(%dma_start3A_134 : memref<80x128xf32, #tpu.memory_space<hbm>>) target(%arg12 : memref<80x128xf32, #tpu.memory_space<vmem>>) target_semaphore(%arg17 : memref<!tpu.dma_semaphore, #tpu.memory_space<semaphore_mem>>)
        } else {
        }
        %mul3A_96 = arith.constant 80 : i32
        %mul3A_97 = arith.muli %add3A_88, %mul3A_96 : i32
        %add3A_98 = arith.addi %mul3A_13, %mul3A_97 : i32
        %dma_wait3A_99 = arith.constant 0 : i32
        %dma_wait3A_100 = arith.constant 0 : i32
        %dma_wait3A_101 = tpu.memref_slice %arg2[%dma_wait3A_99, %dma_wait3A_100] : memref<10000x128xf32, #tpu.memory_space<hbm>> -> memref<10000x128xf32, #tpu.memory_space<hbm>>
        tpu.wait_indirect_dma semaphore(%arg18 : memref<!tpu.dma_semaphore, #tpu.memory_space<semaphore_mem>>) src(%dma_wait3A_101 : memref<10000x128xf32, #tpu.memory_space<hbm>>) dst(%arg13 : memref<80x128xf32, #tpu.memory_space<vmem>>)
        %dma_wait3A_102 = arith.constant 0 : i32
        %dma_wait3A_103 = tpu.memref_slice %arg3[%add3A_98, %dma_wait3A_102] : memref<320000x128xf32, #tpu.memory_space<hbm>> -> memref<80x128xf32, #tpu.memory_space<hbm>>
        %dma_wait3A_104 = arith.constant 0 : i32
        %dma_wait3A_105 = tpu.memref_slice %arg3[%add3A_98, %dma_wait3A_104] : memref<320000x128xf32, #tpu.memory_space<hbm>> -> memref<80x128xf32, #tpu.memory_space<hbm>>
        tpu.wait_dma2 semaphore(%arg19 : memref<!tpu.dma_semaphore, #tpu.memory_space<semaphore_mem>>) src(%dma_wait3A_105 : memref<80x128xf32, #tpu.memory_space<hbm>>) dst(%arg14 : memref<80x128xf32, #tpu.memory_space<vmem>>)
        %scan3A_106 = arith.constant 0 : i32
        %scan3A_107 = arith.constant 0 : i32
        %scan3A_108 = arith.constant 640 : i32
        %scan3A_109 = arith.addi %scan3A_107, %scan3A_108 : i32
        %scan3A_110 = arith.constant 8 : i32
        scf.for %scan3A_121 = %scan3A_107 to %scan3A_109 step %scan3A_110  : i32 {
          %jit3A = arith.constant 8 : i32
          %div3A = arith.divsi %scan3A_121, %jit3A : i32
          %sign3A = arith.constant 0 : i32
          %sign3A_122 = arith.cmpi sgt, %scan3A_121, %sign3A : i32
          %sign3A_123 = arith.extui %sign3A_122 : i1 to i32
          %sign3A_124 = arith.constant 0 : i32
          %sign3A_125 = arith.cmpi slt, %scan3A_121, %sign3A_124 : i32
          %sign3A_126 = arith.extui %sign3A_125 : i1 to i32
          %sign3A_127 = arith.subi %sign3A_123, %sign3A_126 : i32
          %sign3A_128 = arith.constant 0 : i32
          %sign3A_129 = arith.cmpi sgt, %jit3A, %sign3A_128 : i32
          %sign3A_130 = arith.extui %sign3A_129 : i1 to i32
          %sign3A_131 = arith.constant 0 : i32
          %sign3A_132 = arith.cmpi slt, %jit3A, %sign3A_131 : i32
          %sign3A_133 = arith.extui %sign3A_132 : i1 to i32
          %sign3A_134 = arith.subi %sign3A_130, %sign3A_133 : i32
          %ne3A = arith.cmpi ne, %sign3A_127, %sign3A_134 : i32
          %rem3A = arith.remsi %scan3A_121, %jit3A : i32
          %ne3A_135 = arith.constant 0 : i32
          %ne3A_136 = arith.cmpi ne, %rem3A, %ne3A_135 : i32
          %and3A = arith.andi %ne3A, %ne3A_136 : i1
          %sub3A = arith.constant 1 : i32
          %sub3A_137 = arith.subi %div3A, %sub3A : i32
          %select_n3A = arith.select %and3A, %sub3A_137, %div3A : i32
          %jit3A_138 = arith.constant 8 : i32
          %eq3A = arith.constant 0 : i32
          %eq3A_139 = arith.cmpi eq, %jit3A_138, %eq3A : i32
          %jit3A_140 = arith.constant 1 : i32
          %select_n3A_141 = arith.select %eq3A_139, %jit3A_140, %jit3A_138 : i32
          %rem3A_142 = arith.remsi %scan3A_121, %select_n3A_141 : i32
          %ne3A_143 = arith.constant 0 : i32
          %ne3A_144 = arith.cmpi ne, %rem3A_142, %ne3A_143 : i32
          %lt3A_145 = arith.constant 0 : i32
          %lt3A_146 = arith.cmpi slt, %rem3A_142, %lt3A_145 : i32
          %lt3A_147 = arith.constant 0 : i32
          %lt3A_148 = arith.cmpi slt, %select_n3A_141, %lt3A_147 : i32
          %ne3A_149 = arith.xori %lt3A_146, %lt3A_148 : i1
          %and3A_150 = arith.andi %ne3A_149, %ne3A_144 : i1
          %add3A_151 = arith.addi %rem3A_142, %select_n3A_141 : i32
          %select_n3A_152 = arith.select %and3A_150, %add3A_151, %rem3A_142 : i32
          %mul3A_153 = arith.constant 16 : i32
          %mul3A_154 = arith.muli %select_n3A_152, %mul3A_153 : i32
          %get3A = arith.index_cast %select_n3A : i32 to index
          %get3A_155 = arith.index_cast %mul3A_154 : i32 to index
          %get3A_156 = tpu.vector_load %arg13[%get3A, %get3A_155] {strides = array<i32>} : memref<80x128xf32, #tpu.memory_space<vmem>>, vector<1x16xf32>,
          %get3A_157 = vector.shape_cast %get3A_156 : vector<1x16xf32> to vector<16xf32>
          %get3A_158 = arith.index_cast %select_n3A : i32 to index
          %get3A_159 = arith.index_cast %mul3A_154 : i32 to index
          %get3A_160 = tpu.vector_load %arg14[%get3A_158, %get3A_159] {strides = array<i32>} : memref<80x128xf32, #tpu.memory_space<vmem>>, vector<1x16xf32>,
          %get3A_161 = vector.shape_cast %get3A_160 : vector<1x16xf32> to vector<16xf32>
          %add3A_162 = arith.addf %get3A_157, %get3A_161 : vector<16xf32>
          %max3A = arith.constant 0.000000e+00 : f32
          %max3A_163 = vector.broadcast %max3A : f32 to vector<16xf32>
          %max3A_164 = arith.maximumf %add3A_162, %max3A_163 : vector<16xf32>
          %swap3A = arith.index_cast %select_n3A : i32 to index
          %swap3A_165 = arith.index_cast %mul3A_154 : i32 to index
          %swap3A_166 = tpu.vector_load %arg13[%swap3A, %swap3A_165] {strides = array<i32>} : memref<80x128xf32, #tpu.memory_space<vmem>>, vector<1x16xf32>,
          %swap3A_167 = vector.shape_cast %swap3A_166 : vector<1x16xf32> to vector<16xf32>
          %swap3A_168 = vector.shape_cast %max3A_164 : vector<16xf32> to vector<1x16xf32>
          tpu.vector_store %arg13[%swap3A, %swap3A_165], %swap3A_168 {strides = array<i32>} : memref<80x128xf32, #tpu.memory_space<vmem>>, vector<1x16xf32>,
          %scan3A_169 = arith.constant 1 : i32
          %scan3A_170 = arith.addi %scan3A_121, %scan3A_169 : i32
          %jit3A_171 = arith.constant 8 : i32
          %div3A_172 = arith.divsi %scan3A_170, %jit3A_171 : i32
          %sign3A_173 = arith.constant 0 : i32
          %sign3A_174 = arith.cmpi sgt, %scan3A_170, %sign3A_173 : i32
          %sign3A_175 = arith.extui %sign3A_174 : i1 to i32
          %sign3A_176 = arith.constant 0 : i32
          %sign3A_177 = arith.cmpi slt, %scan3A_170, %sign3A_176 : i32
          %sign3A_178 = arith.extui %sign3A_177 : i1 to i32
          %sign3A_179 = arith.subi %sign3A_175, %sign3A_178 : i32
          %sign3A_180 = arith.constant 0 : i32
          %sign3A_181 = arith.cmpi sgt, %jit3A_171, %sign3A_180 : i32
          %sign3A_182 = arith.extui %sign3A_181 : i1 to i32
          %sign3A_183 = arith.constant 0 : i32
          %sign3A_184 = arith.cmpi slt, %jit3A_171, %sign3A_183 : i32
          %sign3A_185 = arith.extui %sign3A_184 : i1 to i32
          %sign3A_186 = arith.subi %sign3A_182, %sign3A_185 : i32
          %ne3A_187 = arith.cmpi ne, %sign3A_179, %sign3A_186 : i32
          %rem3A_188 = arith.remsi %scan3A_170, %jit3A_171 : i32
          %ne3A_189 = arith.constant 0 : i32
          %ne3A_190 = arith.cmpi ne, %rem3A_188, %ne3A_189 : i32
          %and3A_191 = arith.andi %ne3A_187, %ne3A_190 : i1
          %sub3A_192 = arith.constant 1 : i32
          %sub3A_193 = arith.subi %div3A_172, %sub3A_192 : i32
          %select_n3A_194 = arith.select %and3A_191, %sub3A_193, %div3A_172 : i32
          %jit3A_195 = arith.constant 8 : i32
          %eq3A_196 = arith.constant 0 : i32
          %eq3A_197 = arith.cmpi eq, %jit3A_195, %eq3A_196 : i32
          %jit3A_198 = arith.constant 1 : i32
          %select_n3A_199 = arith.select %eq3A_197, %jit3A_198, %jit3A_195 : i32
          %rem3A_200 = arith.remsi %scan3A_170, %select_n3A_199 : i32
          %ne3A_201 = arith.constant 0 : i32
          %ne3A_202 = arith.cmpi ne, %rem3A_200, %ne3A_201 : i32
          %lt3A_203 = arith.constant 0 : i32
          %lt3A_204 = arith.cmpi slt, %rem3A_200, %lt3A_203 : i32
          %lt3A_205 = arith.constant 0 : i32
          %lt3A_206 = arith.cmpi slt, %select_n3A_199, %lt3A_205 : i32
          %ne3A_207 = arith.xori %lt3A_204, %lt3A_206 : i1
          %and3A_208 = arith.andi %ne3A_207, %ne3A_202 : i1
          %add3A_209 = arith.addi %rem3A_200, %select_n3A_199 : i32
          %select_n3A_210 = arith.select %and3A_208, %add3A_209, %rem3A_200 : i32
          %mul3A_211 = arith.constant 16 : i32
          %mul3A_212 = arith.muli %select_n3A_210, %mul3A_211 : i32
          %get3A_213 = arith.index_cast %select_n3A_194 : i32 to index
          %get3A_214 = arith.index_cast %mul3A_212 : i32 to index
          %get3A_215 = tpu.vector_load %arg13[%get3A_213, %get3A_214] {strides = array<i32>} : memref<80x128xf32, #tpu.memory_space<vmem>>, vector<1x16xf32>,
          %get3A_216 = vector.shape_cast %get3A_215 : vector<1x16xf32> to vector<16xf32>
          %get3A_217 = arith.index_cast %select_n3A_194 : i32 to index
          %get3A_218 = arith.index_cast %mul3A_212 : i32 to index
          %get3A_219 = tpu.vector_load %arg14[%get3A_217, %get3A_218] {strides = array<i32>} : memref<80x128xf32, #tpu.memory_space<vmem>>, vector<1x16xf32>,
          %get3A_220 = vector.shape_cast %get3A_219 : vector<1x16xf32> to vector<16xf32>
          %add3A_221 = arith.addf %get3A_216, %get3A_220 : vector<16xf32>
          %max3A_222 = arith.constant 0.000000e+00 : f32
          %max3A_223 = vector.broadcast %max3A_222 : f32 to vector<16xf32>
          %max3A_224 = arith.maximumf %add3A_221, %max3A_223 : vector<16xf32>
          %swap3A_225 = arith.index_cast %select_n3A_194 : i32 to index
          %swap3A_226 = arith.index_cast %mul3A_212 : i32 to index
          %swap3A_227 = tpu.vector_load %arg13[%swap3A_225, %swap3A_226] {strides = array<i32>} : memref<80x128xf32, #tpu.memory_space<vmem>>, vector<1x16xf32>,
          %swap3A_228 = vector.shape_cast %swap3A_227 : vector<1x16xf32> to vector<16xf32>
          %swap3A_229 = vector.shape_cast %max3A_224 : vector<16xf32> to vector<1x16xf32>
          tpu.vector_store %arg13[%swap3A_225, %swap3A_226], %swap3A_229 {strides = array<i32>} : memref<80x128xf32, #tpu.memory_space<vmem>>, vector<1x16xf32>,
          %scan3A_230 = arith.constant 2 : i32
          %scan3A_231 = arith.addi %scan3A_121, %scan3A_230 : i32
          %jit3A_232 = arith.constant 8 : i32
          %div3A_233 = arith.divsi %scan3A_231, %jit3A_232 : i32
          %sign3A_234 = arith.constant 0 : i32
          %sign3A_235 = arith.cmpi sgt, %scan3A_231, %sign3A_234 : i32
          %sign3A_236 = arith.extui %sign3A_235 : i1 to i32
          %sign3A_237 = arith.constant 0 : i32
          %sign3A_238 = arith.cmpi slt, %scan3A_231, %sign3A_237 : i32
          %sign3A_239 = arith.extui %sign3A_238 : i1 to i32
          %sign3A_240 = arith.subi %sign3A_236, %sign3A_239 : i32
          %sign3A_241 = arith.constant 0 : i32
          %sign3A_242 = arith.cmpi sgt, %jit3A_232, %sign3A_241 : i32
          %sign3A_243 = arith.extui %sign3A_242 : i1 to i32
          %sign3A_244 = arith.constant 0 : i32
          %sign3A_245 = arith.cmpi slt, %jit3A_232, %sign3A_244 : i32
          %sign3A_246 = arith.extui %sign3A_245 : i1 to i32
          %sign3A_247 = arith.subi %sign3A_243, %sign3A_246 : i32
          %ne3A_248 = arith.cmpi ne, %sign3A_240, %sign3A_247 : i32
          %rem3A_249 = arith.remsi %scan3A_231, %jit3A_232 : i32
          %ne3A_250 = arith.constant 0 : i32
          %ne3A_251 = arith.cmpi ne, %rem3A_249, %ne3A_250 : i32
          %and3A_252 = arith.andi %ne3A_248, %ne3A_251 : i1
          %sub3A_253 = arith.constant 1 : i32
          %sub3A_254 = arith.subi %div3A_233, %sub3A_253 : i32
          %select_n3A_255 = arith.select %and3A_252, %sub3A_254, %div3A_233 : i32
          %jit3A_256 = arith.constant 8 : i32
          %eq3A_257 = arith.constant 0 : i32
          %eq3A_258 = arith.cmpi eq, %jit3A_256, %eq3A_257 : i32
          %jit3A_259 = arith.constant 1 : i32
          %select_n3A_260 = arith.select %eq3A_258, %jit3A_259, %jit3A_256 : i32
          %rem3A_261 = arith.remsi %scan3A_231, %select_n3A_260 : i32
          %ne3A_262 = arith.constant 0 : i32
          %ne3A_263 = arith.cmpi ne, %rem3A_261, %ne3A_262 : i32
          %lt3A_264 = arith.constant 0 : i32
          %lt3A_265 = arith.cmpi slt, %rem3A_261, %lt3A_264 : i32
          %lt3A_266 = arith.constant 0 : i32
          %lt3A_267 = arith.cmpi slt, %select_n3A_260, %lt3A_266 : i32
          %ne3A_268 = arith.xori %lt3A_265, %lt3A_267 : i1
          %and3A_269 = arith.andi %ne3A_268, %ne3A_263 : i1
          %add3A_270 = arith.addi %rem3A_261, %select_n3A_260 : i32
          %select_n3A_271 = arith.select %and3A_269, %add3A_270, %rem3A_261 : i32
          %mul3A_272 = arith.constant 16 : i32
          %mul3A_273 = arith.muli %select_n3A_271, %mul3A_272 : i32
          %get3A_274 = arith.index_cast %select_n3A_255 : i32 to index
          %get3A_275 = arith.index_cast %mul3A_273 : i32 to index
          %get3A_276 = tpu.vector_load %arg13[%get3A_274, %get3A_275] {strides = array<i32>} : memref<80x128xf32, #tpu.memory_space<vmem>>, vector<1x16xf32>,
          %get3A_277 = vector.shape_cast %get3A_276 : vector<1x16xf32> to vector<16xf32>
          %get3A_278 = arith.index_cast %select_n3A_255 : i32 to index
          %get3A_279 = arith.index_cast %mul3A_273 : i32 to index
          %get3A_280 = tpu.vector_load %arg14[%get3A_278, %get3A_279] {strides = array<i32>} : memref<80x128xf32, #tpu.memory_space<vmem>>, vector<1x16xf32>,
          %get3A_281 = vector.shape_cast %get3A_280 : vector<1x16xf32> to vector<16xf32>
          %add3A_282 = arith.addf %get3A_277, %get3A_281 : vector<16xf32>
          %max3A_283 = arith.constant 0.000000e+00 : f32
          %max3A_284 = vector.broadcast %max3A_283 : f32 to vector<16xf32>
          %max3A_285 = arith.maximumf %add3A_282, %max3A_284 : vector<16xf32>
          %swap3A_286 = arith.index_cast %select_n3A_255 : i32 to index
          %swap3A_287 = arith.index_cast %mul3A_273 : i32 to index
          %swap3A_288 = tpu.vector_load %arg13[%swap3A_286, %swap3A_287] {strides = array<i32>} : memref<80x128xf32, #tpu.memory_space<vmem>>, vector<1x16xf32>,
          %swap3A_289 = vector.shape_cast %swap3A_288 : vector<1x16xf32> to vector<16xf32>
          %swap3A_290 = vector.shape_cast %max3A_285 : vector<16xf32> to vector<1x16xf32>
          tpu.vector_store %arg13[%swap3A_286, %swap3A_287], %swap3A_290 {strides = array<i32>} : memref<80x128xf32, #tpu.memory_space<vmem>>, vector<1x16xf32>,
          %scan3A_291 = arith.constant 3 : i32
          %scan3A_292 = arith.addi %scan3A_121, %scan3A_291 : i32
          %jit3A_293 = arith.constant 8 : i32
          %div3A_294 = arith.divsi %scan3A_292, %jit3A_293 : i32
          %sign3A_295 = arith.constant 0 : i32
          %sign3A_296 = arith.cmpi sgt, %scan3A_292, %sign3A_295 : i32
          %sign3A_297 = arith.extui %sign3A_296 : i1 to i32
          %sign3A_298 = arith.constant 0 : i32
          %sign3A_299 = arith.cmpi slt, %scan3A_292, %sign3A_298 : i32
          %sign3A_300 = arith.extui %sign3A_299 : i1 to i32
          %sign3A_301 = arith.subi %sign3A_297, %sign3A_300 : i32
          %sign3A_302 = arith.constant 0 : i32
          %sign3A_303 = arith.cmpi sgt, %jit3A_293, %sign3A_302 : i32
          %sign3A_304 = arith.extui %sign3A_303 : i1 to i32
          %sign3A_305 = arith.constant 0 : i32
          %sign3A_306 = arith.cmpi slt, %jit3A_293, %sign3A_305 : i32
          %sign3A_307 = arith.extui %sign3A_306 : i1 to i32
          %sign3A_308 = arith.subi %sign3A_304, %sign3A_307 : i32
          %ne3A_309 = arith.cmpi ne, %sign3A_301, %sign3A_308 : i32
          %rem3A_310 = arith.remsi %scan3A_292, %jit3A_293 : i32
          %ne3A_311 = arith.constant 0 : i32
          %ne3A_312 = arith.cmpi ne, %rem3A_310, %ne3A_311 : i32
          %and3A_313 = arith.andi %ne3A_309, %ne3A_312 : i1
          %sub3A_314 = arith.constant 1 : i32
          %sub3A_315 = arith.subi %div3A_294, %sub3A_314 : i32
          %select_n3A_316 = arith.select %and3A_313, %sub3A_315, %div3A_294 : i32
          %jit3A_317 = arith.constant 8 : i32
          %eq3A_318 = arith.constant 0 : i32
          %eq3A_319 = arith.cmpi eq, %jit3A_317, %eq3A_318 : i32
          %jit3A_320 = arith.constant 1 : i32
          %select_n3A_321 = arith.select %eq3A_319, %jit3A_320, %jit3A_317 : i32
          %rem3A_322 = arith.remsi %scan3A_292, %select_n3A_321 : i32
          %ne3A_323 = arith.constant 0 : i32
          %ne3A_324 = arith.cmpi ne, %rem3A_322, %ne3A_323 : i32
          %lt3A_325 = arith.constant 0 : i32
          %lt3A_326 = arith.cmpi slt, %rem3A_322, %lt3A_325 : i32
          %lt3A_327 = arith.constant 0 : i32
          %lt3A_328 = arith.cmpi slt, %select_n3A_321, %lt3A_327 : i32
          %ne3A_329 = arith.xori %lt3A_326, %lt3A_328 : i1
          %and3A_330 = arith.andi %ne3A_329, %ne3A_324 : i1
          %add3A_331 = arith.addi %rem3A_322, %select_n3A_321 : i32
          %select_n3A_332 = arith.select %and3A_330, %add3A_331, %rem3A_322 : i32
          %mul3A_333 = arith.constant 16 : i32
          %mul3A_334 = arith.muli %select_n3A_332, %mul3A_333 : i32
          %get3A_335 = arith.index_cast %select_n3A_316 : i32 to index
          %get3A_336 = arith.index_cast %mul3A_334 : i32 to index
          %get3A_337 = tpu.vector_load %arg13[%get3A_335, %get3A_336] {strides = array<i32>} : memref<80x128xf32, #tpu.memory_space<vmem>>, vector<1x16xf32>,
          %get3A_338 = vector.shape_cast %get3A_337 : vector<1x16xf32> to vector<16xf32>
          %get3A_339 = arith.index_cast %select_n3A_316 : i32 to index
          %get3A_340 = arith.index_cast %mul3A_334 : i32 to index
          %get3A_341 = tpu.vector_load %arg14[%get3A_339, %get3A_340] {strides = array<i32>} : memref<80x128xf32, #tpu.memory_space<vmem>>, vector<1x16xf32>,
          %get3A_342 = vector.shape_cast %get3A_341 : vector<1x16xf32> to vector<16xf32>
          %add3A_343 = arith.addf %get3A_338, %get3A_342 : vector<16xf32>
          %max3A_344 = arith.constant 0.000000e+00 : f32
          %max3A_345 = vector.broadcast %max3A_344 : f32 to vector<16xf32>
          %max3A_346 = arith.maximumf %add3A_343, %max3A_345 : vector<16xf32>
          %swap3A_347 = arith.index_cast %select_n3A_316 : i32 to index
          %swap3A_348 = arith.index_cast %mul3A_334 : i32 to index
          %swap3A_349 = tpu.vector_load %arg13[%swap3A_347, %swap3A_348] {strides = array<i32>} : memref<80x128xf32, #tpu.memory_space<vmem>>, vector<1x16xf32>,
          %swap3A_350 = vector.shape_cast %swap3A_349 : vector<1x16xf32> to vector<16xf32>
          %swap3A_351 = vector.shape_cast %max3A_346 : vector<16xf32> to vector<1x16xf32>
          tpu.vector_store %arg13[%swap3A_347, %swap3A_348], %swap3A_351 {strides = array<i32>} : memref<80x128xf32, #tpu.memory_space<vmem>>, vector<1x16xf32>,
          %scan3A_352 = arith.constant 4 : i32
          %scan3A_353 = arith.addi %scan3A_121, %scan3A_352 : i32
          %jit3A_354 = arith.constant 8 : i32
          %div3A_355 = arith.divsi %scan3A_353, %jit3A_354 : i32
          %sign3A_356 = arith.constant 0 : i32
          %sign3A_357 = arith.cmpi sgt, %scan3A_353, %sign3A_356 : i32
          %sign3A_358 = arith.extui %sign3A_357 : i1 to i32
          %sign3A_359 = arith.constant 0 : i32
          %sign3A_360 = arith.cmpi slt, %scan3A_353, %sign3A_359 : i32
          %sign3A_361 = arith.extui %sign3A_360 : i1 to i32
          %sign3A_362 = arith.subi %sign3A_358, %sign3A_361 : i32
          %sign3A_363 = arith.constant 0 : i32
          %sign3A_364 = arith.cmpi sgt, %jit3A_354, %sign3A_363 : i32
          %sign3A_365 = arith.extui %sign3A_364 : i1 to i32
          %sign3A_366 = arith.constant 0 : i32
          %sign3A_367 = arith.cmpi slt, %jit3A_354, %sign3A_366 : i32
          %sign3A_368 = arith.extui %sign3A_367 : i1 to i32
          %sign3A_369 = arith.subi %sign3A_365, %sign3A_368 : i32
          %ne3A_370 = arith.cmpi ne, %sign3A_362, %sign3A_369 : i32
          %rem3A_371 = arith.remsi %scan3A_353, %jit3A_354 : i32
          %ne3A_372 = arith.constant 0 : i32
          %ne3A_373 = arith.cmpi ne, %rem3A_371, %ne3A_372 : i32
          %and3A_374 = arith.andi %ne3A_370, %ne3A_373 : i1
          %sub3A_375 = arith.constant 1 : i32
          %sub3A_376 = arith.subi %div3A_355, %sub3A_375 : i32
          %select_n3A_377 = arith.select %and3A_374, %sub3A_376, %div3A_355 : i32
          %jit3A_378 = arith.constant 8 : i32
          %eq3A_379 = arith.constant 0 : i32
          %eq3A_380 = arith.cmpi eq, %jit3A_378, %eq3A_379 : i32
          %jit3A_381 = arith.constant 1 : i32
          %select_n3A_382 = arith.select %eq3A_380, %jit3A_381, %jit3A_378 : i32
          %rem3A_383 = arith.remsi %scan3A_353, %select_n3A_382 : i32
          %ne3A_384 = arith.constant 0 : i32
          %ne3A_385 = arith.cmpi ne, %rem3A_383, %ne3A_384 : i32
          %lt3A_386 = arith.constant 0 : i32
          %lt3A_387 = arith.cmpi slt, %rem3A_383, %lt3A_386 : i32
          %lt3A_388 = arith.constant 0 : i32
          %lt3A_389 = arith.cmpi slt, %select_n3A_382, %lt3A_388 : i32
          %ne3A_390 = arith.xori %lt3A_387, %lt3A_389 : i1
          %and3A_391 = arith.andi %ne3A_390, %ne3A_385 : i1
          %add3A_392 = arith.addi %rem3A_383, %select_n3A_382 : i32
          %select_n3A_393 = arith.select %and3A_391, %add3A_392, %rem3A_383 : i32
          %mul3A_394 = arith.constant 16 : i32
          %mul3A_395 = arith.muli %select_n3A_393, %mul3A_394 : i32
          %get3A_396 = arith.index_cast %select_n3A_377 : i32 to index
          %get3A_397 = arith.index_cast %mul3A_395 : i32 to index
          %get3A_398 = tpu.vector_load %arg13[%get3A_396, %get3A_397] {strides = array<i32>} : memref<80x128xf32, #tpu.memory_space<vmem>>, vector<1x16xf32>,
          %get3A_399 = vector.shape_cast %get3A_398 : vector<1x16xf32> to vector<16xf32>
          %get3A_400 = arith.index_cast %select_n3A_377 : i32 to index
          %get3A_401 = arith.index_cast %mul3A_395 : i32 to index
          %get3A_402 = tpu.vector_load %arg14[%get3A_400, %get3A_401] {strides = array<i32>} : memref<80x128xf32, #tpu.memory_space<vmem>>, vector<1x16xf32>,
          %get3A_403 = vector.shape_cast %get3A_402 : vector<1x16xf32> to vector<16xf32>
          %add3A_404 = arith.addf %get3A_399, %get3A_403 : vector<16xf32>
          %max3A_405 = arith.constant 0.000000e+00 : f32
          %max3A_406 = vector.broadcast %max3A_405 : f32 to vector<16xf32>
          %max3A_407 = arith.maximumf %add3A_404, %max3A_406 : vector<16xf32>
          %swap3A_408 = arith.index_cast %select_n3A_377 : i32 to index
          %swap3A_409 = arith.index_cast %mul3A_395 : i32 to index
          %swap3A_410 = tpu.vector_load %arg13[%swap3A_408, %swap3A_409] {strides = array<i32>} : memref<80x128xf32, #tpu.memory_space<vmem>>, vector<1x16xf32>,
          %swap3A_411 = vector.shape_cast %swap3A_410 : vector<1x16xf32> to vector<16xf32>
          %swap3A_412 = vector.shape_cast %max3A_407 : vector<16xf32> to vector<1x16xf32>
          tpu.vector_store %arg13[%swap3A_408, %swap3A_409], %swap3A_412 {strides = array<i32>} : memref<80x128xf32, #tpu.memory_space<vmem>>, vector<1x16xf32>,
          %scan3A_413 = arith.constant 5 : i32
          %scan3A_414 = arith.addi %scan3A_121, %scan3A_413 : i32
          %jit3A_415 = arith.constant 8 : i32
          %div3A_416 = arith.divsi %scan3A_414, %jit3A_415 : i32
          %sign3A_417 = arith.constant 0 : i32
          %sign3A_418 = arith.cmpi sgt, %scan3A_414, %sign3A_417 : i32
          %sign3A_419 = arith.extui %sign3A_418 : i1 to i32
          %sign3A_420 = arith.constant 0 : i32
          %sign3A_421 = arith.cmpi slt, %scan3A_414, %sign3A_420 : i32
          %sign3A_422 = arith.extui %sign3A_421 : i1 to i32
          %sign3A_423 = arith.subi %sign3A_419, %sign3A_422 : i32
          %sign3A_424 = arith.constant 0 : i32
          %sign3A_425 = arith.cmpi sgt, %jit3A_415, %sign3A_424 : i32
          %sign3A_426 = arith.extui %sign3A_425 : i1 to i32
          %sign3A_427 = arith.constant 0 : i32
          %sign3A_428 = arith.cmpi slt, %jit3A_415, %sign3A_427 : i32
          %sign3A_429 = arith.extui %sign3A_428 : i1 to i32
          %sign3A_430 = arith.subi %sign3A_426, %sign3A_429 : i32
          %ne3A_431 = arith.cmpi ne, %sign3A_423, %sign3A_430 : i32
          %rem3A_432 = arith.remsi %scan3A_414, %jit3A_415 : i32
          %ne3A_433 = arith.constant 0 : i32
          %ne3A_434 = arith.cmpi ne, %rem3A_432, %ne3A_433 : i32
          %and3A_435 = arith.andi %ne3A_431, %ne3A_434 : i1
          %sub3A_436 = arith.constant 1 : i32
          %sub3A_437 = arith.subi %div3A_416, %sub3A_436 : i32
          %select_n3A_438 = arith.select %and3A_435, %sub3A_437, %div3A_416 : i32
          %jit3A_439 = arith.constant 8 : i32
          %eq3A_440 = arith.constant 0 : i32
          %eq3A_441 = arith.cmpi eq, %jit3A_439, %eq3A_440 : i32
          %jit3A_442 = arith.constant 1 : i32
          %select_n3A_443 = arith.select %eq3A_441, %jit3A_442, %jit3A_439 : i32
          %rem3A_444 = arith.remsi %scan3A_414, %select_n3A_443 : i32
          %ne3A_445 = arith.constant 0 : i32
          %ne3A_446 = arith.cmpi ne, %rem3A_444, %ne3A_445 : i32
          %lt3A_447 = arith.constant 0 : i32
          %lt3A_448 = arith.cmpi slt, %rem3A_444, %lt3A_447 : i32
          %lt3A_449 = arith.constant 0 : i32
          %lt3A_450 = arith.cmpi slt, %select_n3A_443, %lt3A_449 : i32
          %ne3A_451 = arith.xori %lt3A_448, %lt3A_450 : i1
          %and3A_452 = arith.andi %ne3A_451, %ne3A_446 : i1
          %add3A_453 = arith.addi %rem3A_444, %select_n3A_443 : i32
          %select_n3A_454 = arith.select %and3A_452, %add3A_453, %rem3A_444 : i32
          %mul3A_455 = arith.constant 16 : i32
          %mul3A_456 = arith.muli %select_n3A_454, %mul3A_455 : i32
          %get3A_457 = arith.index_cast %select_n3A_438 : i32 to index
          %get3A_458 = arith.index_cast %mul3A_456 : i32 to index
          %get3A_459 = tpu.vector_load %arg13[%get3A_457, %get3A_458] {strides = array<i32>} : memref<80x128xf32, #tpu.memory_space<vmem>>, vector<1x16xf32>,
          %get3A_460 = vector.shape_cast %get3A_459 : vector<1x16xf32> to vector<16xf32>
          %get3A_461 = arith.index_cast %select_n3A_438 : i32 to index
          %get3A_462 = arith.index_cast %mul3A_456 : i32 to index
          %get3A_463 = tpu.vector_load %arg14[%get3A_461, %get3A_462] {strides = array<i32>} : memref<80x128xf32, #tpu.memory_space<vmem>>, vector<1x16xf32>,
          %get3A_464 = vector.shape_cast %get3A_463 : vector<1x16xf32> to vector<16xf32>
          %add3A_465 = arith.addf %get3A_460, %get3A_464 : vector<16xf32>
          %max3A_466 = arith.constant 0.000000e+00 : f32
          %max3A_467 = vector.broadcast %max3A_466 : f32 to vector<16xf32>
          %max3A_468 = arith.maximumf %add3A_465, %max3A_467 : vector<16xf32>
          %swap3A_469 = arith.index_cast %select_n3A_438 : i32 to index
          %swap3A_470 = arith.index_cast %mul3A_456 : i32 to index
          %swap3A_471 = tpu.vector_load %arg13[%swap3A_469, %swap3A_470] {strides = array<i32>} : memref<80x128xf32, #tpu.memory_space<vmem>>, vector<1x16xf32>,
          %swap3A_472 = vector.shape_cast %swap3A_471 : vector<1x16xf32> to vector<16xf32>
          %swap3A_473 = vector.shape_cast %max3A_468 : vector<16xf32> to vector<1x16xf32>
          tpu.vector_store %arg13[%swap3A_469, %swap3A_470], %swap3A_473 {strides = array<i32>} : memref<80x128xf32, #tpu.memory_space<vmem>>, vector<1x16xf32>,
          %scan3A_474 = arith.constant 6 : i32
          %scan3A_475 = arith.addi %scan3A_121, %scan3A_474 : i32
          %jit3A_476 = arith.constant 8 : i32
          %div3A_477 = arith.divsi %scan3A_475, %jit3A_476 : i32
          %sign3A_478 = arith.constant 0 : i32
          %sign3A_479 = arith.cmpi sgt, %scan3A_475, %sign3A_478 : i32
          %sign3A_480 = arith.extui %sign3A_479 : i1 to i32
          %sign3A_481 = arith.constant 0 : i32
          %sign3A_482 = arith.cmpi slt, %scan3A_475, %sign3A_481 : i32
          %sign3A_483 = arith.extui %sign3A_482 : i1 to i32
          %sign3A_484 = arith.subi %sign3A_480, %sign3A_483 : i32
          %sign3A_485 = arith.constant 0 : i32
          %sign3A_486 = arith.cmpi sgt, %jit3A_476, %sign3A_485 : i32
          %sign3A_487 = arith.extui %sign3A_486 : i1 to i32
          %sign3A_488 = arith.constant 0 : i32
          %sign3A_489 = arith.cmpi slt, %jit3A_476, %sign3A_488 : i32
          %sign3A_490 = arith.extui %sign3A_489 : i1 to i32
          %sign3A_491 = arith.subi %sign3A_487, %sign3A_490 : i32
          %ne3A_492 = arith.cmpi ne, %sign3A_484, %sign3A_491 : i32
          %rem3A_493 = arith.remsi %scan3A_475, %jit3A_476 : i32
          %ne3A_494 = arith.constant 0 : i32
          %ne3A_495 = arith.cmpi ne, %rem3A_493, %ne3A_494 : i32
          %and3A_496 = arith.andi %ne3A_492, %ne3A_495 : i1
          %sub3A_497 = arith.constant 1 : i32
          %sub3A_498 = arith.subi %div3A_477, %sub3A_497 : i32
          %select_n3A_499 = arith.select %and3A_496, %sub3A_498, %div3A_477 : i32
          %jit3A_500 = arith.constant 8 : i32
          %eq3A_501 = arith.constant 0 : i32
          %eq3A_502 = arith.cmpi eq, %jit3A_500, %eq3A_501 : i32
          %jit3A_503 = arith.constant 1 : i32
          %select_n3A_504 = arith.select %eq3A_502, %jit3A_503, %jit3A_500 : i32
          %rem3A_505 = arith.remsi %scan3A_475, %select_n3A_504 : i32
          %ne3A_506 = arith.constant 0 : i32
          %ne3A_507 = arith.cmpi ne, %rem3A_505, %ne3A_506 : i32
          %lt3A_508 = arith.constant 0 : i32
          %lt3A_509 = arith.cmpi slt, %rem3A_505, %lt3A_508 : i32
          %lt3A_510 = arith.constant 0 : i32
          %lt3A_511 = arith.cmpi slt, %select_n3A_504, %lt3A_510 : i32
          %ne3A_512 = arith.xori %lt3A_509, %lt3A_511 : i1
          %and3A_513 = arith.andi %ne3A_512, %ne3A_507 : i1
          %add3A_514 = arith.addi %rem3A_505, %select_n3A_504 : i32
          %select_n3A_515 = arith.select %and3A_513, %add3A_514, %rem3A_505 : i32
          %mul3A_516 = arith.constant 16 : i32
          %mul3A_517 = arith.muli %select_n3A_515, %mul3A_516 : i32
          %get3A_518 = arith.index_cast %select_n3A_499 : i32 to index
          %get3A_519 = arith.index_cast %mul3A_517 : i32 to index
          %get3A_520 = tpu.vector_load %arg13[%get3A_518, %get3A_519] {strides = array<i32>} : memref<80x128xf32, #tpu.memory_space<vmem>>, vector<1x16xf32>,
          %get3A_521 = vector.shape_cast %get3A_520 : vector<1x16xf32> to vector<16xf32>
          %get3A_522 = arith.index_cast %select_n3A_499 : i32 to index
          %get3A_523 = arith.index_cast %mul3A_517 : i32 to index
          %get3A_524 = tpu.vector_load %arg14[%get3A_522, %get3A_523] {strides = array<i32>} : memref<80x128xf32, #tpu.memory_space<vmem>>, vector<1x16xf32>,
          %get3A_525 = vector.shape_cast %get3A_524 : vector<1x16xf32> to vector<16xf32>
          %add3A_526 = arith.addf %get3A_521, %get3A_525 : vector<16xf32>
          %max3A_527 = arith.constant 0.000000e+00 : f32
          %max3A_528 = vector.broadcast %max3A_527 : f32 to vector<16xf32>
          %max3A_529 = arith.maximumf %add3A_526, %max3A_528 : vector<16xf32>
          %swap3A_530 = arith.index_cast %select_n3A_499 : i32 to index
          %swap3A_531 = arith.index_cast %mul3A_517 : i32 to index
          %swap3A_532 = tpu.vector_load %arg13[%swap3A_530, %swap3A_531] {strides = array<i32>} : memref<80x128xf32, #tpu.memory_space<vmem>>, vector<1x16xf32>,
          %swap3A_533 = vector.shape_cast %swap3A_532 : vector<1x16xf32> to vector<16xf32>
          %swap3A_534 = vector.shape_cast %max3A_529 : vector<16xf32> to vector<1x16xf32>
          tpu.vector_store %arg13[%swap3A_530, %swap3A_531], %swap3A_534 {strides = array<i32>} : memref<80x128xf32, #tpu.memory_space<vmem>>, vector<1x16xf32>,
          %scan3A_535 = arith.constant 7 : i32
          %scan3A_536 = arith.addi %scan3A_121, %scan3A_535 : i32
          %jit3A_537 = arith.constant 8 : i32
          %div3A_538 = arith.divsi %scan3A_536, %jit3A_537 : i32
          %sign3A_539 = arith.constant 0 : i32
          %sign3A_540 = arith.cmpi sgt, %scan3A_536, %sign3A_539 : i32
          %sign3A_541 = arith.extui %sign3A_540 : i1 to i32
          %sign3A_542 = arith.constant 0 : i32
          %sign3A_543 = arith.cmpi slt, %scan3A_536, %sign3A_542 : i32
          %sign3A_544 = arith.extui %sign3A_543 : i1 to i32
          %sign3A_545 = arith.subi %sign3A_541, %sign3A_544 : i32
          %sign3A_546 = arith.constant 0 : i32
          %sign3A_547 = arith.cmpi sgt, %jit3A_537, %sign3A_546 : i32
          %sign3A_548 = arith.extui %sign3A_547 : i1 to i32
          %sign3A_549 = arith.constant 0 : i32
          %sign3A_550 = arith.cmpi slt, %jit3A_537, %sign3A_549 : i32
          %sign3A_551 = arith.extui %sign3A_550 : i1 to i32
          %sign3A_552 = arith.subi %sign3A_548, %sign3A_551 : i32
          %ne3A_553 = arith.cmpi ne, %sign3A_545, %sign3A_552 : i32
          %rem3A_554 = arith.remsi %scan3A_536, %jit3A_537 : i32
          %ne3A_555 = arith.constant 0 : i32
          %ne3A_556 = arith.cmpi ne, %rem3A_554, %ne3A_555 : i32
          %and3A_557 = arith.andi %ne3A_553, %ne3A_556 : i1
          %sub3A_558 = arith.constant 1 : i32
          %sub3A_559 = arith.subi %div3A_538, %sub3A_558 : i32
          %select_n3A_560 = arith.select %and3A_557, %sub3A_559, %div3A_538 : i32
          %jit3A_561 = arith.constant 8 : i32
          %eq3A_562 = arith.constant 0 : i32
          %eq3A_563 = arith.cmpi eq, %jit3A_561, %eq3A_562 : i32
          %jit3A_564 = arith.constant 1 : i32
          %select_n3A_565 = arith.select %eq3A_563, %jit3A_564, %jit3A_561 : i32
          %rem3A_566 = arith.remsi %scan3A_536, %select_n3A_565 : i32
          %ne3A_567 = arith.constant 0 : i32
          %ne3A_568 = arith.cmpi ne, %rem3A_566, %ne3A_567 : i32
          %lt3A_569 = arith.constant 0 : i32
          %lt3A_570 = arith.cmpi slt, %rem3A_566, %lt3A_569 : i32
          %lt3A_571 = arith.constant 0 : i32
          %lt3A_572 = arith.cmpi slt, %select_n3A_565, %lt3A_571 : i32
          %ne3A_573 = arith.xori %lt3A_570, %lt3A_572 : i1
          %and3A_574 = arith.andi %ne3A_573, %ne3A_568 : i1
          %add3A_575 = arith.addi %rem3A_566, %select_n3A_565 : i32
          %select_n3A_576 = arith.select %and3A_574, %add3A_575, %rem3A_566 : i32
          %mul3A_577 = arith.constant 16 : i32
          %mul3A_578 = arith.muli %select_n3A_576, %mul3A_577 : i32
          %get3A_579 = arith.index_cast %select_n3A_560 : i32 to index
          %get3A_580 = arith.index_cast %mul3A_578 : i32 to index
          %get3A_581 = tpu.vector_load %arg13[%get3A_579, %get3A_580] {strides = array<i32>} : memref<80x128xf32, #tpu.memory_space<vmem>>, vector<1x16xf32>,
          %get3A_582 = vector.shape_cast %get3A_581 : vector<1x16xf32> to vector<16xf32>
          %get3A_583 = arith.index_cast %select_n3A_560 : i32 to index
          %get3A_584 = arith.index_cast %mul3A_578 : i32 to index
          %get3A_585 = tpu.vector_load %arg14[%get3A_583, %get3A_584] {strides = array<i32>} : memref<80x128xf32, #tpu.memory_space<vmem>>, vector<1x16xf32>,
          %get3A_586 = vector.shape_cast %get3A_585 : vector<1x16xf32> to vector<16xf32>
          %add3A_587 = arith.addf %get3A_582, %get3A_586 : vector<16xf32>
          %max3A_588 = arith.constant 0.000000e+00 : f32
          %max3A_589 = vector.broadcast %max3A_588 : f32 to vector<16xf32>
          %max3A_590 = arith.maximumf %add3A_587, %max3A_589 : vector<16xf32>
          %swap3A_591 = arith.index_cast %select_n3A_560 : i32 to index
          %swap3A_592 = arith.index_cast %mul3A_578 : i32 to index
          %swap3A_593 = tpu.vector_load %arg13[%swap3A_591, %swap3A_592] {strides = array<i32>} : memref<80x128xf32, #tpu.memory_space<vmem>>, vector<1x16xf32>,
          %swap3A_594 = vector.shape_cast %swap3A_593 : vector<1x16xf32> to vector<16xf32>
          %swap3A_595 = vector.shape_cast %max3A_590 : vector<16xf32> to vector<1x16xf32>
          tpu.vector_store %arg13[%swap3A_591, %swap3A_592], %swap3A_595 {strides = array<i32>} : memref<80x128xf32, #tpu.memory_space<vmem>>, vector<1x16xf32>,
        }
        %scan3A_111 = arith.constant 640 : i32
        %dma_wait3A_112 = tpu.memref_slice %arg5[%add3A_98] : memref<320000xi32, #tpu.memory_space<hbm>> -> memref<80xi32, #tpu.memory_space<hbm>>
        %dma_wait3A_113 = tpu.memref_slice %arg5[%add3A_98] : memref<320000xi32, #tpu.memory_space<hbm>> -> memref<80xi32, #tpu.memory_space<hbm>>
        tpu.wait_dma2 semaphore(%arg23 : memref<!tpu.dma_semaphore, #tpu.memory_space<semaphore_mem>>) src(%dma_wait3A_113 : memref<80xi32, #tpu.memory_space<hbm>>) dst(%arg10 : memref<80xi32, #tpu.memory_space<vmem>>)
        "tpu.region"() ({
          %run_scoped3A = tpu.sem_alloc : memref<!tpu.dma_semaphore, #tpu.memory_space<semaphore_mem>>
          %dma_start3A_121 = arith.constant 0 : i32
          %dma_start3A_122 = arith.constant 0 : i32
          %dma_start3A_123 = tpu.memref_slice %arg15[%dma_start3A_121, %dma_start3A_122] : memref<10000x128xf32, #tpu.memory_space<vmem_shared>> -> memref<10000x128xf32, #tpu.memory_space<vmem_shared>>
          tpu.enqueue_indirect_dma source(%arg13 : memref<80x128xf32, #tpu.memory_space<vmem>>) target(%dma_start3A_123 : memref<10000x128xf32, #tpu.memory_space<vmem_shared>>) offsets(%arg10 : memref<80xi32, #tpu.memory_space<vmem>>) semaphore(%run_scoped3A : memref<!tpu.dma_semaphore, #tpu.memory_space<semaphore_mem>>) {add = true}
          %dma_wait3A_124 = arith.constant 0 : i32
          %dma_wait3A_125 = arith.constant 0 : i32
          %dma_wait3A_126 = tpu.memref_slice %arg15[%dma_wait3A_124, %dma_wait3A_125] : memref<10000x128xf32, #tpu.memory_space<vmem_shared>> -> memref<10000x128xf32, #tpu.memory_space<vmem_shared>>
          tpu.wait_indirect_dma semaphore(%run_scoped3A : memref<!tpu.dma_semaphore, #tpu.memory_space<semaphore_mem>>) src(%arg13 : memref<80x128xf32, #tpu.memory_space<vmem>>) dst(%dma_wait3A_126 : memref<10000x128xf32, #tpu.memory_space<vmem_shared>>)
          tpu.yield
        }) : () -> ()
        %add3A_114 = arith.constant 2 : i32
        %add3A_115 = arith.addi %add3A_88, %add3A_114 : i32
        %lt3A_116 = arith.constant 125 : i32
        %lt3A_117 = arith.cmpi slt, %add3A_115, %lt3A_116 : i32
        %convert_element_type3A_118 = arith.extui %lt3A_117 : i1 to i32
        %cond3A_119 = arith.constant 0 : i32
        %cond3A_120 = arith.cmpi ne, %convert_element_type3A_118, %cond3A_119 : i32
        scf.if %cond3A_120 {
          %add3A_121 = arith.constant 2 : i32
          %add3A_122 = arith.addi %add3A_88, %add3A_121 : i32
          %mul3A_123 = arith.constant 80 : i32
          %mul3A_124 = arith.muli %add3A_122, %mul3A_123 : i32
          %add3A_125 = arith.addi %mul3A_13, %mul3A_124 : i32
          %dma_start3A_126 = tpu.memref_slice %arg4[%add3A_125] : memref<320000xi32, #tpu.memory_space<hbm>> -> memref<80xi32, #tpu.memory_space<hbm>>
          %dma_start3A_127 = tpu.memref_slice %arg4[%add3A_125] : memref<320000xi32, #tpu.memory_space<hbm>> -> memref<80xi32, #tpu.memory_space<hbm>>
          tpu.enqueue_dma source(%dma_start3A_127 : memref<80xi32, #tpu.memory_space<hbm>>) target(%arg9 : memref<80xi32, #tpu.memory_space<vmem>>) target_semaphore(%arg22 : memref<!tpu.dma_semaphore, #tpu.memory_space<semaphore_mem>>)
          %dma_start3A_128 = tpu.memref_slice %arg5[%add3A_125] : memref<320000xi32, #tpu.memory_space<hbm>> -> memref<80xi32, #tpu.memory_space<hbm>>
          %dma_start3A_129 = tpu.memref_slice %arg5[%add3A_125] : memref<320000xi32, #tpu.memory_space<hbm>> -> memref<80xi32, #tpu.memory_space<hbm>>
          tpu.enqueue_dma source(%dma_start3A_129 : memref<80xi32, #tpu.memory_space<hbm>>) target(%arg10 : memref<80xi32, #tpu.memory_space<vmem>>) target_semaphore(%arg23 : memref<!tpu.dma_semaphore, #tpu.memory_space<semaphore_mem>>)
        } else {
        }
      } else {
      }
    }
    %scan3A_40 = arith.constant 63 : i32
    %barrier3A_41 = arith.constant 0 : index
    tpu.barrier barrier_id(%barrier3A_41)
    %scan3A_42 = arith.constant 0 : i32
    %scan3A_43 = arith.constant 0 : i32
    %scan3A_44 = arith.constant 125 : i32
    %scan3A_45 = arith.addi %scan3A_43, %scan3A_44 : i32
    %scan3A_46 = arith.constant 1 : i32
    scf.for %scan3A_48 = %scan3A_43 to %scan3A_45 step %scan3A_46  : i32 {
      %jit3A = arith.constant 16 : i32
      %eq3A = arith.constant 0 : i32
      %eq3A_49 = arith.cmpi eq, %jit3A, %eq3A : i32
      %jit3A_50 = arith.constant 1 : i32
      %select_n3A = arith.select %eq3A_49, %jit3A_50, %jit3A : i32
      %rem3A = arith.remsi %scan3A_48, %select_n3A : i32
      %ne3A = arith.constant 0 : i32
      %ne3A_51 = arith.cmpi ne, %rem3A, %ne3A : i32
      %lt3A = arith.constant 0 : i32
      %lt3A_52 = arith.cmpi slt, %rem3A, %lt3A : i32
      %lt3A_53 = arith.constant 0 : i32
      %lt3A_54 = arith.cmpi slt, %select_n3A, %lt3A_53 : i32
      %ne3A_55 = arith.xori %lt3A_52, %lt3A_54 : i1
      %and3A = arith.andi %ne3A_55, %ne3A_51 : i1
      %add3A_56 = arith.addi %rem3A, %select_n3A : i32
      %select_n3A_57 = arith.select %and3A, %add3A_56, %rem3A : i32
      %eq3A_58 = arith.cmpi eq, %select_n3A_57, %arg1 : i32
      %convert_element_type3A = arith.extui %eq3A_58 : i1 to i32
      %cond3A = arith.constant 0 : i32
      %cond3A_59 = arith.cmpi ne, %convert_element_type3A, %cond3A : i32
      scf.if %cond3A_59 {
        %mul3A_60 = arith.constant 80 : i32
        %mul3A_61 = arith.muli %scan3A_48, %mul3A_60 : i32
        "tpu.region"() ({
          %run_scoped3A = tpu.sem_alloc : memref<!tpu.dma_semaphore, #tpu.memory_space<semaphore_mem>>
          %dma_start3A_67 = arith.constant 0 : i32
          %dma_start3A_68 = tpu.memref_slice %arg15[%mul3A_61, %dma_start3A_67] : memref<10000x128xf32, #tpu.memory_space<vmem_shared>> -> memref<80x128xf32, #tpu.memory_space<vmem_shared>>
          %dma_start3A_69 = arith.constant 0 : i32
          %dma_start3A_70 = tpu.memref_slice %arg15[%mul3A_61, %dma_start3A_69] : memref<10000x128xf32, #tpu.memory_space<vmem_shared>> -> memref<80x128xf32, #tpu.memory_space<vmem_shared>>
          tpu.enqueue_dma source(%dma_start3A_70 : memref<80x128xf32, #tpu.memory_space<vmem_shared>>) target(%arg11 : memref<80x128xf32, #tpu.memory_space<vmem>>) target_semaphore(%run_scoped3A : memref<!tpu.dma_semaphore, #tpu.memory_space<semaphore_mem>>)
          %dma_wait3A_71 = arith.constant 0 : i32
          %dma_wait3A_72 = tpu.memref_slice %arg15[%mul3A_61, %dma_wait3A_71] : memref<10000x128xf32, #tpu.memory_space<vmem_shared>> -> memref<80x128xf32, #tpu.memory_space<vmem_shared>>
          %dma_wait3A_73 = arith.constant 0 : i32
          %dma_wait3A_74 = tpu.memref_slice %arg15[%mul3A_61, %dma_wait3A_73] : memref<10000x128xf32, #tpu.memory_space<vmem_shared>> -> memref<80x128xf32, #tpu.memory_space<vmem_shared>>
          tpu.wait_dma2 semaphore(%run_scoped3A : memref<!tpu.dma_semaphore, #tpu.memory_space<semaphore_mem>>) src(%dma_wait3A_74 : memref<80x128xf32, #tpu.memory_space<vmem_shared>>) dst(%arg11 : memref<80x128xf32, #tpu.memory_space<vmem>>)
          tpu.yield
        }) : () -> ()
        %mul3A_62 = arith.constant 10000 : i32
        %mul3A_63 = arith.muli %arg0, %mul3A_62 : i32
        %mul3A_64 = arith.constant 80 : i32
        %mul3A_65 = arith.muli %scan3A_48, %mul3A_64 : i32
        %add3A_66 = arith.addi %mul3A_63, %mul3A_65 : i32
        "tpu.region"() ({
          %run_scoped3A = tpu.sem_alloc : memref<!tpu.dma_semaphore, #tpu.memory_space<semaphore_mem>>
          %dma_start3A_67 = arith.constant 0 : i32
          %dma_start3A_68 = tpu.memref_slice %arg6[%add3A_66, %dma_start3A_67] : memref<20000x128xf32, #tpu.memory_space<hbm>> -> memref<80x128xf32, #tpu.memory_space<hbm>>
          %dma_start3A_69 = arith.constant 0 : i32
          %dma_start3A_70 = tpu.memref_slice %arg6[%add3A_66, %dma_start3A_69] : memref<20000x128xf32, #tpu.memory_space<hbm>> -> memref<80x128xf32, #tpu.memory_space<hbm>>
          tpu.enqueue_dma source(%arg11 : memref<80x128xf32, #tpu.memory_space<vmem>>) target(%dma_start3A_70 : memref<80x128xf32, #tpu.memory_space<hbm>>) target_semaphore(%run_scoped3A : memref<!tpu.dma_semaphore, #tpu.memory_space<semaphore_mem>>)
          %dma_wait3A_71 = arith.constant 0 : i32
          %dma_wait3A_72 = tpu.memref_slice %arg6[%add3A_66, %dma_wait3A_71] : memref<20000x128xf32, #tpu.memory_space<hbm>> -> memref<80x128xf32, #tpu.memory_space<hbm>>
          %dma_wait3A_73 = arith.constant 0 : i32
          %dma_wait3A_74 = tpu.memref_slice %arg6[%add3A_66, %dma_wait3A_73] : memref<20000x128xf32, #tpu.memory_space<hbm>> -> memref<80x128xf32, #tpu.memory_space<hbm>>
          tpu.wait_dma2 semaphore(%run_scoped3A : memref<!tpu.dma_semaphore, #tpu.memory_space<semaphore_mem>>) src(%arg11 : memref<80x128xf32, #tpu.memory_space<vmem>>) dst(%dma_wait3A_74 : memref<80x128xf32, #tpu.memory_space<hbm>>)
          tpu.yield
        }) : () -> ()
      } else {
      }
    }
    %scan3A_47 = arith.constant 125 : i32
    return
  }
}

module attributes {stable_mosaic.version = 14 : i64} {
  func.func @_edge_tf_body(%arg0: i32, %arg1: memref<4000x16xf32, #tpu.memory_space<vmem>>, %arg2: memref<16x128xf32, #tpu.memory_space<vmem>>, %arg3: memref<1x128xf32, #tpu.memory_space<vmem>>, %arg4: memref<16x128xf32, #tpu.memory_space<vmem>>, %arg5: memref<1x128xf32, #tpu.memory_space<vmem>>, %arg6: memref<4000x128xf32, #tpu.memory_space<vmem>>, %arg7: memref<4000x128xf32, #tpu.memory_space<vmem>>) attributes {dimension_semantics = [#tpu.dimension_semantics<arbitrary>], iteration_bounds = array<i64: 80>, scalar_prefetch = 0 : i64, scratch_operands = 0 : i64, tpu.core_type = #tpu.core_type<tc>, window_params = [{transform_indices = @transform_0, window_bounds = array<i64: 4000, 16>}, {pipeline_mode = #tpu.pipeline_mode<synchronous>, transform_indices = @transform_1, window_bounds = array<i64: 16, 128>}, {pipeline_mode = #tpu.pipeline_mode<synchronous>, transform_indices = @transform_2, window_bounds = array<i64: 1, 128>}, {pipeline_mode = #tpu.pipeline_mode<synchronous>, transform_indices = @transform_3, window_bounds = array<i64: 16, 128>}, {pipeline_mode = #tpu.pipeline_mode<synchronous>, transform_indices = @transform_4, window_bounds = array<i64: 1, 128>}, {transform_indices = @transform_5, window_bounds = array<i64: 4000, 128>}, {transform_indices = @transform_6, window_bounds = array<i64: 4000, 128>}]} {
    %get3A = arith.constant 0 : index
    %get3A_0 = arith.constant 0 : index
    %get3A_1 = vector.load %arg1[%get3A, %get3A_0] : memref<4000x16xf32, #tpu.memory_space<vmem>>, vector<4000x16xf32>
    %get3A_2 = arith.constant 0 : index
    %get3A_3 = arith.constant 0 : index
    %get3A_4 = vector.load %arg2[%get3A_2, %get3A_3] : memref<16x128xf32, #tpu.memory_space<vmem>>, vector<16x128xf32>
    %convert_element_type3A = arith.truncf %get3A_1 : vector<4000x16xf32> to vector<4000x16xbf16>
    %convert_element_type3A_5 = arith.truncf %get3A_4 : vector<16x128xf32> to vector<16x128xbf16>
    %dot_general3A = arith.constant dense<0.000000e+00> : vector<4000x128xf32>
    %dot_general3A_6 = tpu.matmul %convert_element_type3A, %convert_element_type3A_5, %dot_general3A {dimension_numbers = #tpu.dot_dimension_numbers<[1], [0], [0], [1], [0, 0, 1, 1], [], []>, transpose_lhs_hint = false} : vector<4000x16xbf16>, vector<16x128xbf16>, vector<4000x128xf32> -> vector<4000x128xf32>
    %get3A_7 = arith.constant 0 : index
    %get3A_8 = arith.constant 0 : index
    %get3A_9 = vector.load %arg3[%get3A_7, %get3A_8] : memref<1x128xf32, #tpu.memory_space<vmem>>, vector<1x128xf32>
    %add3A = vector.broadcast %get3A_9 : vector<1x128xf32> to vector<4000x128xf32>
    %add3A_10 = arith.addf %dot_general3A_6, %add3A : vector<4000x128xf32>
    %swap3A = arith.constant 0 : index
    %swap3A_11 = arith.constant 0 : index
    %swap3A_12 = vector.load %arg6[%swap3A, %swap3A_11] : memref<4000x128xf32, #tpu.memory_space<vmem>>, vector<4000x128xf32>
    tpu.vector_store %arg6[%swap3A, %swap3A_11], %add3A_10 {strides = array<i32>} : memref<4000x128xf32, #tpu.memory_space<vmem>>, vector<4000x128xf32>,
    %get3A_13 = arith.constant 0 : index
    %get3A_14 = arith.constant 0 : index
    %get3A_15 = vector.load %arg4[%get3A_13, %get3A_14] : memref<16x128xf32, #tpu.memory_space<vmem>>, vector<16x128xf32>
    %convert_element_type3A_16 = arith.truncf %get3A_1 : vector<4000x16xf32> to vector<4000x16xbf16>
    %convert_element_type3A_17 = arith.truncf %get3A_15 : vector<16x128xf32> to vector<16x128xbf16>
    %dot_general3A_18 = arith.constant dense<0.000000e+00> : vector<4000x128xf32>
    %dot_general3A_19 = tpu.matmul %convert_element_type3A_16, %convert_element_type3A_17, %dot_general3A_18 {dimension_numbers = #tpu.dot_dimension_numbers<[1], [0], [0], [1], [0, 0, 1, 1], [], []>, transpose_lhs_hint = false} : vector<4000x16xbf16>, vector<16x128xbf16>, vector<4000x128xf32> -> vector<4000x128xf32>
    %get3A_20 = arith.constant 0 : index
    %get3A_21 = arith.constant 0 : index
    %get3A_22 = vector.load %arg5[%get3A_20, %get3A_21] : memref<1x128xf32, #tpu.memory_space<vmem>>, vector<1x128xf32>
    %add3A_23 = vector.broadcast %get3A_22 : vector<1x128xf32> to vector<4000x128xf32>
    %add3A_24 = arith.addf %dot_general3A_19, %add3A_23 : vector<4000x128xf32>
    %swap3A_25 = arith.constant 0 : index
    %swap3A_26 = arith.constant 0 : index
    %swap3A_27 = vector.load %arg7[%swap3A_25, %swap3A_26] : memref<4000x128xf32, #tpu.memory_space<vmem>>, vector<4000x128xf32>
    tpu.vector_store %arg7[%swap3A_25, %swap3A_26], %add3A_24 {strides = array<i32>} : memref<4000x128xf32, #tpu.memory_space<vmem>>, vector<4000x128xf32>,
    return
  }
  func.func @transform_0(%arg0: i32) -> (i32, i32) {
    %c0_i32 = arith.constant 0 : i32
    %c0_i32_0 = arith.constant 0 : i32
    return %arg0, %c0_i32 : i32, i32
  }
  func.func @transform_1(%arg0: i32) -> (i32, i32) {
    %c0_i32 = arith.constant 0 : i32
    %c0_i32_0 = arith.constant 0 : i32
    %c0_i32_1 = arith.constant 0 : i32
    return %c0_i32, %c0_i32_0 : i32, i32
  }
  func.func @transform_2(%arg0: i32) -> (i32, i32) {
    %c0_i32 = arith.constant 0 : i32
    %c0_i32_0 = arith.constant 0 : i32
    %c0_i32_1 = arith.constant 0 : i32
    return %c0_i32, %c0_i32_0 : i32, i32
  }
  func.func @transform_3(%arg0: i32) -> (i32, i32) {
    %c0_i32 = arith.constant 0 : i32
    %c0_i32_0 = arith.constant 0 : i32
    %c0_i32_1 = arith.constant 0 : i32
    return %c0_i32, %c0_i32_0 : i32, i32
  }
  func.func @transform_4(%arg0: i32) -> (i32, i32) {
    %c0_i32 = arith.constant 0 : i32
    %c0_i32_0 = arith.constant 0 : i32
    %c0_i32_1 = arith.constant 0 : i32
    return %c0_i32, %c0_i32_0 : i32, i32
  }
  func.func @transform_5(%arg0: i32) -> (i32, i32) {
    %c0_i32 = arith.constant 0 : i32
    %c0_i32_0 = arith.constant 0 : i32
    return %arg0, %c0_i32 : i32, i32
  }
  func.func @transform_6(%arg0: i32) -> (i32, i32) {
    %c0_i32 = arith.constant 0 : i32
    %c0_i32_0 = arith.constant 0 : i32
    return %arg0, %c0_i32 : i32, i32
  }
}

module attributes {stable_mosaic.version = 14 : i64} {
  func.func @_rowmm_body(%arg0: i32, %arg1: memref<2000x128xf32, #tpu.memory_space<vmem>>, %arg2: memref<2000x128xf32, #tpu.memory_space<vmem>>, %arg3: memref<2000x128xf32, #tpu.memory_space<vmem>>, %arg4: memref<128x128xf32, #tpu.memory_space<vmem>>, %arg5: memref<1x128xf32, #tpu.memory_space<vmem>>, %arg6: memref<2000x128xf32, #tpu.memory_space<vmem>>) attributes {dimension_semantics = [#tpu.dimension_semantics<arbitrary>], iteration_bounds = array<i64: 5>, scalar_prefetch = 0 : i64, scratch_operands = 0 : i64, tpu.core_type = #tpu.core_type<tc>, window_params = [{transform_indices = @transform_0, window_bounds = array<i64: 2000, 128>}, {transform_indices = @transform_1, window_bounds = array<i64: 2000, 128>}, {transform_indices = @transform_2, window_bounds = array<i64: 2000, 128>}, {pipeline_mode = #tpu.pipeline_mode<synchronous>, transform_indices = @transform_3, window_bounds = array<i64: 128, 128>}, {pipeline_mode = #tpu.pipeline_mode<synchronous>, transform_indices = @transform_4, window_bounds = array<i64: 1, 128>}, {transform_indices = @transform_5, window_bounds = array<i64: 2000, 128>}]} {
    %get3A = arith.constant 0 : index
    %get3A_0 = arith.constant 0 : index
    %get3A_1 = vector.load %arg1[%get3A, %get3A_0] : memref<2000x128xf32, #tpu.memory_space<vmem>>, vector<2000x128xf32>
    %get3A_2 = arith.constant 0 : index
    %get3A_3 = arith.constant 0 : index
    %get3A_4 = vector.load %arg2[%get3A_2, %get3A_3] : memref<2000x128xf32, #tpu.memory_space<vmem>>, vector<2000x128xf32>
    %add3A = arith.addf %get3A_1, %get3A_4 : vector<2000x128xf32>
    %get3A_5 = arith.constant 0 : index
    %get3A_6 = arith.constant 0 : index
    %get3A_7 = vector.load %arg3[%get3A_5, %get3A_6] : memref<2000x128xf32, #tpu.memory_space<vmem>>, vector<2000x128xf32>
    %add3A_8 = arith.addf %add3A, %get3A_7 : vector<2000x128xf32>
    %get3A_9 = arith.constant 0 : index
    %get3A_10 = arith.constant 0 : index
    %get3A_11 = vector.load %arg4[%get3A_9, %get3A_10] : memref<128x128xf32, #tpu.memory_space<vmem>>, vector<128x128xf32>
    %convert_element_type3A = arith.truncf %add3A_8 : vector<2000x128xf32> to vector<2000x128xbf16>
    %convert_element_type3A_12 = arith.truncf %get3A_11 : vector<128x128xf32> to vector<128x128xbf16>
    %dot_general3A = arith.constant dense<0.000000e+00> : vector<2000x128xf32>
    %dot_general3A_13 = tpu.matmul %convert_element_type3A, %convert_element_type3A_12, %dot_general3A {dimension_numbers = #tpu.dot_dimension_numbers<[1], [0], [0], [1], [0, 0, 1, 1], [], []>, transpose_lhs_hint = false} : vector<2000x128xbf16>, vector<128x128xbf16>, vector<2000x128xf32> -> vector<2000x128xf32>
    %get3A_14 = arith.constant 0 : index
    %get3A_15 = arith.constant 0 : index
    %get3A_16 = vector.load %arg5[%get3A_14, %get3A_15] : memref<1x128xf32, #tpu.memory_space<vmem>>, vector<1x128xf32>
    %add3A_17 = vector.broadcast %get3A_16 : vector<1x128xf32> to vector<2000x128xf32>
    %add3A_18 = arith.addf %dot_general3A_13, %add3A_17 : vector<2000x128xf32>
    %swap3A = arith.constant 0 : index
    %swap3A_19 = arith.constant 0 : index
    %swap3A_20 = vector.load %arg6[%swap3A, %swap3A_19] : memref<2000x128xf32, #tpu.memory_space<vmem>>, vector<2000x128xf32>
    tpu.vector_store %arg6[%swap3A, %swap3A_19], %add3A_18 {strides = array<i32>} : memref<2000x128xf32, #tpu.memory_space<vmem>>, vector<2000x128xf32>,
    return
  }
  func.func @transform_0(%arg0: i32) -> (i32, i32) {
    %c0_i32 = arith.constant 0 : i32
    %c0_i32_0 = arith.constant 0 : i32
    return %arg0, %c0_i32 : i32, i32
  }
  func.func @transform_1(%arg0: i32) -> (i32, i32) {
    %c0_i32 = arith.constant 0 : i32
    %c0_i32_0 = arith.constant 0 : i32
    return %arg0, %c0_i32 : i32, i32
  }
  func.func @transform_2(%arg0: i32) -> (i32, i32) {
    %c0_i32 = arith.constant 0 : i32
    %c0_i32_0 = arith.constant 0 : i32
    return %arg0, %c0_i32 : i32, i32
  }
  func.func @transform_3(%arg0: i32) -> (i32, i32) {
    %c0_i32 = arith.constant 0 : i32
    %c0_i32_0 = arith.constant 0 : i32
    %c0_i32_1 = arith.constant 0 : i32
    return %c0_i32, %c0_i32_0 : i32, i32
  }
  func.func @transform_4(%arg0: i32) -> (i32, i32) {
    %c0_i32 = arith.constant 0 : i32
    %c0_i32_0 = arith.constant 0 : i32
    %c0_i32_1 = arith.constant 0 : i32
    return %c0_i32, %c0_i32_0 : i32, i32
  }
  func.func @transform_5(%arg0: i32) -> (i32, i32) {
    %c0_i32 = arith.constant 0 : i32
    %c0_i32_0 = arith.constant 0 : i32
    return %arg0, %c0_i32 : i32, i32
  }
}

module attributes {stable_mosaic.version = 14 : i64} {
  func.func @_bn_act_body(%arg0: memref<10000x128xf32, #tpu.memory_space<vmem>>, %arg1: memref<1x128xf32, #tpu.memory_space<vmem>>, %arg2: memref<1x128xf32, #tpu.memory_space<vmem>>, %arg3: memref<10000x128xf32, #tpu.memory_space<vmem>>) attributes {dimension_semantics = [], scalar_prefetch = 0 : i64, scratch_operands = 0 : i64, tpu.core_type = #tpu.core_type<tc>} {
    %get3A = arith.constant 0 : index
    %get3A_0 = arith.constant 0 : index
    %get3A_1 = vector.load %arg0[%get3A, %get3A_0] : memref<10000x128xf32, #tpu.memory_space<vmem>>, vector<10000x128xf32>
    %reduce_sum3A = arith.constant dense<0.000000e+00> : vector<128xf32>
    %reduce_sum3A_2 = vector.multi_reduction <add>, %get3A_1, %reduce_sum3A [0] : vector<10000x128xf32> to vector<128xf32>
    %broadcast_in_dim3A = vector.shape_cast %reduce_sum3A_2 : vector<128xf32> to vector<1x128xf32>
    %div3A = arith.constant 1.000000e+04 : f32
    %div3A_3 = vector.broadcast %div3A : f32 to vector<1x128xf32>
    %div3A_4 = arith.divf %broadcast_in_dim3A, %div3A_3 : vector<1x128xf32>
    %sub3A = vector.broadcast %div3A_4 : vector<1x128xf32> to vector<10000x128xf32>
    %sub3A_5 = arith.subf %get3A_1, %sub3A : vector<10000x128xf32>
    %mul3A = arith.mulf %sub3A_5, %sub3A_5 : vector<10000x128xf32>
    %reduce_sum3A_6 = arith.constant dense<0.000000e+00> : vector<128xf32>
    %reduce_sum3A_7 = vector.multi_reduction <add>, %mul3A, %reduce_sum3A_6 [0] : vector<10000x128xf32> to vector<128xf32>
    %broadcast_in_dim3A_8 = vector.shape_cast %reduce_sum3A_7 : vector<128xf32> to vector<1x128xf32>
    %div3A_9 = arith.constant 1.000000e+04 : f32
    %div3A_10 = vector.broadcast %div3A_9 : f32 to vector<1x128xf32>
    %div3A_11 = arith.divf %broadcast_in_dim3A_8, %div3A_10 : vector<1x128xf32>
    %add3A = arith.constant 9.99999974E-6 : f32
    %add3A_12 = vector.broadcast %add3A : f32 to vector<1x128xf32>
    %add3A_13 = arith.addf %div3A_11, %add3A_12 : vector<1x128xf32>
    %rsqrt3A = math.rsqrt %add3A_13 : vector<1x128xf32>
    %mul3A_14 = vector.broadcast %rsqrt3A : vector<1x128xf32> to vector<10000x128xf32>
    %mul3A_15 = arith.mulf %sub3A_5, %mul3A_14 : vector<10000x128xf32>
    %get3A_16 = arith.constant 0 : index
    %get3A_17 = arith.constant 0 : index
    %get3A_18 = vector.load %arg1[%get3A_16, %get3A_17] : memref<1x128xf32, #tpu.memory_space<vmem>>, vector<1x128xf32>
    %mul3A_19 = vector.broadcast %get3A_18 : vector<1x128xf32> to vector<10000x128xf32>
    %mul3A_20 = arith.mulf %mul3A_15, %mul3A_19 : vector<10000x128xf32>
    %get3A_21 = arith.constant 0 : index
    %get3A_22 = arith.constant 0 : index
    %get3A_23 = vector.load %arg2[%get3A_21, %get3A_22] : memref<1x128xf32, #tpu.memory_space<vmem>>, vector<1x128xf32>
    %add3A_24 = vector.broadcast %get3A_23 : vector<1x128xf32> to vector<10000x128xf32>
    %add3A_25 = arith.addf %mul3A_20, %add3A_24 : vector<10000x128xf32>
    %max3A = arith.constant 0.000000e+00 : f32
    %max3A_26 = vector.broadcast %max3A : f32 to vector<10000x128xf32>
    %max3A_27 = arith.maximumf %add3A_25, %max3A_26 : vector<10000x128xf32>
    %swap3A = arith.constant 0 : index
    %swap3A_28 = arith.constant 0 : index
    %swap3A_29 = vector.load %arg3[%swap3A, %swap3A_28] : memref<10000x128xf32, #tpu.memory_space<vmem>>, vector<10000x128xf32>
    tpu.vector_store %arg3[%swap3A, %swap3A_28], %max3A_27 {strides = array<i32>} : memref<10000x128xf32, #tpu.memory_space<vmem>>, vector<10000x128xf32>,
    return
  }
}

module attributes {stable_mosaic.version = 14 : i64} {
  func.func @_bn_act_body(%arg0: memref<10000x128xf32, #tpu.memory_space<vmem>>, %arg1: memref<1x128xf32, #tpu.memory_space<vmem>>, %arg2: memref<1x128xf32, #tpu.memory_space<vmem>>, %arg3: memref<10000x128xf32, #tpu.memory_space<vmem>>) attributes {dimension_semantics = [], scalar_prefetch = 0 : i64, scratch_operands = 0 : i64, tpu.core_type = #tpu.core_type<tc>} {
    %get3A = arith.constant 0 : index
    %get3A_0 = arith.constant 0 : index
    %get3A_1 = vector.load %arg0[%get3A, %get3A_0] : memref<10000x128xf32, #tpu.memory_space<vmem>>, vector<10000x128xf32>
    %reduce_sum3A = arith.constant dense<0.000000e+00> : vector<128xf32>
    %reduce_sum3A_2 = vector.multi_reduction <add>, %get3A_1, %reduce_sum3A [0] : vector<10000x128xf32> to vector<128xf32>
    %broadcast_in_dim3A = vector.shape_cast %reduce_sum3A_2 : vector<128xf32> to vector<1x128xf32>
    %div3A = arith.constant 1.000000e+04 : f32
    %div3A_3 = vector.broadcast %div3A : f32 to vector<1x128xf32>
    %div3A_4 = arith.divf %broadcast_in_dim3A, %div3A_3 : vector<1x128xf32>
    %sub3A = vector.broadcast %div3A_4 : vector<1x128xf32> to vector<10000x128xf32>
    %sub3A_5 = arith.subf %get3A_1, %sub3A : vector<10000x128xf32>
    %mul3A = arith.mulf %sub3A_5, %sub3A_5 : vector<10000x128xf32>
    %reduce_sum3A_6 = arith.constant dense<0.000000e+00> : vector<128xf32>
    %reduce_sum3A_7 = vector.multi_reduction <add>, %mul3A, %reduce_sum3A_6 [0] : vector<10000x128xf32> to vector<128xf32>
    %broadcast_in_dim3A_8 = vector.shape_cast %reduce_sum3A_7 : vector<128xf32> to vector<1x128xf32>
    %div3A_9 = arith.constant 1.000000e+04 : f32
    %div3A_10 = vector.broadcast %div3A_9 : f32 to vector<1x128xf32>
    %div3A_11 = arith.divf %broadcast_in_dim3A_8, %div3A_10 : vector<1x128xf32>
    %add3A = arith.constant 9.99999974E-6 : f32
    %add3A_12 = vector.broadcast %add3A : f32 to vector<1x128xf32>
    %add3A_13 = arith.addf %div3A_11, %add3A_12 : vector<1x128xf32>
    %rsqrt3A = math.rsqrt %add3A_13 : vector<1x128xf32>
    %mul3A_14 = vector.broadcast %rsqrt3A : vector<1x128xf32> to vector<10000x128xf32>
    %mul3A_15 = arith.mulf %sub3A_5, %mul3A_14 : vector<10000x128xf32>
    %get3A_16 = arith.constant 0 : index
    %get3A_17 = arith.constant 0 : index
    %get3A_18 = vector.load %arg1[%get3A_16, %get3A_17] : memref<1x128xf32, #tpu.memory_space<vmem>>, vector<1x128xf32>
    %mul3A_19 = vector.broadcast %get3A_18 : vector<1x128xf32> to vector<10000x128xf32>
    %mul3A_20 = arith.mulf %mul3A_15, %mul3A_19 : vector<10000x128xf32>
    %get3A_21 = arith.constant 0 : index
    %get3A_22 = arith.constant 0 : index
    %get3A_23 = vector.load %arg2[%get3A_21, %get3A_22] : memref<1x128xf32, #tpu.memory_space<vmem>>, vector<1x128xf32>
    %add3A_24 = vector.broadcast %get3A_23 : vector<1x128xf32> to vector<10000x128xf32>
    %add3A_25 = arith.addf %mul3A_20, %add3A_24 : vector<10000x128xf32>
    %max3A = arith.constant 0.000000e+00 : f32
    %max3A_26 = vector.broadcast %max3A : f32 to vector<10000x128xf32>
    %max3A_27 = arith.maximumf %add3A_25, %max3A_26 : vector<10000x128xf32>
    %logistic3A = arith.negf %max3A_27 : vector<10000x128xf32>
    %logistic3A_28 = math.exp %logistic3A : vector<10000x128xf32>
    %logistic3A_29 = arith.constant 1.000000e+00 : f32
    %logistic3A_30 = vector.broadcast %logistic3A_29 : f32 to vector<10000x128xf32>
    %logistic3A_31 = arith.addf %logistic3A_30, %logistic3A_28 : vector<10000x128xf32>
    %logistic3A_32 = arith.divf %logistic3A_30, %logistic3A_31 : vector<10000x128xf32>
    %swap3A = arith.constant 0 : index
    %swap3A_33 = arith.constant 0 : index
    %swap3A_34 = vector.load %arg3[%swap3A, %swap3A_33] : memref<10000x128xf32, #tpu.memory_space<vmem>>, vector<10000x128xf32>
    tpu.vector_store %arg3[%swap3A, %swap3A_33], %logistic3A_32 {strides = array<i32>} : memref<10000x128xf32, #tpu.memory_space<vmem>>, vector<10000x128xf32>,
    return
  }
}

module attributes {stable_mosaic.version = 14 : i64} {
  func.func @_node_mlp_body(%arg0: i32, %arg1: memref<2000x128xf32, #tpu.memory_space<vmem>>, %arg2: memref<128x128xf32, #tpu.memory_space<vmem>>, %arg3: memref<1x128xf32, #tpu.memory_space<vmem>>, %arg4: memref<128x128xf32, #tpu.memory_space<vmem>>, %arg5: memref<1x128xf32, #tpu.memory_space<vmem>>, %arg6: memref<1x128xf32, #tpu.memory_space<vmem>>, %arg7: memref<1x1xf32, #tpu.memory_space<vmem>>, %arg8: memref<2000x1xf32, #tpu.memory_space<vmem>>) attributes {dimension_semantics = [#tpu.dimension_semantics<arbitrary>], iteration_bounds = array<i64: 5>, scalar_prefetch = 0 : i64, scratch_operands = 0 : i64, tpu.core_type = #tpu.core_type<tc>, window_params = [{transform_indices = @transform_0, window_bounds = array<i64: 2000, 128>}, {pipeline_mode = #tpu.pipeline_mode<synchronous>, transform_indices = @transform_1, window_bounds = array<i64: 128, 128>}, {pipeline_mode = #tpu.pipeline_mode<synchronous>, transform_indices = @transform_2, window_bounds = array<i64: 1, 128>}, {pipeline_mode = #tpu.pipeline_mode<synchronous>, transform_indices = @transform_3, window_bounds = array<i64: 128, 128>}, {pipeline_mode = #tpu.pipeline_mode<synchronous>, transform_indices = @transform_4, window_bounds = array<i64: 1, 128>}, {pipeline_mode = #tpu.pipeline_mode<synchronous>, transform_indices = @transform_5, window_bounds = array<i64: 1, 128>}, {pipeline_mode = #tpu.pipeline_mode<synchronous>, transform_indices = @transform_6, window_bounds = array<i64: 1, 1>}, {transform_indices = @transform_7, window_bounds = array<i64: 2000, 1>}]} {
    %get3A = arith.constant 0 : index
    %get3A_0 = arith.constant 0 : index
    %get3A_1 = vector.load %arg1[%get3A, %get3A_0] : memref<2000x128xf32, #tpu.memory_space<vmem>>, vector<2000x128xf32>
    %get3A_2 = arith.constant 0 : index
    %get3A_3 = arith.constant 0 : index
    %get3A_4 = vector.load %arg2[%get3A_2, %get3A_3] : memref<128x128xf32, #tpu.memory_space<vmem>>, vector<128x128xf32>
    %convert_element_type3A = arith.truncf %get3A_1 : vector<2000x128xf32> to vector<2000x128xbf16>
    %convert_element_type3A_5 = arith.truncf %get3A_4 : vector<128x128xf32> to vector<128x128xbf16>
    %dot_general3A = arith.constant dense<0.000000e+00> : vector<2000x128xf32>
    %dot_general3A_6 = tpu.matmul %convert_element_type3A, %convert_element_type3A_5, %dot_general3A {dimension_numbers = #tpu.dot_dimension_numbers<[1], [0], [0], [1], [0, 0, 1, 1], [], []>, transpose_lhs_hint = false} : vector<2000x128xbf16>, vector<128x128xbf16>, vector<2000x128xf32> -> vector<2000x128xf32>
    %get3A_7 = arith.constant 0 : index
    %get3A_8 = arith.constant 0 : index
    %get3A_9 = vector.load %arg3[%get3A_7, %get3A_8] : memref<1x128xf32, #tpu.memory_space<vmem>>, vector<1x128xf32>
    %add3A = vector.broadcast %get3A_9 : vector<1x128xf32> to vector<2000x128xf32>
    %add3A_10 = arith.addf %dot_general3A_6, %add3A : vector<2000x128xf32>
    %ge3A = arith.constant 0.000000e+00 : f32
    %ge3A_11 = vector.broadcast %ge3A : f32 to vector<2000x128xf32>
    %ge3A_12 = arith.cmpf oge, %add3A_10, %ge3A_11 : vector<2000x128xf32>
    %mul3A = arith.constant 0.00999999977 : f32
    %mul3A_13 = vector.broadcast %mul3A : f32 to vector<2000x128xf32>
    %mul3A_14 = arith.mulf %mul3A_13, %add3A_10 : vector<2000x128xf32>
    %select_n3A = arith.select %ge3A_12, %add3A_10, %mul3A_14 : vector<2000x128xi1>, vector<2000x128xf32>
    %convert_element_type3A_15 = arith.truncf %select_n3A : vector<2000x128xf32> to vector<2000x128xbf16>
    %get3A_16 = arith.constant 0 : index
    %get3A_17 = arith.constant 0 : index
    %get3A_18 = vector.load %arg4[%get3A_16, %get3A_17] : memref<128x128xf32, #tpu.memory_space<vmem>>, vector<128x128xf32>
    %convert_element_type3A_19 = arith.truncf %get3A_18 : vector<128x128xf32> to vector<128x128xbf16>
    %dot_general3A_20 = arith.constant dense<0.000000e+00> : vector<2000x128xf32>
    %dot_general3A_21 = tpu.matmul %convert_element_type3A_15, %convert_element_type3A_19, %dot_general3A_20 {dimension_numbers = #tpu.dot_dimension_numbers<[1], [0], [0], [1], [0, 0, 1, 1], [], []>, transpose_lhs_hint = false} : vector<2000x128xbf16>, vector<128x128xbf16>, vector<2000x128xf32> -> vector<2000x128xf32>
    %get3A_22 = arith.constant 0 : index
    %get3A_23 = arith.constant 0 : index
    %get3A_24 = vector.load %arg5[%get3A_22, %get3A_23] : memref<1x128xf32, #tpu.memory_space<vmem>>, vector<1x128xf32>
    %add3A_25 = vector.broadcast %get3A_24 : vector<1x128xf32> to vector<2000x128xf32>
    %add3A_26 = arith.addf %dot_general3A_21, %add3A_25 : vector<2000x128xf32>
    %ge3A_27 = arith.constant 0.000000e+00 : f32
    %ge3A_28 = vector.broadcast %ge3A_27 : f32 to vector<2000x128xf32>
    %ge3A_29 = arith.cmpf oge, %add3A_26, %ge3A_28 : vector<2000x128xf32>
    %mul3A_30 = arith.constant 0.00999999977 : f32
    %mul3A_31 = vector.broadcast %mul3A_30 : f32 to vector<2000x128xf32>
    %mul3A_32 = arith.mulf %mul3A_31, %add3A_26 : vector<2000x128xf32>
    %select_n3A_33 = arith.select %ge3A_29, %add3A_26, %mul3A_32 : vector<2000x128xi1>, vector<2000x128xf32>
    %convert_element_type3A_34 = arith.truncf %select_n3A_33 : vector<2000x128xf32> to vector<2000x128xbf16>
    %convert_element_type3A_35 = arith.extf %convert_element_type3A_34 : vector<2000x128xbf16> to vector<2000x128xf32>
    %get3A_36 = arith.constant 0 : index
    %get3A_37 = arith.constant 0 : index
    %get3A_38 = vector.load %arg6[%get3A_36, %get3A_37] : memref<1x128xf32, #tpu.memory_space<vmem>>, vector<1x128xf32>
    %mul3A_39 = vector.broadcast %get3A_38 : vector<1x128xf32> to vector<2000x128xf32>
    %mul3A_40 = arith.mulf %convert_element_type3A_35, %mul3A_39 : vector<2000x128xf32>
    %reduce_sum3A = arith.constant dense<0.000000e+00> : vector<2000xf32>
    %reduce_sum3A_41 = vector.multi_reduction <add>, %mul3A_40, %reduce_sum3A [1] : vector<2000x128xf32> to vector<2000xf32>
    %broadcast_in_dim3A = vector.shape_cast %reduce_sum3A_41 : vector<2000xf32> to vector<2000x1xf32>
    %get3A_42 = arith.constant 0 : index
    %get3A_43 = arith.constant 0 : index
    %get3A_44 = vector.load %arg7[%get3A_42, %get3A_43] : memref<1x1xf32, #tpu.memory_space<vmem>>, vector<1x1xf32>
    %add3A_45 = vector.broadcast %get3A_44 : vector<1x1xf32> to vector<2000x1xf32>
    %add3A_46 = arith.addf %broadcast_in_dim3A, %add3A_45 : vector<2000x1xf32>
    %logistic3A = arith.negf %add3A_46 : vector<2000x1xf32>
    %logistic3A_47 = math.exp %logistic3A : vector<2000x1xf32>
    %logistic3A_48 = arith.constant 1.000000e+00 : f32
    %logistic3A_49 = vector.broadcast %logistic3A_48 : f32 to vector<2000x1xf32>
    %logistic3A_50 = arith.addf %logistic3A_49, %logistic3A_47 : vector<2000x1xf32>
    %logistic3A_51 = arith.divf %logistic3A_49, %logistic3A_50 : vector<2000x1xf32>
    %swap3A = arith.constant 0 : index
    %swap3A_52 = arith.constant 0 : index
    %swap3A_53 = vector.load %arg8[%swap3A, %swap3A_52] : memref<2000x1xf32, #tpu.memory_space<vmem>>, vector<2000x1xf32>
    tpu.vector_store %arg8[%swap3A, %swap3A_52], %logistic3A_51 {strides = array<i32>} : memref<2000x1xf32, #tpu.memory_space<vmem>>, vector<2000x1xf32>,
    return
  }
  func.func @transform_0(%arg0: i32) -> (i32, i32) {
    %c0_i32 = arith.constant 0 : i32
    %c0_i32_0 = arith.constant 0 : i32
    return %arg0, %c0_i32 : i32, i32
  }
  func.func @transform_1(%arg0: i32) -> (i32, i32) {
    %c0_i32 = arith.constant 0 : i32
    %c0_i32_0 = arith.constant 0 : i32
    %c0_i32_1 = arith.constant 0 : i32
    return %c0_i32, %c0_i32_0 : i32, i32
  }
  func.func @transform_2(%arg0: i32) -> (i32, i32) {
    %c0_i32 = arith.constant 0 : i32
    %c0_i32_0 = arith.constant 0 : i32
    %c0_i32_1 = arith.constant 0 : i32
    return %c0_i32, %c0_i32_0 : i32, i32
  }
  func.func @transform_3(%arg0: i32) -> (i32, i32) {
    %c0_i32 = arith.constant 0 : i32
    %c0_i32_0 = arith.constant 0 : i32
    %c0_i32_1 = arith.constant 0 : i32
    return %c0_i32, %c0_i32_0 : i32, i32
  }
  func.func @transform_4(%arg0: i32) -> (i32, i32) {
    %c0_i32 = arith.constant 0 : i32
    %c0_i32_0 = arith.constant 0 : i32
    %c0_i32_1 = arith.constant 0 : i32
    return %c0_i32, %c0_i32_0 : i32, i32
  }
  func.func @transform_5(%arg0: i32) -> (i32, i32) {
    %c0_i32 = arith.constant 0 : i32
    %c0_i32_0 = arith.constant 0 : i32
    %c0_i32_1 = arith.constant 0 : i32
    return %c0_i32, %c0_i32_0 : i32, i32
  }
  func.func @transform_6(%arg0: i32) -> (i32, i32) {
    %c0_i32 = arith.constant 0 : i32
    %c0_i32_0 = arith.constant 0 : i32
    %c0_i32_1 = arith.constant 0 : i32
    return %c0_i32, %c0_i32_0 : i32, i32
  }
  func.func @transform_7(%arg0: i32) -> (i32, i32) {
    %c0_i32 = arith.constant 0 : i32
    %c0_i32_0 = arith.constant 0 : i32
    return %arg0, %c0_i32 : i32, i32
  }
}

module attributes {stable_mosaic.version = 14 : i64} {
  func.func @_action_body(%arg0: memref<10000x128xf32, #tpu.memory_space<vmem>>, %arg1: memref<128x128xf32, #tpu.memory_space<vmem>>, %arg2: memref<1x128xf32, #tpu.memory_space<vmem>>, %arg3: memref<1x128xf32, #tpu.memory_space<vmem>>, %arg4: memref<1x128xf32, #tpu.memory_space<vmem>>, %arg5: memref<128x128xf32, #tpu.memory_space<vmem>>, %arg6: memref<1x128xf32, #tpu.memory_space<vmem>>, %arg7: memref<1x128xf32, #tpu.memory_space<vmem>>, %arg8: memref<1x128xf32, #tpu.memory_space<vmem>>, %arg9: memref<128x32xf32, #tpu.memory_space<vmem>>, %arg10: memref<1x32xf32, #tpu.memory_space<vmem>>, %arg11: memref<10x32xf32, #tpu.memory_space<vmem>>) attributes {dimension_semantics = [], scalar_prefetch = 0 : i64, scratch_operands = 0 : i64, tpu.core_type = #tpu.core_type<tc>} {
    %get3A = arith.constant 0 : index
    %get3A_0 = arith.constant 0 : index
    %get3A_1 = vector.load %arg0[%get3A, %get3A_0] : memref<10000x128xf32, #tpu.memory_space<vmem>>, vector<10000x128xf32>
    %iota3A = tpu.iota {dimensions = array<i32: 1>} : vector<10x10000xi32>
    %jit3A = arith.constant 1000 : i32
    %div3A = vector.broadcast %jit3A : i32 to vector<10x10000xi32>
    %div3A_2 = arith.divsi %iota3A, %div3A : vector<10x10000xi32>
    %sign3A = arith.constant 0 : i32
    %sign3A_3 = vector.broadcast %sign3A : i32 to vector<10x10000xi32>
    %sign3A_4 = arith.cmpi sgt, %iota3A, %sign3A_3 : vector<10x10000xi32>
    %sign3A_5 = arith.extui %sign3A_4 : vector<10x10000xi1> to vector<10x10000xi32>
    %sign3A_6 = arith.constant 0 : i32
    %sign3A_7 = vector.broadcast %sign3A_6 : i32 to vector<10x10000xi32>
    %sign3A_8 = arith.cmpi slt, %iota3A, %sign3A_7 : vector<10x10000xi32>
    %sign3A_9 = arith.extui %sign3A_8 : vector<10x10000xi1> to vector<10x10000xi32>
    %sign3A_10 = arith.subi %sign3A_5, %sign3A_9 : vector<10x10000xi32>
    %sign3A_11 = arith.constant 0 : i32
    %sign3A_12 = arith.cmpi sgt, %jit3A, %sign3A_11 : i32
    %sign3A_13 = arith.extui %sign3A_12 : i1 to i32
    %sign3A_14 = arith.constant 0 : i32
    %sign3A_15 = arith.cmpi slt, %jit3A, %sign3A_14 : i32
    %sign3A_16 = arith.extui %sign3A_15 : i1 to i32
    %sign3A_17 = arith.subi %sign3A_13, %sign3A_16 : i32
    %ne3A = vector.broadcast %sign3A_17 : i32 to vector<10x10000xi32>
    %ne3A_18 = arith.cmpi ne, %sign3A_10, %ne3A : vector<10x10000xi32>
    %rem3A = vector.broadcast %jit3A : i32 to vector<10x10000xi32>
    %rem3A_19 = arith.remsi %iota3A, %rem3A : vector<10x10000xi32>
    %ne3A_20 = arith.constant 0 : i32
    %ne3A_21 = vector.broadcast %ne3A_20 : i32 to vector<10x10000xi32>
    %ne3A_22 = arith.cmpi ne, %rem3A_19, %ne3A_21 : vector<10x10000xi32>
    %and3A = arith.andi %ne3A_18, %ne3A_22 : vector<10x10000xi1>
    %sub3A = arith.constant 1 : i32
    %sub3A_23 = vector.broadcast %sub3A : i32 to vector<10x10000xi32>
    %sub3A_24 = arith.subi %div3A_2, %sub3A_23 : vector<10x10000xi32>
    %select_n3A = arith.select %and3A, %sub3A_24, %div3A_2 : vector<10x10000xi1>, vector<10x10000xi32>
    %iota3A_25 = tpu.iota {dimensions = array<i32: 0>} : vector<10x10000xi32>
    %eq3A = arith.cmpi eq, %select_n3A, %iota3A_25 : vector<10x10000xi32>
    %jit3A_26 = arith.constant 1.000000e-03 : f32
    %jit3A_27 = arith.constant 0.000000e+00 : f32
    %broadcast_in_dim3A = vector.broadcast %jit3A_26 : f32 to vector<10x10000xf32>
    %broadcast_in_dim3A_28 = vector.broadcast %jit3A_27 : f32 to vector<10x10000xf32>
    %select_n3A_29 = arith.select %eq3A, %broadcast_in_dim3A, %broadcast_in_dim3A_28 : vector<10x10000xi1>, vector<10x10000xf32>
    %dot_general3A = arith.constant dense<0.000000e+00> : vector<10x128xf32>
    %dot_general3A_30 = tpu.matmul %select_n3A_29, %get3A_1, %dot_general3A {dimension_numbers = #tpu.dot_dimension_numbers<[1], [0], [0], [1], [0, 0, 1, 1], [], []>, precision = #tpu.contract_precision<fp32>, transpose_lhs_hint = false} : vector<10x10000xf32>, vector<10000x128xf32>, vector<10x128xf32> -> vector<10x128xf32>
    %get3A_31 = arith.constant 0 : index
    %get3A_32 = arith.constant 0 : index
    %get3A_33 = vector.load %arg1[%get3A_31, %get3A_32] : memref<128x128xf32, #tpu.memory_space<vmem>>, vector<128x128xf32>
    %convert_element_type3A = arith.truncf %dot_general3A_30 : vector<10x128xf32> to vector<10x128xbf16>
    %convert_element_type3A_34 = arith.truncf %get3A_33 : vector<128x128xf32> to vector<128x128xbf16>
    %dot_general3A_35 = arith.constant dense<0.000000e+00> : vector<10x128xf32>
    %dot_general3A_36 = tpu.matmul %convert_element_type3A, %convert_element_type3A_34, %dot_general3A_35 {dimension_numbers = #tpu.dot_dimension_numbers<[1], [0], [0], [1], [0, 0, 1, 1], [], []>, transpose_lhs_hint = false} : vector<10x128xbf16>, vector<128x128xbf16>, vector<10x128xf32> -> vector<10x128xf32>
    %get3A_37 = arith.constant 0 : index
    %get3A_38 = arith.constant 0 : index
    %get3A_39 = vector.load %arg2[%get3A_37, %get3A_38] : memref<1x128xf32, #tpu.memory_space<vmem>>, vector<1x128xf32>
    %add3A = vector.broadcast %get3A_39 : vector<1x128xf32> to vector<10x128xf32>
    %add3A_40 = arith.addf %dot_general3A_36, %add3A : vector<10x128xf32>
    %get3A_41 = arith.constant 0 : index
    %get3A_42 = arith.constant 0 : index
    %get3A_43 = vector.load %arg3[%get3A_41, %get3A_42] : memref<1x128xf32, #tpu.memory_space<vmem>>, vector<1x128xf32>
    %get3A_44 = arith.constant 0 : index
    %get3A_45 = arith.constant 0 : index
    %get3A_46 = vector.load %arg4[%get3A_44, %get3A_45] : memref<1x128xf32, #tpu.memory_space<vmem>>, vector<1x128xf32>
    %reduce_sum3A = arith.constant dense<0.000000e+00> : vector<128xf32>
    %reduce_sum3A_47 = vector.multi_reduction <add>, %add3A_40, %reduce_sum3A [0] : vector<10x128xf32> to vector<128xf32>
    %broadcast_in_dim3A_48 = vector.shape_cast %reduce_sum3A_47 : vector<128xf32> to vector<1x128xf32>
    %div3A_49 = arith.constant 1.000000e+01 : f32
    %div3A_50 = vector.broadcast %div3A_49 : f32 to vector<1x128xf32>
    %div3A_51 = arith.divf %broadcast_in_dim3A_48, %div3A_50 : vector<1x128xf32>
    %sub3A_52 = vector.broadcast %div3A_51 : vector<1x128xf32> to vector<10x128xf32>
    %sub3A_53 = arith.subf %add3A_40, %sub3A_52 : vector<10x128xf32>
    %mul3A = arith.mulf %sub3A_53, %sub3A_53 : vector<10x128xf32>
    %reduce_sum3A_54 = arith.constant dense<0.000000e+00> : vector<128xf32>
    %reduce_sum3A_55 = vector.multi_reduction <add>, %mul3A, %reduce_sum3A_54 [0] : vector<10x128xf32> to vector<128xf32>
    %broadcast_in_dim3A_56 = vector.shape_cast %reduce_sum3A_55 : vector<128xf32> to vector<1x128xf32>
    %div3A_57 = arith.constant 1.000000e+01 : f32
    %div3A_58 = vector.broadcast %div3A_57 : f32 to vector<1x128xf32>
    %div3A_59 = arith.divf %broadcast_in_dim3A_56, %div3A_58 : vector<1x128xf32>
    %add3A_60 = arith.constant 9.99999974E-6 : f32
    %add3A_61 = vector.broadcast %add3A_60 : f32 to vector<1x128xf32>
    %add3A_62 = arith.addf %div3A_59, %add3A_61 : vector<1x128xf32>
    %rsqrt3A = math.rsqrt %add3A_62 : vector<1x128xf32>
    %mul3A_63 = vector.broadcast %rsqrt3A : vector<1x128xf32> to vector<10x128xf32>
    %mul3A_64 = arith.mulf %sub3A_53, %mul3A_63 : vector<10x128xf32>
    %mul3A_65 = vector.broadcast %get3A_43 : vector<1x128xf32> to vector<10x128xf32>
    %mul3A_66 = arith.mulf %mul3A_64, %mul3A_65 : vector<10x128xf32>
    %add3A_67 = vector.broadcast %get3A_46 : vector<1x128xf32> to vector<10x128xf32>
    %add3A_68 = arith.addf %mul3A_66, %add3A_67 : vector<10x128xf32>
    %max3A = arith.constant 0.000000e+00 : f32
    %max3A_69 = vector.broadcast %max3A : f32 to vector<10x128xf32>
    %max3A_70 = arith.maximumf %add3A_68, %max3A_69 : vector<10x128xf32>
    %get3A_71 = arith.constant 0 : index
    %get3A_72 = arith.constant 0 : index
    %get3A_73 = vector.load %arg5[%get3A_71, %get3A_72] : memref<128x128xf32, #tpu.memory_space<vmem>>, vector<128x128xf32>
    %convert_element_type3A_74 = arith.truncf %max3A_70 : vector<10x128xf32> to vector<10x128xbf16>
    %convert_element_type3A_75 = arith.truncf %get3A_73 : vector<128x128xf32> to vector<128x128xbf16>
    %dot_general3A_76 = arith.constant dense<0.000000e+00> : vector<10x128xf32>
    %dot_general3A_77 = tpu.matmul %convert_element_type3A_74, %convert_element_type3A_75, %dot_general3A_76 {dimension_numbers = #tpu.dot_dimension_numbers<[1], [0], [0], [1], [0, 0, 1, 1], [], []>, transpose_lhs_hint = false} : vector<10x128xbf16>, vector<128x128xbf16>, vector<10x128xf32> -> vector<10x128xf32>
    %get3A_78 = arith.constant 0 : index
    %get3A_79 = arith.constant 0 : index
    %get3A_80 = vector.load %arg6[%get3A_78, %get3A_79] : memref<1x128xf32, #tpu.memory_space<vmem>>, vector<1x128xf32>
    %add3A_81 = vector.broadcast %get3A_80 : vector<1x128xf32> to vector<10x128xf32>
    %add3A_82 = arith.addf %dot_general3A_77, %add3A_81 : vector<10x128xf32>
    %get3A_83 = arith.constant 0 : index
    %get3A_84 = arith.constant 0 : index
    %get3A_85 = vector.load %arg7[%get3A_83, %get3A_84] : memref<1x128xf32, #tpu.memory_space<vmem>>, vector<1x128xf32>
    %get3A_86 = arith.constant 0 : index
    %get3A_87 = arith.constant 0 : index
    %get3A_88 = vector.load %arg8[%get3A_86, %get3A_87] : memref<1x128xf32, #tpu.memory_space<vmem>>, vector<1x128xf32>
    %reduce_sum3A_89 = arith.constant dense<0.000000e+00> : vector<128xf32>
    %reduce_sum3A_90 = vector.multi_reduction <add>, %add3A_82, %reduce_sum3A_89 [0] : vector<10x128xf32> to vector<128xf32>
    %broadcast_in_dim3A_91 = vector.shape_cast %reduce_sum3A_90 : vector<128xf32> to vector<1x128xf32>
    %div3A_92 = arith.constant 1.000000e+01 : f32
    %div3A_93 = vector.broadcast %div3A_92 : f32 to vector<1x128xf32>
    %div3A_94 = arith.divf %broadcast_in_dim3A_91, %div3A_93 : vector<1x128xf32>
    %sub3A_95 = vector.broadcast %div3A_94 : vector<1x128xf32> to vector<10x128xf32>
    %sub3A_96 = arith.subf %add3A_82, %sub3A_95 : vector<10x128xf32>
    %mul3A_97 = arith.mulf %sub3A_96, %sub3A_96 : vector<10x128xf32>
    %reduce_sum3A_98 = arith.constant dense<0.000000e+00> : vector<128xf32>
    %reduce_sum3A_99 = vector.multi_reduction <add>, %mul3A_97, %reduce_sum3A_98 [0] : vector<10x128xf32> to vector<128xf32>
    %broadcast_in_dim3A_100 = vector.shape_cast %reduce_sum3A_99 : vector<128xf32> to vector<1x128xf32>
    %div3A_101 = arith.constant 1.000000e+01 : f32
    %div3A_102 = vector.broadcast %div3A_101 : f32 to vector<1x128xf32>
    %div3A_103 = arith.divf %broadcast_in_dim3A_100, %div3A_102 : vector<1x128xf32>
    %add3A_104 = arith.constant 9.99999974E-6 : f32
    %add3A_105 = vector.broadcast %add3A_104 : f32 to vector<1x128xf32>
    %add3A_106 = arith.addf %div3A_103, %add3A_105 : vector<1x128xf32>
    %rsqrt3A_107 = math.rsqrt %add3A_106 : vector<1x128xf32>
    %mul3A_108 = vector.broadcast %rsqrt3A_107 : vector<1x128xf32> to vector<10x128xf32>
    %mul3A_109 = arith.mulf %sub3A_96, %mul3A_108 : vector<10x128xf32>
    %mul3A_110 = vector.broadcast %get3A_85 : vector<1x128xf32> to vector<10x128xf32>
    %mul3A_111 = arith.mulf %mul3A_109, %mul3A_110 : vector<10x128xf32>
    %add3A_112 = vector.broadcast %get3A_88 : vector<1x128xf32> to vector<10x128xf32>
    %add3A_113 = arith.addf %mul3A_111, %add3A_112 : vector<10x128xf32>
    %max3A_114 = arith.constant 0.000000e+00 : f32
    %max3A_115 = vector.broadcast %max3A_114 : f32 to vector<10x128xf32>
    %max3A_116 = arith.maximumf %add3A_113, %max3A_115 : vector<10x128xf32>
    %get3A_117 = arith.constant 0 : index
    %get3A_118 = arith.constant 0 : index
    %get3A_119 = vector.load %arg9[%get3A_117, %get3A_118] : memref<128x32xf32, #tpu.memory_space<vmem>>, vector<128x32xf32>
    %convert_element_type3A_120 = arith.truncf %max3A_116 : vector<10x128xf32> to vector<10x128xbf16>
    %convert_element_type3A_121 = arith.truncf %get3A_119 : vector<128x32xf32> to vector<128x32xbf16>
    %dot_general3A_122 = arith.constant dense<0.000000e+00> : vector<10x32xf32>
    %dot_general3A_123 = tpu.matmul %convert_element_type3A_120, %convert_element_type3A_121, %dot_general3A_122 {dimension_numbers = #tpu.dot_dimension_numbers<[1], [0], [0], [1], [0, 0, 1, 1], [], []>, transpose_lhs_hint = false} : vector<10x128xbf16>, vector<128x32xbf16>, vector<10x32xf32> -> vector<10x32xf32>
    %get3A_124 = arith.constant 0 : index
    %get3A_125 = arith.constant 0 : index
    %get3A_126 = vector.load %arg10[%get3A_124, %get3A_125] : memref<1x32xf32, #tpu.memory_space<vmem>>, vector<1x32xf32>
    %add3A_127 = vector.broadcast %get3A_126 : vector<1x32xf32> to vector<10x32xf32>
    %add3A_128 = arith.addf %dot_general3A_123, %add3A_127 : vector<10x32xf32>
    %logistic3A = arith.negf %add3A_128 : vector<10x32xf32>
    %logistic3A_129 = math.exp %logistic3A : vector<10x32xf32>
    %logistic3A_130 = arith.constant 1.000000e+00 : f32
    %logistic3A_131 = vector.broadcast %logistic3A_130 : f32 to vector<10x32xf32>
    %logistic3A_132 = arith.addf %logistic3A_131, %logistic3A_129 : vector<10x32xf32>
    %logistic3A_133 = arith.divf %logistic3A_131, %logistic3A_132 : vector<10x32xf32>
    %swap3A = arith.constant 0 : index
    %swap3A_134 = arith.constant 0 : index
    %swap3A_135 = vector.load %arg11[%swap3A, %swap3A_134] : memref<10x32xf32, #tpu.memory_space<vmem>>, vector<10x32xf32>
    tpu.vector_store %arg11[%swap3A, %swap3A_134], %logistic3A_133 {strides = array<i32>} : memref<10x32xf32, #tpu.memory_space<vmem>>, vector<10x32xf32>,
    return
  }
}

</mosaic_0001>

<sc_bundles>
// kernel: kernel.11.cloned.1.call-start
scs
__scs_entry_jumppad:
0x0: {  	(pc) =	sbr.rel $0x88, $3  }
0x1: {  	(tag) =	ssettag $0x0;
	lr =	simm.s32 $0x1  }
0x2: {  	[smem:$0x3F82] =	sst lr;
	_ =	strace $0xD0000000  }
0x3: {  	_ = 	snop  }
0x4: {  	_ = 	snop  }
0x5: {  	_ = 	snop  }
0x6: {  	_ = 	snop  }
0x7: {  	_ = 	snop  }
__scs_overlays_trampoline_lowered:
0x8: {  	[smem:$0x3F91] =	sst s0  }
0x9: {  	[smem:$0x3F92] =	sst s1  }
0xa: {  	[smem:$0x3F93] =	sst s2  }
0xb: {  	[smem:$0x3F94] =	sst s3  }
0xc: {  	[smem:$0x3F95] =	sst s4  }
0xd: {  	[smem:$0x3F96] =	sst s5  }
0xe: {  	[smem:$0x3F97] =	sst s6  }
0xf: {  	[smem:$0x3F98] =	sst s7  }
0x10: {  	[smem:$0x3F99] =	sst s8  }
0x11: {  	[smem:$0x3F9A] =	sst s9;
	s0 =	simm.s32 @!p0 $0x0  }
0x12: {  	s1 =	sld [smem:$0x3F80];
	s0 =	simm.s32 @p0 $0x1  }
0x13: {  	[smem:$0x3F9B] =	sst s0;
	s0 =	simm.s32 @!p1 $0x0  }
0x14: {  	s2 =	sld [smem:$0x3F7F];
	s0 =	simm.s32 @p1 $0x1  }
0x15: {  	[smem:$0x3F9C] =	sst s0;
	s0 =	simm.s32 @!p2 $0x0  }
0x16: {  	s3 =	sld [smem:$0x3FDB];
	s0 =	simm.s32 @p2 $0x1  }
0x17: {  	s4 =	simm.s32 $0x1BF5;
	[smem:$0x3F9E] =	sst s0  }
0x18: {  	s0 =	sld [smem:$0x3F81];
	_ =	swait.ge [sflag:s4], $0x0  }
0x19: {  	s7 =	sld [smem:$0x3F82]  }
0x1a: {  	s8 =	sadd.s32 $0xFFFFE003, lr  }
0x1b: {  	s9 =	sadd.s32 $0xFFFFFEF7, lr;
	s5 =	simm.s32 $0xFFFFFFFF;
	p2 =	slt.u32 s8, $0xFFFFF086  }
0x1c: {  	p1 =	slt.u32 s9, $0xF7A;
	s5 =	simm.s32 @!p2 $0x0  }
0x1d: {  	s5 =	simm.s32 @p1 $0x1;
	p0 =	seq.s32 s7, s2  }
0x1e: {  	s7 =	smul.u32 @!p0 $0xF7A, s2;
	p2 =	seq.s32 @!p0 s5, $0x0  }
0x1f: {  	s9 =	smul.u32 $0xF7A, s1;
	s8 =	simm.s32 @!p0 $0x1BF5;
	p2 =	por !p2, p0  }
0x20: {  	[sflag:s8] =	ssyncset.s32 @!p0 $0xFFFFF086;
	s6 =	sadd.s32 @!p0 s3, s7;
	s7 =	simm.s32 @!p0 $0x108  }
0x21: {  	s3 =	sadd.s32 s3, s9;
	s6 =	sadd.s32 @!p0 $0x88, s6;
	s7 =	simm.s32 @p2 $0x1082  }
0x22: {  	[simem:s7], [sflag:s8] =	dma.local @!p0 [hbm:s6], $0xF7A  }
0x23: {  	s9 =	sor.u32 $0xD0000000, s2;
	s6 =	simm.s32 $0x108;
	_ =	swait.ge @!p0 [sflag:s8], $0x0  }
0x24: {  	s3 =	sadd.s32 $0x88, s3;
	s6 =	simm.s32 @!p1 $0x1082;
	[sflag:s4] =	ssyncset.s32 $0xFFFFF086  }
0x25: {  	[simem:s6], [sflag:s4] =	dma.local [hbm:s3], $0xF7A  }
0x26: {  	[smem:$0x3F82] =	sst s1;
	(tag) =	ssettag s2;
	_ =	strace s9  }
0x27: {  	s1 =	sld [smem:$0x3F92]  }
0x28: {  	s2 =	sld [smem:$0x3F93]  }
0x29: {  	s4 =	sld [smem:$0x3F95]  }
0x2a: {  	p0 =	seq.s32 s5, $0x0;
	s5 =	sld [smem:$0x3F96]  }
0x2b: {  	s6 =	sld [smem:$0x3F97]  }
0x2c: {  	s7 =	sld [smem:$0x3F98]  }
0x2d: {  	s3 =	simm.s32 $0x108;
	s8 =	sld [smem:$0x3F99]  }
0x2e: {  	s3 =	simm.s32 @!p0 $0x1082;
	s9 =	sld [smem:$0x3F9A]  }
0x2f: {  	lr =	sadd.s32 s0, s3;
	s0 =	sld [smem:$0x3F91]  }
0x30: {  	s3 =	sld [smem:$0x3F94]  }
0x31: {  	[smem:$0x3F9D] =	sst s10  }
0x32: {  	s10 =	sld [smem:$0x3F9B];
	_ =	sdelay $0x3  }
0x33: {  	p0 =	seq.s32 s10, $0x1;
	s10 =	sld [smem:$0x3F9D];
	_ =	sdelay $0x3  }
0x34: {  	[smem:$0x3F9D] =	sst s10  }
0x35: {  	s10 =	sld [smem:$0x3F9C];
	_ =	sdelay $0x3  }
0x36: {  	p1 =	seq.s32 s10, $0x1;
	s10 =	sld [smem:$0x3F9D];
	_ =	sdelay $0x3  }
0x37: {  	[smem:$0x3F9D] =	sst s10  }
0x38: {  	s10 =	sld [smem:$0x3F9E]  }
0x39: {  	_ = 	snop;
	(pc) =	sbr.ind lr, $3  }
0x3a: {  	_ = 	snop  }
0x3b: {  	_ = 	snop  }
0x3c: {  	p2 =	seq.s32 s10, $0x1;
	s10 =	sld [smem:$0x3F9D]  }
0x3d: {  	_ =	shalt  }
0x3e: {  	_ =	shalt  }
0x3f: {  	_ =	shalt  }
0x40: {  	_ =	shalt  }
0x41: {  	_ =	shalt  }
0x42: {  	_ =	shalt  }
0x43: {  	_ =	shalt  }
0x44: {  	_ =	shalt  }
0x45: {  	_ =	shalt  }
0x46: {  	_ =	shalt  }
0x47: {  	_ =	shalt  }
0x48: {  	_ =	shalt  }
0x49: {  	_ =	shalt  }
0x4a: {  	_ =	shalt  }
0x4b: {  	_ =	shalt  }
0x4c: {  	_ =	shalt  }
0x4d: {  	_ =	shalt  }
0x4e: {  	_ =	shalt  }
0x4f: {  	_ =	shalt  }
0x50: {  	_ =	shalt  }
0x51: {  	_ =	shalt  }
0x52: {  	_ =	shalt  }
0x53: {  	_ =	shalt  }
0x54: {  	_ =	shalt  }
0x55: {  	_ =	shalt  }
0x56: {  	_ =	shalt  }
0x57: {  	_ =	shalt  }
0x58: {  	_ =	shalt  }
0x59: {  	_ =	shalt  }
0x5a: {  	_ =	shalt  }
0x5b: {  	_ =	shalt  }
0x5c: {  	_ =	shalt  }
0x5d: {  	_ =	shalt  }
0x5e: {  	_ =	shalt  }
0x5f: {  	_ =	shalt  }
0x60: {  	_ =	shalt  }
0x61: {  	_ =	shalt  }
0x62: {  	_ =	shalt  }
0x63: {  	_ =	shalt  }
0x64: {  	_ =	shalt  }
0x65: {  	_ =	shalt  }
0x66: {  	_ =	shalt  }
0x67: {  	_ =	shalt  }
0x68: {  	_ =	shalt  }
0x69: {  	_ =	shalt  }
0x6a: {  	_ =	shalt  }
0x6b: {  	_ =	shalt  }
0x6c: {  	_ =	shalt  }
0x6d: {  	_ =	shalt  }
0x6e: {  	_ =	shalt  }
0x6f: {  	_ =	shalt  }
0x70: {  	_ =	shalt  }
0x71: {  	_ =	shalt  }
0x72: {  	_ =	shalt  }
0x73: {  	_ =	shalt  }
0x74: {  	_ =	shalt  }
0x75: {  	_ =	shalt  }
0x76: {  	_ =	shalt  }
0x77: {  	_ =	shalt  }
0x78: {  	_ =	shalt  }
0x79: {  	_ =	shalt  }
0x7a: {  	_ =	shalt  }
0x7b: {  	_ =	shalt  }
0x7c: {  	_ =	shalt  }
0x7d: {  	_ =	shalt  }
0x7e: {  	_ =	shalt  }
0x7f: {  	_ =	shalt  }
0x80: {  	_ =	shalt  }
0x81: {  	_ =	shalt  }
0x82: {  	_ =	shalt  }
0x83: {  	_ =	shalt  }
0x84: {  	_ =	shalt  }
0x85: {  	_ =	shalt  }
0x86: {  	_ =	shalt  }
0x87: {  	_ =	shalt  }
.Lfunc_end0:
.L_simem_size_0:
called_computation_lowered:
.L_overlay_start_0:
0x88: {  	s2 =	sld [smem:$0x3FD9]  }
0x89: {  	s3 =	sld [smem:$0x3FFE];
	_ =	sdelay $0x1  }
0x8a: {  	s1 =	srdreg.scid  }
0x8b: {  	s0 =	sand.u32 $0x1, s1  }
0x8c: {  	s17 =	sshll.u32 s0, $0xA;
	s2 =	sadd.s32 s3, s2  }
0x8d: {  	s2 =	sadd.s32 s2, s17  }
0x8e: {  	[smem:$0x3FA9] =	sst s2  }
0x8f: {  	_ = 	snop  }
0x90: {  	s2 =	sld [smem:$0x3FC9];
	(tm) =	ssettm $0x1  }
0x91: {  	s18 =	sld [smem:$0x3FFB];
	_ =	sdelay $0x3  }
0x92: {  	_ =	strace s18  }
0x93: {  	s3 =	sld [smem:$0x3FFC];
	_ =	sdelay $0x3  }
0x94: {  	_ =	strace s3  }
0x95: {  	s3 =	sld [smem:$0x3FFD];
	_ =	sdelay $0x3  }
0x96: {  	_ =	strace s3  }
0x97: {  	_ =	strace $0x8FFFFFFF  }
0x98: {  	s19 =	sld [smem:$0x3FDB];
	_ =	sdelay $0x1  }
0x99: {  	s4 =	simm.s32 $_scs_section_size  }
0x9a: {  	s5 =	simm.s32 $_size__tile_overlayer_lowered;
	s6 =	simm.s32 $_tile_overlayer_lowered  }
0x9b: {  	s22 =	simm.s32 $0x1BFF;
	s21 =	sshll.u32 s6, $0x1;
	s3 =	sadd.s32 s4, s19  }
0x9c: {  	s7 =	simm.s32 $0x0;
	s20 =	sshll.u32 s5, $0x1;
	s5 =	sadd.s32 s21, s3  }
0x9d: {  	[timem:s7], [sflag:s22] =	dma.local [hbm:s5], s20  }
0x9e: {  	_ =	swait.ge [sflag:s22], s20  }
0x9f: {  	s4 =	ssub.s32 $0x0, s20;
	[sflag:s22] =	ssyncset.done $0x0  }
0xa0: {  	[sflag:s22] =	ssyncadd.s32 s4;
	_ =	sdelay $0x1  }
0xa1: {  	s23 =	simm.s32 $0x1B8B  }
0xa2: {  	_ =	swait.ge [sflag:s23], $0x1  }
0xa3: {  	[sflag:s23] =	ssyncset.done $0x0  }
0xa4: {  	s25 =	simm.s32 $0x1B8E;
	s24 =	sld [smem:$0x3FFE];
	[sflag:s23] =	ssyncadd.s32 $0xFFFFFFFF  }
0xa5: {  	s26 =	simm.s32 $execute0_lowered;
	[smem:$0x3FD2] =	sst s25  }
0xa6: {  	s5 =	sshll.u32 s26, $0x1;
	_ =	strace $0x80000046;
	[dreg:$0x1] =	wrdreg $0xFFFFFFFF  }
0xa7: {  	s28 =	simm.s32 $_size_execute0_lowered;
	s3 =	sadd.s32 s3, s5;
	[dreg:$0x0] =	wrdreg $0x0  }
0xa8: {  	s5 =	sshll.u32 s28, $0x1;
	[dreg:$0x2] =	wrdreg s3  }
0xa9: {  	[dreg:$0x3] =	wrdreg s5  }
0xaa: {  	[dreg:$0x4] =	wrdreg $0xC0  }
0xab: {  	_ =	task [dreg:s7], $0x5FFFF  }
0xac: {  	[dreg:$0x1] =	wrdreg $0xFFFFFFFF  }
0xad: {  	[dreg:$0x0] =	wrdreg $0x60  }
0xae: {  	[dreg:$0x2] =	wrdreg s2  }
0xaf: {  	[dreg:$0x3] =	wrdreg s24  }
0xb0: {  	[dreg:$0x4] =	wrdreg $0xA2000  }
0xb1: {  	[dreg:$0x5] =	wrdreg $0x9  }
0xb2: {  	_ =	task.clear_ibuf [dreg:s7], $0x6FFFF;
	_ =	strace $0x90000046  }
0xb3: {  	s29 =	simm.s32 $0x9;
	_ =	strace $0x80000048  }
0xb4: {  	_ =	swait.ge [sflag:s29], $0x1  }
0xb5: {  	[sflag:s29] =	ssyncadd.s32 $0xFFFFFFFF  }
0xb6: {  	_ =	strace $0x90000048  }
0xb7: {  	_ =	sfence  }
0xb8: {  	s30 =	sld [smem:$0x0];
	_ =	sdelay $0x2  }
0xb9: {  	s31 =	sshll.u32 s1, $0xD;
	s1 =	sshrl.u32 s1, $0x2  }
0xba: {  	s3 =	sand.u32 $0x4000, s31;
	s1 =	sadd.s32 s1, s30  }
0xbb: {  	s0 =	sor.u32 s3, s0;
	s1 =	sshll.u32 s1, $0x11  }
0xbc: {  	s0 =	sor.u32 s1, s0  }
0xbd: {  	s0 =	sadd.s32 $0x8F2B, s0  }
0xbe: {  	[sflag:s0] =	ssyncadd.remote.s32 $0x1  }
0xbf: {  	_ =	sfence.sel $0xFFFF  }
0xc0: {  	[dreg:$0x0] =	wrdreg $0xFFFFFFFF;
	(pc) =	sbr.abs _section_cstart, $3  }
0xc1: {  	[dreg:$0x1] =	wrdreg $0xFFFFFFFF  }
0xc2: {  	_ =	task.clear_ibuf [dreg:s7], $0x2FFFF;
	_ =	strace $0x9FFFFFFF  }
0xc3: {  	(tm) =	ssettm $0x7FFFFFFF  }
tec
execute0_lowered:
.L_overlay_start_1:
0x0: {  	(tag) =	ssettag $0x1  }
0x1: {  	s1 =	rddreg [dreg:$0x0]  }
0x2: {  	s0 =	rddreg [dreg:$0x1]  }
0x3: {  	s2 =	rddreg [dreg:$0x2]  }
0x4: {  	s3 =	srdreg.scid;
	s4 =	simm.s32 $0x0;
	s18 =	simm.s32 $0x80  }
0x5: {  	s28 =	simm.s32 $0x6;
	s29 =	simm.s32 $0x9;
	s30 =	simm.s32 $0x3  }
0x6: {  	s31 =	simm.s32 $0x4;
	s19 =	simm.s32 $0x5200;
	s6 =	sand.u32 $0x1, s3  }
0x7: {  	[smem:$0x7FF] =	sst s4;
	s3 =	stileid.u32;
	s7 =	sadd.s32 $0x4F0800, s0  }
0x8: {  	s8 =	sadd.s32 $0x4E6A00, s0;
	s5 =	sshll.u32 s6, $0x4;
	_ =	strace $0x80000047  }
0x9: {  	s9 =	smul.u32 $0x27100, s6;
	s11 =	ssub.s32 $0x2, s6;
	s10 =	sor.u32 s3, s5  }
0xa: {  	s5 =	sadd.s32 $0x4FA600, s0;
	s12 =	sshrl.u32 s11, $0x1;
	s6 =	smul.u32 $0x2710, s10  }
0xb: {  	s0 =	sadd.s32 s9, s0;
	s20 =	ssub.s32 s11, s12;
	s10 =	smul.u32 $0x27100, s10  }
0xc: {  	s9 =	simm.s32 $0x0;
	s0 =	sadd.s32 $0x4A00, s0;
	s26 =	smax.u32 s20, $0x1  }
0xd: {  	s20 =	simm.s32 $0x180;
	s21 =	sshrl.u32 s6, $0x3;
	[dreg:$0x9] =	wrdreg s0  }
0xe: {  	s10 =	sadd.s32 s5, s10;
	s14 =	sadd.s32 $0xF0, s6;
	[dreg:$0xa] =	wrdreg s26  }
0xf: {  	s17 =	sadd.s32 $0xA0, s6;
	s26 =	simm.s32 $0x2;
	s0 =	simm.s32 $0x8  }
0x10: {  	s22 =	sadd.s32 s7, s21;
	s23 =	sadd.s32 $0xA, s21;
	[dreg:$0x8] =	wrdreg s10  }
0x11: {  	s11 =	sadd.s32 s8, s21;
	s21 =	simm.s32 $0x5;
	[dreg:$0x4] =	wrdreg s22  }
0x12: {  	[dreg:$0x5] =	wrdreg s11;
	s24 =	sadd.s32 s7, s23;
	s25 =	sadd.s32 s8, s23  }
0x13: {  	s22 =	simm.s32 $0x50;
	s23 =	simm.s32 $0x200;
	[dreg:$0x6] =	wrdreg s24  }
0x14: {  	v0 =	vimm.f32 $0.0e+00;
	[dreg:$0x7] =	wrdreg s25;
	s24 =	simm.s32 $0x2A00;
	s25 =	simm.s32 $0x1  }
.LBB2_1:
0x15: {  	s10 =	simm.s32 $0x0;
	s11 =	simm.s32 $0x0  }
.LBB2_2:
0x16: {  	p0 =	sne.s32 s11, $0x9FC0  }
.Ltmp0:
0x17: {  	_ = 	snop;
	(pc) =	sbr.rel @p0 .LBB2_2-.Ltmp0, $4  }
0x18: {  	s12 =	sand.u32 $0xFE00, s11  }
0x19: {  	s13 =	sand.u32 $0x70, s10;
	s12 =	sshrl.u32 s12, $0x2  }
0x1a: {  	s12 =	sor.u32 s13, s12  }
0x1b: {  	s10 =	sadd.s32 $0x10, s10;
	s11 =	sadd.s32 $0x40, s11;
	[tilespmem:s12+$0x200] =	vst v0  }
0x1c: {  	s10 =	simm.s32 $0x0  }
0x1d: {  	s10 =	sand.u32 $0xF, s10  }
0x1e: {  	p0 =	sne.s32 s10, s3  }
0x1f: {  	s10 =	simm.s32 @!p0 $0x200;
	s13 =	simm.s32 @!p0 $0x9  }
0x20: {  	[spmem:s2] =	stream.linear.scatter @!p0 [tilespmem:s10], [sflag:$0x9], $0x2800, $0x38;
	[tilespmem:$0x1DA80] =	vst v63  }
0x21: {  	s11 =	simm.s32 $0x1;
	_ =	swait.ge @!p0 [sflag:s13], $0x2800  }
0x22: {  	s12 =	simm.s32 $0x2;
	s10 =	sadd.s32 $0x2800, s2;
	[sflag:s13] =	ssyncset.done @!p0 $0x0  }
.LBB2_4:
0x23: {  	s15 =	sand.u32 $0xF, s11;
	s11 =	smov.u32 s12;
	s12 =	sadd.s32 $0x1, s12  }
0x24: {  	[sflag:s13] =	ssyncadd.s32 @!p0 $0xFFFFD800;
	p1 =	sne.s32 s12, $0x7D  }
.Ltmp1:
0x25: {  	p0 =	sne.s32 s15, s3;
	(pc) =	sbr.rel @p1 .LBB2_4-.Ltmp1, $4  }
0x26: {  	s15 =	simm.s32 @!p0 $0x200;
	s13 =	simm.s32 @!p0 $0x9  }
0x27: {  	[spmem:s10] =	stream.linear.scatter @!p0 [tilespmem:s15], [sflag:$0x9], $0x2800, $0x38;
	[tilespmem:$0x1DA80] =	vst v63  }
0x28: {  	_ =	swait.ge @!p0 [sflag:s13], $0x2800  }
0x29: {  	s10 =	sadd.s32 $0x2800, s10;
	[sflag:s13] =	ssyncset.done @!p0 $0x0  }
0x2a: {  	s11 =	sand.u32 $0xF, s11  }
0x2b: {  	p1 =	sne.s32 s11, s3  }
0x2c: {  	[sflag:s13] =	ssyncadd.s32 @!p0 $0xFFFFD800;
	s11 =	simm.s32 @!p1 $0x200;
	s12 =	simm.s32 @!p1 $0x9  }
0x2d: {  	[spmem:s10] =	stream.linear.scatter @!p1 [tilespmem:s11], [sflag:$0x9], $0x2800, $0x38;
	[tilespmem:$0x1DA80] =	vst v63  }
0x2e: {  	_ =	swait.ge @!p1 [sflag:s12], $0x2800  }
0x2f: {  	[sflag:s12] =	ssyncset.done @!p1 $0x0  }
0x30: {  	[sflag:s12] =	ssyncadd.s32 @!p1 $0xFFFFD800  }
0x31: {  	[bflag:$0x0] =	sbarrier.arrive $0xFFFF  }
0x32: {  	s10 =	simm.s32 $0x0;
	s15 =	rddreg [dreg:$0x4]  }
0x33: {  	[tilespmem:s10], [sflag:$0x5] =	stream.linear.gather [hbm4b:s15+s10], $0x50, $0x38;
	[tilespmem:$0x1DA80] =	vst v63  }
0x34: {  	s16 =	rddreg [dreg:$0x5]  }
0x35: {  	[tilespmem:s18], [sflag:$0x6] =	stream.linear.gather [hbm4b:s16+s10], $0x50, $0x38;
	[tilespmem:$0x1DA80] =	vst v63  }
0x36: {  	s13 =	simm.s32 $0x100;
	s12 =	rddreg [dreg:$0x6]  }
0x37: {  	[tilespmem:s13], [sflag:$0x7] =	stream.linear.gather [hbm4b:s12+s10], $0x50, $0x38;
	[tilespmem:$0x1DA80] =	vst v63  }
0x38: {  	s15 =	rddreg [dreg:$0x7]  }
0x39: {  	[tilespmem:s20], [sflag:$0x8] =	stream.linear.gather [hbm4b:s15+s10], $0x50, $0x38;
	[tilespmem:$0x1DA80] =	vst v63  }
0x3a: {  	_ =	swait.ge [sflag:s21], $0x50  }
.Ltmp2:
0x3b: {  	[sflag:s21] =	ssyncset.done $0x0;
	(pc) =	sbr.rel .LBB2_6-.Ltmp2, $4  }
0x3c: {  	[sflag:s21] =	ssyncadd.s32 $0xFFFFFFB0  }
0x3d: {  	[tilespmem:s23], [sflag:$0x1] =	stream.indirect.gather [hbm4b:s1+s22], $0x80, s10, s22, $0xb8;
	[tilespmem:$0x1DA80] =	vst v63  }
0x3e: {  	s16 =	rddreg [dreg:$0x8]  }
0x3f: {  	[tilespmem:s24], [sflag:$0x2] =	stream.linear.gather [hbm4b:s16+s10], $0x2800, $0x38;
	[tilespmem:$0x1DA80] =	vst v63  }
.LBB2_13:
0x40: {  	s10 =	sadd.s32 $0x1, s10  }
0x41: {  	p0 =	sne.s32 s10, $0x3F  }
.Ltmp3:
0x42: {  	_ = 	snop;
	(pc) =	sbr.rel @!p0 .LBB2_14-.Ltmp3, $1  }
0x43: {  	_ =	sdelay $0x3  }
.LBB2_6:
0x44: {  	s11 =	sshllo.u32 s10, $0x1  }
0x45: {  	p0 =	sgt.u32 s11, $0x7C  }
0x46: {  	s12 =	simm.s32 @!p0 $0x7;
	s11 =	smul.u32 @!p0 $0x50, s11  }
0x47: {  	s13 =	simm.s32 @!p0 $0x100;
	_ =	swait.ge @!p0 [sflag:s12], $0x50  }
0x48: {  	s15 =	simm.s32 @!p0 $0x5200;
	[sflag:s12] =	ssyncset.done @!p0 $0x0;
	s11 =	sadd.s32 @!p0 s6, s11  }
0x49: {  	[sflag:s12] =	ssyncadd.s32 @!p0 $0xFFFFFFB0;
	s12 =	simm.s32 @!p0 $0x50;
	s11 =	sshll.u32 @!p0 s11, $0x4  }
0x4a: {  	[tilespmem:s15], [sflag:$0x3] =	stream.indirect.gather @!p0 [hbm4b:s1+s12], $0x80, s13, s12, $0xb8;
	[tilespmem:$0x1DA80] =	vst v63  }
0x4b: {  	s11 =	sadd.s32 @!p0 s5, s11;
	s12 =	simm.s32 @!p0 $0x0;
	s13 =	simm.s32 @!p0 $0x7A00  }
0x4c: {  	[tilespmem:s13], [sflag:$0x4] =	stream.linear.gather @!p0 [hbm4b:s11+s12], $0x2800, $0x38;
	[tilespmem:$0x1DA80] =	vst v63  }
0x4d: {  	_ =	swait.ge [sflag:s25], $0x2800  }
0x4e: {  	[sflag:s25] =	ssyncset.done $0x0  }
0x4f: {  	[sflag:s25] =	ssyncadd.s32 $0xFFFFD800  }
0x50: {  	_ =	swait.ge [sflag:s26], $0x2800  }
0x51: {  	[sflag:s26] =	ssyncset.done $0x0  }
0x52: {  	s11 =	simm.s32 $0x240;
	[sflag:s26] =	ssyncadd.s32 $0xFFFFD800  }
0x53: {  	s12 =	simm.s32 $0x2A40;
	v1 =	vld [tilespmem:s11+$0xFFFFFFC0]  }
0x54: {  	v2 =	vld [tilespmem:s12+$0xFFFFFFC0];
	_ =	sdelay $0x4  }
0x55: {  	v1 =	vadd.f32 v2, v1;
	_ =	sdelay $0x1  }
0x56: {  	v1 =	vmax.f32 v1, $0.0e+00  }
0x57: {  	[tilespmem:s11+$0xFFFFFFC0] =	vst v1;
	v1 =	vld [tilespmem:s11+$0xFFFFFFD0]  }
0x58: {  	v2 =	vld [tilespmem:s12+$0xFFFFFFD0];
	_ =	sdelay $0x4  }
0x59: {  	v1 =	vadd.f32 v2, v1;
	_ =	sdelay $0x1  }
0x5a: {  	v1 =	vmax.f32 v1, $0.0e+00  }
0x5b: {  	[tilespmem:s11+$0xFFFFFFD0] =	vst v1;
	v1 =	vld [tilespmem:s11+$0xFFFFFFE0]  }
0x5c: {  	v2 =	vld [tilespmem:s12+$0xFFFFFFE0];
	_ =	sdelay $0x4  }
0x5d: {  	v1 =	vadd.f32 v2, v1;
	_ =	sdelay $0x1  }
0x5e: {  	v1 =	vmax.f32 v1, $0.0e+00  }
0x5f: {  	[tilespmem:s11+$0xFFFFFFE0] =	vst v1;
	v1 =	vld [tilespmem:s11+$0xFFFFFFF0]  }
0x60: {  	v2 =	vld [tilespmem:s12+$0xFFFFFFF0];
	_ =	sdelay $0x4  }
0x61: {  	v1 =	vadd.f32 v2, v1;
	_ =	sdelay $0x1  }
0x62: {  	v1 =	vmax.f32 v1, $0.0e+00  }
0x63: {  	[tilespmem:s11+$0xFFFFFFF0] =	vst v1;
	v1 =	vld [tilespmem:s11+$0x0]  }
0x64: {  	v2 =	vld [tilespmem:s12+$0x0];
	_ =	sdelay $0x4  }
0x65: {  	v1 =	vadd.f32 v2, v1;
	_ =	sdelay $0x1  }
0x66: {  	v1 =	vmax.f32 v1, $0.0e+00  }
0x67: {  	[tilespmem:s11+$0x0] =	vst v1;
	v1 =	vld [tilespmem:s11+$0x10]  }
0x68: {  	v2 =	vld [tilespmem:s12+$0x10];
	_ =	sdelay $0x4  }
0x69: {  	v1 =	vadd.f32 v2, v1;
	_ =	sdelay $0x1  }
0x6a: {  	v1 =	vmax.f32 v1, $0.0e+00  }
0x6b: {  	[tilespmem:s11+$0x10] =	vst v1;
	v1 =	vld [tilespmem:s11+$0x20]  }
0x6c: {  	v2 =	vld [tilespmem:s12+$0x20];
	_ =	sdelay $0x4  }
0x6d: {  	v1 =	vadd.f32 v2, v1;
	_ =	sdelay $0x1  }
0x6e: {  	v1 =	vmax.f32 v1, $0.0e+00  }
0x6f: {  	[tilespmem:s11+$0x20] =	vst v1;
	v1 =	vld [tilespmem:s11+$0x30]  }
0x70: {  	v2 =	vld [tilespmem:s12+$0x30];
	_ =	sdelay $0x4  }
0x71: {  	v1 =	vadd.f32 v2, v1;
	_ =	sdelay $0x1  }
0x72: {  	s16 =	simm.s32 $0x2C0;
	s13 =	simm.s32 $0x0;
	v1 =	vmax.f32 v1, $0.0e+00  }
.LBB2_7:
0x73: {  	v2 =	vld [tilespmem:s16+$0xFFFFFFC0];
	[tilespmem:s11+$0x30] =	vst v1;
	s12 =	sadd.s32 $0x80, s12;
	s11 =	smov.u32 s16  }
0x74: {  	s13 =	sadd.s32 $0x8, s13;
	v1 =	vld [tilespmem:s12+$0xFFFFFFC0]  }
0x75: {  	p1 =	slt.u32 s13, $0x278;
	_ =	sdelay $0x3  }
0x76: {  	v1 =	vadd.f32 v1, v2;
	_ =	sdelay $0x1  }
0x77: {  	v1 =	vmax.f32 v1, $0.0e+00  }
0x78: {  	[tilespmem:s16+$0xFFFFFFC0] =	vst v1;
	v1 =	vld [tilespmem:s16+$0xFFFFFFD0]  }
0x79: {  	v2 =	vld [tilespmem:s12+$0xFFFFFFD0];
	_ =	sdelay $0x4  }
0x7a: {  	v1 =	vadd.f32 v2, v1;
	_ =	sdelay $0x1  }
0x7b: {  	v1 =	vmax.f32 v1, $0.0e+00  }
0x7c: {  	[tilespmem:s16+$0xFFFFFFD0] =	vst v1;
	v1 =	vld [tilespmem:s16+$0xFFFFFFE0]  }
0x7d: {  	v2 =	vld [tilespmem:s12+$0xFFFFFFE0];
	_ =	sdelay $0x4  }
0x7e: {  	v1 =	vadd.f32 v2, v1;
	_ =	sdelay $0x1  }
0x7f: {  	v1 =	vmax.f32 v1, $0.0e+00  }
0x80: {  	[tilespmem:s16+$0xFFFFFFE0] =	vst v1;
	v1 =	vld [tilespmem:s16+$0xFFFFFFF0]  }
0x81: {  	v2 =	vld [tilespmem:s12+$0xFFFFFFF0];
	_ =	sdelay $0x4  }
0x82: {  	v1 =	vadd.f32 v2, v1;
	_ =	sdelay $0x1  }
0x83: {  	v1 =	vmax.f32 v1, $0.0e+00  }
0x84: {  	[tilespmem:s16+$0xFFFFFFF0] =	vst v1;
	v1 =	vld [tilespmem:s16+$0x0]  }
0x85: {  	v2 =	vld [tilespmem:s12+$0x0];
	_ =	sdelay $0x4  }
0x86: {  	v1 =	vadd.f32 v2, v1;
	_ =	sdelay $0x1  }
0x87: {  	v1 =	vmax.f32 v1, $0.0e+00  }
0x88: {  	[tilespmem:s16+$0x0] =	vst v1;
	v1 =	vld [tilespmem:s16+$0x10]  }
0x89: {  	v2 =	vld [tilespmem:s12+$0x10];
	_ =	sdelay $0x4  }
0x8a: {  	v1 =	vadd.f32 v2, v1;
	_ =	sdelay $0x1  }
0x8b: {  	v1 =	vmax.f32 v1, $0.0e+00  }
0x8c: {  	[tilespmem:s16+$0x10] =	vst v1;
	v1 =	vld [tilespmem:s16+$0x20]  }
0x8d: {  	v2 =	vld [tilespmem:s12+$0x20];
	_ =	sdelay $0x4  }
0x8e: {  	v1 =	vadd.f32 v2, v1;
	_ =	sdelay $0x1  }
0x8f: {  	v1 =	vmax.f32 v1, $0.0e+00  }
0x90: {  	[tilespmem:s16+$0x20] =	vst v1;
	v1 =	vld [tilespmem:s16+$0x30]  }
0x91: {  	v2 =	vld [tilespmem:s12+$0x30];
	_ =	sdelay $0x2  }
.Ltmp4:
0x92: {  	(pc) =	sbr.rel @p1 .LBB2_7-.Ltmp4, $3  }
0x93: {  	_ = 	snop  }
0x94: {  	v1 =	vadd.f32 v2, v1;
	_ =	sdelay $0x1  }
0x95: {  	s16 =	sadd.s32 $0x80, s16;
	v1 =	vmax.f32 v1, $0.0e+00  }
0x96: {  	[tilespmem:s11+$0x30] =	vst v1  }
0x97: {  	_ =	swait.ge [sflag:s28], $0x50  }
0x98: {  	p1 =	seq.s32 s10, $0x3E;
	[sflag:s28] =	ssyncset.done $0x0  }
.Ltmp5:
0x99: {  	[sflag:s28] =	ssyncadd.s32 $0xFFFFFFB0;
	(pc) =	sbr.rel @p1 .LBB2_14-.Ltmp5, $4  }
0x9a: {  	[spmem:s2] =	stream.indirect.scatter.add.f32 [tilespmem:s23], [sflag:$0x9], $0x80, s18, s22, $0xb8;
	[tilespmem:$0x1DA80] =	vst v63  }
0x9b: {  	_ =	swait.ge [sflag:s29], $0x2800  }
0x9c: {  	[sflag:s29] =	ssyncset.done $0x0  }
0x9d: {  	[sflag:s29] =	ssyncadd.s32 $0xFFFFD800  }
0x9e: {  	s11 =	smul.u32 $0xA0, s10;
	_ =	sdelay $0x1  }
0x9f: {  	s12 =	sadd.s32 s17, s11  }
.Ltmp6:
0xa0: {  	s13 =	sshrl.u32 s12, $0x3;
	(pc) =	sbr.rel @p0 .LBB2_13-.Ltmp6, $4  }
0xa1: {  	s15 =	sadd.s32 s7, s13  }
0xa2: {  	[tilespmem:s4], [sflag:$0x5] =	stream.linear.gather [hbm4b:s15+s4], $0x50, $0x38;
	[tilespmem:$0x1DA80] =	vst v63  }
0xa3: {  	s13 =	sadd.s32 s8, s13  }
0xa4: {  	[tilespmem:s18], [sflag:$0x6] =	stream.linear.gather [hbm4b:s13+s4], $0x50, $0x38;
	[tilespmem:$0x1DA80] =	vst v63  }
0xa5: {  	_ =	swait.ge [sflag:s21], $0x50  }
0xa6: {  	[sflag:s21] =	ssyncset.done $0x0  }
0xa7: {  	s12 =	sshll.u32 s12, $0x4;
	[sflag:s21] =	ssyncadd.s32 $0xFFFFFFB0  }
0xa8: {  	[tilespmem:s23], [sflag:$0x1] =	stream.indirect.gather [hbm4b:s1+s22], $0x80, s4, s22, $0xb8;
	[tilespmem:$0x1DA80] =	vst v63  }
0xa9: {  	s12 =	sadd.s32 s5, s12  }
0xaa: {  	[tilespmem:s24], [sflag:$0x2] =	stream.linear.gather [hbm4b:s12+s4], $0x2800, $0x38;
	[tilespmem:$0x1DA80] =	vst v63  }
0xab: {  	_ =	swait.ge [sflag:s30], $0x2800  }
0xac: {  	[sflag:s30] =	ssyncset.done $0x0  }
0xad: {  	[sflag:s30] =	ssyncadd.s32 $0xFFFFD800  }
0xae: {  	_ =	swait.ge [sflag:s31], $0x2800  }
0xaf: {  	[sflag:s31] =	ssyncset.done $0x0  }
0xb0: {  	s12 =	simm.s32 $0x5240;
	[sflag:s31] =	ssyncadd.s32 $0xFFFFD800  }
0xb1: {  	s13 =	simm.s32 $0x7A40;
	v1 =	vld [tilespmem:s12+$0xFFFFFFC0]  }
0xb2: {  	v2 =	vld [tilespmem:s13+$0xFFFFFFC0];
	_ =	sdelay $0x4  }
0xb3: {  	v1 =	vadd.f32 v2, v1;
	_ =	sdelay $0x1  }
0xb4: {  	v1 =	vmax.f32 v1, $0.0e+00  }
0xb5: {  	[tilespmem:s12+$0xFFFFFFC0] =	vst v1;
	v1 =	vld [tilespmem:s12+$0xFFFFFFD0]  }
0xb6: {  	v2 =	vld [tilespmem:s13+$0xFFFFFFD0];
	_ =	sdelay $0x4  }
0xb7: {  	v1 =	vadd.f32 v2, v1;
	_ =	sdelay $0x1  }
0xb8: {  	v1 =	vmax.f32 v1, $0.0e+00  }
0xb9: {  	[tilespmem:s12+$0xFFFFFFD0] =	vst v1;
	v1 =	vld [tilespmem:s12+$0xFFFFFFE0]  }
0xba: {  	v2 =	vld [tilespmem:s13+$0xFFFFFFE0];
	_ =	sdelay $0x4  }
0xbb: {  	v1 =	vadd.f32 v2, v1;
	_ =	sdelay $0x1  }
0xbc: {  	v1 =	vmax.f32 v1, $0.0e+00  }
0xbd: {  	[tilespmem:s12+$0xFFFFFFE0] =	vst v1;
	v1 =	vld [tilespmem:s12+$0xFFFFFFF0]  }
0xbe: {  	v2 =	vld [tilespmem:s13+$0xFFFFFFF0];
	_ =	sdelay $0x4  }
0xbf: {  	v1 =	vadd.f32 v2, v1;
	_ =	sdelay $0x1  }
0xc0: {  	v1 =	vmax.f32 v1, $0.0e+00  }
0xc1: {  	[tilespmem:s12+$0xFFFFFFF0] =	vst v1;
	v1 =	vld [tilespmem:s12+$0x0]  }
0xc2: {  	v2 =	vld [tilespmem:s13+$0x0];
	_ =	sdelay $0x4  }
0xc3: {  	v1 =	vadd.f32 v2, v1;
	_ =	sdelay $0x1  }
0xc4: {  	v1 =	vmax.f32 v1, $0.0e+00  }
0xc5: {  	[tilespmem:s12+$0x0] =	vst v1;
	v1 =	vld [tilespmem:s12+$0x10]  }
0xc6: {  	v2 =	vld [tilespmem:s13+$0x10];
	_ =	sdelay $0x4  }
0xc7: {  	v1 =	vadd.f32 v2, v1;
	_ =	sdelay $0x1  }
0xc8: {  	v1 =	vmax.f32 v1, $0.0e+00  }
0xc9: {  	[tilespmem:s12+$0x10] =	vst v1;
	v1 =	vld [tilespmem:s12+$0x20]  }
0xca: {  	v2 =	vld [tilespmem:s13+$0x20];
	_ =	sdelay $0x4  }
0xcb: {  	v1 =	vadd.f32 v2, v1;
	_ =	sdelay $0x1  }
0xcc: {  	v1 =	vmax.f32 v1, $0.0e+00  }
0xcd: {  	[tilespmem:s12+$0x20] =	vst v1;
	v1 =	vld [tilespmem:s12+$0x30]  }
0xce: {  	v2 =	vld [tilespmem:s13+$0x30];
	_ =	sdelay $0x4  }
0xcf: {  	v1 =	vadd.f32 v2, v1;
	_ =	sdelay $0x1  }
0xd0: {  	s16 =	simm.s32 $0x0;
	s15 =	simm.s32 $0x52C0;
	v1 =	vmax.f32 v1, $0.0e+00  }
.LBB2_11:
0xd1: {  	v2 =	vld [tilespmem:s15+$0xFFFFFFC0];
	[tilespmem:s12+$0x30] =	vst v1;
	s13 =	sadd.s32 $0x80, s13;
	s12 =	smov.u32 s15  }
0xd2: {  	s16 =	sadd.s32 $0x8, s16;
	v1 =	vld [tilespmem:s13+$0xFFFFFFC0]  }
0xd3: {  	p0 =	slt.u32 s16, $0x278;
	_ =	sdelay $0x3  }
0xd4: {  	v1 =	vadd.f32 v1, v2;
	_ =	sdelay $0x1  }
0xd5: {  	v1 =	vmax.f32 v1, $0.0e+00  }
0xd6: {  	[tilespmem:s15+$0xFFFFFFC0] =	vst v1;
	v1 =	vld [tilespmem:s15+$0xFFFFFFD0]  }
0xd7: {  	v2 =	vld [tilespmem:s13+$0xFFFFFFD0];
	_ =	sdelay $0x4  }
0xd8: {  	v1 =	vadd.f32 v2, v1;
	_ =	sdelay $0x1  }
0xd9: {  	v1 =	vmax.f32 v1, $0.0e+00  }
0xda: {  	[tilespmem:s15+$0xFFFFFFD0] =	vst v1;
	v1 =	vld [tilespmem:s15+$0xFFFFFFE0]  }
0xdb: {  	v2 =	vld [tilespmem:s13+$0xFFFFFFE0];
	_ =	sdelay $0x4  }
0xdc: {  	v1 =	vadd.f32 v2, v1;
	_ =	sdelay $0x1  }
0xdd: {  	v1 =	vmax.f32 v1, $0.0e+00  }
0xde: {  	[tilespmem:s15+$0xFFFFFFE0] =	vst v1;
	v1 =	vld [tilespmem:s15+$0xFFFFFFF0]  }
0xdf: {  	v2 =	vld [tilespmem:s13+$0xFFFFFFF0];
	_ =	sdelay $0x4  }
0xe0: {  	v1 =	vadd.f32 v2, v1;
	_ =	sdelay $0x1  }
0xe1: {  	v1 =	vmax.f32 v1, $0.0e+00  }
0xe2: {  	[tilespmem:s15+$0xFFFFFFF0] =	vst v1;
	v1 =	vld [tilespmem:s15+$0x0]  }
0xe3: {  	v2 =	vld [tilespmem:s13+$0x0];
	_ =	sdelay $0x4  }
0xe4: {  	v1 =	vadd.f32 v2, v1;
	_ =	sdelay $0x1  }
0xe5: {  	v1 =	vmax.f32 v1, $0.0e+00  }
0xe6: {  	[tilespmem:s15+$0x0] =	vst v1;
	v1 =	vld [tilespmem:s15+$0x10]  }
0xe7: {  	v2 =	vld [tilespmem:s13+$0x10];
	_ =	sdelay $0x4  }
0xe8: {  	v1 =	vadd.f32 v2, v1;
	_ =	sdelay $0x1  }
0xe9: {  	v1 =	vmax.f32 v1, $0.0e+00  }
0xea: {  	[tilespmem:s15+$0x10] =	vst v1;
	v1 =	vld [tilespmem:s15+$0x20]  }
0xeb: {  	v2 =	vld [tilespmem:s13+$0x20];
	_ =	sdelay $0x4  }
0xec: {  	v1 =	vadd.f32 v2, v1;
	_ =	sdelay $0x1  }
0xed: {  	v1 =	vmax.f32 v1, $0.0e+00  }
0xee: {  	[tilespmem:s15+$0x20] =	vst v1;
	v1 =	vld [tilespmem:s15+$0x30]  }
0xef: {  	v2 =	vld [tilespmem:s13+$0x30];
	_ =	sdelay $0x2  }
.Ltmp7:
0xf0: {  	(pc) =	sbr.rel @p0 .LBB2_11-.Ltmp7, $3  }
0xf1: {  	_ = 	snop  }
0xf2: {  	v1 =	vadd.f32 v2, v1;
	_ =	sdelay $0x1  }
0xf3: {  	s15 =	sadd.s32 $0x80, s15;
	v1 =	vmax.f32 v1, $0.0e+00  }
0xf4: {  	[tilespmem:s12+$0x30] =	vst v1  }
0xf5: {  	_ =	swait.ge [sflag:s0], $0x50  }
0xf6: {  	[sflag:s0] =	ssyncset.done $0x0  }
0xf7: {  	p0 =	sgt.u32 s10, $0x3C;
	[sflag:s0] =	ssyncadd.s32 $0xFFFFFFB0  }
0xf8: {  	[spmem:s2] =	stream.indirect.scatter.add.f32 [tilespmem:s19], [sflag:$0x9], $0x80, s20, s22, $0xb8;
	[tilespmem:$0x1DA80] =	vst v63  }
0xf9: {  	s11 =	sadd.s32 @!p0 s11, s14;
	s13 =	simm.s32 @!p0 $0x0;
	_ =	swait.ge [sflag:s29], $0x2800  }
.Ltmp8:
0xfa: {  	s11 =	sshrl.u32 @!p0 s11, $0x3;
	[sflag:s29] =	ssyncset.done $0x0;
	(pc) =	sbr.rel .LBB2_13-.Ltmp8, $4  }
0xfb: {  	s15 =	simm.s32 @!p0 $0x100;
	s12 =	sadd.s32 @!p0 s7, s11;
	[sflag:s29] =	ssyncadd.s32 $0xFFFFD800  }
0xfc: {  	[tilespmem:s15], [sflag:$0x7] =	stream.linear.gather @!p0 [hbm4b:s12+s13], $0x50, $0x38;
	[tilespmem:$0x1DA80] =	vst v63  }
0xfd: {  	s11 =	sadd.s32 @!p0 s8, s11;
	s12 =	simm.s32 @!p0 $0x180  }
0xfe: {  	[tilespmem:s12], [sflag:$0x8] =	stream.linear.gather @!p0 [hbm4b:s11+s13], $0x50, $0x38;
	[tilespmem:$0x1DA80] =	vst v63  }
.LBB2_14:
0xff: {  	s10 =	simm.s32 $0x0  }
0x100: {  	s10 =	sand.u32 $0xF, s10  }
0x101: {  	[bflag:$0x0] =	sbarrier.arrive $0xFFFF;
	p0 =	sne.s32 s10, s3  }
0x102: {  	s10 =	simm.s32 @!p0 $0x200;
	s12 =	simm.s32 @!p0 $0xA;
	p0 =	por p0, p0  }
0x103: {  	[tilespmem:s10], [sflag:$0xA] =	stream.linear.gather @!p0 [spmem:s2], $0x2800, $0x38;
	[tilespmem:$0x1DA80] =	vst v63  }
0x104: {  	s15 =	simm.s32 $0x1;
	_ =	swait.ge @!p0 [sflag:s12], $0x2800  }
0x105: {  	s19 =	sand.u32 $0xF, s15;
	s13 =	simm.s32 @!p0 $0x9;
	[sflag:s12] =	ssyncset.done @!p0 $0x0  }
0x106: {  	s16 =	rddreg [dreg:$0x9];
	[sflag:s12] =	ssyncadd.s32 @!p0 $0xFFFFD800;
	s12 =	simm.s32 @!p0 $0x0  }
0x107: {  	[hbm4b:s16+s12] =	stream.linear.scatter @!p0 [tilespmem:s10], [sflag:$0x9], $0x2800, $0x38;
	[tilespmem:$0x1DA80] =	vst v63  }
0x108: {  	s11 =	simm.s32 $0x2;
	p1 =	sne.s32 s19, s3;
	_ =	swait.ge @!p0 [sflag:s13], $0x2800  }
0x109: {  	s10 =	sadd.s32 $0x500, s16;
	s12 =	sadd.s32 $0x2800, s2;
	[sflag:s13] =	ssyncset.done @!p0 $0x0  }
.LBB2_15:
0x10a: {  	s15 =	simm.s32 @!p1 $0x200;
	s16 =	simm.s32 @!p1 $0xA;
	[sflag:s13] =	ssyncadd.s32 @!p0 $0xFFFFD800  }
0x10b: {  	s19 =	smov.u32 s11;
	p0 =	por p1, p1;
	s11 =	sadd.s32 $0x1, s11  }
0x10c: {  	[tilespmem:s15], [sflag:$0xA] =	stream.linear.gather @!p0 [spmem:s12], $0x2800, $0x38;
	[tilespmem:$0x1DA80] =	vst v63  }
0x10d: {  	p2 =	sne.s32 s11, $0x7D;
	_ =	swait.ge @!p0 [sflag:s16], $0x2800  }
.Ltmp9:
0x10e: {  	[sflag:s16] =	ssyncset.done @!p0 $0x0;
	(pc) =	sbr.rel @p2 .LBB2_15-.Ltmp9, $4  }
0x10f: {  	s13 =	simm.s32 @!p0 $0x9;
	[sflag:s16] =	ssyncadd.s32 @!p0 $0xFFFFD800;
	s16 =	simm.s32 @!p0 $0x0  }
0x110: {  	[hbm4b:s10+s16] =	stream.linear.scatter @!p0 [tilespmem:s15], [sflag:$0x9], $0x2800, $0x38;
	[tilespmem:$0x1DA80] =	vst v63  }
0x111: {  	s15 =	sand.u32 $0xF, s19;
	s10 =	sadd.s32 $0x500, s10;
	_ =	swait.ge @!p0 [sflag:s13], $0x2800  }
0x112: {  	s12 =	sadd.s32 $0x2800, s12;
	p1 =	sne.s32 s15, s3;
	[sflag:s13] =	ssyncset.done @!p0 $0x0  }
0x113: {  	s11 =	simm.s32 @!p1 $0x200  }
0x114: {  	s15 =	simm.s32 @!p1 $0xA;
	[sflag:s13] =	ssyncadd.s32 @!p0 $0xFFFFD800;
	p0 =	por p1, p1  }
0x115: {  	[tilespmem:s11], [sflag:$0xA] =	stream.linear.gather @!p0 [spmem:s12], $0x2800, $0x38;
	[tilespmem:$0x1DA80] =	vst v63  }
0x116: {  	_ =	swait.ge @!p0 [sflag:s15], $0x2800  }
0x117: {  	[sflag:s15] =	ssyncset.done @!p0 $0x0  }
0x118: {  	s12 =	simm.s32 @!p0 $0x0;
	s13 =	simm.s32 @!p0 $0x9;
	[sflag:s15] =	ssyncadd.s32 @!p0 $0xFFFFD800  }
0x119: {  	[hbm4b:s10+s12] =	stream.linear.scatter @!p0 [tilespmem:s11], [sflag:$0x9], $0x2800, $0x38;
	[tilespmem:$0x1DA80] =	vst v63  }
0x11a: {  	_ =	swait.ge @!p0 [sflag:s13], $0x2800  }
0x11b: {  	s9 =	sadd.s32 $0x1, s9;
	s19 =	rddreg [dreg:$0xa]  }
0x11c: {  	p1 =	sne.s32 s9, s19  }
.Ltmp10:
0x11d: {  	_ = 	snop;
	(pc) =	sbr.rel @p1 .LBB2_1-.Ltmp10, $3  }
0x11e: {  	_ =	sdelay $0x1  }
0x11f: {  	[sflag:s13] =	ssyncset.done @!p0 $0x0  }
0x120: {  	[sflag:s13] =	ssyncadd.s32 @!p0 $0xFFFFD800;
	s19 =	simm.s32 $0x5200  }
0x121: {  	_ =	sfence.sel $0x180000  }
0x122: {  	[bflag:$0x0] =	sbarrier.arrive $0xFFFF  }
0x123: {  	_ =	strace $0x90000047  }
0x124: {  	[bflag:$0x2] =	sbarrier.arrive $0xFFFF  }
0x125: {  	p0 =	sne.s32 s3, $0x0;
	s0 =	rddreg [dreg:$0x3]  }
0x126: {  	s0 =	sadd.s32 @!p0 $0x100000, s0  }
0x127: {  	[sflag:s0] =	ssyncadd.tile.s32 @!p0 $0x1;
	_ =	shalt  }
.Lfunc_end2:
_tile_overlayer_lowered:
.L_overlay_start_2:
0x128: {  	(tag) =	ssettag $0x2  }
0x129: {  	s0 =	rddreg [dreg:$0x0];
	s2 =	stileid.u32  }
0x12a: {  	s1 =	rddreg [dreg:$0x1];
	p0 =	sne.s32 s2, $0x0  }
0x12b: {  	s3 =	rddreg [dreg:$0x2];
	[bflag:$0x3] =	sbarrier.arrive $0xFFFF;
	s2 =	simm.s32 @!p0 $0x1C09  }
0x12c: {  	[timem:s3], [sflag:s2] =	dma.local @!p0 [hbm:s0], s1  }
0x12d: {  	s0 =	simm.s32 @!p0 $0x9  }
0x12e: {  	_ =	swait.ge @!p0 [sflag:s0], s1  }
0x12f: {  	s1 =	ssub.s32 @!p0 $0x0, s1;
	[sflag:s0] =	ssyncset.done @!p0 $0x0  }
0x130: {  	[sflag:s0] =	ssyncadd.s32 @!p0 s1  }
0x131: {  	[bflag:$0x3] =	sbarrier.arrive $0xFFFF  }
0x132: {  	_ =	shalt  }

// kernel: kernel.14.cloned.1.call-start
scs
__scs_entry_jumppad:
0x0: {  	(pc) =	sbr.rel $0x88, $3  }
0x1: {  	(tag) =	ssettag $0x0;
	lr =	simm.s32 $0x1  }
0x2: {  	[smem:$0x3F82] =	sst lr;
	_ =	strace $0xD0000000  }
0x3: {  	_ = 	snop  }
0x4: {  	_ = 	snop  }
0x5: {  	_ = 	snop  }
0x6: {  	_ = 	snop  }
0x7: {  	_ = 	snop  }
__scs_overlays_trampoline_lowered:
0x8: {  	[smem:$0x3F91] =	sst s0  }
0x9: {  	[smem:$0x3F92] =	sst s1  }
0xa: {  	[smem:$0x3F93] =	sst s2  }
0xb: {  	[smem:$0x3F94] =	sst s3  }
0xc: {  	[smem:$0x3F95] =	sst s4  }
0xd: {  	[smem:$0x3F96] =	sst s5  }
0xe: {  	[smem:$0x3F97] =	sst s6  }
0xf: {  	[smem:$0x3F98] =	sst s7  }
0x10: {  	[smem:$0x3F99] =	sst s8  }
0x11: {  	[smem:$0x3F9A] =	sst s9;
	s0 =	simm.s32 @!p0 $0x0  }
0x12: {  	s1 =	sld [smem:$0x3F80];
	s0 =	simm.s32 @p0 $0x1  }
0x13: {  	[smem:$0x3F9B] =	sst s0;
	s0 =	simm.s32 @!p1 $0x0  }
0x14: {  	s2 =	sld [smem:$0x3F7F];
	s0 =	simm.s32 @p1 $0x1  }
0x15: {  	[smem:$0x3F9C] =	sst s0;
	s0 =	simm.s32 @!p2 $0x0  }
0x16: {  	s3 =	sld [smem:$0x3FDB];
	s0 =	simm.s32 @p2 $0x1  }
0x17: {  	s4 =	simm.s32 $0x1BF5;
	[smem:$0x3F9E] =	sst s0  }
0x18: {  	s0 =	sld [smem:$0x3F81];
	_ =	swait.ge [sflag:s4], $0x0  }
0x19: {  	s7 =	sld [smem:$0x3F82]  }
0x1a: {  	s8 =	sadd.s32 $0xFFFFE003, lr  }
0x1b: {  	s9 =	sadd.s32 $0xFFFFFEF7, lr;
	s5 =	simm.s32 $0xFFFFFFFF;
	p2 =	slt.u32 s8, $0xFFFFF086  }
0x1c: {  	p1 =	slt.u32 s9, $0xF7A;
	s5 =	simm.s32 @!p2 $0x0  }
0x1d: {  	s5 =	simm.s32 @p1 $0x1;
	p0 =	seq.s32 s7, s2  }
0x1e: {  	s7 =	smul.u32 @!p0 $0xF7A, s2;
	p2 =	seq.s32 @!p0 s5, $0x0  }
0x1f: {  	s9 =	smul.u32 $0xF7A, s1;
	s8 =	simm.s32 @!p0 $0x1BF5;
	p2 =	por !p2, p0  }
0x20: {  	[sflag:s8] =	ssyncset.s32 @!p0 $0xFFFFF086;
	s6 =	sadd.s32 @!p0 s3, s7;
	s7 =	simm.s32 @!p0 $0x108  }
0x21: {  	s3 =	sadd.s32 s3, s9;
	s6 =	sadd.s32 @!p0 $0x88, s6;
	s7 =	simm.s32 @p2 $0x1082  }
0x22: {  	[simem:s7], [sflag:s8] =	dma.local @!p0 [hbm:s6], $0xF7A  }
0x23: {  	s9 =	sor.u32 $0xD0000000, s2;
	s6 =	simm.s32 $0x108;
	_ =	swait.ge @!p0 [sflag:s8], $0x0  }
0x24: {  	s3 =	sadd.s32 $0x88, s3;
	s6 =	simm.s32 @!p1 $0x1082;
	[sflag:s4] =	ssyncset.s32 $0xFFFFF086  }
0x25: {  	[simem:s6], [sflag:s4] =	dma.local [hbm:s3], $0xF7A  }
0x26: {  	[smem:$0x3F82] =	sst s1;
	(tag) =	ssettag s2;
	_ =	strace s9  }
0x27: {  	s1 =	sld [smem:$0x3F92]  }
0x28: {  	s2 =	sld [smem:$0x3F93]  }
0x29: {  	s4 =	sld [smem:$0x3F95]  }
0x2a: {  	p0 =	seq.s32 s5, $0x0;
	s5 =	sld [smem:$0x3F96]  }
0x2b: {  	s6 =	sld [smem:$0x3F97]  }
0x2c: {  	s7 =	sld [smem:$0x3F98]  }
0x2d: {  	s3 =	simm.s32 $0x108;
	s8 =	sld [smem:$0x3F99]  }
0x2e: {  	s3 =	simm.s32 @!p0 $0x1082;
	s9 =	sld [smem:$0x3F9A]  }
0x2f: {  	lr =	sadd.s32 s0, s3;
	s0 =	sld [smem:$0x3F91]  }
0x30: {  	s3 =	sld [smem:$0x3F94]  }
0x31: {  	[smem:$0x3F9D] =	sst s10  }
0x32: {  	s10 =	sld [smem:$0x3F9B];
	_ =	sdelay $0x3  }
0x33: {  	p0 =	seq.s32 s10, $0x1;
	s10 =	sld [smem:$0x3F9D];
	_ =	sdelay $0x3  }
0x34: {  	[smem:$0x3F9D] =	sst s10  }
0x35: {  	s10 =	sld [smem:$0x3F9C];
	_ =	sdelay $0x3  }
0x36: {  	p1 =	seq.s32 s10, $0x1;
	s10 =	sld [smem:$0x3F9D];
	_ =	sdelay $0x3  }
0x37: {  	[smem:$0x3F9D] =	sst s10  }
0x38: {  	s10 =	sld [smem:$0x3F9E]  }
0x39: {  	_ = 	snop;
	(pc) =	sbr.ind lr, $3  }
0x3a: {  	_ = 	snop  }
0x3b: {  	_ = 	snop  }
0x3c: {  	p2 =	seq.s32 s10, $0x1;
	s10 =	sld [smem:$0x3F9D]  }
0x3d: {  	_ =	shalt  }
0x3e: {  	_ =	shalt  }
0x3f: {  	_ =	shalt  }
0x40: {  	_ =	shalt  }
0x41: {  	_ =	shalt  }
0x42: {  	_ =	shalt  }
0x43: {  	_ =	shalt  }
0x44: {  	_ =	shalt  }
0x45: {  	_ =	shalt  }
0x46: {  	_ =	shalt  }
0x47: {  	_ =	shalt  }
0x48: {  	_ =	shalt  }
0x49: {  	_ =	shalt  }
0x4a: {  	_ =	shalt  }
0x4b: {  	_ =	shalt  }
0x4c: {  	_ =	shalt  }
0x4d: {  	_ =	shalt  }
0x4e: {  	_ =	shalt  }
0x4f: {  	_ =	shalt  }
0x50: {  	_ =	shalt  }
0x51: {  	_ =	shalt  }
0x52: {  	_ =	shalt  }
0x53: {  	_ =	shalt  }
0x54: {  	_ =	shalt  }
0x55: {  	_ =	shalt  }
0x56: {  	_ =	shalt  }
0x57: {  	_ =	shalt  }
0x58: {  	_ =	shalt  }
0x59: {  	_ =	shalt  }
0x5a: {  	_ =	shalt  }
0x5b: {  	_ =	shalt  }
0x5c: {  	_ =	shalt  }
0x5d: {  	_ =	shalt  }
0x5e: {  	_ =	shalt  }
0x5f: {  	_ =	shalt  }
0x60: {  	_ =	shalt  }
0x61: {  	_ =	shalt  }
0x62: {  	_ =	shalt  }
0x63: {  	_ =	shalt  }
0x64: {  	_ =	shalt  }
0x65: {  	_ =	shalt  }
0x66: {  	_ =	shalt  }
0x67: {  	_ =	shalt  }
0x68: {  	_ =	shalt  }
0x69: {  	_ =	shalt  }
0x6a: {  	_ =	shalt  }
0x6b: {  	_ =	shalt  }
0x6c: {  	_ =	shalt  }
0x6d: {  	_ =	shalt  }
0x6e: {  	_ =	shalt  }
0x6f: {  	_ =	shalt  }
0x70: {  	_ =	shalt  }
0x71: {  	_ =	shalt  }
0x72: {  	_ =	shalt  }
0x73: {  	_ =	shalt  }
0x74: {  	_ =	shalt  }
0x75: {  	_ =	shalt  }
0x76: {  	_ =	shalt  }
0x77: {  	_ =	shalt  }
0x78: {  	_ =	shalt  }
0x79: {  	_ =	shalt  }
0x7a: {  	_ =	shalt  }
0x7b: {  	_ =	shalt  }
0x7c: {  	_ =	shalt  }
0x7d: {  	_ =	shalt  }
0x7e: {  	_ =	shalt  }
0x7f: {  	_ =	shalt  }
0x80: {  	_ =	shalt  }
0x81: {  	_ =	shalt  }
0x82: {  	_ =	shalt  }
0x83: {  	_ =	shalt  }
0x84: {  	_ =	shalt  }
0x85: {  	_ =	shalt  }
0x86: {  	_ =	shalt  }
0x87: {  	_ =	shalt  }
.Lfunc_end0:
.L_simem_size_0:
called_computation.1_lowered:
.L_overlay_start_0:
0x88: {  	s2 =	sld [smem:$0x3FD9]  }
0x89: {  	s3 =	sld [smem:$0x3FFE];
	_ =	sdelay $0x1  }
0x8a: {  	s1 =	srdreg.scid  }
0x8b: {  	s0 =	sand.u32 $0x1, s1  }
0x8c: {  	s16 =	sshll.u32 s0, $0xA;
	s2 =	sadd.s32 s3, s2  }
0x8d: {  	s2 =	sadd.s32 s2, s16  }
0x8e: {  	[smem:$0x3FA9] =	sst s2  }
0x8f: {  	_ = 	snop  }
0x90: {  	(tm) =	ssettm $0x1  }
0x91: {  	s17 =	sld [smem:$0x3FFB];
	_ =	sdelay $0x3  }
0x92: {  	_ =	strace s17  }
0x93: {  	s2 =	sld [smem:$0x3FFC];
	_ =	sdelay $0x3  }
0x94: {  	_ =	strace s2  }
0x95: {  	s2 =	sld [smem:$0x3FFD];
	_ =	sdelay $0x3  }
0x96: {  	_ =	strace s2  }
0x97: {  	_ =	strace $0x8FFFFFFF  }
0x98: {  	s18 =	sld [smem:$0x3FDB];
	_ =	sdelay $0x1  }
0x99: {  	s19 =	simm.s32 $_scs_section_size  }
0x9a: {  	s4 =	simm.s32 $_size__tile_overlayer_lowered;
	s5 =	simm.s32 $_tile_overlayer_lowered  }
0x9b: {  	s22 =	simm.s32 $0x1BFF;
	s21 =	sshll.u32 s5, $0x1;
	s2 =	sadd.s32 s19, s18  }
0x9c: {  	s6 =	simm.s32 $0x0;
	s20 =	sshll.u32 s4, $0x1;
	s4 =	sadd.s32 s21, s2  }
0x9d: {  	[timem:s6], [sflag:s22] =	dma.local [hbm:s4], s20  }
0x9e: {  	_ =	swait.ge [sflag:s22], s20  }
0x9f: {  	s3 =	ssub.s32 $0x0, s20;
	[sflag:s22] =	ssyncset.done $0x0  }
0xa0: {  	[sflag:s22] =	ssyncadd.s32 s3;
	_ =	sdelay $0x1  }
0xa1: {  	s23 =	simm.s32 $0x1B8B  }
0xa2: {  	_ =	swait.ge [sflag:s23], $0x1  }
0xa3: {  	[sflag:s23] =	ssyncset.done $0x0  }
0xa4: {  	s25 =	simm.s32 $0x1B8E;
	s24 =	sld [smem:$0x3FFE];
	[sflag:s23] =	ssyncadd.s32 $0xFFFFFFFF  }
0xa5: {  	s26 =	simm.s32 $execute0_lowered;
	[smem:$0x3FD2] =	sst s25  }
0xa6: {  	s4 =	sshll.u32 s26, $0x1;
	_ =	strace $0x80000049;
	[dreg:$0x1] =	wrdreg $0xFFFFFFFF  }
0xa7: {  	s28 =	simm.s32 $_size_execute0_lowered;
	s2 =	sadd.s32 s2, s4;
	[dreg:$0x0] =	wrdreg $0x0  }
0xa8: {  	s4 =	sshll.u32 s28, $0x1;
	[dreg:$0x2] =	wrdreg s2  }
0xa9: {  	[dreg:$0x3] =	wrdreg s4  }
0xaa: {  	[dreg:$0x4] =	wrdreg $0xC0  }
0xab: {  	_ =	task [dreg:s6], $0x5FFFF  }
0xac: {  	[dreg:$0x1] =	wrdreg $0xFFFFFFFF  }
0xad: {  	[dreg:$0x0] =	wrdreg $0x60  }
0xae: {  	[dreg:$0x2] =	wrdreg s24  }
0xaf: {  	[dreg:$0x3] =	wrdreg $0xA2000  }
0xb0: {  	[dreg:$0x4] =	wrdreg $0x9  }
0xb1: {  	_ =	task.clear_ibuf [dreg:s6], $0x5FFFF;
	_ =	strace $0x90000049  }
0xb2: {  	s29 =	simm.s32 $0x9;
	_ =	strace $0x8000004B  }
0xb3: {  	_ =	swait.ge [sflag:s29], $0x1  }
0xb4: {  	[sflag:s29] =	ssyncadd.s32 $0xFFFFFFFF  }
0xb5: {  	_ =	strace $0x9000004B  }
0xb6: {  	_ =	sfence  }
0xb7: {  	s30 =	sld [smem:$0x0];
	_ =	sdelay $0x2  }
0xb8: {  	s31 =	sshll.u32 s1, $0xD;
	s1 =	sshrl.u32 s1, $0x2  }
0xb9: {  	s3 =	sand.u32 $0x4000, s31;
	s1 =	sadd.s32 s1, s30  }
0xba: {  	s0 =	sor.u32 s3, s0;
	s1 =	sshll.u32 s1, $0x11  }
0xbb: {  	s0 =	sor.u32 s1, s0  }
0xbc: {  	s0 =	sadd.s32 $0x8F2B, s0  }
0xbd: {  	[sflag:s0] =	ssyncadd.remote.s32 $0x1  }
0xbe: {  	_ =	sfence.sel $0xFFFF  }
0xbf: {  	[dreg:$0x0] =	wrdreg $0xFFFFFFFF;
	(pc) =	sbr.abs _section_cstart, $3  }
0xc0: {  	[dreg:$0x1] =	wrdreg $0xFFFFFFFF  }
0xc1: {  	_ =	task.clear_ibuf [dreg:s6], $0x2FFFF;
	_ =	strace $0x9FFFFFFF  }
0xc2: {  	(tm) =	ssettm $0x7FFFFFFF  }
0xc3: {  	_ =	shalt  }
tec
execute0_lowered:
.L_overlay_start_1:
0x0: {  	(tag) =	ssettag $0x1  }
0x1: {  	s0 =	rddreg [dreg:$0x0]  }
0x2: {  	s1 =	rddreg [dreg:$0x1];
	s2 =	simm.s32 $0x0  }
0x3: {  	s3 =	srdreg.scid;
	s18 =	simm.s32 $0x80;
	s28 =	simm.s32 $0x6  }
0x4: {  	s29 =	simm.s32 $0x9;
	s30 =	simm.s32 $0x3;
	s31 =	simm.s32 $0x4  }
0x5: {  	s19 =	simm.s32 $0x5200;
	[smem:$0x7FF] =	sst s2;
	s6 =	sand.u32 $0x1, s3  }
0x6: {  	s3 =	stileid.u32;
	s4 =	sadd.s32 $0x4A00, s0;
	s7 =	sadd.s32 $0x4F0800, s0  }
0x7: {  	s8 =	sadd.s32 $0x4E6A00, s0;
	_ =	strace $0x8000004A;
	s5 =	sshll.u32 s6, $0x4  }
0x8: {  	s9 =	smul.u32 $0x27100, s6;
	s11 =	ssub.s32 $0x2, s6;
	s10 =	sor.u32 s3, s5  }
0x9: {  	s5 =	sadd.s32 $0x9DC600, s0;
	s12 =	sshrl.u32 s11, $0x1;
	s6 =	smul.u32 $0x2710, s10  }
0xa: {  	s0 =	sadd.s32 s9, s0;
	s20 =	ssub.s32 s11, s12;
	s10 =	smul.u32 $0x27100, s10  }
0xb: {  	s9 =	simm.s32 $0x0;
	s0 =	sadd.s32 $0x2BC00, s0;
	s26 =	smax.u32 s20, $0x1  }
0xc: {  	s20 =	simm.s32 $0x180;
	s21 =	sshrl.u32 s6, $0x3;
	[dreg:$0x8] =	wrdreg s0  }
0xd: {  	s10 =	sadd.s32 s5, s10;
	s14 =	sadd.s32 $0xF0, s6;
	[dreg:$0x9] =	wrdreg s26  }
0xe: {  	s17 =	sadd.s32 $0xA0, s6;
	s26 =	simm.s32 $0x2;
	s0 =	simm.s32 $0x8  }
0xf: {  	s22 =	sadd.s32 s7, s21;
	s23 =	sadd.s32 $0xA, s21;
	[dreg:$0x7] =	wrdreg s10  }
0x10: {  	s11 =	sadd.s32 s8, s21;
	s21 =	simm.s32 $0x5;
	[dreg:$0x3] =	wrdreg s22  }
0x11: {  	[dreg:$0x4] =	wrdreg s11;
	s24 =	sadd.s32 s7, s23;
	s25 =	sadd.s32 s8, s23  }
0x12: {  	s22 =	simm.s32 $0x50;
	s23 =	simm.s32 $0x200;
	[dreg:$0x5] =	wrdreg s24  }
0x13: {  	v0 =	vimm.f32 $0.0e+00;
	[dreg:$0x6] =	wrdreg s25;
	s24 =	simm.s32 $0x2A00;
	s25 =	simm.s32 $0x1  }
.LBB2_1:
0x14: {  	s10 =	simm.s32 $0x0;
	s11 =	simm.s32 $0x0  }
.LBB2_2:
0x15: {  	p0 =	sne.s32 s11, $0x9FC0  }
.Ltmp0:
0x16: {  	_ = 	snop;
	(pc) =	sbr.rel @p0 .LBB2_2-.Ltmp0, $4  }
0x17: {  	s12 =	sand.u32 $0xFE00, s11  }
0x18: {  	s13 =	sand.u32 $0x70, s10;
	s12 =	sshrl.u32 s12, $0x2  }
0x19: {  	s12 =	sor.u32 s13, s12  }
0x1a: {  	s10 =	sadd.s32 $0x10, s10;
	s11 =	sadd.s32 $0x40, s11;
	[tilespmem:s12+$0x200] =	vst v0  }
0x1b: {  	s10 =	simm.s32 $0x0  }
0x1c: {  	s10 =	sand.u32 $0xF, s10  }
0x1d: {  	p0 =	sne.s32 s10, s3  }
0x1e: {  	s10 =	simm.s32 @!p0 $0x200;
	s13 =	simm.s32 @!p0 $0x9  }
0x1f: {  	[spmem:s1] =	stream.linear.scatter @!p0 [tilespmem:s10], [sflag:$0x9], $0x2800, $0x38;
	[tilespmem:$0x1DA80] =	vst v63  }
0x20: {  	s11 =	simm.s32 $0x1;
	_ =	swait.ge @!p0 [sflag:s13], $0x2800  }
0x21: {  	s12 =	simm.s32 $0x2;
	s10 =	sadd.s32 $0x2800, s1;
	[sflag:s13] =	ssyncset.done @!p0 $0x0  }
.LBB2_4:
0x22: {  	s15 =	sand.u32 $0xF, s11;
	s11 =	smov.u32 s12;
	s12 =	sadd.s32 $0x1, s12  }
0x23: {  	[sflag:s13] =	ssyncadd.s32 @!p0 $0xFFFFD800;
	p1 =	sne.s32 s12, $0x7D  }
.Ltmp1:
0x24: {  	p0 =	sne.s32 s15, s3;
	(pc) =	sbr.rel @p1 .LBB2_4-.Ltmp1, $4  }
0x25: {  	s15 =	simm.s32 @!p0 $0x200;
	s13 =	simm.s32 @!p0 $0x9  }
0x26: {  	[spmem:s10] =	stream.linear.scatter @!p0 [tilespmem:s15], [sflag:$0x9], $0x2800, $0x38;
	[tilespmem:$0x1DA80] =	vst v63  }
0x27: {  	_ =	swait.ge @!p0 [sflag:s13], $0x2800  }
0x28: {  	s10 =	sadd.s32 $0x2800, s10;
	[sflag:s13] =	ssyncset.done @!p0 $0x0  }
0x29: {  	s11 =	sand.u32 $0xF, s11  }
0x2a: {  	p1 =	sne.s32 s11, s3  }
0x2b: {  	[sflag:s13] =	ssyncadd.s32 @!p0 $0xFFFFD800;
	s11 =	simm.s32 @!p1 $0x200;
	s12 =	simm.s32 @!p1 $0x9  }
0x2c: {  	[spmem:s10] =	stream.linear.scatter @!p1 [tilespmem:s11], [sflag:$0x9], $0x2800, $0x38;
	[tilespmem:$0x1DA80] =	vst v63  }
0x2d: {  	_ =	swait.ge @!p1 [sflag:s12], $0x2800  }
0x2e: {  	[sflag:s12] =	ssyncset.done @!p1 $0x0  }
0x2f: {  	[sflag:s12] =	ssyncadd.s32 @!p1 $0xFFFFD800  }
0x30: {  	[bflag:$0x0] =	sbarrier.arrive $0xFFFF  }
0x31: {  	s10 =	simm.s32 $0x0;
	s15 =	rddreg [dreg:$0x3]  }
0x32: {  	[tilespmem:s10], [sflag:$0x5] =	stream.linear.gather [hbm4b:s15+s10], $0x50, $0x38;
	[tilespmem:$0x1DA80] =	vst v63  }
0x33: {  	s16 =	rddreg [dreg:$0x4]  }
0x34: {  	[tilespmem:s18], [sflag:$0x6] =	stream.linear.gather [hbm4b:s16+s10], $0x50, $0x38;
	[tilespmem:$0x1DA80] =	vst v63  }
0x35: {  	s13 =	simm.s32 $0x100;
	s12 =	rddreg [dreg:$0x5]  }
0x36: {  	[tilespmem:s13], [sflag:$0x7] =	stream.linear.gather [hbm4b:s12+s10], $0x50, $0x38;
	[tilespmem:$0x1DA80] =	vst v63  }
0x37: {  	s15 =	rddreg [dreg:$0x6]  }
0x38: {  	[tilespmem:s20], [sflag:$0x8] =	stream.linear.gather [hbm4b:s15+s10], $0x50, $0x38;
	[tilespmem:$0x1DA80] =	vst v63  }
0x39: {  	_ =	swait.ge [sflag:s21], $0x50  }
.Ltmp2:
0x3a: {  	[sflag:s21] =	ssyncset.done $0x0;
	(pc) =	sbr.rel .LBB2_6-.Ltmp2, $4  }
0x3b: {  	[sflag:s21] =	ssyncadd.s32 $0xFFFFFFB0  }
0x3c: {  	[tilespmem:s23], [sflag:$0x1] =	stream.indirect.gather [hbm4b:s4+s22], $0x80, s10, s22, $0xb8;
	[tilespmem:$0x1DA80] =	vst v63  }
0x3d: {  	s16 =	rddreg [dreg:$0x7]  }
0x3e: {  	[tilespmem:s24], [sflag:$0x2] =	stream.linear.gather [hbm4b:s16+s10], $0x2800, $0x38;
	[tilespmem:$0x1DA80] =	vst v63  }
.LBB2_13:
0x3f: {  	s10 =	sadd.s32 $0x1, s10  }
0x40: {  	p0 =	sne.s32 s10, $0x3F  }
.Ltmp3:
0x41: {  	_ = 	snop;
	(pc) =	sbr.rel @!p0 .LBB2_14-.Ltmp3, $1  }
0x42: {  	_ =	sdelay $0x3  }
.LBB2_6:
0x43: {  	s11 =	sshllo.u32 s10, $0x1  }
0x44: {  	p0 =	sgt.u32 s11, $0x7C  }
0x45: {  	s12 =	simm.s32 @!p0 $0x7;
	s11 =	smul.u32 @!p0 $0x50, s11  }
0x46: {  	s13 =	simm.s32 @!p0 $0x100;
	_ =	swait.ge @!p0 [sflag:s12], $0x50  }
0x47: {  	s15 =	simm.s32 @!p0 $0x5200;
	[sflag:s12] =	ssyncset.done @!p0 $0x0;
	s11 =	sadd.s32 @!p0 s6, s11  }
0x48: {  	[sflag:s12] =	ssyncadd.s32 @!p0 $0xFFFFFFB0;
	s12 =	simm.s32 @!p0 $0x50;
	s11 =	sshll.u32 @!p0 s11, $0x4  }
0x49: {  	[tilespmem:s15], [sflag:$0x3] =	stream.indirect.gather @!p0 [hbm4b:s4+s12], $0x80, s13, s12, $0xb8;
	[tilespmem:$0x1DA80] =	vst v63  }
0x4a: {  	s11 =	sadd.s32 @!p0 s5, s11;
	s12 =	simm.s32 @!p0 $0x0;
	s13 =	simm.s32 @!p0 $0x7A00  }
0x4b: {  	[tilespmem:s13], [sflag:$0x4] =	stream.linear.gather @!p0 [hbm4b:s11+s12], $0x2800, $0x38;
	[tilespmem:$0x1DA80] =	vst v63  }
0x4c: {  	_ =	swait.ge [sflag:s25], $0x2800  }
0x4d: {  	[sflag:s25] =	ssyncset.done $0x0  }
0x4e: {  	[sflag:s25] =	ssyncadd.s32 $0xFFFFD800  }
0x4f: {  	_ =	swait.ge [sflag:s26], $0x2800  }
0x50: {  	[sflag:s26] =	ssyncset.done $0x0  }
0x51: {  	s11 =	simm.s32 $0x240;
	[sflag:s26] =	ssyncadd.s32 $0xFFFFD800  }
0x52: {  	s12 =	simm.s32 $0x2A40;
	v1 =	vld [tilespmem:s11+$0xFFFFFFC0]  }
0x53: {  	v2 =	vld [tilespmem:s12+$0xFFFFFFC0];
	_ =	sdelay $0x4  }
0x54: {  	v1 =	vadd.f32 v2, v1;
	_ =	sdelay $0x1  }
0x55: {  	v1 =	vmax.f32 v1, $0.0e+00  }
0x56: {  	[tilespmem:s11+$0xFFFFFFC0] =	vst v1;
	v1 =	vld [tilespmem:s11+$0xFFFFFFD0]  }
0x57: {  	v2 =	vld [tilespmem:s12+$0xFFFFFFD0];
	_ =	sdelay $0x4  }
0x58: {  	v1 =	vadd.f32 v2, v1;
	_ =	sdelay $0x1  }
0x59: {  	v1 =	vmax.f32 v1, $0.0e+00  }
0x5a: {  	[tilespmem:s11+$0xFFFFFFD0] =	vst v1;
	v1 =	vld [tilespmem:s11+$0xFFFFFFE0]  }
0x5b: {  	v2 =	vld [tilespmem:s12+$0xFFFFFFE0];
	_ =	sdelay $0x4  }
0x5c: {  	v1 =	vadd.f32 v2, v1;
	_ =	sdelay $0x1  }
0x5d: {  	v1 =	vmax.f32 v1, $0.0e+00  }
0x5e: {  	[tilespmem:s11+$0xFFFFFFE0] =	vst v1;
	v1 =	vld [tilespmem:s11+$0xFFFFFFF0]  }
0x5f: {  	v2 =	vld [tilespmem:s12+$0xFFFFFFF0];
	_ =	sdelay $0x4  }
0x60: {  	v1 =	vadd.f32 v2, v1;
	_ =	sdelay $0x1  }
0x61: {  	v1 =	vmax.f32 v1, $0.0e+00  }
0x62: {  	[tilespmem:s11+$0xFFFFFFF0] =	vst v1;
	v1 =	vld [tilespmem:s11+$0x0]  }
0x63: {  	v2 =	vld [tilespmem:s12+$0x0];
	_ =	sdelay $0x4  }
0x64: {  	v1 =	vadd.f32 v2, v1;
	_ =	sdelay $0x1  }
0x65: {  	v1 =	vmax.f32 v1, $0.0e+00  }
0x66: {  	[tilespmem:s11+$0x0] =	vst v1;
	v1 =	vld [tilespmem:s11+$0x10]  }
0x67: {  	v2 =	vld [tilespmem:s12+$0x10];
	_ =	sdelay $0x4  }
0x68: {  	v1 =	vadd.f32 v2, v1;
	_ =	sdelay $0x1  }
0x69: {  	v1 =	vmax.f32 v1, $0.0e+00  }
0x6a: {  	[tilespmem:s11+$0x10] =	vst v1;
	v1 =	vld [tilespmem:s11+$0x20]  }
0x6b: {  	v2 =	vld [tilespmem:s12+$0x20];
	_ =	sdelay $0x4  }
0x6c: {  	v1 =	vadd.f32 v2, v1;
	_ =	sdelay $0x1  }
0x6d: {  	v1 =	vmax.f32 v1, $0.0e+00  }
0x6e: {  	[tilespmem:s11+$0x20] =	vst v1;
	v1 =	vld [tilespmem:s11+$0x30]  }
0x6f: {  	v2 =	vld [tilespmem:s12+$0x30];
	_ =	sdelay $0x4  }
0x70: {  	v1 =	vadd.f32 v2, v1;
	_ =	sdelay $0x1  }
0x71: {  	s16 =	simm.s32 $0x2C0;
	s13 =	simm.s32 $0x0;
	v1 =	vmax.f32 v1, $0.0e+00  }
.LBB2_7:
0x72: {  	v2 =	vld [tilespmem:s16+$0xFFFFFFC0];
	[tilespmem:s11+$0x30] =	vst v1;
	s12 =	sadd.s32 $0x80, s12;
	s11 =	smov.u32 s16  }
0x73: {  	s13 =	sadd.s32 $0x8, s13;
	v1 =	vld [tilespmem:s12+$0xFFFFFFC0]  }
0x74: {  	p1 =	slt.u32 s13, $0x278;
	_ =	sdelay $0x3  }
0x75: {  	v1 =	vadd.f32 v1, v2;
	_ =	sdelay $0x1  }
0x76: {  	v1 =	vmax.f32 v1, $0.0e+00  }
0x77: {  	[tilespmem:s16+$0xFFFFFFC0] =	vst v1;
	v1 =	vld [tilespmem:s16+$0xFFFFFFD0]  }
0x78: {  	v2 =	vld [tilespmem:s12+$0xFFFFFFD0];
	_ =	sdelay $0x4  }
0x79: {  	v1 =	vadd.f32 v2, v1;
	_ =	sdelay $0x1  }
0x7a: {  	v1 =	vmax.f32 v1, $0.0e+00  }
0x7b: {  	[tilespmem:s16+$0xFFFFFFD0] =	vst v1;
	v1 =	vld [tilespmem:s16+$0xFFFFFFE0]  }
0x7c: {  	v2 =	vld [tilespmem:s12+$0xFFFFFFE0];
	_ =	sdelay $0x4  }
0x7d: {  	v1 =	vadd.f32 v2, v1;
	_ =	sdelay $0x1  }
0x7e: {  	v1 =	vmax.f32 v1, $0.0e+00  }
0x7f: {  	[tilespmem:s16+$0xFFFFFFE0] =	vst v1;
	v1 =	vld [tilespmem:s16+$0xFFFFFFF0]  }
0x80: {  	v2 =	vld [tilespmem:s12+$0xFFFFFFF0];
	_ =	sdelay $0x4  }
0x81: {  	v1 =	vadd.f32 v2, v1;
	_ =	sdelay $0x1  }
0x82: {  	v1 =	vmax.f32 v1, $0.0e+00  }
0x83: {  	[tilespmem:s16+$0xFFFFFFF0] =	vst v1;
	v1 =	vld [tilespmem:s16+$0x0]  }
0x84: {  	v2 =	vld [tilespmem:s12+$0x0];
	_ =	sdelay $0x4  }
0x85: {  	v1 =	vadd.f32 v2, v1;
	_ =	sdelay $0x1  }
0x86: {  	v1 =	vmax.f32 v1, $0.0e+00  }
0x87: {  	[tilespmem:s16+$0x0] =	vst v1;
	v1 =	vld [tilespmem:s16+$0x10]  }
0x88: {  	v2 =	vld [tilespmem:s12+$0x10];
	_ =	sdelay $0x4  }
0x89: {  	v1 =	vadd.f32 v2, v1;
	_ =	sdelay $0x1  }
0x8a: {  	v1 =	vmax.f32 v1, $0.0e+00  }
0x8b: {  	[tilespmem:s16+$0x10] =	vst v1;
	v1 =	vld [tilespmem:s16+$0x20]  }
0x8c: {  	v2 =	vld [tilespmem:s12+$0x20];
	_ =	sdelay $0x4  }
0x8d: {  	v1 =	vadd.f32 v2, v1;
	_ =	sdelay $0x1  }
0x8e: {  	v1 =	vmax.f32 v1, $0.0e+00  }
0x8f: {  	[tilespmem:s16+$0x20] =	vst v1;
	v1 =	vld [tilespmem:s16+$0x30]  }
0x90: {  	v2 =	vld [tilespmem:s12+$0x30];
	_ =	sdelay $0x2  }
.Ltmp4:
0x91: {  	(pc) =	sbr.rel @p1 .LBB2_7-.Ltmp4, $3  }
0x92: {  	_ = 	snop  }
0x93: {  	v1 =	vadd.f32 v2, v1;
	_ =	sdelay $0x1  }
0x94: {  	s16 =	sadd.s32 $0x80, s16;
	v1 =	vmax.f32 v1, $0.0e+00  }
0x95: {  	[tilespmem:s11+$0x30] =	vst v1  }
0x96: {  	_ =	swait.ge [sflag:s28], $0x50  }
0x97: {  	p1 =	seq.s32 s10, $0x3E;
	[sflag:s28] =	ssyncset.done $0x0  }
.Ltmp5:
0x98: {  	[sflag:s28] =	ssyncadd.s32 $0xFFFFFFB0;
	(pc) =	sbr.rel @p1 .LBB2_14-.Ltmp5, $4  }
0x99: {  	[spmem:s1] =	stream.indirect.scatter.add.f32 [tilespmem:s23], [sflag:$0x9], $0x80, s18, s22, $0xb8;
	[tilespmem:$0x1DA80] =	vst v63  }
0x9a: {  	_ =	swait.ge [sflag:s29], $0x2800  }
0x9b: {  	[sflag:s29] =	ssyncset.done $0x0  }
0x9c: {  	[sflag:s29] =	ssyncadd.s32 $0xFFFFD800  }
0x9d: {  	s11 =	smul.u32 $0xA0, s10;
	_ =	sdelay $0x1  }
0x9e: {  	s12 =	sadd.s32 s17, s11  }
.Ltmp6:
0x9f: {  	s13 =	sshrl.u32 s12, $0x3;
	(pc) =	sbr.rel @p0 .LBB2_13-.Ltmp6, $4  }
0xa0: {  	s15 =	sadd.s32 s7, s13  }
0xa1: {  	[tilespmem:s2], [sflag:$0x5] =	stream.linear.gather [hbm4b:s15+s2], $0x50, $0x38;
	[tilespmem:$0x1DA80] =	vst v63  }
0xa2: {  	s13 =	sadd.s32 s8, s13  }
0xa3: {  	[tilespmem:s18], [sflag:$0x6] =	stream.linear.gather [hbm4b:s13+s2], $0x50, $0x38;
	[tilespmem:$0x1DA80] =	vst v63  }
0xa4: {  	_ =	swait.ge [sflag:s21], $0x50  }
0xa5: {  	[sflag:s21] =	ssyncset.done $0x0  }
0xa6: {  	s12 =	sshll.u32 s12, $0x4;
	[sflag:s21] =	ssyncadd.s32 $0xFFFFFFB0  }
0xa7: {  	[tilespmem:s23], [sflag:$0x1] =	stream.indirect.gather [hbm4b:s4+s22], $0x80, s2, s22, $0xb8;
	[tilespmem:$0x1DA80] =	vst v63  }
0xa8: {  	s12 =	sadd.s32 s5, s12  }
0xa9: {  	[tilespmem:s24], [sflag:$0x2] =	stream.linear.gather [hbm4b:s12+s2], $0x2800, $0x38;
	[tilespmem:$0x1DA80] =	vst v63  }
0xaa: {  	_ =	swait.ge [sflag:s30], $0x2800  }
0xab: {  	[sflag:s30] =	ssyncset.done $0x0  }
0xac: {  	[sflag:s30] =	ssyncadd.s32 $0xFFFFD800  }
0xad: {  	_ =	swait.ge [sflag:s31], $0x2800  }
0xae: {  	[sflag:s31] =	ssyncset.done $0x0  }
0xaf: {  	s12 =	simm.s32 $0x5240;
	[sflag:s31] =	ssyncadd.s32 $0xFFFFD800  }
0xb0: {  	s13 =	simm.s32 $0x7A40;
	v1 =	vld [tilespmem:s12+$0xFFFFFFC0]  }
0xb1: {  	v2 =	vld [tilespmem:s13+$0xFFFFFFC0];
	_ =	sdelay $0x4  }
0xb2: {  	v1 =	vadd.f32 v2, v1;
	_ =	sdelay $0x1  }
0xb3: {  	v1 =	vmax.f32 v1, $0.0e+00  }
0xb4: {  	[tilespmem:s12+$0xFFFFFFC0] =	vst v1;
	v1 =	vld [tilespmem:s12+$0xFFFFFFD0]  }
0xb5: {  	v2 =	vld [tilespmem:s13+$0xFFFFFFD0];
	_ =	sdelay $0x4  }
0xb6: {  	v1 =	vadd.f32 v2, v1;
	_ =	sdelay $0x1  }
0xb7: {  	v1 =	vmax.f32 v1, $0.0e+00  }
0xb8: {  	[tilespmem:s12+$0xFFFFFFD0] =	vst v1;
	v1 =	vld [tilespmem:s12+$0xFFFFFFE0]  }
0xb9: {  	v2 =	vld [tilespmem:s13+$0xFFFFFFE0];
	_ =	sdelay $0x4  }
0xba: {  	v1 =	vadd.f32 v2, v1;
	_ =	sdelay $0x1  }
0xbb: {  	v1 =	vmax.f32 v1, $0.0e+00  }
0xbc: {  	[tilespmem:s12+$0xFFFFFFE0] =	vst v1;
	v1 =	vld [tilespmem:s12+$0xFFFFFFF0]  }
0xbd: {  	v2 =	vld [tilespmem:s13+$0xFFFFFFF0];
	_ =	sdelay $0x4  }
0xbe: {  	v1 =	vadd.f32 v2, v1;
	_ =	sdelay $0x1  }
0xbf: {  	v1 =	vmax.f32 v1, $0.0e+00  }
0xc0: {  	[tilespmem:s12+$0xFFFFFFF0] =	vst v1;
	v1 =	vld [tilespmem:s12+$0x0]  }
0xc1: {  	v2 =	vld [tilespmem:s13+$0x0];
	_ =	sdelay $0x4  }
0xc2: {  	v1 =	vadd.f32 v2, v1;
	_ =	sdelay $0x1  }
0xc3: {  	v1 =	vmax.f32 v1, $0.0e+00  }
0xc4: {  	[tilespmem:s12+$0x0] =	vst v1;
	v1 =	vld [tilespmem:s12+$0x10]  }
0xc5: {  	v2 =	vld [tilespmem:s13+$0x10];
	_ =	sdelay $0x4  }
0xc6: {  	v1 =	vadd.f32 v2, v1;
	_ =	sdelay $0x1  }
0xc7: {  	v1 =	vmax.f32 v1, $0.0e+00  }
0xc8: {  	[tilespmem:s12+$0x10] =	vst v1;
	v1 =	vld [tilespmem:s12+$0x20]  }
0xc9: {  	v2 =	vld [tilespmem:s13+$0x20];
	_ =	sdelay $0x4  }
0xca: {  	v1 =	vadd.f32 v2, v1;
	_ =	sdelay $0x1  }
0xcb: {  	v1 =	vmax.f32 v1, $0.0e+00  }
0xcc: {  	[tilespmem:s12+$0x20] =	vst v1;
	v1 =	vld [tilespmem:s12+$0x30]  }
0xcd: {  	v2 =	vld [tilespmem:s13+$0x30];
	_ =	sdelay $0x4  }
0xce: {  	v1 =	vadd.f32 v2, v1;
	_ =	sdelay $0x1  }
0xcf: {  	s16 =	simm.s32 $0x0;
	s15 =	simm.s32 $0x52C0;
	v1 =	vmax.f32 v1, $0.0e+00  }
.LBB2_11:
0xd0: {  	v2 =	vld [tilespmem:s15+$0xFFFFFFC0];
	[tilespmem:s12+$0x30] =	vst v1;
	s13 =	sadd.s32 $0x80, s13;
	s12 =	smov.u32 s15  }
0xd1: {  	s16 =	sadd.s32 $0x8, s16;
	v1 =	vld [tilespmem:s13+$0xFFFFFFC0]  }
0xd2: {  	p0 =	slt.u32 s16, $0x278;
	_ =	sdelay $0x3  }
0xd3: {  	v1 =	vadd.f32 v1, v2;
	_ =	sdelay $0x1  }
0xd4: {  	v1 =	vmax.f32 v1, $0.0e+00  }
0xd5: {  	[tilespmem:s15+$0xFFFFFFC0] =	vst v1;
	v1 =	vld [tilespmem:s15+$0xFFFFFFD0]  }
0xd6: {  	v2 =	vld [tilespmem:s13+$0xFFFFFFD0];
	_ =	sdelay $0x4  }
0xd7: {  	v1 =	vadd.f32 v2, v1;
	_ =	sdelay $0x1  }
0xd8: {  	v1 =	vmax.f32 v1, $0.0e+00  }
0xd9: {  	[tilespmem:s15+$0xFFFFFFD0] =	vst v1;
	v1 =	vld [tilespmem:s15+$0xFFFFFFE0]  }
0xda: {  	v2 =	vld [tilespmem:s13+$0xFFFFFFE0];
	_ =	sdelay $0x4  }
0xdb: {  	v1 =	vadd.f32 v2, v1;
	_ =	sdelay $0x1  }
0xdc: {  	v1 =	vmax.f32 v1, $0.0e+00  }
0xdd: {  	[tilespmem:s15+$0xFFFFFFE0] =	vst v1;
	v1 =	vld [tilespmem:s15+$0xFFFFFFF0]  }
0xde: {  	v2 =	vld [tilespmem:s13+$0xFFFFFFF0];
	_ =	sdelay $0x4  }
0xdf: {  	v1 =	vadd.f32 v2, v1;
	_ =	sdelay $0x1  }
0xe0: {  	v1 =	vmax.f32 v1, $0.0e+00  }
0xe1: {  	[tilespmem:s15+$0xFFFFFFF0] =	vst v1;
	v1 =	vld [tilespmem:s15+$0x0]  }
0xe2: {  	v2 =	vld [tilespmem:s13+$0x0];
	_ =	sdelay $0x4  }
0xe3: {  	v1 =	vadd.f32 v2, v1;
	_ =	sdelay $0x1  }
0xe4: {  	v1 =	vmax.f32 v1, $0.0e+00  }
0xe5: {  	[tilespmem:s15+$0x0] =	vst v1;
	v1 =	vld [tilespmem:s15+$0x10]  }
0xe6: {  	v2 =	vld [tilespmem:s13+$0x10];
	_ =	sdelay $0x4  }
0xe7: {  	v1 =	vadd.f32 v2, v1;
	_ =	sdelay $0x1  }
0xe8: {  	v1 =	vmax.f32 v1, $0.0e+00  }
0xe9: {  	[tilespmem:s15+$0x10] =	vst v1;
	v1 =	vld [tilespmem:s15+$0x20]  }
0xea: {  	v2 =	vld [tilespmem:s13+$0x20];
	_ =	sdelay $0x4  }
0xeb: {  	v1 =	vadd.f32 v2, v1;
	_ =	sdelay $0x1  }
0xec: {  	v1 =	vmax.f32 v1, $0.0e+00  }
0xed: {  	[tilespmem:s15+$0x20] =	vst v1;
	v1 =	vld [tilespmem:s15+$0x30]  }
0xee: {  	v2 =	vld [tilespmem:s13+$0x30];
	_ =	sdelay $0x2  }
.Ltmp7:
0xef: {  	(pc) =	sbr.rel @p0 .LBB2_11-.Ltmp7, $3  }
0xf0: {  	_ = 	snop  }
0xf1: {  	v1 =	vadd.f32 v2, v1;
	_ =	sdelay $0x1  }
0xf2: {  	s15 =	sadd.s32 $0x80, s15;
	v1 =	vmax.f32 v1, $0.0e+00  }
0xf3: {  	[tilespmem:s12+$0x30] =	vst v1  }
0xf4: {  	_ =	swait.ge [sflag:s0], $0x50  }
0xf5: {  	[sflag:s0] =	ssyncset.done $0x0  }
0xf6: {  	p0 =	sgt.u32 s10, $0x3C;
	[sflag:s0] =	ssyncadd.s32 $0xFFFFFFB0  }
0xf7: {  	[spmem:s1] =	stream.indirect.scatter.add.f32 [tilespmem:s19], [sflag:$0x9], $0x80, s20, s22, $0xb8;
	[tilespmem:$0x1DA80] =	vst v63  }
0xf8: {  	s11 =	sadd.s32 @!p0 s11, s14;
	s13 =	simm.s32 @!p0 $0x0;
	_ =	swait.ge [sflag:s29], $0x2800  }
.Ltmp8:
0xf9: {  	s11 =	sshrl.u32 @!p0 s11, $0x3;
	[sflag:s29] =	ssyncset.done $0x0;
	(pc) =	sbr.rel .LBB2_13-.Ltmp8, $4  }
0xfa: {  	s15 =	simm.s32 @!p0 $0x100;
	s12 =	sadd.s32 @!p0 s7, s11;
	[sflag:s29] =	ssyncadd.s32 $0xFFFFD800  }
0xfb: {  	[tilespmem:s15], [sflag:$0x7] =	stream.linear.gather @!p0 [hbm4b:s12+s13], $0x50, $0x38;
	[tilespmem:$0x1DA80] =	vst v63  }
0xfc: {  	s11 =	sadd.s32 @!p0 s8, s11;
	s12 =	simm.s32 @!p0 $0x180  }
0xfd: {  	[tilespmem:s12], [sflag:$0x8] =	stream.linear.gather @!p0 [hbm4b:s11+s13], $0x50, $0x38;
	[tilespmem:$0x1DA80] =	vst v63  }
.LBB2_14:
0xfe: {  	s10 =	simm.s32 $0x0  }
0xff: {  	s10 =	sand.u32 $0xF, s10  }
0x100: {  	[bflag:$0x0] =	sbarrier.arrive $0xFFFF;
	p0 =	sne.s32 s10, s3  }
0x101: {  	s10 =	simm.s32 @!p0 $0x200;
	s12 =	simm.s32 @!p0 $0xA;
	p0 =	por p0, p0  }
0x102: {  	[tilespmem:s10], [sflag:$0xA] =	stream.linear.gather @!p0 [spmem:s1], $0x2800, $0x38;
	[tilespmem:$0x1DA80] =	vst v63  }
0x103: {  	s15 =	simm.s32 $0x1;
	_ =	swait.ge @!p0 [sflag:s12], $0x2800  }
0x104: {  	s19 =	sand.u32 $0xF, s15;
	s13 =	simm.s32 @!p0 $0x9;
	[sflag:s12] =	ssyncset.done @!p0 $0x0  }
0x105: {  	s16 =	rddreg [dreg:$0x8];
	[sflag:s12] =	ssyncadd.s32 @!p0 $0xFFFFD800;
	s12 =	simm.s32 @!p0 $0x0  }
0x106: {  	[hbm4b:s16+s12] =	stream.linear.scatter @!p0 [tilespmem:s10], [sflag:$0x9], $0x2800, $0x38;
	[tilespmem:$0x1DA80] =	vst v63  }
0x107: {  	s11 =	simm.s32 $0x2;
	p1 =	sne.s32 s19, s3;
	_ =	swait.ge @!p0 [sflag:s13], $0x2800  }
0x108: {  	s10 =	sadd.s32 $0x500, s16;
	s12 =	sadd.s32 $0x2800, s1;
	[sflag:s13] =	ssyncset.done @!p0 $0x0  }
.LBB2_15:
0x109: {  	s15 =	simm.s32 @!p1 $0x200;
	s16 =	simm.s32 @!p1 $0xA;
	[sflag:s13] =	ssyncadd.s32 @!p0 $0xFFFFD800  }
0x10a: {  	s19 =	smov.u32 s11;
	p0 =	por p1, p1;
	s11 =	sadd.s32 $0x1, s11  }
0x10b: {  	[tilespmem:s15], [sflag:$0xA] =	stream.linear.gather @!p0 [spmem:s12], $0x2800, $0x38;
	[tilespmem:$0x1DA80] =	vst v63  }
0x10c: {  	p2 =	sne.s32 s11, $0x7D;
	_ =	swait.ge @!p0 [sflag:s16], $0x2800  }
.Ltmp9:
0x10d: {  	[sflag:s16] =	ssyncset.done @!p0 $0x0;
	(pc) =	sbr.rel @p2 .LBB2_15-.Ltmp9, $4  }
0x10e: {  	s13 =	simm.s32 @!p0 $0x9;
	[sflag:s16] =	ssyncadd.s32 @!p0 $0xFFFFD800;
	s16 =	simm.s32 @!p0 $0x0  }
0x10f: {  	[hbm4b:s10+s16] =	stream.linear.scatter @!p0 [tilespmem:s15], [sflag:$0x9], $0x2800, $0x38;
	[tilespmem:$0x1DA80] =	vst v63  }
0x110: {  	s15 =	sand.u32 $0xF, s19;
	s10 =	sadd.s32 $0x500, s10;
	_ =	swait.ge @!p0 [sflag:s13], $0x2800  }
0x111: {  	s12 =	sadd.s32 $0x2800, s12;
	p1 =	sne.s32 s15, s3;
	[sflag:s13] =	ssyncset.done @!p0 $0x0  }
0x112: {  	s11 =	simm.s32 @!p1 $0x200  }
0x113: {  	s15 =	simm.s32 @!p1 $0xA;
	[sflag:s13] =	ssyncadd.s32 @!p0 $0xFFFFD800;
	p0 =	por p1, p1  }
0x114: {  	[tilespmem:s11], [sflag:$0xA] =	stream.linear.gather @!p0 [spmem:s12], $0x2800, $0x38;
	[tilespmem:$0x1DA80] =	vst v63  }
0x115: {  	_ =	swait.ge @!p0 [sflag:s15], $0x2800  }
0x116: {  	[sflag:s15] =	ssyncset.done @!p0 $0x0  }
0x117: {  	s12 =	simm.s32 @!p0 $0x0;
	s13 =	simm.s32 @!p0 $0x9;
	[sflag:s15] =	ssyncadd.s32 @!p0 $0xFFFFD800  }
0x118: {  	[hbm4b:s10+s12] =	stream.linear.scatter @!p0 [tilespmem:s11], [sflag:$0x9], $0x2800, $0x38;
	[tilespmem:$0x1DA80] =	vst v63  }
0x119: {  	_ =	swait.ge @!p0 [sflag:s13], $0x2800  }
0x11a: {  	s9 =	sadd.s32 $0x1, s9;
	s19 =	rddreg [dreg:$0x9]  }
0x11b: {  	p1 =	sne.s32 s9, s19  }
.Ltmp10:
0x11c: {  	_ = 	snop;
	(pc) =	sbr.rel @p1 .LBB2_1-.Ltmp10, $3  }
0x11d: {  	_ =	sdelay $0x1  }
0x11e: {  	[sflag:s13] =	ssyncset.done @!p0 $0x0  }
0x11f: {  	[sflag:s13] =	ssyncadd.s32 @!p0 $0xFFFFD800;
	s19 =	simm.s32 $0x5200  }
0x120: {  	_ =	sfence.sel $0x180000  }
0x121: {  	[bflag:$0x0] =	sbarrier.arrive $0xFFFF  }
0x122: {  	_ =	strace $0x9000004A  }
0x123: {  	[bflag:$0x2] =	sbarrier.arrive $0xFFFF  }
0x124: {  	p0 =	sne.s32 s3, $0x0;
	s0 =	rddreg [dreg:$0x2]  }
0x125: {  	s0 =	sadd.s32 @!p0 $0x100000, s0  }
0x126: {  	[sflag:s0] =	ssyncadd.tile.s32 @!p0 $0x1;
	_ =	shalt  }
.Lfunc_end2:
_tile_overlayer_lowered:
.L_overlay_start_2:
0x127: {  	(tag) =	ssettag $0x2  }
0x128: {  	s0 =	rddreg [dreg:$0x0];
	s2 =	stileid.u32  }
0x129: {  	s1 =	rddreg [dreg:$0x1];
	p0 =	sne.s32 s2, $0x0  }
0x12a: {  	s3 =	rddreg [dreg:$0x2];
	[bflag:$0x3] =	sbarrier.arrive $0xFFFF;
	s2 =	simm.s32 @!p0 $0x1C09  }
0x12b: {  	[timem:s3], [sflag:s2] =	dma.local @!p0 [hbm:s0], s1  }
0x12c: {  	s0 =	simm.s32 @!p0 $0x9  }
0x12d: {  	_ =	swait.ge @!p0 [sflag:s0], s1  }
0x12e: {  	s1 =	ssub.s32 @!p0 $0x0, s1;
	[sflag:s0] =	ssyncset.done @!p0 $0x0  }
0x12f: {  	[sflag:s0] =	ssyncadd.s32 @!p0 s1  }
0x130: {  	[bflag:$0x3] =	sbarrier.arrive $0xFFFF  }
0x131: {  	_ =	shalt  }

</sc_bundles>
